<compile_context>
chip_gen: v7x
topology: tpu7x:2x2x1
jax: 0.10.2.dev20260603
libtpu: 0.0.44.dev20260713+nightly
codegen_flags: <defaults>
</compile_context>

<pallas_src>
import jax
import jax.numpy as jnp
from jax import lax
from jax.experimental import pallas as pl
from jax.experimental.pallas import tpu as pltpu
from jax.experimental.pallas import tpu_sc as plsc

B = 1024
L = 200
N_CAT = 26
VOCAB = 100000
EMB = 16
C_OUT = 16 + 8 + N_CAT * EMB
ROW = C_OUT * L
XN = 24 * L

NC = 2
NS = 16
NW = NC * NS

PAIRS_PER_W = (B * N_CAT) // NW
B_PER_W = B // NW

NSLOT = 8
SPLIT = 104
RPP = 2 * SPLIT
SB = 32
EL = EMB * L


SLAB = EL + XN


def _body(x_hbm, num_hbm, cat_hbm, tbl_hbm, out_hbm,
          staging, iabuf, rows, buf,
          g0, g1, g2, g3, g4, g5, g6, g7, osem0, osem1, rsem):
    wid = lax.axis_index("s") * NC + lax.axis_index("c")
    pair0 = wid * PAIRS_PER_W

    iota16 = lax.iota(jnp.int32, 16)
    iota_scaled = iota16 * L

    ia = tuple((iabuf.at[2 * s], iabuf.at[2 * s + 1]) for s in range(NSLOT))
    gsem = (g0, g1, g2, g3, g4, g5, g6, g7)
    osem = (osem0, osem1)

    for s in range(NSLOT):
        iabuf[2 * s + 1, pl.ds(88, 16)] = jnp.zeros((16,), jnp.int32)

    def gather_descs(s):
        return [
            pltpu.make_async_copy(
                tbl_hbm.at[ia[s][h]],
                rows.at[pl.ds(s * RPP + h * SPLIT, SPLIT)], gsem[s])
            for h in (0, 1)
        ]

    def adjust_and_fire(p, e, s):
        d = p - (p // N_CAT) * N_CAT
        off = jnp.full((16,), d * VOCAB, jnp.int32)
        for c in (0, 16, 32, 48, 64, 80, 88):
            iabuf[2 * s, pl.ds(c, 16)] = staging[e, pl.ds(c, 16)] + off
        for c in (0, 16, 32, 48, 64, 80):
            iabuf[2 * s + 1, pl.ds(c, 16)] = staging[e, pl.ds(SPLIT + c, 16)] + off
        for cp in gather_descs(s):
            cp.start()

    def wait_gathers(s):
        for cp in gather_descs(s):
            cp.wait()

    def out_desc(p, s):
        bb = p // N_CAT
        d = p - bb * N_CAT
        dst = bb * ROW + (24 + EMB * d) * L
        return pltpu.make_async_copy(buf.at[pl.ds((s % 2) * SLAB, EL)],
                                     out_hbm.at[pl.ds(dst, EL)], osem[s % 2])

    pltpu.sync_copy(cat_hbm.at[pl.ds(pair0, SB)], staging)
    for s in range(NSLOT):
        adjust_and_fire(pair0 + s, s, s)

    def relay_desc(bb, s):
        return pltpu.make_async_copy(buf.at[pl.ds(s * SLAB + EL, XN)],
                                     out_hbm.at[pl.ds(bb * ROW, XN)], rsem)

    for s in (0, 1):
        relay_desc(wid * B_PER_W + s, s).start()

    def relay(j2, _):
        for s in (0, 1):
            bb = wid * B_PER_W + 2 * j2 + s
            relay_desc(bb, s).wait()
            pltpu.sync_copy(x_hbm.at[pl.ds(bb * 16 * L, 16 * L)],
                            buf.at[pl.ds(s * SLAB + EL, 16 * L)])
            pltpu.sync_copy(num_hbm.at[pl.ds(bb * 8 * L, 8 * L)],
                            buf.at[pl.ds(s * SLAB + EL + 16 * L, 8 * L)])
            relay_desc(bb, s).start()
        return 0

    lax.fori_loop(0, B_PER_W // 2, relay, 0)
    for s in (0, 1):
        relay_desc(wid * B_PER_W + B_PER_W - 2 + s, s).wait()

    for s in (0, 1):
        out_desc(pair0 + s, s).start()

    def block(blk, _):
        wstart = pair0 + jnp.minimum(blk * SB + NSLOT, PAIRS_PER_W - SB)
        pltpu.sync_copy(cat_hbm.at[pl.ds(wstart, SB)], staging)

        def step(k, _):
            for s in range(NSLOT):
                i = blk * SB + NSLOT * k + s
                p = pair0 + i
                wait_gathers(s)
                out_desc(p, s).wait()

                base_s = iota_scaled + (s % 2) * SLAB

                @plsc.parallel_loop(0, L, unroll=8)
                def tr(l, s=s, base_s=base_s):
                    vals = rows[s * RPP + l, :]
                    plsc.store_scatter(buf, [base_s + l], vals)

                out_desc(p, s).start()
                p2 = jnp.minimum(p + NSLOT, pair0 + PAIRS_PER_W - 1)
                adjust_and_fire(p2, p2 - wstart, s)
            return 0

        lax.fori_loop(0, SB // NSLOT, step, 0)
        return 0

    lax.fori_loop(0, PAIRS_PER_W // SB, block, 0)
    for s in (0, 1):
        out_desc(pair0 + PAIRS_PER_W - 2 + s, s).wait()
    for s in range(NSLOT):
        wait_gathers(s)


@jax.jit
def _run(x_flat, num_flat, cat2d, tbl_flat):
    mesh = plsc.VectorSubcoreMesh(core_axis_name="c", subcore_axis_name="s",
                                  num_cores=NC, num_subcores=NS)
    f = pl.kernel(
        _body,
        out_type=jax.ShapeDtypeStruct((B * ROW,), jnp.float32),
        mesh=mesh,
        compiler_params=pltpu.CompilerParams(use_tc_tiling_on_sc=False,
                                             needs_layout_passes=False),
        scratch_types=(
            [pltpu.VMEM((SB, L), jnp.int32)]
            + [pltpu.VMEM((2 * NSLOT, SPLIT), jnp.int32)]
            + [pltpu.VMEM((NSLOT * RPP, EMB), jnp.float32)]
            + [pltpu.VMEM((2 * (EL + XN),), jnp.float32)]
            + [pltpu.SemaphoreType.DMA] * (NSLOT + 3)
        ),
    )
    return f(x_flat, num_flat, cat2d, tbl_flat)


def kernel(x, num_feat, cat_feat, tables):
    out = _run(x.reshape(-1), num_feat.reshape(-1),
               cat_feat.reshape(B * N_CAT, L),
               tables.reshape(N_CAT * VOCAB, EMB))
    return out.reshape(B, C_OUT, L)

# --- scband reference (transcript-rebuilt; emitter-appended) ---
"""Pipeline reference for scband-inputs-exp-38431367364787 (READ-ONLY COPY).

The authoritative reference and input builder live on the scoring server;
editing this copy changes nothing except your own understanding.
"""

import jax, jax.numpy as jnp
import numpy as np

B = 1024
L = 200
N_CAT = 26
VOCAB = 100000
EMB = 16

def setup_inputs(seed: int = 0) -> dict:
    key = jax.random.key(seed)
    k1, k2, k3, k4 = jax.random.split(key, 4)
    x = jax.random.normal(k1, (B, 16, L), dtype=jnp.float32)
    num_feat = jax.random.normal(k2, (B, 8, L), dtype=jnp.float32)
    cat_feat = jax.random.randint(k3, (B, N_CAT, L), 0, VOCAB, dtype=jnp.int32)
    tables = jax.random.normal(k4, (N_CAT, VOCAB, EMB), dtype=jnp.float32)
    return {"x": x, "num_feat": num_feat, "cat_feat": cat_feat, "tables": tables}

def reference(x, num_feat, cat_feat, tables):
    # seq_last=True path: per-field embedding lookup of cat_feat[:, d] -> [B, L, EMB],
    # transpose to [B, EMB, L], concat along channel dim, then concat with x and num_feat.
    embeds = [jnp.transpose(jnp.take(tables[d], cat_feat[:, d], axis=0), (0, 2, 1)) for d in range(N_CAT)]
    emb = jnp.concatenate(embeds, axis=1)
    out = jnp.concatenate([x, num_feat, emb], axis=1)
    # dropout p=0.0 -> identity
    return out

if __name__ == "__main__":
    import jax
    _d = setup_inputs()
    print(jax.jit(kernel)(*tuple(_d.values())))

</pallas_src>

<mosaic_0001>
#map = affine_map<(d0, d1) -> (0)>
#map1 = affine_map<(d0, d1) -> (0, 0)>
module attributes {stable_mosaic.version = 14 : i64} {
  func.func @_body(%arg0: i32, %arg1: i32, %arg2: memref<3276800xf32, #tpu.memory_space<hbm>>, %arg3: memref<1638400xf32, #tpu.memory_space<hbm>>, %arg4: memref<26624x200xi32, #tpu.memory_space<hbm>>, %arg5: memref<2600000x16xf32, #tpu.memory_space<hbm>>, %arg6: memref<90112000xf32, #tpu.memory_space<hbm>>, %arg7: memref<32x200xi32, #tpu.memory_space<vmem>>, %arg8: memref<16x104xi32, #tpu.memory_space<vmem>>, %arg9: memref<1664x16xf32, #tpu.memory_space<vmem>>, %arg10: memref<16000xf32, #tpu.memory_space<vmem>>, %arg11: memref<!tpu.dma_semaphore, #tpu.memory_space<semaphore_mem>>, %arg12: memref<!tpu.dma_semaphore, #tpu.memory_space<semaphore_mem>>, %arg13: memref<!tpu.dma_semaphore, #tpu.memory_space<semaphore_mem>>, %arg14: memref<!tpu.dma_semaphore, #tpu.memory_space<semaphore_mem>>, %arg15: memref<!tpu.dma_semaphore, #tpu.memory_space<semaphore_mem>>, %arg16: memref<!tpu.dma_semaphore, #tpu.memory_space<semaphore_mem>>, %arg17: memref<!tpu.dma_semaphore, #tpu.memory_space<semaphore_mem>>, %arg18: memref<!tpu.dma_semaphore, #tpu.memory_space<semaphore_mem>>, %arg19: memref<!tpu.dma_semaphore, #tpu.memory_space<semaphore_mem>>, %arg20: memref<!tpu.dma_semaphore, #tpu.memory_space<semaphore_mem>>, %arg21: memref<!tpu.dma_semaphore, #tpu.memory_space<semaphore_mem>>) attributes {dimension_semantics = [#tpu.dimension_semantics<core_parallel>, #tpu.dimension_semantics<subcore_parallel>], iteration_bounds = array<i64: 2, 16>, scalar_prefetch = 0 : i64, scratch_operands = 15 : i64, tpu.core_type = #tpu.core_type<sc_vector_subcore>, window_params = [{transform_indices = #map}, {transform_indices = #map}, {transform_indices = #map1}, {transform_indices = #map1}, {transform_indices = #map}]} {
    %mul3A = arith.constant 2 : i32
    %mul3A_0 = arith.muli %arg1, %mul3A : i32
    %add3A = arith.addi %mul3A_0, %arg0 : i32
    %mul3A_1 = arith.constant 832 : i32
    %mul3A_2 = arith.muli %add3A, %mul3A_1 : i32
    %iota3A = tpu.iota {dimensions = array<i32: 0>} : vector<16xi32>
    %mul3A_3 = arith.constant 200 : i32
    %mul3A_4 = vector.broadcast %mul3A_3 : i32 to vector<16xi32>
    %mul3A_5 = arith.muli %iota3A, %mul3A_4 : vector<16xi32>
    %broadcast_in_dim3A = arith.constant 0 : i32
    %broadcast_in_dim3A_6 = vector.broadcast %broadcast_in_dim3A : i32 to vector<16xi32>
    %swap3A = arith.constant 1 : i32
    %swap3A_7 = arith.index_cast %swap3A : i32 to index
    %swap3A_8 = arith.constant 88 : index
    %swap3A_9 = tpu.vector_load %arg8[%swap3A_7, %swap3A_8] {strides = array<i32>} : memref<16x104xi32, #tpu.memory_space<vmem>>, vector<16xi32>,
    tpu.vector_store %arg8[%swap3A_7, %swap3A_8], %broadcast_in_dim3A_6 {strides = array<i32>} : memref<16x104xi32, #tpu.memory_space<vmem>>, vector<16xi32>,
    %broadcast_in_dim3A_10 = arith.constant 0 : i32
    %broadcast_in_dim3A_11 = vector.broadcast %broadcast_in_dim3A_10 : i32 to vector<16xi32>
    %swap3A_12 = arith.constant 3 : i32
    %swap3A_13 = arith.index_cast %swap3A_12 : i32 to index
    %swap3A_14 = arith.constant 88 : index
    %swap3A_15 = tpu.vector_load %arg8[%swap3A_13, %swap3A_14] {strides = array<i32>} : memref<16x104xi32, #tpu.memory_space<vmem>>, vector<16xi32>,
    tpu.vector_store %arg8[%swap3A_13, %swap3A_14], %broadcast_in_dim3A_11 {strides = array<i32>} : memref<16x104xi32, #tpu.memory_space<vmem>>, vector<16xi32>,
    %broadcast_in_dim3A_16 = arith.constant 0 : i32
    %broadcast_in_dim3A_17 = vector.broadcast %broadcast_in_dim3A_16 : i32 to vector<16xi32>
    %swap3A_18 = arith.constant 5 : i32
    %swap3A_19 = arith.index_cast %swap3A_18 : i32 to index
    %swap3A_20 = arith.constant 88 : index
    %swap3A_21 = tpu.vector_load %arg8[%swap3A_19, %swap3A_20] {strides = array<i32>} : memref<16x104xi32, #tpu.memory_space<vmem>>, vector<16xi32>,
    tpu.vector_store %arg8[%swap3A_19, %swap3A_20], %broadcast_in_dim3A_17 {strides = array<i32>} : memref<16x104xi32, #tpu.memory_space<vmem>>, vector<16xi32>,
    %broadcast_in_dim3A_22 = arith.constant 0 : i32
    %broadcast_in_dim3A_23 = vector.broadcast %broadcast_in_dim3A_22 : i32 to vector<16xi32>
    %swap3A_24 = arith.constant 7 : i32
    %swap3A_25 = arith.index_cast %swap3A_24 : i32 to index
    %swap3A_26 = arith.constant 88 : index
    %swap3A_27 = tpu.vector_load %arg8[%swap3A_25, %swap3A_26] {strides = array<i32>} : memref<16x104xi32, #tpu.memory_space<vmem>>, vector<16xi32>,
    tpu.vector_store %arg8[%swap3A_25, %swap3A_26], %broadcast_in_dim3A_23 {strides = array<i32>} : memref<16x104xi32, #tpu.memory_space<vmem>>, vector<16xi32>,
    %broadcast_in_dim3A_28 = arith.constant 0 : i32
    %broadcast_in_dim3A_29 = vector.broadcast %broadcast_in_dim3A_28 : i32 to vector<16xi32>
    %swap3A_30 = arith.constant 9 : i32
    %swap3A_31 = arith.index_cast %swap3A_30 : i32 to index
    %swap3A_32 = arith.constant 88 : index
    %swap3A_33 = tpu.vector_load %arg8[%swap3A_31, %swap3A_32] {strides = array<i32>} : memref<16x104xi32, #tpu.memory_space<vmem>>, vector<16xi32>,
    tpu.vector_store %arg8[%swap3A_31, %swap3A_32], %broadcast_in_dim3A_29 {strides = array<i32>} : memref<16x104xi32, #tpu.memory_space<vmem>>, vector<16xi32>,
    %broadcast_in_dim3A_34 = arith.constant 0 : i32
    %broadcast_in_dim3A_35 = vector.broadcast %broadcast_in_dim3A_34 : i32 to vector<16xi32>
    %swap3A_36 = arith.constant 11 : i32
    %swap3A_37 = arith.index_cast %swap3A_36 : i32 to index
    %swap3A_38 = arith.constant 88 : index
    %swap3A_39 = tpu.vector_load %arg8[%swap3A_37, %swap3A_38] {strides = array<i32>} : memref<16x104xi32, #tpu.memory_space<vmem>>, vector<16xi32>,
    tpu.vector_store %arg8[%swap3A_37, %swap3A_38], %broadcast_in_dim3A_35 {strides = array<i32>} : memref<16x104xi32, #tpu.memory_space<vmem>>, vector<16xi32>,
    %broadcast_in_dim3A_40 = arith.constant 0 : i32
    %broadcast_in_dim3A_41 = vector.broadcast %broadcast_in_dim3A_40 : i32 to vector<16xi32>
    %swap3A_42 = arith.constant 13 : i32
    %swap3A_43 = arith.index_cast %swap3A_42 : i32 to index
    %swap3A_44 = arith.constant 88 : index
    %swap3A_45 = tpu.vector_load %arg8[%swap3A_43, %swap3A_44] {strides = array<i32>} : memref<16x104xi32, #tpu.memory_space<vmem>>, vector<16xi32>,
    tpu.vector_store %arg8[%swap3A_43, %swap3A_44], %broadcast_in_dim3A_41 {strides = array<i32>} : memref<16x104xi32, #tpu.memory_space<vmem>>, vector<16xi32>,
    %broadcast_in_dim3A_46 = arith.constant 0 : i32
    %broadcast_in_dim3A_47 = vector.broadcast %broadcast_in_dim3A_46 : i32 to vector<16xi32>
    %swap3A_48 = arith.constant 15 : i32
    %swap3A_49 = arith.index_cast %swap3A_48 : i32 to index
    %swap3A_50 = arith.constant 88 : index
    %swap3A_51 = tpu.vector_load %arg8[%swap3A_49, %swap3A_50] {strides = array<i32>} : memref<16x104xi32, #tpu.memory_space<vmem>>, vector<16xi32>,
    tpu.vector_store %arg8[%swap3A_49, %swap3A_50], %broadcast_in_dim3A_47 {strides = array<i32>} : memref<16x104xi32, #tpu.memory_space<vmem>>, vector<16xi32>,
    "tpu.region"() ({
      %run_scoped3A = tpu.sem_alloc : memref<!tpu.dma_semaphore, #tpu.memory_space<semaphore_mem>>
      %dma_start3A_1822 = arith.constant 0 : i32
      %dma_start3A_1823 = tpu.memref_slice %arg4[%mul3A_2, %dma_start3A_1822] : memref<26624x200xi32, #tpu.memory_space<hbm>> -> memref<32x200xi32, #tpu.memory_space<hbm>>
      %dma_start3A_1824 = arith.constant 0 : i32
      %dma_start3A_1825 = tpu.memref_slice %arg4[%mul3A_2, %dma_start3A_1824] : memref<26624x200xi32, #tpu.memory_space<hbm>> -> memref<32x200xi32, #tpu.memory_space<hbm>>
      tpu.enqueue_dma source(%dma_start3A_1825 : memref<32x200xi32, #tpu.memory_space<hbm>>) target(%arg7 : memref<32x200xi32, #tpu.memory_space<vmem>>) target_semaphore(%run_scoped3A : memref<!tpu.dma_semaphore, #tpu.memory_space<semaphore_mem>>)
      %dma_wait3A_1826 = arith.constant 0 : i32
      %dma_wait3A_1827 = tpu.memref_slice %arg4[%mul3A_2, %dma_wait3A_1826] : memref<26624x200xi32, #tpu.memory_space<hbm>> -> memref<32x200xi32, #tpu.memory_space<hbm>>
      %dma_wait3A_1828 = arith.constant 0 : i32
      %dma_wait3A_1829 = tpu.memref_slice %arg4[%mul3A_2, %dma_wait3A_1828] : memref<26624x200xi32, #tpu.memory_space<hbm>> -> memref<32x200xi32, #tpu.memory_space<hbm>>
      tpu.wait_dma2 semaphore(%run_scoped3A : memref<!tpu.dma_semaphore, #tpu.memory_space<semaphore_mem>>) src(%dma_wait3A_1829 : memref<32x200xi32, #tpu.memory_space<hbm>>) dst(%arg7 : memref<32x200xi32, #tpu.memory_space<vmem>>)
      tpu.yield
    }) : () -> ()
    %add3A_52 = arith.constant 0 : i32
    %add3A_53 = arith.addi %mul3A_2, %add3A_52 : i32
    %jit3A = arith.constant 26 : i32
    %div3A = arith.divsi %add3A_53, %jit3A : i32
    %sign3A = arith.constant 0 : i32
    %sign3A_54 = arith.cmpi sgt, %add3A_53, %sign3A : i32
    %sign3A_55 = arith.extui %sign3A_54 : i1 to i32
    %sign3A_56 = arith.constant 0 : i32
    %sign3A_57 = arith.cmpi slt, %add3A_53, %sign3A_56 : i32
    %sign3A_58 = arith.extui %sign3A_57 : i1 to i32
    %sign3A_59 = arith.subi %sign3A_55, %sign3A_58 : i32
    %sign3A_60 = arith.constant 0 : i32
    %sign3A_61 = arith.cmpi sgt, %jit3A, %sign3A_60 : i32
    %sign3A_62 = arith.extui %sign3A_61 : i1 to i32
    %sign3A_63 = arith.constant 0 : i32
    %sign3A_64 = arith.cmpi slt, %jit3A, %sign3A_63 : i32
    %sign3A_65 = arith.extui %sign3A_64 : i1 to i32
    %sign3A_66 = arith.subi %sign3A_62, %sign3A_65 : i32
    %ne3A = arith.cmpi ne, %sign3A_59, %sign3A_66 : i32
    %rem3A = arith.remsi %add3A_53, %jit3A : i32
    %ne3A_67 = arith.constant 0 : i32
    %ne3A_68 = arith.cmpi ne, %rem3A, %ne3A_67 : i32
    %and3A = arith.andi %ne3A, %ne3A_68 : i1
    %sub3A = arith.constant 1 : i32
    %sub3A_69 = arith.subi %div3A, %sub3A : i32
    %select_n3A = arith.select %and3A, %sub3A_69, %div3A : i32
    %mul3A_70 = arith.constant 26 : i32
    %mul3A_71 = arith.muli %select_n3A, %mul3A_70 : i32
    %sub3A_72 = arith.subi %add3A_53, %mul3A_71 : i32
    %mul3A_73 = arith.constant 100000 : i32
    %mul3A_74 = arith.muli %sub3A_72, %mul3A_73 : i32
    %broadcast_in_dim3A_75 = vector.broadcast %mul3A_74 : i32 to vector<16xi32>
    %get3A = arith.constant 0 : i32
    %get3A_76 = arith.index_cast %get3A : i32 to index
    %get3A_77 = arith.constant 0 : index
    %get3A_78 = tpu.vector_load %arg7[%get3A_76, %get3A_77] {strides = array<i32>} : memref<32x200xi32, #tpu.memory_space<vmem>>, vector<16xi32>,
    %add3A_79 = arith.addi %get3A_78, %broadcast_in_dim3A_75 : vector<16xi32>
    %swap3A_80 = arith.constant 0 : i32
    %swap3A_81 = arith.index_cast %swap3A_80 : i32 to index
    %swap3A_82 = arith.constant 0 : index
    %swap3A_83 = tpu.vector_load %arg8[%swap3A_81, %swap3A_82] {strides = array<i32>} : memref<16x104xi32, #tpu.memory_space<vmem>>, vector<16xi32>,
    tpu.vector_store %arg8[%swap3A_81, %swap3A_82], %add3A_79 {strides = array<i32>} : memref<16x104xi32, #tpu.memory_space<vmem>>, vector<16xi32>,
    %get3A_84 = arith.constant 0 : i32
    %get3A_85 = arith.index_cast %get3A_84 : i32 to index
    %get3A_86 = arith.constant 16 : index
    %get3A_87 = tpu.vector_load %arg7[%get3A_85, %get3A_86] {strides = array<i32>} : memref<32x200xi32, #tpu.memory_space<vmem>>, vector<16xi32>,
    %add3A_88 = arith.addi %get3A_87, %broadcast_in_dim3A_75 : vector<16xi32>
    %swap3A_89 = arith.constant 0 : i32
    %swap3A_90 = arith.index_cast %swap3A_89 : i32 to index
    %swap3A_91 = arith.constant 16 : index
    %swap3A_92 = tpu.vector_load %arg8[%swap3A_90, %swap3A_91] {strides = array<i32>} : memref<16x104xi32, #tpu.memory_space<vmem>>, vector<16xi32>,
    tpu.vector_store %arg8[%swap3A_90, %swap3A_91], %add3A_88 {strides = array<i32>} : memref<16x104xi32, #tpu.memory_space<vmem>>, vector<16xi32>,
    %get3A_93 = arith.constant 0 : i32
    %get3A_94 = arith.index_cast %get3A_93 : i32 to index
    %get3A_95 = arith.constant 32 : index
    %get3A_96 = tpu.vector_load %arg7[%get3A_94, %get3A_95] {strides = array<i32>} : memref<32x200xi32, #tpu.memory_space<vmem>>, vector<16xi32>,
    %add3A_97 = arith.addi %get3A_96, %broadcast_in_dim3A_75 : vector<16xi32>
    %swap3A_98 = arith.constant 0 : i32
    %swap3A_99 = arith.index_cast %swap3A_98 : i32 to index
    %swap3A_100 = arith.constant 32 : index
    %swap3A_101 = tpu.vector_load %arg8[%swap3A_99, %swap3A_100] {strides = array<i32>} : memref<16x104xi32, #tpu.memory_space<vmem>>, vector<16xi32>,
    tpu.vector_store %arg8[%swap3A_99, %swap3A_100], %add3A_97 {strides = array<i32>} : memref<16x104xi32, #tpu.memory_space<vmem>>, vector<16xi32>,
    %get3A_102 = arith.constant 0 : i32
    %get3A_103 = arith.index_cast %get3A_102 : i32 to index
    %get3A_104 = arith.constant 48 : index
    %get3A_105 = tpu.vector_load %arg7[%get3A_103, %get3A_104] {strides = array<i32>} : memref<32x200xi32, #tpu.memory_space<vmem>>, vector<16xi32>,
    %add3A_106 = arith.addi %get3A_105, %broadcast_in_dim3A_75 : vector<16xi32>
    %swap3A_107 = arith.constant 0 : i32
    %swap3A_108 = arith.index_cast %swap3A_107 : i32 to index
    %swap3A_109 = arith.constant 48 : index
    %swap3A_110 = tpu.vector_load %arg8[%swap3A_108, %swap3A_109] {strides = array<i32>} : memref<16x104xi32, #tpu.memory_space<vmem>>, vector<16xi32>,
    tpu.vector_store %arg8[%swap3A_108, %swap3A_109], %add3A_106 {strides = array<i32>} : memref<16x104xi32, #tpu.memory_space<vmem>>, vector<16xi32>,
    %get3A_111 = arith.constant 0 : i32
    %get3A_112 = arith.index_cast %get3A_111 : i32 to index
    %get3A_113 = arith.constant 64 : index
    %get3A_114 = tpu.vector_load %arg7[%get3A_112, %get3A_113] {strides = array<i32>} : memref<32x200xi32, #tpu.memory_space<vmem>>, vector<16xi32>,
    %add3A_115 = arith.addi %get3A_114, %broadcast_in_dim3A_75 : vector<16xi32>
    %swap3A_116 = arith.constant 0 : i32
    %swap3A_117 = arith.index_cast %swap3A_116 : i32 to index
    %swap3A_118 = arith.constant 64 : index
    %swap3A_119 = tpu.vector_load %arg8[%swap3A_117, %swap3A_118] {strides = array<i32>} : memref<16x104xi32, #tpu.memory_space<vmem>>, vector<16xi32>,
    tpu.vector_store %arg8[%swap3A_117, %swap3A_118], %add3A_115 {strides = array<i32>} : memref<16x104xi32, #tpu.memory_space<vmem>>, vector<16xi32>,
    %get3A_120 = arith.constant 0 : i32
    %get3A_121 = arith.index_cast %get3A_120 : i32 to index
    %get3A_122 = arith.constant 80 : index
    %get3A_123 = tpu.vector_load %arg7[%get3A_121, %get3A_122] {strides = array<i32>} : memref<32x200xi32, #tpu.memory_space<vmem>>, vector<16xi32>,
    %add3A_124 = arith.addi %get3A_123, %broadcast_in_dim3A_75 : vector<16xi32>
    %swap3A_125 = arith.constant 0 : i32
    %swap3A_126 = arith.index_cast %swap3A_125 : i32 to index
    %swap3A_127 = arith.constant 80 : index
    %swap3A_128 = tpu.vector_load %arg8[%swap3A_126, %swap3A_127] {strides = array<i32>} : memref<16x104xi32, #tpu.memory_space<vmem>>, vector<16xi32>,
    tpu.vector_store %arg8[%swap3A_126, %swap3A_127], %add3A_124 {strides = array<i32>} : memref<16x104xi32, #tpu.memory_space<vmem>>, vector<16xi32>,
    %get3A_129 = arith.constant 0 : i32
    %get3A_130 = arith.index_cast %get3A_129 : i32 to index
    %get3A_131 = arith.constant 88 : index
    %get3A_132 = tpu.vector_load %arg7[%get3A_130, %get3A_131] {strides = array<i32>} : memref<32x200xi32, #tpu.memory_space<vmem>>, vector<16xi32>,
    %add3A_133 = arith.addi %get3A_132, %broadcast_in_dim3A_75 : vector<16xi32>
    %swap3A_134 = arith.constant 0 : i32
    %swap3A_135 = arith.index_cast %swap3A_134 : i32 to index
    %swap3A_136 = arith.constant 88 : index
    %swap3A_137 = tpu.vector_load %arg8[%swap3A_135, %swap3A_136] {strides = array<i32>} : memref<16x104xi32, #tpu.memory_space<vmem>>, vector<16xi32>,
    tpu.vector_store %arg8[%swap3A_135, %swap3A_136], %add3A_133 {strides = array<i32>} : memref<16x104xi32, #tpu.memory_space<vmem>>, vector<16xi32>,
    %get3A_138 = arith.constant 0 : i32
    %get3A_139 = arith.index_cast %get3A_138 : i32 to index
    %get3A_140 = arith.constant 104 : index
    %get3A_141 = tpu.vector_load %arg7[%get3A_139, %get3A_140] {strides = array<i32>} : memref<32x200xi32, #tpu.memory_space<vmem>>, vector<16xi32>,
    %add3A_142 = arith.addi %get3A_141, %broadcast_in_dim3A_75 : vector<16xi32>
    %swap3A_143 = arith.constant 1 : i32
    %swap3A_144 = arith.index_cast %swap3A_143 : i32 to index
    %swap3A_145 = arith.constant 0 : index
    %swap3A_146 = tpu.vector_load %arg8[%swap3A_144, %swap3A_145] {strides = array<i32>} : memref<16x104xi32, #tpu.memory_space<vmem>>, vector<16xi32>,
    tpu.vector_store %arg8[%swap3A_144, %swap3A_145], %add3A_142 {strides = array<i32>} : memref<16x104xi32, #tpu.memory_space<vmem>>, vector<16xi32>,
    %get3A_147 = arith.constant 0 : i32
    %get3A_148 = arith.index_cast %get3A_147 : i32 to index
    %get3A_149 = arith.constant 120 : index
    %get3A_150 = tpu.vector_load %arg7[%get3A_148, %get3A_149] {strides = array<i32>} : memref<32x200xi32, #tpu.memory_space<vmem>>, vector<16xi32>,
    %add3A_151 = arith.addi %get3A_150, %broadcast_in_dim3A_75 : vector<16xi32>
    %swap3A_152 = arith.constant 1 : i32
    %swap3A_153 = arith.index_cast %swap3A_152 : i32 to index
    %swap3A_154 = arith.constant 16 : index
    %swap3A_155 = tpu.vector_load %arg8[%swap3A_153, %swap3A_154] {strides = array<i32>} : memref<16x104xi32, #tpu.memory_space<vmem>>, vector<16xi32>,
    tpu.vector_store %arg8[%swap3A_153, %swap3A_154], %add3A_151 {strides = array<i32>} : memref<16x104xi32, #tpu.memory_space<vmem>>, vector<16xi32>,
    %get3A_156 = arith.constant 0 : i32
    %get3A_157 = arith.index_cast %get3A_156 : i32 to index
    %get3A_158 = arith.constant 136 : index
    %get3A_159 = tpu.vector_load %arg7[%get3A_157, %get3A_158] {strides = array<i32>} : memref<32x200xi32, #tpu.memory_space<vmem>>, vector<16xi32>,
    %add3A_160 = arith.addi %get3A_159, %broadcast_in_dim3A_75 : vector<16xi32>
    %swap3A_161 = arith.constant 1 : i32
    %swap3A_162 = arith.index_cast %swap3A_161 : i32 to index
    %swap3A_163 = arith.constant 32 : index
    %swap3A_164 = tpu.vector_load %arg8[%swap3A_162, %swap3A_163] {strides = array<i32>} : memref<16x104xi32, #tpu.memory_space<vmem>>, vector<16xi32>,
    tpu.vector_store %arg8[%swap3A_162, %swap3A_163], %add3A_160 {strides = array<i32>} : memref<16x104xi32, #tpu.memory_space<vmem>>, vector<16xi32>,
    %get3A_165 = arith.constant 0 : i32
    %get3A_166 = arith.index_cast %get3A_165 : i32 to index
    %get3A_167 = arith.constant 152 : index
    %get3A_168 = tpu.vector_load %arg7[%get3A_166, %get3A_167] {strides = array<i32>} : memref<32x200xi32, #tpu.memory_space<vmem>>, vector<16xi32>,
    %add3A_169 = arith.addi %get3A_168, %broadcast_in_dim3A_75 : vector<16xi32>
    %swap3A_170 = arith.constant 1 : i32
    %swap3A_171 = arith.index_cast %swap3A_170 : i32 to index
    %swap3A_172 = arith.constant 48 : index
    %swap3A_173 = tpu.vector_load %arg8[%swap3A_171, %swap3A_172] {strides = array<i32>} : memref<16x104xi32, #tpu.memory_space<vmem>>, vector<16xi32>,
    tpu.vector_store %arg8[%swap3A_171, %swap3A_172], %add3A_169 {strides = array<i32>} : memref<16x104xi32, #tpu.memory_space<vmem>>, vector<16xi32>,
    %get3A_174 = arith.constant 0 : i32
    %get3A_175 = arith.index_cast %get3A_174 : i32 to index
    %get3A_176 = arith.constant 168 : index
    %get3A_177 = tpu.vector_load %arg7[%get3A_175, %get3A_176] {strides = array<i32>} : memref<32x200xi32, #tpu.memory_space<vmem>>, vector<16xi32>,
    %add3A_178 = arith.addi %get3A_177, %broadcast_in_dim3A_75 : vector<16xi32>
    %swap3A_179 = arith.constant 1 : i32
    %swap3A_180 = arith.index_cast %swap3A_179 : i32 to index
    %swap3A_181 = arith.constant 64 : index
    %swap3A_182 = tpu.vector_load %arg8[%swap3A_180, %swap3A_181] {strides = array<i32>} : memref<16x104xi32, #tpu.memory_space<vmem>>, vector<16xi32>,
    tpu.vector_store %arg8[%swap3A_180, %swap3A_181], %add3A_178 {strides = array<i32>} : memref<16x104xi32, #tpu.memory_space<vmem>>, vector<16xi32>,
    %get3A_183 = arith.constant 0 : i32
    %get3A_184 = arith.index_cast %get3A_183 : i32 to index
    %get3A_185 = arith.constant 184 : index
    %get3A_186 = tpu.vector_load %arg7[%get3A_184, %get3A_185] {strides = array<i32>} : memref<32x200xi32, #tpu.memory_space<vmem>>, vector<16xi32>,
    %add3A_187 = arith.addi %get3A_186, %broadcast_in_dim3A_75 : vector<16xi32>
    %swap3A_188 = arith.constant 1 : i32
    %swap3A_189 = arith.index_cast %swap3A_188 : i32 to index
    %swap3A_190 = arith.constant 80 : index
    %swap3A_191 = tpu.vector_load %arg8[%swap3A_189, %swap3A_190] {strides = array<i32>} : memref<16x104xi32, #tpu.memory_space<vmem>>, vector<16xi32>,
    tpu.vector_store %arg8[%swap3A_189, %swap3A_190], %add3A_187 {strides = array<i32>} : memref<16x104xi32, #tpu.memory_space<vmem>>, vector<16xi32>,
    %dma_start3A = arith.constant 0 : i32
    %dma_start3A_192 = arith.constant 0 : i32
    %dma_start3A_193 = arith.constant 0 : i32
    %dma_start3A_194 = tpu.memref_slice %arg9[%dma_start3A_192, %dma_start3A_193] : memref<1664x16xf32, #tpu.memory_space<vmem>> -> memref<104x16xf32, #tpu.memory_space<vmem>>
    %dma_start3A_195 = arith.constant 0 : i32
    %dma_start3A_196 = tpu.memref_slice %arg8[%dma_start3A, %dma_start3A_195] : memref<16x104xi32, #tpu.memory_space<vmem>> -> memref<1x104xi32, #tpu.memory_space<vmem>>
    %dma_start3A_197 = tpu.memref_squeeze %dma_start3A_196 : memref<1x104xi32, #tpu.memory_space<vmem>> -> memref<104xi32, #tpu.memory_space<vmem>>
    %dma_start3A_198 = arith.constant 0 : i32
    %dma_start3A_199 = arith.constant 0 : i32
    %dma_start3A_200 = tpu.memref_slice %arg5[%dma_start3A_198, %dma_start3A_199] : memref<2600000x16xf32, #tpu.memory_space<hbm>> -> memref<2600000x16xf32, #tpu.memory_space<hbm>>
    tpu.enqueue_indirect_dma source(%dma_start3A_200 : memref<2600000x16xf32, #tpu.memory_space<hbm>>) target(%dma_start3A_194 : memref<104x16xf32, #tpu.memory_space<vmem>>) offsets(%dma_start3A_197 : memref<104xi32, #tpu.memory_space<vmem>>) semaphore(%arg11 : memref<!tpu.dma_semaphore, #tpu.memory_space<semaphore_mem>>)
    %dma_start3A_201 = arith.constant 1 : i32
    %dma_start3A_202 = arith.constant 104 : i32
    %dma_start3A_203 = arith.constant 0 : i32
    %dma_start3A_204 = tpu.memref_slice %arg9[%dma_start3A_202, %dma_start3A_203] : memref<1664x16xf32, #tpu.memory_space<vmem>> -> memref<104x16xf32, #tpu.memory_space<vmem>>
    %dma_start3A_205 = arith.constant 0 : i32
    %dma_start3A_206 = tpu.memref_slice %arg8[%dma_start3A_201, %dma_start3A_205] : memref<16x104xi32, #tpu.memory_space<vmem>> -> memref<1x104xi32, #tpu.memory_space<vmem>>
    %dma_start3A_207 = tpu.memref_squeeze %dma_start3A_206 : memref<1x104xi32, #tpu.memory_space<vmem>> -> memref<104xi32, #tpu.memory_space<vmem>>
    %dma_start3A_208 = arith.constant 0 : i32
    %dma_start3A_209 = arith.constant 0 : i32
    %dma_start3A_210 = tpu.memref_slice %arg5[%dma_start3A_208, %dma_start3A_209] : memref<2600000x16xf32, #tpu.memory_space<hbm>> -> memref<2600000x16xf32, #tpu.memory_space<hbm>>
    tpu.enqueue_indirect_dma source(%dma_start3A_210 : memref<2600000x16xf32, #tpu.memory_space<hbm>>) target(%dma_start3A_204 : memref<104x16xf32, #tpu.memory_space<vmem>>) offsets(%dma_start3A_207 : memref<104xi32, #tpu.memory_space<vmem>>) semaphore(%arg11 : memref<!tpu.dma_semaphore, #tpu.memory_space<semaphore_mem>>)
    %add3A_211 = arith.constant 1 : i32
    %add3A_212 = arith.addi %mul3A_2, %add3A_211 : i32
    %jit3A_213 = arith.constant 26 : i32
    %div3A_214 = arith.divsi %add3A_212, %jit3A_213 : i32
    %sign3A_215 = arith.constant 0 : i32
    %sign3A_216 = arith.cmpi sgt, %add3A_212, %sign3A_215 : i32
    %sign3A_217 = arith.extui %sign3A_216 : i1 to i32
    %sign3A_218 = arith.constant 0 : i32
    %sign3A_219 = arith.cmpi slt, %add3A_212, %sign3A_218 : i32
    %sign3A_220 = arith.extui %sign3A_219 : i1 to i32
    %sign3A_221 = arith.subi %sign3A_217, %sign3A_220 : i32
    %sign3A_222 = arith.constant 0 : i32
    %sign3A_223 = arith.cmpi sgt, %jit3A_213, %sign3A_222 : i32
    %sign3A_224 = arith.extui %sign3A_223 : i1 to i32
    %sign3A_225 = arith.constant 0 : i32
    %sign3A_226 = arith.cmpi slt, %jit3A_213, %sign3A_225 : i32
    %sign3A_227 = arith.extui %sign3A_226 : i1 to i32
    %sign3A_228 = arith.subi %sign3A_224, %sign3A_227 : i32
    %ne3A_229 = arith.cmpi ne, %sign3A_221, %sign3A_228 : i32
    %rem3A_230 = arith.remsi %add3A_212, %jit3A_213 : i32
    %ne3A_231 = arith.constant 0 : i32
    %ne3A_232 = arith.cmpi ne, %rem3A_230, %ne3A_231 : i32
    %and3A_233 = arith.andi %ne3A_229, %ne3A_232 : i1
    %sub3A_234 = arith.constant 1 : i32
    %sub3A_235 = arith.subi %div3A_214, %sub3A_234 : i32
    %select_n3A_236 = arith.select %and3A_233, %sub3A_235, %div3A_214 : i32
    %mul3A_237 = arith.constant 26 : i32
    %mul3A_238 = arith.muli %select_n3A_236, %mul3A_237 : i32
    %sub3A_239 = arith.subi %add3A_212, %mul3A_238 : i32
    %mul3A_240 = arith.constant 100000 : i32
    %mul3A_241 = arith.muli %sub3A_239, %mul3A_240 : i32
    %broadcast_in_dim3A_242 = vector.broadcast %mul3A_241 : i32 to vector<16xi32>
    %get3A_243 = arith.constant 1 : i32
    %get3A_244 = arith.index_cast %get3A_243 : i32 to index
    %get3A_245 = arith.constant 0 : index
    %get3A_246 = tpu.vector_load %arg7[%get3A_244, %get3A_245] {strides = array<i32>} : memref<32x200xi32, #tpu.memory_space<vmem>>, vector<16xi32>,
    %add3A_247 = arith.addi %get3A_246, %broadcast_in_dim3A_242 : vector<16xi32>
    %swap3A_248 = arith.constant 2 : i32
    %swap3A_249 = arith.index_cast %swap3A_248 : i32 to index
    %swap3A_250 = arith.constant 0 : index
    %swap3A_251 = tpu.vector_load %arg8[%swap3A_249, %swap3A_250] {strides = array<i32>} : memref<16x104xi32, #tpu.memory_space<vmem>>, vector<16xi32>,
    tpu.vector_store %arg8[%swap3A_249, %swap3A_250], %add3A_247 {strides = array<i32>} : memref<16x104xi32, #tpu.memory_space<vmem>>, vector<16xi32>,
    %get3A_252 = arith.constant 1 : i32
    %get3A_253 = arith.index_cast %get3A_252 : i32 to index
    %get3A_254 = arith.constant 16 : index
    %get3A_255 = tpu.vector_load %arg7[%get3A_253, %get3A_254] {strides = array<i32>} : memref<32x200xi32, #tpu.memory_space<vmem>>, vector<16xi32>,
    %add3A_256 = arith.addi %get3A_255, %broadcast_in_dim3A_242 : vector<16xi32>
    %swap3A_257 = arith.constant 2 : i32
    %swap3A_258 = arith.index_cast %swap3A_257 : i32 to index
    %swap3A_259 = arith.constant 16 : index
    %swap3A_260 = tpu.vector_load %arg8[%swap3A_258, %swap3A_259] {strides = array<i32>} : memref<16x104xi32, #tpu.memory_space<vmem>>, vector<16xi32>,
    tpu.vector_store %arg8[%swap3A_258, %swap3A_259], %add3A_256 {strides = array<i32>} : memref<16x104xi32, #tpu.memory_space<vmem>>, vector<16xi32>,
    %get3A_261 = arith.constant 1 : i32
    %get3A_262 = arith.index_cast %get3A_261 : i32 to index
    %get3A_263 = arith.constant 32 : index
    %get3A_264 = tpu.vector_load %arg7[%get3A_262, %get3A_263] {strides = array<i32>} : memref<32x200xi32, #tpu.memory_space<vmem>>, vector<16xi32>,
    %add3A_265 = arith.addi %get3A_264, %broadcast_in_dim3A_242 : vector<16xi32>
    %swap3A_266 = arith.constant 2 : i32
    %swap3A_267 = arith.index_cast %swap3A_266 : i32 to index
    %swap3A_268 = arith.constant 32 : index
    %swap3A_269 = tpu.vector_load %arg8[%swap3A_267, %swap3A_268] {strides = array<i32>} : memref<16x104xi32, #tpu.memory_space<vmem>>, vector<16xi32>,
    tpu.vector_store %arg8[%swap3A_267, %swap3A_268], %add3A_265 {strides = array<i32>} : memref<16x104xi32, #tpu.memory_space<vmem>>, vector<16xi32>,
    %get3A_270 = arith.constant 1 : i32
    %get3A_271 = arith.index_cast %get3A_270 : i32 to index
    %get3A_272 = arith.constant 48 : index
    %get3A_273 = tpu.vector_load %arg7[%get3A_271, %get3A_272] {strides = array<i32>} : memref<32x200xi32, #tpu.memory_space<vmem>>, vector<16xi32>,
    %add3A_274 = arith.addi %get3A_273, %broadcast_in_dim3A_242 : vector<16xi32>
    %swap3A_275 = arith.constant 2 : i32
    %swap3A_276 = arith.index_cast %swap3A_275 : i32 to index
    %swap3A_277 = arith.constant 48 : index
    %swap3A_278 = tpu.vector_load %arg8[%swap3A_276, %swap3A_277] {strides = array<i32>} : memref<16x104xi32, #tpu.memory_space<vmem>>, vector<16xi32>,
    tpu.vector_store %arg8[%swap3A_276, %swap3A_277], %add3A_274 {strides = array<i32>} : memref<16x104xi32, #tpu.memory_space<vmem>>, vector<16xi32>,
    %get3A_279 = arith.constant 1 : i32
    %get3A_280 = arith.index_cast %get3A_279 : i32 to index
    %get3A_281 = arith.constant 64 : index
    %get3A_282 = tpu.vector_load %arg7[%get3A_280, %get3A_281] {strides = array<i32>} : memref<32x200xi32, #tpu.memory_space<vmem>>, vector<16xi32>,
    %add3A_283 = arith.addi %get3A_282, %broadcast_in_dim3A_242 : vector<16xi32>
    %swap3A_284 = arith.constant 2 : i32
    %swap3A_285 = arith.index_cast %swap3A_284 : i32 to index
    %swap3A_286 = arith.constant 64 : index
    %swap3A_287 = tpu.vector_load %arg8[%swap3A_285, %swap3A_286] {strides = array<i32>} : memref<16x104xi32, #tpu.memory_space<vmem>>, vector<16xi32>,
    tpu.vector_store %arg8[%swap3A_285, %swap3A_286], %add3A_283 {strides = array<i32>} : memref<16x104xi32, #tpu.memory_space<vmem>>, vector<16xi32>,
    %get3A_288 = arith.constant 1 : i32
    %get3A_289 = arith.index_cast %get3A_288 : i32 to index
    %get3A_290 = arith.constant 80 : index
    %get3A_291 = tpu.vector_load %arg7[%get3A_289, %get3A_290] {strides = array<i32>} : memref<32x200xi32, #tpu.memory_space<vmem>>, vector<16xi32>,
    %add3A_292 = arith.addi %get3A_291, %broadcast_in_dim3A_242 : vector<16xi32>
    %swap3A_293 = arith.constant 2 : i32
    %swap3A_294 = arith.index_cast %swap3A_293 : i32 to index
    %swap3A_295 = arith.constant 80 : index
    %swap3A_296 = tpu.vector_load %arg8[%swap3A_294, %swap3A_295] {strides = array<i32>} : memref<16x104xi32, #tpu.memory_space<vmem>>, vector<16xi32>,
    tpu.vector_store %arg8[%swap3A_294, %swap3A_295], %add3A_292 {strides = array<i32>} : memref<16x104xi32, #tpu.memory_space<vmem>>, vector<16xi32>,
    %get3A_297 = arith.constant 1 : i32
    %get3A_298 = arith.index_cast %get3A_297 : i32 to index
    %get3A_299 = arith.constant 88 : index
    %get3A_300 = tpu.vector_load %arg7[%get3A_298, %get3A_299] {strides = array<i32>} : memref<32x200xi32, #tpu.memory_space<vmem>>, vector<16xi32>,
    %add3A_301 = arith.addi %get3A_300, %broadcast_in_dim3A_242 : vector<16xi32>
    %swap3A_302 = arith.constant 2 : i32
    %swap3A_303 = arith.index_cast %swap3A_302 : i32 to index
    %swap3A_304 = arith.constant 88 : index
    %swap3A_305 = tpu.vector_load %arg8[%swap3A_303, %swap3A_304] {strides = array<i32>} : memref<16x104xi32, #tpu.memory_space<vmem>>, vector<16xi32>,
    tpu.vector_store %arg8[%swap3A_303, %swap3A_304], %add3A_301 {strides = array<i32>} : memref<16x104xi32, #tpu.memory_space<vmem>>, vector<16xi32>,
    %get3A_306 = arith.constant 1 : i32
    %get3A_307 = arith.index_cast %get3A_306 : i32 to index
    %get3A_308 = arith.constant 104 : index
    %get3A_309 = tpu.vector_load %arg7[%get3A_307, %get3A_308] {strides = array<i32>} : memref<32x200xi32, #tpu.memory_space<vmem>>, vector<16xi32>,
    %add3A_310 = arith.addi %get3A_309, %broadcast_in_dim3A_242 : vector<16xi32>
    %swap3A_311 = arith.constant 3 : i32
    %swap3A_312 = arith.index_cast %swap3A_311 : i32 to index
    %swap3A_313 = arith.constant 0 : index
    %swap3A_314 = tpu.vector_load %arg8[%swap3A_312, %swap3A_313] {strides = array<i32>} : memref<16x104xi32, #tpu.memory_space<vmem>>, vector<16xi32>,
    tpu.vector_store %arg8[%swap3A_312, %swap3A_313], %add3A_310 {strides = array<i32>} : memref<16x104xi32, #tpu.memory_space<vmem>>, vector<16xi32>,
    %get3A_315 = arith.constant 1 : i32
    %get3A_316 = arith.index_cast %get3A_315 : i32 to index
    %get3A_317 = arith.constant 120 : index
    %get3A_318 = tpu.vector_load %arg7[%get3A_316, %get3A_317] {strides = array<i32>} : memref<32x200xi32, #tpu.memory_space<vmem>>, vector<16xi32>,
    %add3A_319 = arith.addi %get3A_318, %broadcast_in_dim3A_242 : vector<16xi32>
    %swap3A_320 = arith.constant 3 : i32
    %swap3A_321 = arith.index_cast %swap3A_320 : i32 to index
    %swap3A_322 = arith.constant 16 : index
    %swap3A_323 = tpu.vector_load %arg8[%swap3A_321, %swap3A_322] {strides = array<i32>} : memref<16x104xi32, #tpu.memory_space<vmem>>, vector<16xi32>,
    tpu.vector_store %arg8[%swap3A_321, %swap3A_322], %add3A_319 {strides = array<i32>} : memref<16x104xi32, #tpu.memory_space<vmem>>, vector<16xi32>,
    %get3A_324 = arith.constant 1 : i32
    %get3A_325 = arith.index_cast %get3A_324 : i32 to index
    %get3A_326 = arith.constant 136 : index
    %get3A_327 = tpu.vector_load %arg7[%get3A_325, %get3A_326] {strides = array<i32>} : memref<32x200xi32, #tpu.memory_space<vmem>>, vector<16xi32>,
    %add3A_328 = arith.addi %get3A_327, %broadcast_in_dim3A_242 : vector<16xi32>
    %swap3A_329 = arith.constant 3 : i32
    %swap3A_330 = arith.index_cast %swap3A_329 : i32 to index
    %swap3A_331 = arith.constant 32 : index
    %swap3A_332 = tpu.vector_load %arg8[%swap3A_330, %swap3A_331] {strides = array<i32>} : memref<16x104xi32, #tpu.memory_space<vmem>>, vector<16xi32>,
    tpu.vector_store %arg8[%swap3A_330, %swap3A_331], %add3A_328 {strides = array<i32>} : memref<16x104xi32, #tpu.memory_space<vmem>>, vector<16xi32>,
    %get3A_333 = arith.constant 1 : i32
    %get3A_334 = arith.index_cast %get3A_333 : i32 to index
    %get3A_335 = arith.constant 152 : index
    %get3A_336 = tpu.vector_load %arg7[%get3A_334, %get3A_335] {strides = array<i32>} : memref<32x200xi32, #tpu.memory_space<vmem>>, vector<16xi32>,
    %add3A_337 = arith.addi %get3A_336, %broadcast_in_dim3A_242 : vector<16xi32>
    %swap3A_338 = arith.constant 3 : i32
    %swap3A_339 = arith.index_cast %swap3A_338 : i32 to index
    %swap3A_340 = arith.constant 48 : index
    %swap3A_341 = tpu.vector_load %arg8[%swap3A_339, %swap3A_340] {strides = array<i32>} : memref<16x104xi32, #tpu.memory_space<vmem>>, vector<16xi32>,
    tpu.vector_store %arg8[%swap3A_339, %swap3A_340], %add3A_337 {strides = array<i32>} : memref<16x104xi32, #tpu.memory_space<vmem>>, vector<16xi32>,
    %get3A_342 = arith.constant 1 : i32
    %get3A_343 = arith.index_cast %get3A_342 : i32 to index
    %get3A_344 = arith.constant 168 : index
    %get3A_345 = tpu.vector_load %arg7[%get3A_343, %get3A_344] {strides = array<i32>} : memref<32x200xi32, #tpu.memory_space<vmem>>, vector<16xi32>,
    %add3A_346 = arith.addi %get3A_345, %broadcast_in_dim3A_242 : vector<16xi32>
    %swap3A_347 = arith.constant 3 : i32
    %swap3A_348 = arith.index_cast %swap3A_347 : i32 to index
    %swap3A_349 = arith.constant 64 : index
    %swap3A_350 = tpu.vector_load %arg8[%swap3A_348, %swap3A_349] {strides = array<i32>} : memref<16x104xi32, #tpu.memory_space<vmem>>, vector<16xi32>,
    tpu.vector_store %arg8[%swap3A_348, %swap3A_349], %add3A_346 {strides = array<i32>} : memref<16x104xi32, #tpu.memory_space<vmem>>, vector<16xi32>,
    %get3A_351 = arith.constant 1 : i32
    %get3A_352 = arith.index_cast %get3A_351 : i32 to index
    %get3A_353 = arith.constant 184 : index
    %get3A_354 = tpu.vector_load %arg7[%get3A_352, %get3A_353] {strides = array<i32>} : memref<32x200xi32, #tpu.memory_space<vmem>>, vector<16xi32>,
    %add3A_355 = arith.addi %get3A_354, %broadcast_in_dim3A_242 : vector<16xi32>
    %swap3A_356 = arith.constant 3 : i32
    %swap3A_357 = arith.index_cast %swap3A_356 : i32 to index
    %swap3A_358 = arith.constant 80 : index
    %swap3A_359 = tpu.vector_load %arg8[%swap3A_357, %swap3A_358] {strides = array<i32>} : memref<16x104xi32, #tpu.memory_space<vmem>>, vector<16xi32>,
    tpu.vector_store %arg8[%swap3A_357, %swap3A_358], %add3A_355 {strides = array<i32>} : memref<16x104xi32, #tpu.memory_space<vmem>>, vector<16xi32>,
    %dma_start3A_360 = arith.constant 2 : i32
    %dma_start3A_361 = arith.constant 208 : i32
    %dma_start3A_362 = arith.constant 0 : i32
    %dma_start3A_363 = tpu.memref_slice %arg9[%dma_start3A_361, %dma_start3A_362] : memref<1664x16xf32, #tpu.memory_space<vmem>> -> memref<104x16xf32, #tpu.memory_space<vmem>>
    %dma_start3A_364 = arith.constant 0 : i32
    %dma_start3A_365 = tpu.memref_slice %arg8[%dma_start3A_360, %dma_start3A_364] : memref<16x104xi32, #tpu.memory_space<vmem>> -> memref<1x104xi32, #tpu.memory_space<vmem>>
    %dma_start3A_366 = tpu.memref_squeeze %dma_start3A_365 : memref<1x104xi32, #tpu.memory_space<vmem>> -> memref<104xi32, #tpu.memory_space<vmem>>
    %dma_start3A_367 = arith.constant 0 : i32
    %dma_start3A_368 = arith.constant 0 : i32
    %dma_start3A_369 = tpu.memref_slice %arg5[%dma_start3A_367, %dma_start3A_368] : memref<2600000x16xf32, #tpu.memory_space<hbm>> -> memref<2600000x16xf32, #tpu.memory_space<hbm>>
    tpu.enqueue_indirect_dma source(%dma_start3A_369 : memref<2600000x16xf32, #tpu.memory_space<hbm>>) target(%dma_start3A_363 : memref<104x16xf32, #tpu.memory_space<vmem>>) offsets(%dma_start3A_366 : memref<104xi32, #tpu.memory_space<vmem>>) semaphore(%arg12 : memref<!tpu.dma_semaphore, #tpu.memory_space<semaphore_mem>>)
    %dma_start3A_370 = arith.constant 3 : i32
    %dma_start3A_371 = arith.constant 312 : i32
    %dma_start3A_372 = arith.constant 0 : i32
    %dma_start3A_373 = tpu.memref_slice %arg9[%dma_start3A_371, %dma_start3A_372] : memref<1664x16xf32, #tpu.memory_space<vmem>> -> memref<104x16xf32, #tpu.memory_space<vmem>>
    %dma_start3A_374 = arith.constant 0 : i32
    %dma_start3A_375 = tpu.memref_slice %arg8[%dma_start3A_370, %dma_start3A_374] : memref<16x104xi32, #tpu.memory_space<vmem>> -> memref<1x104xi32, #tpu.memory_space<vmem>>
    %dma_start3A_376 = tpu.memref_squeeze %dma_start3A_375 : memref<1x104xi32, #tpu.memory_space<vmem>> -> memref<104xi32, #tpu.memory_space<vmem>>
    %dma_start3A_377 = arith.constant 0 : i32
    %dma_start3A_378 = arith.constant 0 : i32
    %dma_start3A_379 = tpu.memref_slice %arg5[%dma_start3A_377, %dma_start3A_378] : memref<2600000x16xf32, #tpu.memory_space<hbm>> -> memref<2600000x16xf32, #tpu.memory_space<hbm>>
    tpu.enqueue_indirect_dma source(%dma_start3A_379 : memref<2600000x16xf32, #tpu.memory_space<hbm>>) target(%dma_start3A_373 : memref<104x16xf32, #tpu.memory_space<vmem>>) offsets(%dma_start3A_376 : memref<104xi32, #tpu.memory_space<vmem>>) semaphore(%arg12 : memref<!tpu.dma_semaphore, #tpu.memory_space<semaphore_mem>>)
    %add3A_380 = arith.constant 2 : i32
    %add3A_381 = arith.addi %mul3A_2, %add3A_380 : i32
    %jit3A_382 = arith.constant 26 : i32
    %div3A_383 = arith.divsi %add3A_381, %jit3A_382 : i32
    %sign3A_384 = arith.constant 0 : i32
    %sign3A_385 = arith.cmpi sgt, %add3A_381, %sign3A_384 : i32
    %sign3A_386 = arith.extui %sign3A_385 : i1 to i32
    %sign3A_387 = arith.constant 0 : i32
    %sign3A_388 = arith.cmpi slt, %add3A_381, %sign3A_387 : i32
    %sign3A_389 = arith.extui %sign3A_388 : i1 to i32
    %sign3A_390 = arith.subi %sign3A_386, %sign3A_389 : i32
    %sign3A_391 = arith.constant 0 : i32
    %sign3A_392 = arith.cmpi sgt, %jit3A_382, %sign3A_391 : i32
    %sign3A_393 = arith.extui %sign3A_392 : i1 to i32
    %sign3A_394 = arith.constant 0 : i32
    %sign3A_395 = arith.cmpi slt, %jit3A_382, %sign3A_394 : i32
    %sign3A_396 = arith.extui %sign3A_395 : i1 to i32
    %sign3A_397 = arith.subi %sign3A_393, %sign3A_396 : i32
    %ne3A_398 = arith.cmpi ne, %sign3A_390, %sign3A_397 : i32
    %rem3A_399 = arith.remsi %add3A_381, %jit3A_382 : i32
    %ne3A_400 = arith.constant 0 : i32
    %ne3A_401 = arith.cmpi ne, %rem3A_399, %ne3A_400 : i32
    %and3A_402 = arith.andi %ne3A_398, %ne3A_401 : i1
    %sub3A_403 = arith.constant 1 : i32
    %sub3A_404 = arith.subi %div3A_383, %sub3A_403 : i32
    %select_n3A_405 = arith.select %and3A_402, %sub3A_404, %div3A_383 : i32
    %mul3A_406 = arith.constant 26 : i32
    %mul3A_407 = arith.muli %select_n3A_405, %mul3A_406 : i32
    %sub3A_408 = arith.subi %add3A_381, %mul3A_407 : i32
    %mul3A_409 = arith.constant 100000 : i32
    %mul3A_410 = arith.muli %sub3A_408, %mul3A_409 : i32
    %broadcast_in_dim3A_411 = vector.broadcast %mul3A_410 : i32 to vector<16xi32>
    %get3A_412 = arith.constant 2 : i32
    %get3A_413 = arith.index_cast %get3A_412 : i32 to index
    %get3A_414 = arith.constant 0 : index
    %get3A_415 = tpu.vector_load %arg7[%get3A_413, %get3A_414] {strides = array<i32>} : memref<32x200xi32, #tpu.memory_space<vmem>>, vector<16xi32>,
    %add3A_416 = arith.addi %get3A_415, %broadcast_in_dim3A_411 : vector<16xi32>
    %swap3A_417 = arith.constant 4 : i32
    %swap3A_418 = arith.index_cast %swap3A_417 : i32 to index
    %swap3A_419 = arith.constant 0 : index
    %swap3A_420 = tpu.vector_load %arg8[%swap3A_418, %swap3A_419] {strides = array<i32>} : memref<16x104xi32, #tpu.memory_space<vmem>>, vector<16xi32>,
    tpu.vector_store %arg8[%swap3A_418, %swap3A_419], %add3A_416 {strides = array<i32>} : memref<16x104xi32, #tpu.memory_space<vmem>>, vector<16xi32>,
    %get3A_421 = arith.constant 2 : i32
    %get3A_422 = arith.index_cast %get3A_421 : i32 to index
    %get3A_423 = arith.constant 16 : index
    %get3A_424 = tpu.vector_load %arg7[%get3A_422, %get3A_423] {strides = array<i32>} : memref<32x200xi32, #tpu.memory_space<vmem>>, vector<16xi32>,
    %add3A_425 = arith.addi %get3A_424, %broadcast_in_dim3A_411 : vector<16xi32>
    %swap3A_426 = arith.constant 4 : i32
    %swap3A_427 = arith.index_cast %swap3A_426 : i32 to index
    %swap3A_428 = arith.constant 16 : index
    %swap3A_429 = tpu.vector_load %arg8[%swap3A_427, %swap3A_428] {strides = array<i32>} : memref<16x104xi32, #tpu.memory_space<vmem>>, vector<16xi32>,
    tpu.vector_store %arg8[%swap3A_427, %swap3A_428], %add3A_425 {strides = array<i32>} : memref<16x104xi32, #tpu.memory_space<vmem>>, vector<16xi32>,
    %get3A_430 = arith.constant 2 : i32
    %get3A_431 = arith.index_cast %get3A_430 : i32 to index
    %get3A_432 = arith.constant 32 : index
    %get3A_433 = tpu.vector_load %arg7[%get3A_431, %get3A_432] {strides = array<i32>} : memref<32x200xi32, #tpu.memory_space<vmem>>, vector<16xi32>,
    %add3A_434 = arith.addi %get3A_433, %broadcast_in_dim3A_411 : vector<16xi32>
    %swap3A_435 = arith.constant 4 : i32
    %swap3A_436 = arith.index_cast %swap3A_435 : i32 to index
    %swap3A_437 = arith.constant 32 : index
    %swap3A_438 = tpu.vector_load %arg8[%swap3A_436, %swap3A_437] {strides = array<i32>} : memref<16x104xi32, #tpu.memory_space<vmem>>, vector<16xi32>,
    tpu.vector_store %arg8[%swap3A_436, %swap3A_437], %add3A_434 {strides = array<i32>} : memref<16x104xi32, #tpu.memory_space<vmem>>, vector<16xi32>,
    %get3A_439 = arith.constant 2 : i32
    %get3A_440 = arith.index_cast %get3A_439 : i32 to index
    %get3A_441 = arith.constant 48 : index
    %get3A_442 = tpu.vector_load %arg7[%get3A_440, %get3A_441] {strides = array<i32>} : memref<32x200xi32, #tpu.memory_space<vmem>>, vector<16xi32>,
    %add3A_443 = arith.addi %get3A_442, %broadcast_in_dim3A_411 : vector<16xi32>
    %swap3A_444 = arith.constant 4 : i32
    %swap3A_445 = arith.index_cast %swap3A_444 : i32 to index
    %swap3A_446 = arith.constant 48 : index
    %swap3A_447 = tpu.vector_load %arg8[%swap3A_445, %swap3A_446] {strides = array<i32>} : memref<16x104xi32, #tpu.memory_space<vmem>>, vector<16xi32>,
    tpu.vector_store %arg8[%swap3A_445, %swap3A_446], %add3A_443 {strides = array<i32>} : memref<16x104xi32, #tpu.memory_space<vmem>>, vector<16xi32>,
    %get3A_448 = arith.constant 2 : i32
    %get3A_449 = arith.index_cast %get3A_448 : i32 to index
    %get3A_450 = arith.constant 64 : index
    %get3A_451 = tpu.vector_load %arg7[%get3A_449, %get3A_450] {strides = array<i32>} : memref<32x200xi32, #tpu.memory_space<vmem>>, vector<16xi32>,
    %add3A_452 = arith.addi %get3A_451, %broadcast_in_dim3A_411 : vector<16xi32>
    %swap3A_453 = arith.constant 4 : i32
    %swap3A_454 = arith.index_cast %swap3A_453 : i32 to index
    %swap3A_455 = arith.constant 64 : index
    %swap3A_456 = tpu.vector_load %arg8[%swap3A_454, %swap3A_455] {strides = array<i32>} : memref<16x104xi32, #tpu.memory_space<vmem>>, vector<16xi32>,
    tpu.vector_store %arg8[%swap3A_454, %swap3A_455], %add3A_452 {strides = array<i32>} : memref<16x104xi32, #tpu.memory_space<vmem>>, vector<16xi32>,
    %get3A_457 = arith.constant 2 : i32
    %get3A_458 = arith.index_cast %get3A_457 : i32 to index
    %get3A_459 = arith.constant 80 : index
    %get3A_460 = tpu.vector_load %arg7[%get3A_458, %get3A_459] {strides = array<i32>} : memref<32x200xi32, #tpu.memory_space<vmem>>, vector<16xi32>,
    %add3A_461 = arith.addi %get3A_460, %broadcast_in_dim3A_411 : vector<16xi32>
    %swap3A_462 = arith.constant 4 : i32
    %swap3A_463 = arith.index_cast %swap3A_462 : i32 to index
    %swap3A_464 = arith.constant 80 : index
    %swap3A_465 = tpu.vector_load %arg8[%swap3A_463, %swap3A_464] {strides = array<i32>} : memref<16x104xi32, #tpu.memory_space<vmem>>, vector<16xi32>,
    tpu.vector_store %arg8[%swap3A_463, %swap3A_464], %add3A_461 {strides = array<i32>} : memref<16x104xi32, #tpu.memory_space<vmem>>, vector<16xi32>,
    %get3A_466 = arith.constant 2 : i32
    %get3A_467 = arith.index_cast %get3A_466 : i32 to index
    %get3A_468 = arith.constant 88 : index
    %get3A_469 = tpu.vector_load %arg7[%get3A_467, %get3A_468] {strides = array<i32>} : memref<32x200xi32, #tpu.memory_space<vmem>>, vector<16xi32>,
    %add3A_470 = arith.addi %get3A_469, %broadcast_in_dim3A_411 : vector<16xi32>
    %swap3A_471 = arith.constant 4 : i32
    %swap3A_472 = arith.index_cast %swap3A_471 : i32 to index
    %swap3A_473 = arith.constant 88 : index
    %swap3A_474 = tpu.vector_load %arg8[%swap3A_472, %swap3A_473] {strides = array<i32>} : memref<16x104xi32, #tpu.memory_space<vmem>>, vector<16xi32>,
    tpu.vector_store %arg8[%swap3A_472, %swap3A_473], %add3A_470 {strides = array<i32>} : memref<16x104xi32, #tpu.memory_space<vmem>>, vector<16xi32>,
    %get3A_475 = arith.constant 2 : i32
    %get3A_476 = arith.index_cast %get3A_475 : i32 to index
    %get3A_477 = arith.constant 104 : index
    %get3A_478 = tpu.vector_load %arg7[%get3A_476, %get3A_477] {strides = array<i32>} : memref<32x200xi32, #tpu.memory_space<vmem>>, vector<16xi32>,
    %add3A_479 = arith.addi %get3A_478, %broadcast_in_dim3A_411 : vector<16xi32>
    %swap3A_480 = arith.constant 5 : i32
    %swap3A_481 = arith.index_cast %swap3A_480 : i32 to index
    %swap3A_482 = arith.constant 0 : index
    %swap3A_483 = tpu.vector_load %arg8[%swap3A_481, %swap3A_482] {strides = array<i32>} : memref<16x104xi32, #tpu.memory_space<vmem>>, vector<16xi32>,
    tpu.vector_store %arg8[%swap3A_481, %swap3A_482], %add3A_479 {strides = array<i32>} : memref<16x104xi32, #tpu.memory_space<vmem>>, vector<16xi32>,
    %get3A_484 = arith.constant 2 : i32
    %get3A_485 = arith.index_cast %get3A_484 : i32 to index
    %get3A_486 = arith.constant 120 : index
    %get3A_487 = tpu.vector_load %arg7[%get3A_485, %get3A_486] {strides = array<i32>} : memref<32x200xi32, #tpu.memory_space<vmem>>, vector<16xi32>,
    %add3A_488 = arith.addi %get3A_487, %broadcast_in_dim3A_411 : vector<16xi32>
    %swap3A_489 = arith.constant 5 : i32
    %swap3A_490 = arith.index_cast %swap3A_489 : i32 to index
    %swap3A_491 = arith.constant 16 : index
    %swap3A_492 = tpu.vector_load %arg8[%swap3A_490, %swap3A_491] {strides = array<i32>} : memref<16x104xi32, #tpu.memory_space<vmem>>, vector<16xi32>,
    tpu.vector_store %arg8[%swap3A_490, %swap3A_491], %add3A_488 {strides = array<i32>} : memref<16x104xi32, #tpu.memory_space<vmem>>, vector<16xi32>,
    %get3A_493 = arith.constant 2 : i32
    %get3A_494 = arith.index_cast %get3A_493 : i32 to index
    %get3A_495 = arith.constant 136 : index
    %get3A_496 = tpu.vector_load %arg7[%get3A_494, %get3A_495] {strides = array<i32>} : memref<32x200xi32, #tpu.memory_space<vmem>>, vector<16xi32>,
    %add3A_497 = arith.addi %get3A_496, %broadcast_in_dim3A_411 : vector<16xi32>
    %swap3A_498 = arith.constant 5 : i32
    %swap3A_499 = arith.index_cast %swap3A_498 : i32 to index
    %swap3A_500 = arith.constant 32 : index
    %swap3A_501 = tpu.vector_load %arg8[%swap3A_499, %swap3A_500] {strides = array<i32>} : memref<16x104xi32, #tpu.memory_space<vmem>>, vector<16xi32>,
    tpu.vector_store %arg8[%swap3A_499, %swap3A_500], %add3A_497 {strides = array<i32>} : memref<16x104xi32, #tpu.memory_space<vmem>>, vector<16xi32>,
    %get3A_502 = arith.constant 2 : i32
    %get3A_503 = arith.index_cast %get3A_502 : i32 to index
    %get3A_504 = arith.constant 152 : index
    %get3A_505 = tpu.vector_load %arg7[%get3A_503, %get3A_504] {strides = array<i32>} : memref<32x200xi32, #tpu.memory_space<vmem>>, vector<16xi32>,
    %add3A_506 = arith.addi %get3A_505, %broadcast_in_dim3A_411 : vector<16xi32>
    %swap3A_507 = arith.constant 5 : i32
    %swap3A_508 = arith.index_cast %swap3A_507 : i32 to index
    %swap3A_509 = arith.constant 48 : index
    %swap3A_510 = tpu.vector_load %arg8[%swap3A_508, %swap3A_509] {strides = array<i32>} : memref<16x104xi32, #tpu.memory_space<vmem>>, vector<16xi32>,
    tpu.vector_store %arg8[%swap3A_508, %swap3A_509], %add3A_506 {strides = array<i32>} : memref<16x104xi32, #tpu.memory_space<vmem>>, vector<16xi32>,
    %get3A_511 = arith.constant 2 : i32
    %get3A_512 = arith.index_cast %get3A_511 : i32 to index
    %get3A_513 = arith.constant 168 : index
    %get3A_514 = tpu.vector_load %arg7[%get3A_512, %get3A_513] {strides = array<i32>} : memref<32x200xi32, #tpu.memory_space<vmem>>, vector<16xi32>,
    %add3A_515 = arith.addi %get3A_514, %broadcast_in_dim3A_411 : vector<16xi32>
    %swap3A_516 = arith.constant 5 : i32
    %swap3A_517 = arith.index_cast %swap3A_516 : i32 to index
    %swap3A_518 = arith.constant 64 : index
    %swap3A_519 = tpu.vector_load %arg8[%swap3A_517, %swap3A_518] {strides = array<i32>} : memref<16x104xi32, #tpu.memory_space<vmem>>, vector<16xi32>,
    tpu.vector_store %arg8[%swap3A_517, %swap3A_518], %add3A_515 {strides = array<i32>} : memref<16x104xi32, #tpu.memory_space<vmem>>, vector<16xi32>,
    %get3A_520 = arith.constant 2 : i32
    %get3A_521 = arith.index_cast %get3A_520 : i32 to index
    %get3A_522 = arith.constant 184 : index
    %get3A_523 = tpu.vector_load %arg7[%get3A_521, %get3A_522] {strides = array<i32>} : memref<32x200xi32, #tpu.memory_space<vmem>>, vector<16xi32>,
    %add3A_524 = arith.addi %get3A_523, %broadcast_in_dim3A_411 : vector<16xi32>
    %swap3A_525 = arith.constant 5 : i32
    %swap3A_526 = arith.index_cast %swap3A_525 : i32 to index
    %swap3A_527 = arith.constant 80 : index
    %swap3A_528 = tpu.vector_load %arg8[%swap3A_526, %swap3A_527] {strides = array<i32>} : memref<16x104xi32, #tpu.memory_space<vmem>>, vector<16xi32>,
    tpu.vector_store %arg8[%swap3A_526, %swap3A_527], %add3A_524 {strides = array<i32>} : memref<16x104xi32, #tpu.memory_space<vmem>>, vector<16xi32>,
    %dma_start3A_529 = arith.constant 4 : i32
    %dma_start3A_530 = arith.constant 416 : i32
    %dma_start3A_531 = arith.constant 0 : i32
    %dma_start3A_532 = tpu.memref_slice %arg9[%dma_start3A_530, %dma_start3A_531] : memref<1664x16xf32, #tpu.memory_space<vmem>> -> memref<104x16xf32, #tpu.memory_space<vmem>>
    %dma_start3A_533 = arith.constant 0 : i32
    %dma_start3A_534 = tpu.memref_slice %arg8[%dma_start3A_529, %dma_start3A_533] : memref<16x104xi32, #tpu.memory_space<vmem>> -> memref<1x104xi32, #tpu.memory_space<vmem>>
    %dma_start3A_535 = tpu.memref_squeeze %dma_start3A_534 : memref<1x104xi32, #tpu.memory_space<vmem>> -> memref<104xi32, #tpu.memory_space<vmem>>
    %dma_start3A_536 = arith.constant 0 : i32
    %dma_start3A_537 = arith.constant 0 : i32
    %dma_start3A_538 = tpu.memref_slice %arg5[%dma_start3A_536, %dma_start3A_537] : memref<2600000x16xf32, #tpu.memory_space<hbm>> -> memref<2600000x16xf32, #tpu.memory_space<hbm>>
    tpu.enqueue_indirect_dma source(%dma_start3A_538 : memref<2600000x16xf32, #tpu.memory_space<hbm>>) target(%dma_start3A_532 : memref<104x16xf32, #tpu.memory_space<vmem>>) offsets(%dma_start3A_535 : memref<104xi32, #tpu.memory_space<vmem>>) semaphore(%arg13 : memref<!tpu.dma_semaphore, #tpu.memory_space<semaphore_mem>>)
    %dma_start3A_539 = arith.constant 5 : i32
    %dma_start3A_540 = arith.constant 520 : i32
    %dma_start3A_541 = arith.constant 0 : i32
    %dma_start3A_542 = tpu.memref_slice %arg9[%dma_start3A_540, %dma_start3A_541] : memref<1664x16xf32, #tpu.memory_space<vmem>> -> memref<104x16xf32, #tpu.memory_space<vmem>>
    %dma_start3A_543 = arith.constant 0 : i32
    %dma_start3A_544 = tpu.memref_slice %arg8[%dma_start3A_539, %dma_start3A_543] : memref<16x104xi32, #tpu.memory_space<vmem>> -> memref<1x104xi32, #tpu.memory_space<vmem>>
    %dma_start3A_545 = tpu.memref_squeeze %dma_start3A_544 : memref<1x104xi32, #tpu.memory_space<vmem>> -> memref<104xi32, #tpu.memory_space<vmem>>
    %dma_start3A_546 = arith.constant 0 : i32
    %dma_start3A_547 = arith.constant 0 : i32
    %dma_start3A_548 = tpu.memref_slice %arg5[%dma_start3A_546, %dma_start3A_547] : memref<2600000x16xf32, #tpu.memory_space<hbm>> -> memref<2600000x16xf32, #tpu.memory_space<hbm>>
    tpu.enqueue_indirect_dma source(%dma_start3A_548 : memref<2600000x16xf32, #tpu.memory_space<hbm>>) target(%dma_start3A_542 : memref<104x16xf32, #tpu.memory_space<vmem>>) offsets(%dma_start3A_545 : memref<104xi32, #tpu.memory_space<vmem>>) semaphore(%arg13 : memref<!tpu.dma_semaphore, #tpu.memory_space<semaphore_mem>>)
    %add3A_549 = arith.constant 3 : i32
    %add3A_550 = arith.addi %mul3A_2, %add3A_549 : i32
    %jit3A_551 = arith.constant 26 : i32
    %div3A_552 = arith.divsi %add3A_550, %jit3A_551 : i32
    %sign3A_553 = arith.constant 0 : i32
    %sign3A_554 = arith.cmpi sgt, %add3A_550, %sign3A_553 : i32
    %sign3A_555 = arith.extui %sign3A_554 : i1 to i32
    %sign3A_556 = arith.constant 0 : i32
    %sign3A_557 = arith.cmpi slt, %add3A_550, %sign3A_556 : i32
    %sign3A_558 = arith.extui %sign3A_557 : i1 to i32
    %sign3A_559 = arith.subi %sign3A_555, %sign3A_558 : i32
    %sign3A_560 = arith.constant 0 : i32
    %sign3A_561 = arith.cmpi sgt, %jit3A_551, %sign3A_560 : i32
    %sign3A_562 = arith.extui %sign3A_561 : i1 to i32
    %sign3A_563 = arith.constant 0 : i32
    %sign3A_564 = arith.cmpi slt, %jit3A_551, %sign3A_563 : i32
    %sign3A_565 = arith.extui %sign3A_564 : i1 to i32
    %sign3A_566 = arith.subi %sign3A_562, %sign3A_565 : i32
    %ne3A_567 = arith.cmpi ne, %sign3A_559, %sign3A_566 : i32
    %rem3A_568 = arith.remsi %add3A_550, %jit3A_551 : i32
    %ne3A_569 = arith.constant 0 : i32
    %ne3A_570 = arith.cmpi ne, %rem3A_568, %ne3A_569 : i32
    %and3A_571 = arith.andi %ne3A_567, %ne3A_570 : i1
    %sub3A_572 = arith.constant 1 : i32
    %sub3A_573 = arith.subi %div3A_552, %sub3A_572 : i32
    %select_n3A_574 = arith.select %and3A_571, %sub3A_573, %div3A_552 : i32
    %mul3A_575 = arith.constant 26 : i32
    %mul3A_576 = arith.muli %select_n3A_574, %mul3A_575 : i32
    %sub3A_577 = arith.subi %add3A_550, %mul3A_576 : i32
    %mul3A_578 = arith.constant 100000 : i32
    %mul3A_579 = arith.muli %sub3A_577, %mul3A_578 : i32
    %broadcast_in_dim3A_580 = vector.broadcast %mul3A_579 : i32 to vector<16xi32>
    %get3A_581 = arith.constant 3 : i32
    %get3A_582 = arith.index_cast %get3A_581 : i32 to index
    %get3A_583 = arith.constant 0 : index
    %get3A_584 = tpu.vector_load %arg7[%get3A_582, %get3A_583] {strides = array<i32>} : memref<32x200xi32, #tpu.memory_space<vmem>>, vector<16xi32>,
    %add3A_585 = arith.addi %get3A_584, %broadcast_in_dim3A_580 : vector<16xi32>
    %swap3A_586 = arith.constant 6 : i32
    %swap3A_587 = arith.index_cast %swap3A_586 : i32 to index
    %swap3A_588 = arith.constant 0 : index
    %swap3A_589 = tpu.vector_load %arg8[%swap3A_587, %swap3A_588] {strides = array<i32>} : memref<16x104xi32, #tpu.memory_space<vmem>>, vector<16xi32>,
    tpu.vector_store %arg8[%swap3A_587, %swap3A_588], %add3A_585 {strides = array<i32>} : memref<16x104xi32, #tpu.memory_space<vmem>>, vector<16xi32>,
    %get3A_590 = arith.constant 3 : i32
    %get3A_591 = arith.index_cast %get3A_590 : i32 to index
    %get3A_592 = arith.constant 16 : index
    %get3A_593 = tpu.vector_load %arg7[%get3A_591, %get3A_592] {strides = array<i32>} : memref<32x200xi32, #tpu.memory_space<vmem>>, vector<16xi32>,
    %add3A_594 = arith.addi %get3A_593, %broadcast_in_dim3A_580 : vector<16xi32>
    %swap3A_595 = arith.constant 6 : i32
    %swap3A_596 = arith.index_cast %swap3A_595 : i32 to index
    %swap3A_597 = arith.constant 16 : index
    %swap3A_598 = tpu.vector_load %arg8[%swap3A_596, %swap3A_597] {strides = array<i32>} : memref<16x104xi32, #tpu.memory_space<vmem>>, vector<16xi32>,
    tpu.vector_store %arg8[%swap3A_596, %swap3A_597], %add3A_594 {strides = array<i32>} : memref<16x104xi32, #tpu.memory_space<vmem>>, vector<16xi32>,
    %get3A_599 = arith.constant 3 : i32
    %get3A_600 = arith.index_cast %get3A_599 : i32 to index
    %get3A_601 = arith.constant 32 : index
    %get3A_602 = tpu.vector_load %arg7[%get3A_600, %get3A_601] {strides = array<i32>} : memref<32x200xi32, #tpu.memory_space<vmem>>, vector<16xi32>,
    %add3A_603 = arith.addi %get3A_602, %broadcast_in_dim3A_580 : vector<16xi32>
    %swap3A_604 = arith.constant 6 : i32
    %swap3A_605 = arith.index_cast %swap3A_604 : i32 to index
    %swap3A_606 = arith.constant 32 : index
    %swap3A_607 = tpu.vector_load %arg8[%swap3A_605, %swap3A_606] {strides = array<i32>} : memref<16x104xi32, #tpu.memory_space<vmem>>, vector<16xi32>,
    tpu.vector_store %arg8[%swap3A_605, %swap3A_606], %add3A_603 {strides = array<i32>} : memref<16x104xi32, #tpu.memory_space<vmem>>, vector<16xi32>,
    %get3A_608 = arith.constant 3 : i32
    %get3A_609 = arith.index_cast %get3A_608 : i32 to index
    %get3A_610 = arith.constant 48 : index
    %get3A_611 = tpu.vector_load %arg7[%get3A_609, %get3A_610] {strides = array<i32>} : memref<32x200xi32, #tpu.memory_space<vmem>>, vector<16xi32>,
    %add3A_612 = arith.addi %get3A_611, %broadcast_in_dim3A_580 : vector<16xi32>
    %swap3A_613 = arith.constant 6 : i32
    %swap3A_614 = arith.index_cast %swap3A_613 : i32 to index
    %swap3A_615 = arith.constant 48 : index
    %swap3A_616 = tpu.vector_load %arg8[%swap3A_614, %swap3A_615] {strides = array<i32>} : memref<16x104xi32, #tpu.memory_space<vmem>>, vector<16xi32>,
    tpu.vector_store %arg8[%swap3A_614, %swap3A_615], %add3A_612 {strides = array<i32>} : memref<16x104xi32, #tpu.memory_space<vmem>>, vector<16xi32>,
    %get3A_617 = arith.constant 3 : i32
    %get3A_618 = arith.index_cast %get3A_617 : i32 to index
    %get3A_619 = arith.constant 64 : index
    %get3A_620 = tpu.vector_load %arg7[%get3A_618, %get3A_619] {strides = array<i32>} : memref<32x200xi32, #tpu.memory_space<vmem>>, vector<16xi32>,
    %add3A_621 = arith.addi %get3A_620, %broadcast_in_dim3A_580 : vector<16xi32>
    %swap3A_622 = arith.constant 6 : i32
    %swap3A_623 = arith.index_cast %swap3A_622 : i32 to index
    %swap3A_624 = arith.constant 64 : index
    %swap3A_625 = tpu.vector_load %arg8[%swap3A_623, %swap3A_624] {strides = array<i32>} : memref<16x104xi32, #tpu.memory_space<vmem>>, vector<16xi32>,
    tpu.vector_store %arg8[%swap3A_623, %swap3A_624], %add3A_621 {strides = array<i32>} : memref<16x104xi32, #tpu.memory_space<vmem>>, vector<16xi32>,
    %get3A_626 = arith.constant 3 : i32
    %get3A_627 = arith.index_cast %get3A_626 : i32 to index
    %get3A_628 = arith.constant 80 : index
    %get3A_629 = tpu.vector_load %arg7[%get3A_627, %get3A_628] {strides = array<i32>} : memref<32x200xi32, #tpu.memory_space<vmem>>, vector<16xi32>,
    %add3A_630 = arith.addi %get3A_629, %broadcast_in_dim3A_580 : vector<16xi32>
    %swap3A_631 = arith.constant 6 : i32
    %swap3A_632 = arith.index_cast %swap3A_631 : i32 to index
    %swap3A_633 = arith.constant 80 : index
    %swap3A_634 = tpu.vector_load %arg8[%swap3A_632, %swap3A_633] {strides = array<i32>} : memref<16x104xi32, #tpu.memory_space<vmem>>, vector<16xi32>,
    tpu.vector_store %arg8[%swap3A_632, %swap3A_633], %add3A_630 {strides = array<i32>} : memref<16x104xi32, #tpu.memory_space<vmem>>, vector<16xi32>,
    %get3A_635 = arith.constant 3 : i32
    %get3A_636 = arith.index_cast %get3A_635 : i32 to index
    %get3A_637 = arith.constant 88 : index
    %get3A_638 = tpu.vector_load %arg7[%get3A_636, %get3A_637] {strides = array<i32>} : memref<32x200xi32, #tpu.memory_space<vmem>>, vector<16xi32>,
    %add3A_639 = arith.addi %get3A_638, %broadcast_in_dim3A_580 : vector<16xi32>
    %swap3A_640 = arith.constant 6 : i32
    %swap3A_641 = arith.index_cast %swap3A_640 : i32 to index
    %swap3A_642 = arith.constant 88 : index
    %swap3A_643 = tpu.vector_load %arg8[%swap3A_641, %swap3A_642] {strides = array<i32>} : memref<16x104xi32, #tpu.memory_space<vmem>>, vector<16xi32>,
    tpu.vector_store %arg8[%swap3A_641, %swap3A_642], %add3A_639 {strides = array<i32>} : memref<16x104xi32, #tpu.memory_space<vmem>>, vector<16xi32>,
    %get3A_644 = arith.constant 3 : i32
    %get3A_645 = arith.index_cast %get3A_644 : i32 to index
    %get3A_646 = arith.constant 104 : index
    %get3A_647 = tpu.vector_load %arg7[%get3A_645, %get3A_646] {strides = array<i32>} : memref<32x200xi32, #tpu.memory_space<vmem>>, vector<16xi32>,
    %add3A_648 = arith.addi %get3A_647, %broadcast_in_dim3A_580 : vector<16xi32>
    %swap3A_649 = arith.constant 7 : i32
    %swap3A_650 = arith.index_cast %swap3A_649 : i32 to index
    %swap3A_651 = arith.constant 0 : index
    %swap3A_652 = tpu.vector_load %arg8[%swap3A_650, %swap3A_651] {strides = array<i32>} : memref<16x104xi32, #tpu.memory_space<vmem>>, vector<16xi32>,
    tpu.vector_store %arg8[%swap3A_650, %swap3A_651], %add3A_648 {strides = array<i32>} : memref<16x104xi32, #tpu.memory_space<vmem>>, vector<16xi32>,
    %get3A_653 = arith.constant 3 : i32
    %get3A_654 = arith.index_cast %get3A_653 : i32 to index
    %get3A_655 = arith.constant 120 : index
    %get3A_656 = tpu.vector_load %arg7[%get3A_654, %get3A_655] {strides = array<i32>} : memref<32x200xi32, #tpu.memory_space<vmem>>, vector<16xi32>,
    %add3A_657 = arith.addi %get3A_656, %broadcast_in_dim3A_580 : vector<16xi32>
    %swap3A_658 = arith.constant 7 : i32
    %swap3A_659 = arith.index_cast %swap3A_658 : i32 to index
    %swap3A_660 = arith.constant 16 : index
    %swap3A_661 = tpu.vector_load %arg8[%swap3A_659, %swap3A_660] {strides = array<i32>} : memref<16x104xi32, #tpu.memory_space<vmem>>, vector<16xi32>,
    tpu.vector_store %arg8[%swap3A_659, %swap3A_660], %add3A_657 {strides = array<i32>} : memref<16x104xi32, #tpu.memory_space<vmem>>, vector<16xi32>,
    %get3A_662 = arith.constant 3 : i32
    %get3A_663 = arith.index_cast %get3A_662 : i32 to index
    %get3A_664 = arith.constant 136 : index
    %get3A_665 = tpu.vector_load %arg7[%get3A_663, %get3A_664] {strides = array<i32>} : memref<32x200xi32, #tpu.memory_space<vmem>>, vector<16xi32>,
    %add3A_666 = arith.addi %get3A_665, %broadcast_in_dim3A_580 : vector<16xi32>
    %swap3A_667 = arith.constant 7 : i32
    %swap3A_668 = arith.index_cast %swap3A_667 : i32 to index
    %swap3A_669 = arith.constant 32 : index
    %swap3A_670 = tpu.vector_load %arg8[%swap3A_668, %swap3A_669] {strides = array<i32>} : memref<16x104xi32, #tpu.memory_space<vmem>>, vector<16xi32>,
    tpu.vector_store %arg8[%swap3A_668, %swap3A_669], %add3A_666 {strides = array<i32>} : memref<16x104xi32, #tpu.memory_space<vmem>>, vector<16xi32>,
    %get3A_671 = arith.constant 3 : i32
    %get3A_672 = arith.index_cast %get3A_671 : i32 to index
    %get3A_673 = arith.constant 152 : index
    %get3A_674 = tpu.vector_load %arg7[%get3A_672, %get3A_673] {strides = array<i32>} : memref<32x200xi32, #tpu.memory_space<vmem>>, vector<16xi32>,
    %add3A_675 = arith.addi %get3A_674, %broadcast_in_dim3A_580 : vector<16xi32>
    %swap3A_676 = arith.constant 7 : i32
    %swap3A_677 = arith.index_cast %swap3A_676 : i32 to index
    %swap3A_678 = arith.constant 48 : index
    %swap3A_679 = tpu.vector_load %arg8[%swap3A_677, %swap3A_678] {strides = array<i32>} : memref<16x104xi32, #tpu.memory_space<vmem>>, vector<16xi32>,
    tpu.vector_store %arg8[%swap3A_677, %swap3A_678], %add3A_675 {strides = array<i32>} : memref<16x104xi32, #tpu.memory_space<vmem>>, vector<16xi32>,
    %get3A_680 = arith.constant 3 : i32
    %get3A_681 = arith.index_cast %get3A_680 : i32 to index
    %get3A_682 = arith.constant 168 : index
    %get3A_683 = tpu.vector_load %arg7[%get3A_681, %get3A_682] {strides = array<i32>} : memref<32x200xi32, #tpu.memory_space<vmem>>, vector<16xi32>,
    %add3A_684 = arith.addi %get3A_683, %broadcast_in_dim3A_580 : vector<16xi32>
    %swap3A_685 = arith.constant 7 : i32
    %swap3A_686 = arith.index_cast %swap3A_685 : i32 to index
    %swap3A_687 = arith.constant 64 : index
    %swap3A_688 = tpu.vector_load %arg8[%swap3A_686, %swap3A_687] {strides = array<i32>} : memref<16x104xi32, #tpu.memory_space<vmem>>, vector<16xi32>,
    tpu.vector_store %arg8[%swap3A_686, %swap3A_687], %add3A_684 {strides = array<i32>} : memref<16x104xi32, #tpu.memory_space<vmem>>, vector<16xi32>,
    %get3A_689 = arith.constant 3 : i32
    %get3A_690 = arith.index_cast %get3A_689 : i32 to index
    %get3A_691 = arith.constant 184 : index
    %get3A_692 = tpu.vector_load %arg7[%get3A_690, %get3A_691] {strides = array<i32>} : memref<32x200xi32, #tpu.memory_space<vmem>>, vector<16xi32>,
    %add3A_693 = arith.addi %get3A_692, %broadcast_in_dim3A_580 : vector<16xi32>
    %swap3A_694 = arith.constant 7 : i32
    %swap3A_695 = arith.index_cast %swap3A_694 : i32 to index
    %swap3A_696 = arith.constant 80 : index
    %swap3A_697 = tpu.vector_load %arg8[%swap3A_695, %swap3A_696] {strides = array<i32>} : memref<16x104xi32, #tpu.memory_space<vmem>>, vector<16xi32>,
    tpu.vector_store %arg8[%swap3A_695, %swap3A_696], %add3A_693 {strides = array<i32>} : memref<16x104xi32, #tpu.memory_space<vmem>>, vector<16xi32>,
    %dma_start3A_698 = arith.constant 6 : i32
    %dma_start3A_699 = arith.constant 624 : i32
    %dma_start3A_700 = arith.constant 0 : i32
    %dma_start3A_701 = tpu.memref_slice %arg9[%dma_start3A_699, %dma_start3A_700] : memref<1664x16xf32, #tpu.memory_space<vmem>> -> memref<104x16xf32, #tpu.memory_space<vmem>>
    %dma_start3A_702 = arith.constant 0 : i32
    %dma_start3A_703 = tpu.memref_slice %arg8[%dma_start3A_698, %dma_start3A_702] : memref<16x104xi32, #tpu.memory_space<vmem>> -> memref<1x104xi32, #tpu.memory_space<vmem>>
    %dma_start3A_704 = tpu.memref_squeeze %dma_start3A_703 : memref<1x104xi32, #tpu.memory_space<vmem>> -> memref<104xi32, #tpu.memory_space<vmem>>
    %dma_start3A_705 = arith.constant 0 : i32
    %dma_start3A_706 = arith.constant 0 : i32
    %dma_start3A_707 = tpu.memref_slice %arg5[%dma_start3A_705, %dma_start3A_706] : memref<2600000x16xf32, #tpu.memory_space<hbm>> -> memref<2600000x16xf32, #tpu.memory_space<hbm>>
    tpu.enqueue_indirect_dma source(%dma_start3A_707 : memref<2600000x16xf32, #tpu.memory_space<hbm>>) target(%dma_start3A_701 : memref<104x16xf32, #tpu.memory_space<vmem>>) offsets(%dma_start3A_704 : memref<104xi32, #tpu.memory_space<vmem>>) semaphore(%arg14 : memref<!tpu.dma_semaphore, #tpu.memory_space<semaphore_mem>>)
    %dma_start3A_708 = arith.constant 7 : i32
    %dma_start3A_709 = arith.constant 728 : i32
    %dma_start3A_710 = arith.constant 0 : i32
    %dma_start3A_711 = tpu.memref_slice %arg9[%dma_start3A_709, %dma_start3A_710] : memref<1664x16xf32, #tpu.memory_space<vmem>> -> memref<104x16xf32, #tpu.memory_space<vmem>>
    %dma_start3A_712 = arith.constant 0 : i32
    %dma_start3A_713 = tpu.memref_slice %arg8[%dma_start3A_708, %dma_start3A_712] : memref<16x104xi32, #tpu.memory_space<vmem>> -> memref<1x104xi32, #tpu.memory_space<vmem>>
    %dma_start3A_714 = tpu.memref_squeeze %dma_start3A_713 : memref<1x104xi32, #tpu.memory_space<vmem>> -> memref<104xi32, #tpu.memory_space<vmem>>
    %dma_start3A_715 = arith.constant 0 : i32
    %dma_start3A_716 = arith.constant 0 : i32
    %dma_start3A_717 = tpu.memref_slice %arg5[%dma_start3A_715, %dma_start3A_716] : memref<2600000x16xf32, #tpu.memory_space<hbm>> -> memref<2600000x16xf32, #tpu.memory_space<hbm>>
    tpu.enqueue_indirect_dma source(%dma_start3A_717 : memref<2600000x16xf32, #tpu.memory_space<hbm>>) target(%dma_start3A_711 : memref<104x16xf32, #tpu.memory_space<vmem>>) offsets(%dma_start3A_714 : memref<104xi32, #tpu.memory_space<vmem>>) semaphore(%arg14 : memref<!tpu.dma_semaphore, #tpu.memory_space<semaphore_mem>>)
    %add3A_718 = arith.constant 4 : i32
    %add3A_719 = arith.addi %mul3A_2, %add3A_718 : i32
    %jit3A_720 = arith.constant 26 : i32
    %div3A_721 = arith.divsi %add3A_719, %jit3A_720 : i32
    %sign3A_722 = arith.constant 0 : i32
    %sign3A_723 = arith.cmpi sgt, %add3A_719, %sign3A_722 : i32
    %sign3A_724 = arith.extui %sign3A_723 : i1 to i32
    %sign3A_725 = arith.constant 0 : i32
    %sign3A_726 = arith.cmpi slt, %add3A_719, %sign3A_725 : i32
    %sign3A_727 = arith.extui %sign3A_726 : i1 to i32
    %sign3A_728 = arith.subi %sign3A_724, %sign3A_727 : i32
    %sign3A_729 = arith.constant 0 : i32
    %sign3A_730 = arith.cmpi sgt, %jit3A_720, %sign3A_729 : i32
    %sign3A_731 = arith.extui %sign3A_730 : i1 to i32
    %sign3A_732 = arith.constant 0 : i32
    %sign3A_733 = arith.cmpi slt, %jit3A_720, %sign3A_732 : i32
    %sign3A_734 = arith.extui %sign3A_733 : i1 to i32
    %sign3A_735 = arith.subi %sign3A_731, %sign3A_734 : i32
    %ne3A_736 = arith.cmpi ne, %sign3A_728, %sign3A_735 : i32
    %rem3A_737 = arith.remsi %add3A_719, %jit3A_720 : i32
    %ne3A_738 = arith.constant 0 : i32
    %ne3A_739 = arith.cmpi ne, %rem3A_737, %ne3A_738 : i32
    %and3A_740 = arith.andi %ne3A_736, %ne3A_739 : i1
    %sub3A_741 = arith.constant 1 : i32
    %sub3A_742 = arith.subi %div3A_721, %sub3A_741 : i32
    %select_n3A_743 = arith.select %and3A_740, %sub3A_742, %div3A_721 : i32
    %mul3A_744 = arith.constant 26 : i32
    %mul3A_745 = arith.muli %select_n3A_743, %mul3A_744 : i32
    %sub3A_746 = arith.subi %add3A_719, %mul3A_745 : i32
    %mul3A_747 = arith.constant 100000 : i32
    %mul3A_748 = arith.muli %sub3A_746, %mul3A_747 : i32
    %broadcast_in_dim3A_749 = vector.broadcast %mul3A_748 : i32 to vector<16xi32>
    %get3A_750 = arith.constant 4 : i32
    %get3A_751 = arith.index_cast %get3A_750 : i32 to index
    %get3A_752 = arith.constant 0 : index
    %get3A_753 = tpu.vector_load %arg7[%get3A_751, %get3A_752] {strides = array<i32>} : memref<32x200xi32, #tpu.memory_space<vmem>>, vector<16xi32>,
    %add3A_754 = arith.addi %get3A_753, %broadcast_in_dim3A_749 : vector<16xi32>
    %swap3A_755 = arith.constant 8 : i32
    %swap3A_756 = arith.index_cast %swap3A_755 : i32 to index
    %swap3A_757 = arith.constant 0 : index
    %swap3A_758 = tpu.vector_load %arg8[%swap3A_756, %swap3A_757] {strides = array<i32>} : memref<16x104xi32, #tpu.memory_space<vmem>>, vector<16xi32>,
    tpu.vector_store %arg8[%swap3A_756, %swap3A_757], %add3A_754 {strides = array<i32>} : memref<16x104xi32, #tpu.memory_space<vmem>>, vector<16xi32>,
    %get3A_759 = arith.constant 4 : i32
    %get3A_760 = arith.index_cast %get3A_759 : i32 to index
    %get3A_761 = arith.constant 16 : index
    %get3A_762 = tpu.vector_load %arg7[%get3A_760, %get3A_761] {strides = array<i32>} : memref<32x200xi32, #tpu.memory_space<vmem>>, vector<16xi32>,
    %add3A_763 = arith.addi %get3A_762, %broadcast_in_dim3A_749 : vector<16xi32>
    %swap3A_764 = arith.constant 8 : i32
    %swap3A_765 = arith.index_cast %swap3A_764 : i32 to index
    %swap3A_766 = arith.constant 16 : index
    %swap3A_767 = tpu.vector_load %arg8[%swap3A_765, %swap3A_766] {strides = array<i32>} : memref<16x104xi32, #tpu.memory_space<vmem>>, vector<16xi32>,
    tpu.vector_store %arg8[%swap3A_765, %swap3A_766], %add3A_763 {strides = array<i32>} : memref<16x104xi32, #tpu.memory_space<vmem>>, vector<16xi32>,
    %get3A_768 = arith.constant 4 : i32
    %get3A_769 = arith.index_cast %get3A_768 : i32 to index
    %get3A_770 = arith.constant 32 : index
    %get3A_771 = tpu.vector_load %arg7[%get3A_769, %get3A_770] {strides = array<i32>} : memref<32x200xi32, #tpu.memory_space<vmem>>, vector<16xi32>,
    %add3A_772 = arith.addi %get3A_771, %broadcast_in_dim3A_749 : vector<16xi32>
    %swap3A_773 = arith.constant 8 : i32
    %swap3A_774 = arith.index_cast %swap3A_773 : i32 to index
    %swap3A_775 = arith.constant 32 : index
    %swap3A_776 = tpu.vector_load %arg8[%swap3A_774, %swap3A_775] {strides = array<i32>} : memref<16x104xi32, #tpu.memory_space<vmem>>, vector<16xi32>,
    tpu.vector_store %arg8[%swap3A_774, %swap3A_775], %add3A_772 {strides = array<i32>} : memref<16x104xi32, #tpu.memory_space<vmem>>, vector<16xi32>,
    %get3A_777 = arith.constant 4 : i32
    %get3A_778 = arith.index_cast %get3A_777 : i32 to index
    %get3A_779 = arith.constant 48 : index
    %get3A_780 = tpu.vector_load %arg7[%get3A_778, %get3A_779] {strides = array<i32>} : memref<32x200xi32, #tpu.memory_space<vmem>>, vector<16xi32>,
    %add3A_781 = arith.addi %get3A_780, %broadcast_in_dim3A_749 : vector<16xi32>
    %swap3A_782 = arith.constant 8 : i32
    %swap3A_783 = arith.index_cast %swap3A_782 : i32 to index
    %swap3A_784 = arith.constant 48 : index
    %swap3A_785 = tpu.vector_load %arg8[%swap3A_783, %swap3A_784] {strides = array<i32>} : memref<16x104xi32, #tpu.memory_space<vmem>>, vector<16xi32>,
    tpu.vector_store %arg8[%swap3A_783, %swap3A_784], %add3A_781 {strides = array<i32>} : memref<16x104xi32, #tpu.memory_space<vmem>>, vector<16xi32>,
    %get3A_786 = arith.constant 4 : i32
    %get3A_787 = arith.index_cast %get3A_786 : i32 to index
    %get3A_788 = arith.constant 64 : index
    %get3A_789 = tpu.vector_load %arg7[%get3A_787, %get3A_788] {strides = array<i32>} : memref<32x200xi32, #tpu.memory_space<vmem>>, vector<16xi32>,
    %add3A_790 = arith.addi %get3A_789, %broadcast_in_dim3A_749 : vector<16xi32>
    %swap3A_791 = arith.constant 8 : i32
    %swap3A_792 = arith.index_cast %swap3A_791 : i32 to index
    %swap3A_793 = arith.constant 64 : index
    %swap3A_794 = tpu.vector_load %arg8[%swap3A_792, %swap3A_793] {strides = array<i32>} : memref<16x104xi32, #tpu.memory_space<vmem>>, vector<16xi32>,
    tpu.vector_store %arg8[%swap3A_792, %swap3A_793], %add3A_790 {strides = array<i32>} : memref<16x104xi32, #tpu.memory_space<vmem>>, vector<16xi32>,
    %get3A_795 = arith.constant 4 : i32
    %get3A_796 = arith.index_cast %get3A_795 : i32 to index
    %get3A_797 = arith.constant 80 : index
    %get3A_798 = tpu.vector_load %arg7[%get3A_796, %get3A_797] {strides = array<i32>} : memref<32x200xi32, #tpu.memory_space<vmem>>, vector<16xi32>,
    %add3A_799 = arith.addi %get3A_798, %broadcast_in_dim3A_749 : vector<16xi32>
    %swap3A_800 = arith.constant 8 : i32
    %swap3A_801 = arith.index_cast %swap3A_800 : i32 to index
    %swap3A_802 = arith.constant 80 : index
    %swap3A_803 = tpu.vector_load %arg8[%swap3A_801, %swap3A_802] {strides = array<i32>} : memref<16x104xi32, #tpu.memory_space<vmem>>, vector<16xi32>,
    tpu.vector_store %arg8[%swap3A_801, %swap3A_802], %add3A_799 {strides = array<i32>} : memref<16x104xi32, #tpu.memory_space<vmem>>, vector<16xi32>,
    %get3A_804 = arith.constant 4 : i32
    %get3A_805 = arith.index_cast %get3A_804 : i32 to index
    %get3A_806 = arith.constant 88 : index
    %get3A_807 = tpu.vector_load %arg7[%get3A_805, %get3A_806] {strides = array<i32>} : memref<32x200xi32, #tpu.memory_space<vmem>>, vector<16xi32>,
    %add3A_808 = arith.addi %get3A_807, %broadcast_in_dim3A_749 : vector<16xi32>
    %swap3A_809 = arith.constant 8 : i32
    %swap3A_810 = arith.index_cast %swap3A_809 : i32 to index
    %swap3A_811 = arith.constant 88 : index
    %swap3A_812 = tpu.vector_load %arg8[%swap3A_810, %swap3A_811] {strides = array<i32>} : memref<16x104xi32, #tpu.memory_space<vmem>>, vector<16xi32>,
    tpu.vector_store %arg8[%swap3A_810, %swap3A_811], %add3A_808 {strides = array<i32>} : memref<16x104xi32, #tpu.memory_space<vmem>>, vector<16xi32>,
    %get3A_813 = arith.constant 4 : i32
    %get3A_814 = arith.index_cast %get3A_813 : i32 to index
    %get3A_815 = arith.constant 104 : index
    %get3A_816 = tpu.vector_load %arg7[%get3A_814, %get3A_815] {strides = array<i32>} : memref<32x200xi32, #tpu.memory_space<vmem>>, vector<16xi32>,
    %add3A_817 = arith.addi %get3A_816, %broadcast_in_dim3A_749 : vector<16xi32>
    %swap3A_818 = arith.constant 9 : i32
    %swap3A_819 = arith.index_cast %swap3A_818 : i32 to index
    %swap3A_820 = arith.constant 0 : index
    %swap3A_821 = tpu.vector_load %arg8[%swap3A_819, %swap3A_820] {strides = array<i32>} : memref<16x104xi32, #tpu.memory_space<vmem>>, vector<16xi32>,
    tpu.vector_store %arg8[%swap3A_819, %swap3A_820], %add3A_817 {strides = array<i32>} : memref<16x104xi32, #tpu.memory_space<vmem>>, vector<16xi32>,
    %get3A_822 = arith.constant 4 : i32
    %get3A_823 = arith.index_cast %get3A_822 : i32 to index
    %get3A_824 = arith.constant 120 : index
    %get3A_825 = tpu.vector_load %arg7[%get3A_823, %get3A_824] {strides = array<i32>} : memref<32x200xi32, #tpu.memory_space<vmem>>, vector<16xi32>,
    %add3A_826 = arith.addi %get3A_825, %broadcast_in_dim3A_749 : vector<16xi32>
    %swap3A_827 = arith.constant 9 : i32
    %swap3A_828 = arith.index_cast %swap3A_827 : i32 to index
    %swap3A_829 = arith.constant 16 : index
    %swap3A_830 = tpu.vector_load %arg8[%swap3A_828, %swap3A_829] {strides = array<i32>} : memref<16x104xi32, #tpu.memory_space<vmem>>, vector<16xi32>,
    tpu.vector_store %arg8[%swap3A_828, %swap3A_829], %add3A_826 {strides = array<i32>} : memref<16x104xi32, #tpu.memory_space<vmem>>, vector<16xi32>,
    %get3A_831 = arith.constant 4 : i32
    %get3A_832 = arith.index_cast %get3A_831 : i32 to index
    %get3A_833 = arith.constant 136 : index
    %get3A_834 = tpu.vector_load %arg7[%get3A_832, %get3A_833] {strides = array<i32>} : memref<32x200xi32, #tpu.memory_space<vmem>>, vector<16xi32>,
    %add3A_835 = arith.addi %get3A_834, %broadcast_in_dim3A_749 : vector<16xi32>
    %swap3A_836 = arith.constant 9 : i32
    %swap3A_837 = arith.index_cast %swap3A_836 : i32 to index
    %swap3A_838 = arith.constant 32 : index
    %swap3A_839 = tpu.vector_load %arg8[%swap3A_837, %swap3A_838] {strides = array<i32>} : memref<16x104xi32, #tpu.memory_space<vmem>>, vector<16xi32>,
    tpu.vector_store %arg8[%swap3A_837, %swap3A_838], %add3A_835 {strides = array<i32>} : memref<16x104xi32, #tpu.memory_space<vmem>>, vector<16xi32>,
    %get3A_840 = arith.constant 4 : i32
    %get3A_841 = arith.index_cast %get3A_840 : i32 to index
    %get3A_842 = arith.constant 152 : index
    %get3A_843 = tpu.vector_load %arg7[%get3A_841, %get3A_842] {strides = array<i32>} : memref<32x200xi32, #tpu.memory_space<vmem>>, vector<16xi32>,
    %add3A_844 = arith.addi %get3A_843, %broadcast_in_dim3A_749 : vector<16xi32>
    %swap3A_845 = arith.constant 9 : i32
    %swap3A_846 = arith.index_cast %swap3A_845 : i32 to index
    %swap3A_847 = arith.constant 48 : index
    %swap3A_848 = tpu.vector_load %arg8[%swap3A_846, %swap3A_847] {strides = array<i32>} : memref<16x104xi32, #tpu.memory_space<vmem>>, vector<16xi32>,
    tpu.vector_store %arg8[%swap3A_846, %swap3A_847], %add3A_844 {strides = array<i32>} : memref<16x104xi32, #tpu.memory_space<vmem>>, vector<16xi32>,
    %get3A_849 = arith.constant 4 : i32
    %get3A_850 = arith.index_cast %get3A_849 : i32 to index
    %get3A_851 = arith.constant 168 : index
    %get3A_852 = tpu.vector_load %arg7[%get3A_850, %get3A_851] {strides = array<i32>} : memref<32x200xi32, #tpu.memory_space<vmem>>, vector<16xi32>,
    %add3A_853 = arith.addi %get3A_852, %broadcast_in_dim3A_749 : vector<16xi32>
    %swap3A_854 = arith.constant 9 : i32
    %swap3A_855 = arith.index_cast %swap3A_854 : i32 to index
    %swap3A_856 = arith.constant 64 : index
    %swap3A_857 = tpu.vector_load %arg8[%swap3A_855, %swap3A_856] {strides = array<i32>} : memref<16x104xi32, #tpu.memory_space<vmem>>, vector<16xi32>,
    tpu.vector_store %arg8[%swap3A_855, %swap3A_856], %add3A_853 {strides = array<i32>} : memref<16x104xi32, #tpu.memory_space<vmem>>, vector<16xi32>,
    %get3A_858 = arith.constant 4 : i32
    %get3A_859 = arith.index_cast %get3A_858 : i32 to index
    %get3A_860 = arith.constant 184 : index
    %get3A_861 = tpu.vector_load %arg7[%get3A_859, %get3A_860] {strides = array<i32>} : memref<32x200xi32, #tpu.memory_space<vmem>>, vector<16xi32>,
    %add3A_862 = arith.addi %get3A_861, %broadcast_in_dim3A_749 : vector<16xi32>
    %swap3A_863 = arith.constant 9 : i32
    %swap3A_864 = arith.index_cast %swap3A_863 : i32 to index
    %swap3A_865 = arith.constant 80 : index
    %swap3A_866 = tpu.vector_load %arg8[%swap3A_864, %swap3A_865] {strides = array<i32>} : memref<16x104xi32, #tpu.memory_space<vmem>>, vector<16xi32>,
    tpu.vector_store %arg8[%swap3A_864, %swap3A_865], %add3A_862 {strides = array<i32>} : memref<16x104xi32, #tpu.memory_space<vmem>>, vector<16xi32>,
    %dma_start3A_867 = arith.constant 8 : i32
    %dma_start3A_868 = arith.constant 832 : i32
    %dma_start3A_869 = arith.constant 0 : i32
    %dma_start3A_870 = tpu.memref_slice %arg9[%dma_start3A_868, %dma_start3A_869] : memref<1664x16xf32, #tpu.memory_space<vmem>> -> memref<104x16xf32, #tpu.memory_space<vmem>>
    %dma_start3A_871 = arith.constant 0 : i32
    %dma_start3A_872 = tpu.memref_slice %arg8[%dma_start3A_867, %dma_start3A_871] : memref<16x104xi32, #tpu.memory_space<vmem>> -> memref<1x104xi32, #tpu.memory_space<vmem>>
    %dma_start3A_873 = tpu.memref_squeeze %dma_start3A_872 : memref<1x104xi32, #tpu.memory_space<vmem>> -> memref<104xi32, #tpu.memory_space<vmem>>
    %dma_start3A_874 = arith.constant 0 : i32
    %dma_start3A_875 = arith.constant 0 : i32
    %dma_start3A_876 = tpu.memref_slice %arg5[%dma_start3A_874, %dma_start3A_875] : memref<2600000x16xf32, #tpu.memory_space<hbm>> -> memref<2600000x16xf32, #tpu.memory_space<hbm>>
    tpu.enqueue_indirect_dma source(%dma_start3A_876 : memref<2600000x16xf32, #tpu.memory_space<hbm>>) target(%dma_start3A_870 : memref<104x16xf32, #tpu.memory_space<vmem>>) offsets(%dma_start3A_873 : memref<104xi32, #tpu.memory_space<vmem>>) semaphore(%arg15 : memref<!tpu.dma_semaphore, #tpu.memory_space<semaphore_mem>>)
    %dma_start3A_877 = arith.constant 9 : i32
    %dma_start3A_878 = arith.constant 936 : i32
    %dma_start3A_879 = arith.constant 0 : i32
    %dma_start3A_880 = tpu.memref_slice %arg9[%dma_start3A_878, %dma_start3A_879] : memref<1664x16xf32, #tpu.memory_space<vmem>> -> memref<104x16xf32, #tpu.memory_space<vmem>>
    %dma_start3A_881 = arith.constant 0 : i32
    %dma_start3A_882 = tpu.memref_slice %arg8[%dma_start3A_877, %dma_start3A_881] : memref<16x104xi32, #tpu.memory_space<vmem>> -> memref<1x104xi32, #tpu.memory_space<vmem>>
    %dma_start3A_883 = tpu.memref_squeeze %dma_start3A_882 : memref<1x104xi32, #tpu.memory_space<vmem>> -> memref<104xi32, #tpu.memory_space<vmem>>
    %dma_start3A_884 = arith.constant 0 : i32
    %dma_start3A_885 = arith.constant 0 : i32
    %dma_start3A_886 = tpu.memref_slice %arg5[%dma_start3A_884, %dma_start3A_885] : memref<2600000x16xf32, #tpu.memory_space<hbm>> -> memref<2600000x16xf32, #tpu.memory_space<hbm>>
    tpu.enqueue_indirect_dma source(%dma_start3A_886 : memref<2600000x16xf32, #tpu.memory_space<hbm>>) target(%dma_start3A_880 : memref<104x16xf32, #tpu.memory_space<vmem>>) offsets(%dma_start3A_883 : memref<104xi32, #tpu.memory_space<vmem>>) semaphore(%arg15 : memref<!tpu.dma_semaphore, #tpu.memory_space<semaphore_mem>>)
    %add3A_887 = arith.constant 5 : i32
    %add3A_888 = arith.addi %mul3A_2, %add3A_887 : i32
    %jit3A_889 = arith.constant 26 : i32
    %div3A_890 = arith.divsi %add3A_888, %jit3A_889 : i32
    %sign3A_891 = arith.constant 0 : i32
    %sign3A_892 = arith.cmpi sgt, %add3A_888, %sign3A_891 : i32
    %sign3A_893 = arith.extui %sign3A_892 : i1 to i32
    %sign3A_894 = arith.constant 0 : i32
    %sign3A_895 = arith.cmpi slt, %add3A_888, %sign3A_894 : i32
    %sign3A_896 = arith.extui %sign3A_895 : i1 to i32
    %sign3A_897 = arith.subi %sign3A_893, %sign3A_896 : i32
    %sign3A_898 = arith.constant 0 : i32
    %sign3A_899 = arith.cmpi sgt, %jit3A_889, %sign3A_898 : i32
    %sign3A_900 = arith.extui %sign3A_899 : i1 to i32
    %sign3A_901 = arith.constant 0 : i32
    %sign3A_902 = arith.cmpi slt, %jit3A_889, %sign3A_901 : i32
    %sign3A_903 = arith.extui %sign3A_902 : i1 to i32
    %sign3A_904 = arith.subi %sign3A_900, %sign3A_903 : i32
    %ne3A_905 = arith.cmpi ne, %sign3A_897, %sign3A_904 : i32
    %rem3A_906 = arith.remsi %add3A_888, %jit3A_889 : i32
    %ne3A_907 = arith.constant 0 : i32
    %ne3A_908 = arith.cmpi ne, %rem3A_906, %ne3A_907 : i32
    %and3A_909 = arith.andi %ne3A_905, %ne3A_908 : i1
    %sub3A_910 = arith.constant 1 : i32
    %sub3A_911 = arith.subi %div3A_890, %sub3A_910 : i32
    %select_n3A_912 = arith.select %and3A_909, %sub3A_911, %div3A_890 : i32
    %mul3A_913 = arith.constant 26 : i32
    %mul3A_914 = arith.muli %select_n3A_912, %mul3A_913 : i32
    %sub3A_915 = arith.subi %add3A_888, %mul3A_914 : i32
    %mul3A_916 = arith.constant 100000 : i32
    %mul3A_917 = arith.muli %sub3A_915, %mul3A_916 : i32
    %broadcast_in_dim3A_918 = vector.broadcast %mul3A_917 : i32 to vector<16xi32>
    %get3A_919 = arith.constant 5 : i32
    %get3A_920 = arith.index_cast %get3A_919 : i32 to index
    %get3A_921 = arith.constant 0 : index
    %get3A_922 = tpu.vector_load %arg7[%get3A_920, %get3A_921] {strides = array<i32>} : memref<32x200xi32, #tpu.memory_space<vmem>>, vector<16xi32>,
    %add3A_923 = arith.addi %get3A_922, %broadcast_in_dim3A_918 : vector<16xi32>
    %swap3A_924 = arith.constant 10 : i32
    %swap3A_925 = arith.index_cast %swap3A_924 : i32 to index
    %swap3A_926 = arith.constant 0 : index
    %swap3A_927 = tpu.vector_load %arg8[%swap3A_925, %swap3A_926] {strides = array<i32>} : memref<16x104xi32, #tpu.memory_space<vmem>>, vector<16xi32>,
    tpu.vector_store %arg8[%swap3A_925, %swap3A_926], %add3A_923 {strides = array<i32>} : memref<16x104xi32, #tpu.memory_space<vmem>>, vector<16xi32>,
    %get3A_928 = arith.constant 5 : i32
    %get3A_929 = arith.index_cast %get3A_928 : i32 to index
    %get3A_930 = arith.constant 16 : index
    %get3A_931 = tpu.vector_load %arg7[%get3A_929, %get3A_930] {strides = array<i32>} : memref<32x200xi32, #tpu.memory_space<vmem>>, vector<16xi32>,
    %add3A_932 = arith.addi %get3A_931, %broadcast_in_dim3A_918 : vector<16xi32>
    %swap3A_933 = arith.constant 10 : i32
    %swap3A_934 = arith.index_cast %swap3A_933 : i32 to index
    %swap3A_935 = arith.constant 16 : index
    %swap3A_936 = tpu.vector_load %arg8[%swap3A_934, %swap3A_935] {strides = array<i32>} : memref<16x104xi32, #tpu.memory_space<vmem>>, vector<16xi32>,
    tpu.vector_store %arg8[%swap3A_934, %swap3A_935], %add3A_932 {strides = array<i32>} : memref<16x104xi32, #tpu.memory_space<vmem>>, vector<16xi32>,
    %get3A_937 = arith.constant 5 : i32
    %get3A_938 = arith.index_cast %get3A_937 : i32 to index
    %get3A_939 = arith.constant 32 : index
    %get3A_940 = tpu.vector_load %arg7[%get3A_938, %get3A_939] {strides = array<i32>} : memref<32x200xi32, #tpu.memory_space<vmem>>, vector<16xi32>,
    %add3A_941 = arith.addi %get3A_940, %broadcast_in_dim3A_918 : vector<16xi32>
    %swap3A_942 = arith.constant 10 : i32
    %swap3A_943 = arith.index_cast %swap3A_942 : i32 to index
    %swap3A_944 = arith.constant 32 : index
    %swap3A_945 = tpu.vector_load %arg8[%swap3A_943, %swap3A_944] {strides = array<i32>} : memref<16x104xi32, #tpu.memory_space<vmem>>, vector<16xi32>,
    tpu.vector_store %arg8[%swap3A_943, %swap3A_944], %add3A_941 {strides = array<i32>} : memref<16x104xi32, #tpu.memory_space<vmem>>, vector<16xi32>,
    %get3A_946 = arith.constant 5 : i32
    %get3A_947 = arith.index_cast %get3A_946 : i32 to index
    %get3A_948 = arith.constant 48 : index
    %get3A_949 = tpu.vector_load %arg7[%get3A_947, %get3A_948] {strides = array<i32>} : memref<32x200xi32, #tpu.memory_space<vmem>>, vector<16xi32>,
    %add3A_950 = arith.addi %get3A_949, %broadcast_in_dim3A_918 : vector<16xi32>
    %swap3A_951 = arith.constant 10 : i32
    %swap3A_952 = arith.index_cast %swap3A_951 : i32 to index
    %swap3A_953 = arith.constant 48 : index
    %swap3A_954 = tpu.vector_load %arg8[%swap3A_952, %swap3A_953] {strides = array<i32>} : memref<16x104xi32, #tpu.memory_space<vmem>>, vector<16xi32>,
    tpu.vector_store %arg8[%swap3A_952, %swap3A_953], %add3A_950 {strides = array<i32>} : memref<16x104xi32, #tpu.memory_space<vmem>>, vector<16xi32>,
    %get3A_955 = arith.constant 5 : i32
    %get3A_956 = arith.index_cast %get3A_955 : i32 to index
    %get3A_957 = arith.constant 64 : index
    %get3A_958 = tpu.vector_load %arg7[%get3A_956, %get3A_957] {strides = array<i32>} : memref<32x200xi32, #tpu.memory_space<vmem>>, vector<16xi32>,
    %add3A_959 = arith.addi %get3A_958, %broadcast_in_dim3A_918 : vector<16xi32>
    %swap3A_960 = arith.constant 10 : i32
    %swap3A_961 = arith.index_cast %swap3A_960 : i32 to index
    %swap3A_962 = arith.constant 64 : index
    %swap3A_963 = tpu.vector_load %arg8[%swap3A_961, %swap3A_962] {strides = array<i32>} : memref<16x104xi32, #tpu.memory_space<vmem>>, vector<16xi32>,
    tpu.vector_store %arg8[%swap3A_961, %swap3A_962], %add3A_959 {strides = array<i32>} : memref<16x104xi32, #tpu.memory_space<vmem>>, vector<16xi32>,
    %get3A_964 = arith.constant 5 : i32
    %get3A_965 = arith.index_cast %get3A_964 : i32 to index
    %get3A_966 = arith.constant 80 : index
    %get3A_967 = tpu.vector_load %arg7[%get3A_965, %get3A_966] {strides = array<i32>} : memref<32x200xi32, #tpu.memory_space<vmem>>, vector<16xi32>,
    %add3A_968 = arith.addi %get3A_967, %broadcast_in_dim3A_918 : vector<16xi32>
    %swap3A_969 = arith.constant 10 : i32
    %swap3A_970 = arith.index_cast %swap3A_969 : i32 to index
    %swap3A_971 = arith.constant 80 : index
    %swap3A_972 = tpu.vector_load %arg8[%swap3A_970, %swap3A_971] {strides = array<i32>} : memref<16x104xi32, #tpu.memory_space<vmem>>, vector<16xi32>,
    tpu.vector_store %arg8[%swap3A_970, %swap3A_971], %add3A_968 {strides = array<i32>} : memref<16x104xi32, #tpu.memory_space<vmem>>, vector<16xi32>,
    %get3A_973 = arith.constant 5 : i32
    %get3A_974 = arith.index_cast %get3A_973 : i32 to index
    %get3A_975 = arith.constant 88 : index
    %get3A_976 = tpu.vector_load %arg7[%get3A_974, %get3A_975] {strides = array<i32>} : memref<32x200xi32, #tpu.memory_space<vmem>>, vector<16xi32>,
    %add3A_977 = arith.addi %get3A_976, %broadcast_in_dim3A_918 : vector<16xi32>
    %swap3A_978 = arith.constant 10 : i32
    %swap3A_979 = arith.index_cast %swap3A_978 : i32 to index
    %swap3A_980 = arith.constant 88 : index
    %swap3A_981 = tpu.vector_load %arg8[%swap3A_979, %swap3A_980] {strides = array<i32>} : memref<16x104xi32, #tpu.memory_space<vmem>>, vector<16xi32>,
    tpu.vector_store %arg8[%swap3A_979, %swap3A_980], %add3A_977 {strides = array<i32>} : memref<16x104xi32, #tpu.memory_space<vmem>>, vector<16xi32>,
    %get3A_982 = arith.constant 5 : i32
    %get3A_983 = arith.index_cast %get3A_982 : i32 to index
    %get3A_984 = arith.constant 104 : index
    %get3A_985 = tpu.vector_load %arg7[%get3A_983, %get3A_984] {strides = array<i32>} : memref<32x200xi32, #tpu.memory_space<vmem>>, vector<16xi32>,
    %add3A_986 = arith.addi %get3A_985, %broadcast_in_dim3A_918 : vector<16xi32>
    %swap3A_987 = arith.constant 11 : i32
    %swap3A_988 = arith.index_cast %swap3A_987 : i32 to index
    %swap3A_989 = arith.constant 0 : index
    %swap3A_990 = tpu.vector_load %arg8[%swap3A_988, %swap3A_989] {strides = array<i32>} : memref<16x104xi32, #tpu.memory_space<vmem>>, vector<16xi32>,
    tpu.vector_store %arg8[%swap3A_988, %swap3A_989], %add3A_986 {strides = array<i32>} : memref<16x104xi32, #tpu.memory_space<vmem>>, vector<16xi32>,
    %get3A_991 = arith.constant 5 : i32
    %get3A_992 = arith.index_cast %get3A_991 : i32 to index
    %get3A_993 = arith.constant 120 : index
    %get3A_994 = tpu.vector_load %arg7[%get3A_992, %get3A_993] {strides = array<i32>} : memref<32x200xi32, #tpu.memory_space<vmem>>, vector<16xi32>,
    %add3A_995 = arith.addi %get3A_994, %broadcast_in_dim3A_918 : vector<16xi32>
    %swap3A_996 = arith.constant 11 : i32
    %swap3A_997 = arith.index_cast %swap3A_996 : i32 to index
    %swap3A_998 = arith.constant 16 : index
    %swap3A_999 = tpu.vector_load %arg8[%swap3A_997, %swap3A_998] {strides = array<i32>} : memref<16x104xi32, #tpu.memory_space<vmem>>, vector<16xi32>,
    tpu.vector_store %arg8[%swap3A_997, %swap3A_998], %add3A_995 {strides = array<i32>} : memref<16x104xi32, #tpu.memory_space<vmem>>, vector<16xi32>,
    %get3A_1000 = arith.constant 5 : i32
    %get3A_1001 = arith.index_cast %get3A_1000 : i32 to index
    %get3A_1002 = arith.constant 136 : index
    %get3A_1003 = tpu.vector_load %arg7[%get3A_1001, %get3A_1002] {strides = array<i32>} : memref<32x200xi32, #tpu.memory_space<vmem>>, vector<16xi32>,
    %add3A_1004 = arith.addi %get3A_1003, %broadcast_in_dim3A_918 : vector<16xi32>
    %swap3A_1005 = arith.constant 11 : i32
    %swap3A_1006 = arith.index_cast %swap3A_1005 : i32 to index
    %swap3A_1007 = arith.constant 32 : index
    %swap3A_1008 = tpu.vector_load %arg8[%swap3A_1006, %swap3A_1007] {strides = array<i32>} : memref<16x104xi32, #tpu.memory_space<vmem>>, vector<16xi32>,
    tpu.vector_store %arg8[%swap3A_1006, %swap3A_1007], %add3A_1004 {strides = array<i32>} : memref<16x104xi32, #tpu.memory_space<vmem>>, vector<16xi32>,
    %get3A_1009 = arith.constant 5 : i32
    %get3A_1010 = arith.index_cast %get3A_1009 : i32 to index
    %get3A_1011 = arith.constant 152 : index
    %get3A_1012 = tpu.vector_load %arg7[%get3A_1010, %get3A_1011] {strides = array<i32>} : memref<32x200xi32, #tpu.memory_space<vmem>>, vector<16xi32>,
    %add3A_1013 = arith.addi %get3A_1012, %broadcast_in_dim3A_918 : vector<16xi32>
    %swap3A_1014 = arith.constant 11 : i32
    %swap3A_1015 = arith.index_cast %swap3A_1014 : i32 to index
    %swap3A_1016 = arith.constant 48 : index
    %swap3A_1017 = tpu.vector_load %arg8[%swap3A_1015, %swap3A_1016] {strides = array<i32>} : memref<16x104xi32, #tpu.memory_space<vmem>>, vector<16xi32>,
    tpu.vector_store %arg8[%swap3A_1015, %swap3A_1016], %add3A_1013 {strides = array<i32>} : memref<16x104xi32, #tpu.memory_space<vmem>>, vector<16xi32>,
    %get3A_1018 = arith.constant 5 : i32
    %get3A_1019 = arith.index_cast %get3A_1018 : i32 to index
    %get3A_1020 = arith.constant 168 : index
    %get3A_1021 = tpu.vector_load %arg7[%get3A_1019, %get3A_1020] {strides = array<i32>} : memref<32x200xi32, #tpu.memory_space<vmem>>, vector<16xi32>,
    %add3A_1022 = arith.addi %get3A_1021, %broadcast_in_dim3A_918 : vector<16xi32>
    %swap3A_1023 = arith.constant 11 : i32
    %swap3A_1024 = arith.index_cast %swap3A_1023 : i32 to index
    %swap3A_1025 = arith.constant 64 : index
    %swap3A_1026 = tpu.vector_load %arg8[%swap3A_1024, %swap3A_1025] {strides = array<i32>} : memref<16x104xi32, #tpu.memory_space<vmem>>, vector<16xi32>,
    tpu.vector_store %arg8[%swap3A_1024, %swap3A_1025], %add3A_1022 {strides = array<i32>} : memref<16x104xi32, #tpu.memory_space<vmem>>, vector<16xi32>,
    %get3A_1027 = arith.constant 5 : i32
    %get3A_1028 = arith.index_cast %get3A_1027 : i32 to index
    %get3A_1029 = arith.constant 184 : index
    %get3A_1030 = tpu.vector_load %arg7[%get3A_1028, %get3A_1029] {strides = array<i32>} : memref<32x200xi32, #tpu.memory_space<vmem>>, vector<16xi32>,
    %add3A_1031 = arith.addi %get3A_1030, %broadcast_in_dim3A_918 : vector<16xi32>
    %swap3A_1032 = arith.constant 11 : i32
    %swap3A_1033 = arith.index_cast %swap3A_1032 : i32 to index
    %swap3A_1034 = arith.constant 80 : index
    %swap3A_1035 = tpu.vector_load %arg8[%swap3A_1033, %swap3A_1034] {strides = array<i32>} : memref<16x104xi32, #tpu.memory_space<vmem>>, vector<16xi32>,
    tpu.vector_store %arg8[%swap3A_1033, %swap3A_1034], %add3A_1031 {strides = array<i32>} : memref<16x104xi32, #tpu.memory_space<vmem>>, vector<16xi32>,
    %dma_start3A_1036 = arith.constant 10 : i32
    %dma_start3A_1037 = arith.constant 1040 : i32
    %dma_start3A_1038 = arith.constant 0 : i32
    %dma_start3A_1039 = tpu.memref_slice %arg9[%dma_start3A_1037, %dma_start3A_1038] : memref<1664x16xf32, #tpu.memory_space<vmem>> -> memref<104x16xf32, #tpu.memory_space<vmem>>
    %dma_start3A_1040 = arith.constant 0 : i32
    %dma_start3A_1041 = tpu.memref_slice %arg8[%dma_start3A_1036, %dma_start3A_1040] : memref<16x104xi32, #tpu.memory_space<vmem>> -> memref<1x104xi32, #tpu.memory_space<vmem>>
    %dma_start3A_1042 = tpu.memref_squeeze %dma_start3A_1041 : memref<1x104xi32, #tpu.memory_space<vmem>> -> memref<104xi32, #tpu.memory_space<vmem>>
    %dma_start3A_1043 = arith.constant 0 : i32
    %dma_start3A_1044 = arith.constant 0 : i32
    %dma_start3A_1045 = tpu.memref_slice %arg5[%dma_start3A_1043, %dma_start3A_1044] : memref<2600000x16xf32, #tpu.memory_space<hbm>> -> memref<2600000x16xf32, #tpu.memory_space<hbm>>
    tpu.enqueue_indirect_dma source(%dma_start3A_1045 : memref<2600000x16xf32, #tpu.memory_space<hbm>>) target(%dma_start3A_1039 : memref<104x16xf32, #tpu.memory_space<vmem>>) offsets(%dma_start3A_1042 : memref<104xi32, #tpu.memory_space<vmem>>) semaphore(%arg16 : memref<!tpu.dma_semaphore, #tpu.memory_space<semaphore_mem>>)
    %dma_start3A_1046 = arith.constant 11 : i32
    %dma_start3A_1047 = arith.constant 1144 : i32
    %dma_start3A_1048 = arith.constant 0 : i32
    %dma_start3A_1049 = tpu.memref_slice %arg9[%dma_start3A_1047, %dma_start3A_1048] : memref<1664x16xf32, #tpu.memory_space<vmem>> -> memref<104x16xf32, #tpu.memory_space<vmem>>
    %dma_start3A_1050 = arith.constant 0 : i32
    %dma_start3A_1051 = tpu.memref_slice %arg8[%dma_start3A_1046, %dma_start3A_1050] : memref<16x104xi32, #tpu.memory_space<vmem>> -> memref<1x104xi32, #tpu.memory_space<vmem>>
    %dma_start3A_1052 = tpu.memref_squeeze %dma_start3A_1051 : memref<1x104xi32, #tpu.memory_space<vmem>> -> memref<104xi32, #tpu.memory_space<vmem>>
    %dma_start3A_1053 = arith.constant 0 : i32
    %dma_start3A_1054 = arith.constant 0 : i32
    %dma_start3A_1055 = tpu.memref_slice %arg5[%dma_start3A_1053, %dma_start3A_1054] : memref<2600000x16xf32, #tpu.memory_space<hbm>> -> memref<2600000x16xf32, #tpu.memory_space<hbm>>
    tpu.enqueue_indirect_dma source(%dma_start3A_1055 : memref<2600000x16xf32, #tpu.memory_space<hbm>>) target(%dma_start3A_1049 : memref<104x16xf32, #tpu.memory_space<vmem>>) offsets(%dma_start3A_1052 : memref<104xi32, #tpu.memory_space<vmem>>) semaphore(%arg16 : memref<!tpu.dma_semaphore, #tpu.memory_space<semaphore_mem>>)
    %add3A_1056 = arith.constant 6 : i32
    %add3A_1057 = arith.addi %mul3A_2, %add3A_1056 : i32
    %jit3A_1058 = arith.constant 26 : i32
    %div3A_1059 = arith.divsi %add3A_1057, %jit3A_1058 : i32
    %sign3A_1060 = arith.constant 0 : i32
    %sign3A_1061 = arith.cmpi sgt, %add3A_1057, %sign3A_1060 : i32
    %sign3A_1062 = arith.extui %sign3A_1061 : i1 to i32
    %sign3A_1063 = arith.constant 0 : i32
    %sign3A_1064 = arith.cmpi slt, %add3A_1057, %sign3A_1063 : i32
    %sign3A_1065 = arith.extui %sign3A_1064 : i1 to i32
    %sign3A_1066 = arith.subi %sign3A_1062, %sign3A_1065 : i32
    %sign3A_1067 = arith.constant 0 : i32
    %sign3A_1068 = arith.cmpi sgt, %jit3A_1058, %sign3A_1067 : i32
    %sign3A_1069 = arith.extui %sign3A_1068 : i1 to i32
    %sign3A_1070 = arith.constant 0 : i32
    %sign3A_1071 = arith.cmpi slt, %jit3A_1058, %sign3A_1070 : i32
    %sign3A_1072 = arith.extui %sign3A_1071 : i1 to i32
    %sign3A_1073 = arith.subi %sign3A_1069, %sign3A_1072 : i32
    %ne3A_1074 = arith.cmpi ne, %sign3A_1066, %sign3A_1073 : i32
    %rem3A_1075 = arith.remsi %add3A_1057, %jit3A_1058 : i32
    %ne3A_1076 = arith.constant 0 : i32
    %ne3A_1077 = arith.cmpi ne, %rem3A_1075, %ne3A_1076 : i32
    %and3A_1078 = arith.andi %ne3A_1074, %ne3A_1077 : i1
    %sub3A_1079 = arith.constant 1 : i32
    %sub3A_1080 = arith.subi %div3A_1059, %sub3A_1079 : i32
    %select_n3A_1081 = arith.select %and3A_1078, %sub3A_1080, %div3A_1059 : i32
    %mul3A_1082 = arith.constant 26 : i32
    %mul3A_1083 = arith.muli %select_n3A_1081, %mul3A_1082 : i32
    %sub3A_1084 = arith.subi %add3A_1057, %mul3A_1083 : i32
    %mul3A_1085 = arith.constant 100000 : i32
    %mul3A_1086 = arith.muli %sub3A_1084, %mul3A_1085 : i32
    %broadcast_in_dim3A_1087 = vector.broadcast %mul3A_1086 : i32 to vector<16xi32>
    %get3A_1088 = arith.constant 6 : i32
    %get3A_1089 = arith.index_cast %get3A_1088 : i32 to index
    %get3A_1090 = arith.constant 0 : index
    %get3A_1091 = tpu.vector_load %arg7[%get3A_1089, %get3A_1090] {strides = array<i32>} : memref<32x200xi32, #tpu.memory_space<vmem>>, vector<16xi32>,
    %add3A_1092 = arith.addi %get3A_1091, %broadcast_in_dim3A_1087 : vector<16xi32>
    %swap3A_1093 = arith.constant 12 : i32
    %swap3A_1094 = arith.index_cast %swap3A_1093 : i32 to index
    %swap3A_1095 = arith.constant 0 : index
    %swap3A_1096 = tpu.vector_load %arg8[%swap3A_1094, %swap3A_1095] {strides = array<i32>} : memref<16x104xi32, #tpu.memory_space<vmem>>, vector<16xi32>,
    tpu.vector_store %arg8[%swap3A_1094, %swap3A_1095], %add3A_1092 {strides = array<i32>} : memref<16x104xi32, #tpu.memory_space<vmem>>, vector<16xi32>,
    %get3A_1097 = arith.constant 6 : i32
    %get3A_1098 = arith.index_cast %get3A_1097 : i32 to index
    %get3A_1099 = arith.constant 16 : index
    %get3A_1100 = tpu.vector_load %arg7[%get3A_1098, %get3A_1099] {strides = array<i32>} : memref<32x200xi32, #tpu.memory_space<vmem>>, vector<16xi32>,
    %add3A_1101 = arith.addi %get3A_1100, %broadcast_in_dim3A_1087 : vector<16xi32>
    %swap3A_1102 = arith.constant 12 : i32
    %swap3A_1103 = arith.index_cast %swap3A_1102 : i32 to index
    %swap3A_1104 = arith.constant 16 : index
    %swap3A_1105 = tpu.vector_load %arg8[%swap3A_1103, %swap3A_1104] {strides = array<i32>} : memref<16x104xi32, #tpu.memory_space<vmem>>, vector<16xi32>,
    tpu.vector_store %arg8[%swap3A_1103, %swap3A_1104], %add3A_1101 {strides = array<i32>} : memref<16x104xi32, #tpu.memory_space<vmem>>, vector<16xi32>,
    %get3A_1106 = arith.constant 6 : i32
    %get3A_1107 = arith.index_cast %get3A_1106 : i32 to index
    %get3A_1108 = arith.constant 32 : index
    %get3A_1109 = tpu.vector_load %arg7[%get3A_1107, %get3A_1108] {strides = array<i32>} : memref<32x200xi32, #tpu.memory_space<vmem>>, vector<16xi32>,
    %add3A_1110 = arith.addi %get3A_1109, %broadcast_in_dim3A_1087 : vector<16xi32>
    %swap3A_1111 = arith.constant 12 : i32
    %swap3A_1112 = arith.index_cast %swap3A_1111 : i32 to index
    %swap3A_1113 = arith.constant 32 : index
    %swap3A_1114 = tpu.vector_load %arg8[%swap3A_1112, %swap3A_1113] {strides = array<i32>} : memref<16x104xi32, #tpu.memory_space<vmem>>, vector<16xi32>,
    tpu.vector_store %arg8[%swap3A_1112, %swap3A_1113], %add3A_1110 {strides = array<i32>} : memref<16x104xi32, #tpu.memory_space<vmem>>, vector<16xi32>,
    %get3A_1115 = arith.constant 6 : i32
    %get3A_1116 = arith.index_cast %get3A_1115 : i32 to index
    %get3A_1117 = arith.constant 48 : index
    %get3A_1118 = tpu.vector_load %arg7[%get3A_1116, %get3A_1117] {strides = array<i32>} : memref<32x200xi32, #tpu.memory_space<vmem>>, vector<16xi32>,
    %add3A_1119 = arith.addi %get3A_1118, %broadcast_in_dim3A_1087 : vector<16xi32>
    %swap3A_1120 = arith.constant 12 : i32
    %swap3A_1121 = arith.index_cast %swap3A_1120 : i32 to index
    %swap3A_1122 = arith.constant 48 : index
    %swap3A_1123 = tpu.vector_load %arg8[%swap3A_1121, %swap3A_1122] {strides = array<i32>} : memref<16x104xi32, #tpu.memory_space<vmem>>, vector<16xi32>,
    tpu.vector_store %arg8[%swap3A_1121, %swap3A_1122], %add3A_1119 {strides = array<i32>} : memref<16x104xi32, #tpu.memory_space<vmem>>, vector<16xi32>,
    %get3A_1124 = arith.constant 6 : i32
    %get3A_1125 = arith.index_cast %get3A_1124 : i32 to index
    %get3A_1126 = arith.constant 64 : index
    %get3A_1127 = tpu.vector_load %arg7[%get3A_1125, %get3A_1126] {strides = array<i32>} : memref<32x200xi32, #tpu.memory_space<vmem>>, vector<16xi32>,
    %add3A_1128 = arith.addi %get3A_1127, %broadcast_in_dim3A_1087 : vector<16xi32>
    %swap3A_1129 = arith.constant 12 : i32
    %swap3A_1130 = arith.index_cast %swap3A_1129 : i32 to index
    %swap3A_1131 = arith.constant 64 : index
    %swap3A_1132 = tpu.vector_load %arg8[%swap3A_1130, %swap3A_1131] {strides = array<i32>} : memref<16x104xi32, #tpu.memory_space<vmem>>, vector<16xi32>,
    tpu.vector_store %arg8[%swap3A_1130, %swap3A_1131], %add3A_1128 {strides = array<i32>} : memref<16x104xi32, #tpu.memory_space<vmem>>, vector<16xi32>,
    %get3A_1133 = arith.constant 6 : i32
    %get3A_1134 = arith.index_cast %get3A_1133 : i32 to index
    %get3A_1135 = arith.constant 80 : index
    %get3A_1136 = tpu.vector_load %arg7[%get3A_1134, %get3A_1135] {strides = array<i32>} : memref<32x200xi32, #tpu.memory_space<vmem>>, vector<16xi32>,
    %add3A_1137 = arith.addi %get3A_1136, %broadcast_in_dim3A_1087 : vector<16xi32>
    %swap3A_1138 = arith.constant 12 : i32
    %swap3A_1139 = arith.index_cast %swap3A_1138 : i32 to index
    %swap3A_1140 = arith.constant 80 : index
    %swap3A_1141 = tpu.vector_load %arg8[%swap3A_1139, %swap3A_1140] {strides = array<i32>} : memref<16x104xi32, #tpu.memory_space<vmem>>, vector<16xi32>,
    tpu.vector_store %arg8[%swap3A_1139, %swap3A_1140], %add3A_1137 {strides = array<i32>} : memref<16x104xi32, #tpu.memory_space<vmem>>, vector<16xi32>,
    %get3A_1142 = arith.constant 6 : i32
    %get3A_1143 = arith.index_cast %get3A_1142 : i32 to index
    %get3A_1144 = arith.constant 88 : index
    %get3A_1145 = tpu.vector_load %arg7[%get3A_1143, %get3A_1144] {strides = array<i32>} : memref<32x200xi32, #tpu.memory_space<vmem>>, vector<16xi32>,
    %add3A_1146 = arith.addi %get3A_1145, %broadcast_in_dim3A_1087 : vector<16xi32>
    %swap3A_1147 = arith.constant 12 : i32
    %swap3A_1148 = arith.index_cast %swap3A_1147 : i32 to index
    %swap3A_1149 = arith.constant 88 : index
    %swap3A_1150 = tpu.vector_load %arg8[%swap3A_1148, %swap3A_1149] {strides = array<i32>} : memref<16x104xi32, #tpu.memory_space<vmem>>, vector<16xi32>,
    tpu.vector_store %arg8[%swap3A_1148, %swap3A_1149], %add3A_1146 {strides = array<i32>} : memref<16x104xi32, #tpu.memory_space<vmem>>, vector<16xi32>,
    %get3A_1151 = arith.constant 6 : i32
    %get3A_1152 = arith.index_cast %get3A_1151 : i32 to index
    %get3A_1153 = arith.constant 104 : index
    %get3A_1154 = tpu.vector_load %arg7[%get3A_1152, %get3A_1153] {strides = array<i32>} : memref<32x200xi32, #tpu.memory_space<vmem>>, vector<16xi32>,
    %add3A_1155 = arith.addi %get3A_1154, %broadcast_in_dim3A_1087 : vector<16xi32>
    %swap3A_1156 = arith.constant 13 : i32
    %swap3A_1157 = arith.index_cast %swap3A_1156 : i32 to index
    %swap3A_1158 = arith.constant 0 : index
    %swap3A_1159 = tpu.vector_load %arg8[%swap3A_1157, %swap3A_1158] {strides = array<i32>} : memref<16x104xi32, #tpu.memory_space<vmem>>, vector<16xi32>,
    tpu.vector_store %arg8[%swap3A_1157, %swap3A_1158], %add3A_1155 {strides = array<i32>} : memref<16x104xi32, #tpu.memory_space<vmem>>, vector<16xi32>,
    %get3A_1160 = arith.constant 6 : i32
    %get3A_1161 = arith.index_cast %get3A_1160 : i32 to index
    %get3A_1162 = arith.constant 120 : index
    %get3A_1163 = tpu.vector_load %arg7[%get3A_1161, %get3A_1162] {strides = array<i32>} : memref<32x200xi32, #tpu.memory_space<vmem>>, vector<16xi32>,
    %add3A_1164 = arith.addi %get3A_1163, %broadcast_in_dim3A_1087 : vector<16xi32>
    %swap3A_1165 = arith.constant 13 : i32
    %swap3A_1166 = arith.index_cast %swap3A_1165 : i32 to index
    %swap3A_1167 = arith.constant 16 : index
    %swap3A_1168 = tpu.vector_load %arg8[%swap3A_1166, %swap3A_1167] {strides = array<i32>} : memref<16x104xi32, #tpu.memory_space<vmem>>, vector<16xi32>,
    tpu.vector_store %arg8[%swap3A_1166, %swap3A_1167], %add3A_1164 {strides = array<i32>} : memref<16x104xi32, #tpu.memory_space<vmem>>, vector<16xi32>,
    %get3A_1169 = arith.constant 6 : i32
    %get3A_1170 = arith.index_cast %get3A_1169 : i32 to index
    %get3A_1171 = arith.constant 136 : index
    %get3A_1172 = tpu.vector_load %arg7[%get3A_1170, %get3A_1171] {strides = array<i32>} : memref<32x200xi32, #tpu.memory_space<vmem>>, vector<16xi32>,
    %add3A_1173 = arith.addi %get3A_1172, %broadcast_in_dim3A_1087 : vector<16xi32>
    %swap3A_1174 = arith.constant 13 : i32
    %swap3A_1175 = arith.index_cast %swap3A_1174 : i32 to index
    %swap3A_1176 = arith.constant 32 : index
    %swap3A_1177 = tpu.vector_load %arg8[%swap3A_1175, %swap3A_1176] {strides = array<i32>} : memref<16x104xi32, #tpu.memory_space<vmem>>, vector<16xi32>,
    tpu.vector_store %arg8[%swap3A_1175, %swap3A_1176], %add3A_1173 {strides = array<i32>} : memref<16x104xi32, #tpu.memory_space<vmem>>, vector<16xi32>,
    %get3A_1178 = arith.constant 6 : i32
    %get3A_1179 = arith.index_cast %get3A_1178 : i32 to index
    %get3A_1180 = arith.constant 152 : index
    %get3A_1181 = tpu.vector_load %arg7[%get3A_1179, %get3A_1180] {strides = array<i32>} : memref<32x200xi32, #tpu.memory_space<vmem>>, vector<16xi32>,
    %add3A_1182 = arith.addi %get3A_1181, %broadcast_in_dim3A_1087 : vector<16xi32>
    %swap3A_1183 = arith.constant 13 : i32
    %swap3A_1184 = arith.index_cast %swap3A_1183 : i32 to index
    %swap3A_1185 = arith.constant 48 : index
    %swap3A_1186 = tpu.vector_load %arg8[%swap3A_1184, %swap3A_1185] {strides = array<i32>} : memref<16x104xi32, #tpu.memory_space<vmem>>, vector<16xi32>,
    tpu.vector_store %arg8[%swap3A_1184, %swap3A_1185], %add3A_1182 {strides = array<i32>} : memref<16x104xi32, #tpu.memory_space<vmem>>, vector<16xi32>,
    %get3A_1187 = arith.constant 6 : i32
    %get3A_1188 = arith.index_cast %get3A_1187 : i32 to index
    %get3A_1189 = arith.constant 168 : index
    %get3A_1190 = tpu.vector_load %arg7[%get3A_1188, %get3A_1189] {strides = array<i32>} : memref<32x200xi32, #tpu.memory_space<vmem>>, vector<16xi32>,
    %add3A_1191 = arith.addi %get3A_1190, %broadcast_in_dim3A_1087 : vector<16xi32>
    %swap3A_1192 = arith.constant 13 : i32
    %swap3A_1193 = arith.index_cast %swap3A_1192 : i32 to index
    %swap3A_1194 = arith.constant 64 : index
    %swap3A_1195 = tpu.vector_load %arg8[%swap3A_1193, %swap3A_1194] {strides = array<i32>} : memref<16x104xi32, #tpu.memory_space<vmem>>, vector<16xi32>,
    tpu.vector_store %arg8[%swap3A_1193, %swap3A_1194], %add3A_1191 {strides = array<i32>} : memref<16x104xi32, #tpu.memory_space<vmem>>, vector<16xi32>,
    %get3A_1196 = arith.constant 6 : i32
    %get3A_1197 = arith.index_cast %get3A_1196 : i32 to index
    %get3A_1198 = arith.constant 184 : index
    %get3A_1199 = tpu.vector_load %arg7[%get3A_1197, %get3A_1198] {strides = array<i32>} : memref<32x200xi32, #tpu.memory_space<vmem>>, vector<16xi32>,
    %add3A_1200 = arith.addi %get3A_1199, %broadcast_in_dim3A_1087 : vector<16xi32>
    %swap3A_1201 = arith.constant 13 : i32
    %swap3A_1202 = arith.index_cast %swap3A_1201 : i32 to index
    %swap3A_1203 = arith.constant 80 : index
    %swap3A_1204 = tpu.vector_load %arg8[%swap3A_1202, %swap3A_1203] {strides = array<i32>} : memref<16x104xi32, #tpu.memory_space<vmem>>, vector<16xi32>,
    tpu.vector_store %arg8[%swap3A_1202, %swap3A_1203], %add3A_1200 {strides = array<i32>} : memref<16x104xi32, #tpu.memory_space<vmem>>, vector<16xi32>,
    %dma_start3A_1205 = arith.constant 12 : i32
    %dma_start3A_1206 = arith.constant 1248 : i32
    %dma_start3A_1207 = arith.constant 0 : i32
    %dma_start3A_1208 = tpu.memref_slice %arg9[%dma_start3A_1206, %dma_start3A_1207] : memref<1664x16xf32, #tpu.memory_space<vmem>> -> memref<104x16xf32, #tpu.memory_space<vmem>>
    %dma_start3A_1209 = arith.constant 0 : i32
    %dma_start3A_1210 = tpu.memref_slice %arg8[%dma_start3A_1205, %dma_start3A_1209] : memref<16x104xi32, #tpu.memory_space<vmem>> -> memref<1x104xi32, #tpu.memory_space<vmem>>
    %dma_start3A_1211 = tpu.memref_squeeze %dma_start3A_1210 : memref<1x104xi32, #tpu.memory_space<vmem>> -> memref<104xi32, #tpu.memory_space<vmem>>
    %dma_start3A_1212 = arith.constant 0 : i32
    %dma_start3A_1213 = arith.constant 0 : i32
    %dma_start3A_1214 = tpu.memref_slice %arg5[%dma_start3A_1212, %dma_start3A_1213] : memref<2600000x16xf32, #tpu.memory_space<hbm>> -> memref<2600000x16xf32, #tpu.memory_space<hbm>>
    tpu.enqueue_indirect_dma source(%dma_start3A_1214 : memref<2600000x16xf32, #tpu.memory_space<hbm>>) target(%dma_start3A_1208 : memref<104x16xf32, #tpu.memory_space<vmem>>) offsets(%dma_start3A_1211 : memref<104xi32, #tpu.memory_space<vmem>>) semaphore(%arg17 : memref<!tpu.dma_semaphore, #tpu.memory_space<semaphore_mem>>)
    %dma_start3A_1215 = arith.constant 13 : i32
    %dma_start3A_1216 = arith.constant 1352 : i32
    %dma_start3A_1217 = arith.constant 0 : i32
    %dma_start3A_1218 = tpu.memref_slice %arg9[%dma_start3A_1216, %dma_start3A_1217] : memref<1664x16xf32, #tpu.memory_space<vmem>> -> memref<104x16xf32, #tpu.memory_space<vmem>>
    %dma_start3A_1219 = arith.constant 0 : i32
    %dma_start3A_1220 = tpu.memref_slice %arg8[%dma_start3A_1215, %dma_start3A_1219] : memref<16x104xi32, #tpu.memory_space<vmem>> -> memref<1x104xi32, #tpu.memory_space<vmem>>
    %dma_start3A_1221 = tpu.memref_squeeze %dma_start3A_1220 : memref<1x104xi32, #tpu.memory_space<vmem>> -> memref<104xi32, #tpu.memory_space<vmem>>
    %dma_start3A_1222 = arith.constant 0 : i32
    %dma_start3A_1223 = arith.constant 0 : i32
    %dma_start3A_1224 = tpu.memref_slice %arg5[%dma_start3A_1222, %dma_start3A_1223] : memref<2600000x16xf32, #tpu.memory_space<hbm>> -> memref<2600000x16xf32, #tpu.memory_space<hbm>>
    tpu.enqueue_indirect_dma source(%dma_start3A_1224 : memref<2600000x16xf32, #tpu.memory_space<hbm>>) target(%dma_start3A_1218 : memref<104x16xf32, #tpu.memory_space<vmem>>) offsets(%dma_start3A_1221 : memref<104xi32, #tpu.memory_space<vmem>>) semaphore(%arg17 : memref<!tpu.dma_semaphore, #tpu.memory_space<semaphore_mem>>)
    %add3A_1225 = arith.constant 7 : i32
    %add3A_1226 = arith.addi %mul3A_2, %add3A_1225 : i32
    %jit3A_1227 = arith.constant 26 : i32
    %div3A_1228 = arith.divsi %add3A_1226, %jit3A_1227 : i32
    %sign3A_1229 = arith.constant 0 : i32
    %sign3A_1230 = arith.cmpi sgt, %add3A_1226, %sign3A_1229 : i32
    %sign3A_1231 = arith.extui %sign3A_1230 : i1 to i32
    %sign3A_1232 = arith.constant 0 : i32
    %sign3A_1233 = arith.cmpi slt, %add3A_1226, %sign3A_1232 : i32
    %sign3A_1234 = arith.extui %sign3A_1233 : i1 to i32
    %sign3A_1235 = arith.subi %sign3A_1231, %sign3A_1234 : i32
    %sign3A_1236 = arith.constant 0 : i32
    %sign3A_1237 = arith.cmpi sgt, %jit3A_1227, %sign3A_1236 : i32
    %sign3A_1238 = arith.extui %sign3A_1237 : i1 to i32
    %sign3A_1239 = arith.constant 0 : i32
    %sign3A_1240 = arith.cmpi slt, %jit3A_1227, %sign3A_1239 : i32
    %sign3A_1241 = arith.extui %sign3A_1240 : i1 to i32
    %sign3A_1242 = arith.subi %sign3A_1238, %sign3A_1241 : i32
    %ne3A_1243 = arith.cmpi ne, %sign3A_1235, %sign3A_1242 : i32
    %rem3A_1244 = arith.remsi %add3A_1226, %jit3A_1227 : i32
    %ne3A_1245 = arith.constant 0 : i32
    %ne3A_1246 = arith.cmpi ne, %rem3A_1244, %ne3A_1245 : i32
    %and3A_1247 = arith.andi %ne3A_1243, %ne3A_1246 : i1
    %sub3A_1248 = arith.constant 1 : i32
    %sub3A_1249 = arith.subi %div3A_1228, %sub3A_1248 : i32
    %select_n3A_1250 = arith.select %and3A_1247, %sub3A_1249, %div3A_1228 : i32
    %mul3A_1251 = arith.constant 26 : i32
    %mul3A_1252 = arith.muli %select_n3A_1250, %mul3A_1251 : i32
    %sub3A_1253 = arith.subi %add3A_1226, %mul3A_1252 : i32
    %mul3A_1254 = arith.constant 100000 : i32
    %mul3A_1255 = arith.muli %sub3A_1253, %mul3A_1254 : i32
    %broadcast_in_dim3A_1256 = vector.broadcast %mul3A_1255 : i32 to vector<16xi32>
    %get3A_1257 = arith.constant 7 : i32
    %get3A_1258 = arith.index_cast %get3A_1257 : i32 to index
    %get3A_1259 = arith.constant 0 : index
    %get3A_1260 = tpu.vector_load %arg7[%get3A_1258, %get3A_1259] {strides = array<i32>} : memref<32x200xi32, #tpu.memory_space<vmem>>, vector<16xi32>,
    %add3A_1261 = arith.addi %get3A_1260, %broadcast_in_dim3A_1256 : vector<16xi32>
    %swap3A_1262 = arith.constant 14 : i32
    %swap3A_1263 = arith.index_cast %swap3A_1262 : i32 to index
    %swap3A_1264 = arith.constant 0 : index
    %swap3A_1265 = tpu.vector_load %arg8[%swap3A_1263, %swap3A_1264] {strides = array<i32>} : memref<16x104xi32, #tpu.memory_space<vmem>>, vector<16xi32>,
    tpu.vector_store %arg8[%swap3A_1263, %swap3A_1264], %add3A_1261 {strides = array<i32>} : memref<16x104xi32, #tpu.memory_space<vmem>>, vector<16xi32>,
    %get3A_1266 = arith.constant 7 : i32
    %get3A_1267 = arith.index_cast %get3A_1266 : i32 to index
    %get3A_1268 = arith.constant 16 : index
    %get3A_1269 = tpu.vector_load %arg7[%get3A_1267, %get3A_1268] {strides = array<i32>} : memref<32x200xi32, #tpu.memory_space<vmem>>, vector<16xi32>,
    %add3A_1270 = arith.addi %get3A_1269, %broadcast_in_dim3A_1256 : vector<16xi32>
    %swap3A_1271 = arith.constant 14 : i32
    %swap3A_1272 = arith.index_cast %swap3A_1271 : i32 to index
    %swap3A_1273 = arith.constant 16 : index
    %swap3A_1274 = tpu.vector_load %arg8[%swap3A_1272, %swap3A_1273] {strides = array<i32>} : memref<16x104xi32, #tpu.memory_space<vmem>>, vector<16xi32>,
    tpu.vector_store %arg8[%swap3A_1272, %swap3A_1273], %add3A_1270 {strides = array<i32>} : memref<16x104xi32, #tpu.memory_space<vmem>>, vector<16xi32>,
    %get3A_1275 = arith.constant 7 : i32
    %get3A_1276 = arith.index_cast %get3A_1275 : i32 to index
    %get3A_1277 = arith.constant 32 : index
    %get3A_1278 = tpu.vector_load %arg7[%get3A_1276, %get3A_1277] {strides = array<i32>} : memref<32x200xi32, #tpu.memory_space<vmem>>, vector<16xi32>,
    %add3A_1279 = arith.addi %get3A_1278, %broadcast_in_dim3A_1256 : vector<16xi32>
    %swap3A_1280 = arith.constant 14 : i32
    %swap3A_1281 = arith.index_cast %swap3A_1280 : i32 to index
    %swap3A_1282 = arith.constant 32 : index
    %swap3A_1283 = tpu.vector_load %arg8[%swap3A_1281, %swap3A_1282] {strides = array<i32>} : memref<16x104xi32, #tpu.memory_space<vmem>>, vector<16xi32>,
    tpu.vector_store %arg8[%swap3A_1281, %swap3A_1282], %add3A_1279 {strides = array<i32>} : memref<16x104xi32, #tpu.memory_space<vmem>>, vector<16xi32>,
    %get3A_1284 = arith.constant 7 : i32
    %get3A_1285 = arith.index_cast %get3A_1284 : i32 to index
    %get3A_1286 = arith.constant 48 : index
    %get3A_1287 = tpu.vector_load %arg7[%get3A_1285, %get3A_1286] {strides = array<i32>} : memref<32x200xi32, #tpu.memory_space<vmem>>, vector<16xi32>,
    %add3A_1288 = arith.addi %get3A_1287, %broadcast_in_dim3A_1256 : vector<16xi32>
    %swap3A_1289 = arith.constant 14 : i32
    %swap3A_1290 = arith.index_cast %swap3A_1289 : i32 to index
    %swap3A_1291 = arith.constant 48 : index
    %swap3A_1292 = tpu.vector_load %arg8[%swap3A_1290, %swap3A_1291] {strides = array<i32>} : memref<16x104xi32, #tpu.memory_space<vmem>>, vector<16xi32>,
    tpu.vector_store %arg8[%swap3A_1290, %swap3A_1291], %add3A_1288 {strides = array<i32>} : memref<16x104xi32, #tpu.memory_space<vmem>>, vector<16xi32>,
    %get3A_1293 = arith.constant 7 : i32
    %get3A_1294 = arith.index_cast %get3A_1293 : i32 to index
    %get3A_1295 = arith.constant 64 : index
    %get3A_1296 = tpu.vector_load %arg7[%get3A_1294, %get3A_1295] {strides = array<i32>} : memref<32x200xi32, #tpu.memory_space<vmem>>, vector<16xi32>,
    %add3A_1297 = arith.addi %get3A_1296, %broadcast_in_dim3A_1256 : vector<16xi32>
    %swap3A_1298 = arith.constant 14 : i32
    %swap3A_1299 = arith.index_cast %swap3A_1298 : i32 to index
    %swap3A_1300 = arith.constant 64 : index
    %swap3A_1301 = tpu.vector_load %arg8[%swap3A_1299, %swap3A_1300] {strides = array<i32>} : memref<16x104xi32, #tpu.memory_space<vmem>>, vector<16xi32>,
    tpu.vector_store %arg8[%swap3A_1299, %swap3A_1300], %add3A_1297 {strides = array<i32>} : memref<16x104xi32, #tpu.memory_space<vmem>>, vector<16xi32>,
    %get3A_1302 = arith.constant 7 : i32
    %get3A_1303 = arith.index_cast %get3A_1302 : i32 to index
    %get3A_1304 = arith.constant 80 : index
    %get3A_1305 = tpu.vector_load %arg7[%get3A_1303, %get3A_1304] {strides = array<i32>} : memref<32x200xi32, #tpu.memory_space<vmem>>, vector<16xi32>,
    %add3A_1306 = arith.addi %get3A_1305, %broadcast_in_dim3A_1256 : vector<16xi32>
    %swap3A_1307 = arith.constant 14 : i32
    %swap3A_1308 = arith.index_cast %swap3A_1307 : i32 to index
    %swap3A_1309 = arith.constant 80 : index
    %swap3A_1310 = tpu.vector_load %arg8[%swap3A_1308, %swap3A_1309] {strides = array<i32>} : memref<16x104xi32, #tpu.memory_space<vmem>>, vector<16xi32>,
    tpu.vector_store %arg8[%swap3A_1308, %swap3A_1309], %add3A_1306 {strides = array<i32>} : memref<16x104xi32, #tpu.memory_space<vmem>>, vector<16xi32>,
    %get3A_1311 = arith.constant 7 : i32
    %get3A_1312 = arith.index_cast %get3A_1311 : i32 to index
    %get3A_1313 = arith.constant 88 : index
    %get3A_1314 = tpu.vector_load %arg7[%get3A_1312, %get3A_1313] {strides = array<i32>} : memref<32x200xi32, #tpu.memory_space<vmem>>, vector<16xi32>,
    %add3A_1315 = arith.addi %get3A_1314, %broadcast_in_dim3A_1256 : vector<16xi32>
    %swap3A_1316 = arith.constant 14 : i32
    %swap3A_1317 = arith.index_cast %swap3A_1316 : i32 to index
    %swap3A_1318 = arith.constant 88 : index
    %swap3A_1319 = tpu.vector_load %arg8[%swap3A_1317, %swap3A_1318] {strides = array<i32>} : memref<16x104xi32, #tpu.memory_space<vmem>>, vector<16xi32>,
    tpu.vector_store %arg8[%swap3A_1317, %swap3A_1318], %add3A_1315 {strides = array<i32>} : memref<16x104xi32, #tpu.memory_space<vmem>>, vector<16xi32>,
    %get3A_1320 = arith.constant 7 : i32
    %get3A_1321 = arith.index_cast %get3A_1320 : i32 to index
    %get3A_1322 = arith.constant 104 : index
    %get3A_1323 = tpu.vector_load %arg7[%get3A_1321, %get3A_1322] {strides = array<i32>} : memref<32x200xi32, #tpu.memory_space<vmem>>, vector<16xi32>,
    %add3A_1324 = arith.addi %get3A_1323, %broadcast_in_dim3A_1256 : vector<16xi32>
    %swap3A_1325 = arith.constant 15 : i32
    %swap3A_1326 = arith.index_cast %swap3A_1325 : i32 to index
    %swap3A_1327 = arith.constant 0 : index
    %swap3A_1328 = tpu.vector_load %arg8[%swap3A_1326, %swap3A_1327] {strides = array<i32>} : memref<16x104xi32, #tpu.memory_space<vmem>>, vector<16xi32>,
    tpu.vector_store %arg8[%swap3A_1326, %swap3A_1327], %add3A_1324 {strides = array<i32>} : memref<16x104xi32, #tpu.memory_space<vmem>>, vector<16xi32>,
    %get3A_1329 = arith.constant 7 : i32
    %get3A_1330 = arith.index_cast %get3A_1329 : i32 to index
    %get3A_1331 = arith.constant 120 : index
    %get3A_1332 = tpu.vector_load %arg7[%get3A_1330, %get3A_1331] {strides = array<i32>} : memref<32x200xi32, #tpu.memory_space<vmem>>, vector<16xi32>,
    %add3A_1333 = arith.addi %get3A_1332, %broadcast_in_dim3A_1256 : vector<16xi32>
    %swap3A_1334 = arith.constant 15 : i32
    %swap3A_1335 = arith.index_cast %swap3A_1334 : i32 to index
    %swap3A_1336 = arith.constant 16 : index
    %swap3A_1337 = tpu.vector_load %arg8[%swap3A_1335, %swap3A_1336] {strides = array<i32>} : memref<16x104xi32, #tpu.memory_space<vmem>>, vector<16xi32>,
    tpu.vector_store %arg8[%swap3A_1335, %swap3A_1336], %add3A_1333 {strides = array<i32>} : memref<16x104xi32, #tpu.memory_space<vmem>>, vector<16xi32>,
    %get3A_1338 = arith.constant 7 : i32
    %get3A_1339 = arith.index_cast %get3A_1338 : i32 to index
    %get3A_1340 = arith.constant 136 : index
    %get3A_1341 = tpu.vector_load %arg7[%get3A_1339, %get3A_1340] {strides = array<i32>} : memref<32x200xi32, #tpu.memory_space<vmem>>, vector<16xi32>,
    %add3A_1342 = arith.addi %get3A_1341, %broadcast_in_dim3A_1256 : vector<16xi32>
    %swap3A_1343 = arith.constant 15 : i32
    %swap3A_1344 = arith.index_cast %swap3A_1343 : i32 to index
    %swap3A_1345 = arith.constant 32 : index
    %swap3A_1346 = tpu.vector_load %arg8[%swap3A_1344, %swap3A_1345] {strides = array<i32>} : memref<16x104xi32, #tpu.memory_space<vmem>>, vector<16xi32>,
    tpu.vector_store %arg8[%swap3A_1344, %swap3A_1345], %add3A_1342 {strides = array<i32>} : memref<16x104xi32, #tpu.memory_space<vmem>>, vector<16xi32>,
    %get3A_1347 = arith.constant 7 : i32
    %get3A_1348 = arith.index_cast %get3A_1347 : i32 to index
    %get3A_1349 = arith.constant 152 : index
    %get3A_1350 = tpu.vector_load %arg7[%get3A_1348, %get3A_1349] {strides = array<i32>} : memref<32x200xi32, #tpu.memory_space<vmem>>, vector<16xi32>,
    %add3A_1351 = arith.addi %get3A_1350, %broadcast_in_dim3A_1256 : vector<16xi32>
    %swap3A_1352 = arith.constant 15 : i32
    %swap3A_1353 = arith.index_cast %swap3A_1352 : i32 to index
    %swap3A_1354 = arith.constant 48 : index
    %swap3A_1355 = tpu.vector_load %arg8[%swap3A_1353, %swap3A_1354] {strides = array<i32>} : memref<16x104xi32, #tpu.memory_space<vmem>>, vector<16xi32>,
    tpu.vector_store %arg8[%swap3A_1353, %swap3A_1354], %add3A_1351 {strides = array<i32>} : memref<16x104xi32, #tpu.memory_space<vmem>>, vector<16xi32>,
    %get3A_1356 = arith.constant 7 : i32
    %get3A_1357 = arith.index_cast %get3A_1356 : i32 to index
    %get3A_1358 = arith.constant 168 : index
    %get3A_1359 = tpu.vector_load %arg7[%get3A_1357, %get3A_1358] {strides = array<i32>} : memref<32x200xi32, #tpu.memory_space<vmem>>, vector<16xi32>,
    %add3A_1360 = arith.addi %get3A_1359, %broadcast_in_dim3A_1256 : vector<16xi32>
    %swap3A_1361 = arith.constant 15 : i32
    %swap3A_1362 = arith.index_cast %swap3A_1361 : i32 to index
    %swap3A_1363 = arith.constant 64 : index
    %swap3A_1364 = tpu.vector_load %arg8[%swap3A_1362, %swap3A_1363] {strides = array<i32>} : memref<16x104xi32, #tpu.memory_space<vmem>>, vector<16xi32>,
    tpu.vector_store %arg8[%swap3A_1362, %swap3A_1363], %add3A_1360 {strides = array<i32>} : memref<16x104xi32, #tpu.memory_space<vmem>>, vector<16xi32>,
    %get3A_1365 = arith.constant 7 : i32
    %get3A_1366 = arith.index_cast %get3A_1365 : i32 to index
    %get3A_1367 = arith.constant 184 : index
    %get3A_1368 = tpu.vector_load %arg7[%get3A_1366, %get3A_1367] {strides = array<i32>} : memref<32x200xi32, #tpu.memory_space<vmem>>, vector<16xi32>,
    %add3A_1369 = arith.addi %get3A_1368, %broadcast_in_dim3A_1256 : vector<16xi32>
    %swap3A_1370 = arith.constant 15 : i32
    %swap3A_1371 = arith.index_cast %swap3A_1370 : i32 to index
    %swap3A_1372 = arith.constant 80 : index
    %swap3A_1373 = tpu.vector_load %arg8[%swap3A_1371, %swap3A_1372] {strides = array<i32>} : memref<16x104xi32, #tpu.memory_space<vmem>>, vector<16xi32>,
    tpu.vector_store %arg8[%swap3A_1371, %swap3A_1372], %add3A_1369 {strides = array<i32>} : memref<16x104xi32, #tpu.memory_space<vmem>>, vector<16xi32>,
    %dma_start3A_1374 = arith.constant 14 : i32
    %dma_start3A_1375 = arith.constant 1456 : i32
    %dma_start3A_1376 = arith.constant 0 : i32
    %dma_start3A_1377 = tpu.memref_slice %arg9[%dma_start3A_1375, %dma_start3A_1376] : memref<1664x16xf32, #tpu.memory_space<vmem>> -> memref<104x16xf32, #tpu.memory_space<vmem>>
    %dma_start3A_1378 = arith.constant 0 : i32
    %dma_start3A_1379 = tpu.memref_slice %arg8[%dma_start3A_1374, %dma_start3A_1378] : memref<16x104xi32, #tpu.memory_space<vmem>> -> memref<1x104xi32, #tpu.memory_space<vmem>>
    %dma_start3A_1380 = tpu.memref_squeeze %dma_start3A_1379 : memref<1x104xi32, #tpu.memory_space<vmem>> -> memref<104xi32, #tpu.memory_space<vmem>>
    %dma_start3A_1381 = arith.constant 0 : i32
    %dma_start3A_1382 = arith.constant 0 : i32
    %dma_start3A_1383 = tpu.memref_slice %arg5[%dma_start3A_1381, %dma_start3A_1382] : memref<2600000x16xf32, #tpu.memory_space<hbm>> -> memref<2600000x16xf32, #tpu.memory_space<hbm>>
    tpu.enqueue_indirect_dma source(%dma_start3A_1383 : memref<2600000x16xf32, #tpu.memory_space<hbm>>) target(%dma_start3A_1377 : memref<104x16xf32, #tpu.memory_space<vmem>>) offsets(%dma_start3A_1380 : memref<104xi32, #tpu.memory_space<vmem>>) semaphore(%arg18 : memref<!tpu.dma_semaphore, #tpu.memory_space<semaphore_mem>>)
    %dma_start3A_1384 = arith.constant 15 : i32
    %dma_start3A_1385 = arith.constant 1560 : i32
    %dma_start3A_1386 = arith.constant 0 : i32
    %dma_start3A_1387 = tpu.memref_slice %arg9[%dma_start3A_1385, %dma_start3A_1386] : memref<1664x16xf32, #tpu.memory_space<vmem>> -> memref<104x16xf32, #tpu.memory_space<vmem>>
    %dma_start3A_1388 = arith.constant 0 : i32
    %dma_start3A_1389 = tpu.memref_slice %arg8[%dma_start3A_1384, %dma_start3A_1388] : memref<16x104xi32, #tpu.memory_space<vmem>> -> memref<1x104xi32, #tpu.memory_space<vmem>>
    %dma_start3A_1390 = tpu.memref_squeeze %dma_start3A_1389 : memref<1x104xi32, #tpu.memory_space<vmem>> -> memref<104xi32, #tpu.memory_space<vmem>>
    %dma_start3A_1391 = arith.constant 0 : i32
    %dma_start3A_1392 = arith.constant 0 : i32
    %dma_start3A_1393 = tpu.memref_slice %arg5[%dma_start3A_1391, %dma_start3A_1392] : memref<2600000x16xf32, #tpu.memory_space<hbm>> -> memref<2600000x16xf32, #tpu.memory_space<hbm>>
    tpu.enqueue_indirect_dma source(%dma_start3A_1393 : memref<2600000x16xf32, #tpu.memory_space<hbm>>) target(%dma_start3A_1387 : memref<104x16xf32, #tpu.memory_space<vmem>>) offsets(%dma_start3A_1390 : memref<104xi32, #tpu.memory_space<vmem>>) semaphore(%arg18 : memref<!tpu.dma_semaphore, #tpu.memory_space<semaphore_mem>>)
    %mul3A_1394 = arith.constant 32 : i32
    %mul3A_1395 = arith.muli %add3A, %mul3A_1394 : i32
    %add3A_1396 = arith.constant 0 : i32
    %add3A_1397 = arith.addi %mul3A_1395, %add3A_1396 : i32
    %mul3A_1398 = arith.constant 88000 : i32
    %mul3A_1399 = arith.muli %add3A_1397, %mul3A_1398 : i32
    %dma_start3A_1400 = arith.constant 3200 : i32
    %dma_start3A_1401 = tpu.memref_slice %arg10[%dma_start3A_1400] : memref<16000xf32, #tpu.memory_space<vmem>> -> memref<4800xf32, #tpu.memory_space<vmem>>
    %dma_start3A_1402 = tpu.memref_slice %arg6[%mul3A_1399] : memref<90112000xf32, #tpu.memory_space<hbm>> -> memref<4800xf32, #tpu.memory_space<hbm>>
    %dma_start3A_1403 = tpu.memref_slice %arg6[%mul3A_1399] : memref<90112000xf32, #tpu.memory_space<hbm>> -> memref<4800xf32, #tpu.memory_space<hbm>>
    %dma_start3A_1404 = arith.constant 3200 : i32
    %dma_start3A_1405 = tpu.memref_slice %arg10[%dma_start3A_1404] : memref<16000xf32, #tpu.memory_space<vmem>> -> memref<4800xf32, #tpu.memory_space<vmem>>
    tpu.enqueue_dma source(%dma_start3A_1405 : memref<4800xf32, #tpu.memory_space<vmem>>) target(%dma_start3A_1403 : memref<4800xf32, #tpu.memory_space<hbm>>) target_semaphore(%arg21 : memref<!tpu.dma_semaphore, #tpu.memory_space<semaphore_mem>>)
    %mul3A_1406 = arith.constant 32 : i32
    %mul3A_1407 = arith.muli %add3A, %mul3A_1406 : i32
    %add3A_1408 = arith.constant 1 : i32
    %add3A_1409 = arith.addi %mul3A_1407, %add3A_1408 : i32
    %mul3A_1410 = arith.constant 88000 : i32
    %mul3A_1411 = arith.muli %add3A_1409, %mul3A_1410 : i32
    %dma_start3A_1412 = arith.constant 11200 : i32
    %dma_start3A_1413 = tpu.memref_slice %arg10[%dma_start3A_1412] : memref<16000xf32, #tpu.memory_space<vmem>> -> memref<4800xf32, #tpu.memory_space<vmem>>
    %dma_start3A_1414 = tpu.memref_slice %arg6[%mul3A_1411] : memref<90112000xf32, #tpu.memory_space<hbm>> -> memref<4800xf32, #tpu.memory_space<hbm>>
    %dma_start3A_1415 = tpu.memref_slice %arg6[%mul3A_1411] : memref<90112000xf32, #tpu.memory_space<hbm>> -> memref<4800xf32, #tpu.memory_space<hbm>>
    %dma_start3A_1416 = arith.constant 11200 : i32
    %dma_start3A_1417 = tpu.memref_slice %arg10[%dma_start3A_1416] : memref<16000xf32, #tpu.memory_space<vmem>> -> memref<4800xf32, #tpu.memory_space<vmem>>
    tpu.enqueue_dma source(%dma_start3A_1417 : memref<4800xf32, #tpu.memory_space<vmem>>) target(%dma_start3A_1415 : memref<4800xf32, #tpu.memory_space<hbm>>) target_semaphore(%arg21 : memref<!tpu.dma_semaphore, #tpu.memory_space<semaphore_mem>>)
    %scan3A = arith.constant 0 : i32
    %scan3A_1418 = arith.constant 0 : i32
    %scan3A_1419 = arith.constant 16 : i32
    %scan3A_1420 = arith.addi %scan3A_1418, %scan3A_1419 : i32
    %scan3A_1421 = arith.constant 1 : i32
    %scan3A_1422 = scf.for %scan3A_1822 = %scan3A_1418 to %scan3A_1420 step %scan3A_1421 iter_args(%scan3A_1823 = %scan3A) -> (i32)  : i32 {
      %mul3A_1824 = arith.constant 32 : i32
      %mul3A_1825 = arith.muli %add3A, %mul3A_1824 : i32
      %mul3A_1826 = arith.constant 2 : i32
      %mul3A_1827 = arith.muli %mul3A_1826, %scan3A_1822 : i32
      %add3A_1828 = arith.addi %mul3A_1825, %mul3A_1827 : i32
      %add3A_1829 = arith.constant 0 : i32
      %add3A_1830 = arith.addi %add3A_1828, %add3A_1829 : i32
      %mul3A_1831 = arith.constant 88000 : i32
      %mul3A_1832 = arith.muli %add3A_1830, %mul3A_1831 : i32
      %dma_wait3A_1833 = arith.constant 3200 : i32
      %dma_wait3A_1834 = tpu.memref_slice %arg10[%dma_wait3A_1833] : memref<16000xf32, #tpu.memory_space<vmem>> -> memref<4800xf32, #tpu.memory_space<vmem>>
      %dma_wait3A_1835 = tpu.memref_slice %arg6[%mul3A_1832] : memref<90112000xf32, #tpu.memory_space<hbm>> -> memref<4800xf32, #tpu.memory_space<hbm>>
      %dma_wait3A_1836 = tpu.memref_slice %arg6[%mul3A_1832] : memref<90112000xf32, #tpu.memory_space<hbm>> -> memref<4800xf32, #tpu.memory_space<hbm>>
      %dma_wait3A_1837 = arith.constant 3200 : i32
      %dma_wait3A_1838 = tpu.memref_slice %arg10[%dma_wait3A_1837] : memref<16000xf32, #tpu.memory_space<vmem>> -> memref<4800xf32, #tpu.memory_space<vmem>>
      tpu.wait_dma2 semaphore(%arg21 : memref<!tpu.dma_semaphore, #tpu.memory_space<semaphore_mem>>) src(%dma_wait3A_1838 : memref<4800xf32, #tpu.memory_space<vmem>>) dst(%dma_wait3A_1836 : memref<4800xf32, #tpu.memory_space<hbm>>)
      %mul3A_1839 = arith.constant 16 : i32
      %mul3A_1840 = arith.muli %add3A_1830, %mul3A_1839 : i32
      %mul3A_1841 = arith.constant 200 : i32
      %mul3A_1842 = arith.muli %mul3A_1840, %mul3A_1841 : i32
      "tpu.region"() ({
        %run_scoped3A = tpu.sem_alloc : memref<!tpu.dma_semaphore, #tpu.memory_space<semaphore_mem>>
        %dma_start3A_1887 = arith.constant 3200 : i32
        %dma_start3A_1888 = tpu.memref_slice %arg10[%dma_start3A_1887] : memref<16000xf32, #tpu.memory_space<vmem>> -> memref<3200xf32, #tpu.memory_space<vmem>>
        %dma_start3A_1889 = tpu.memref_slice %arg2[%mul3A_1842] : memref<3276800xf32, #tpu.memory_space<hbm>> -> memref<3200xf32, #tpu.memory_space<hbm>>
        %dma_start3A_1890 = arith.constant 3200 : i32
        %dma_start3A_1891 = tpu.memref_slice %arg10[%dma_start3A_1890] : memref<16000xf32, #tpu.memory_space<vmem>> -> memref<3200xf32, #tpu.memory_space<vmem>>
        %dma_start3A_1892 = tpu.memref_slice %arg2[%mul3A_1842] : memref<3276800xf32, #tpu.memory_space<hbm>> -> memref<3200xf32, #tpu.memory_space<hbm>>
        tpu.enqueue_dma source(%dma_start3A_1892 : memref<3200xf32, #tpu.memory_space<hbm>>) target(%dma_start3A_1891 : memref<3200xf32, #tpu.memory_space<vmem>>) target_semaphore(%run_scoped3A : memref<!tpu.dma_semaphore, #tpu.memory_space<semaphore_mem>>)
        %dma_wait3A_1893 = arith.constant 3200 : i32
        %dma_wait3A_1894 = tpu.memref_slice %arg10[%dma_wait3A_1893] : memref<16000xf32, #tpu.memory_space<vmem>> -> memref<3200xf32, #tpu.memory_space<vmem>>
        %dma_wait3A_1895 = tpu.memref_slice %arg2[%mul3A_1842] : memref<3276800xf32, #tpu.memory_space<hbm>> -> memref<3200xf32, #tpu.memory_space<hbm>>
        %dma_wait3A_1896 = arith.constant 3200 : i32
        %dma_wait3A_1897 = tpu.memref_slice %arg10[%dma_wait3A_1896] : memref<16000xf32, #tpu.memory_space<vmem>> -> memref<3200xf32, #tpu.memory_space<vmem>>
        %dma_wait3A_1898 = tpu.memref_slice %arg2[%mul3A_1842] : memref<3276800xf32, #tpu.memory_space<hbm>> -> memref<3200xf32, #tpu.memory_space<hbm>>
        tpu.wait_dma2 semaphore(%run_scoped3A : memref<!tpu.dma_semaphore, #tpu.memory_space<semaphore_mem>>) src(%dma_wait3A_1898 : memref<3200xf32, #tpu.memory_space<hbm>>) dst(%dma_wait3A_1897 : memref<3200xf32, #tpu.memory_space<vmem>>)
        tpu.yield
      }) : () -> ()
      %mul3A_1843 = arith.constant 8 : i32
      %mul3A_1844 = arith.muli %add3A_1830, %mul3A_1843 : i32
      %mul3A_1845 = arith.constant 200 : i32
      %mul3A_1846 = arith.muli %mul3A_1844, %mul3A_1845 : i32
      "tpu.region"() ({
        %run_scoped3A = tpu.sem_alloc : memref<!tpu.dma_semaphore, #tpu.memory_space<semaphore_mem>>
        %dma_start3A_1887 = arith.constant 6400 : i32
        %dma_start3A_1888 = tpu.memref_slice %arg10[%dma_start3A_1887] : memref<16000xf32, #tpu.memory_space<vmem>> -> memref<1600xf32, #tpu.memory_space<vmem>>
        %dma_start3A_1889 = tpu.memref_slice %arg3[%mul3A_1846] : memref<1638400xf32, #tpu.memory_space<hbm>> -> memref<1600xf32, #tpu.memory_space<hbm>>
        %dma_start3A_1890 = arith.constant 6400 : i32
        %dma_start3A_1891 = tpu.memref_slice %arg10[%dma_start3A_1890] : memref<16000xf32, #tpu.memory_space<vmem>> -> memref<1600xf32, #tpu.memory_space<vmem>>
        %dma_start3A_1892 = tpu.memref_slice %arg3[%mul3A_1846] : memref<1638400xf32, #tpu.memory_space<hbm>> -> memref<1600xf32, #tpu.memory_space<hbm>>
        tpu.enqueue_dma source(%dma_start3A_1892 : memref<1600xf32, #tpu.memory_space<hbm>>) target(%dma_start3A_1891 : memref<1600xf32, #tpu.memory_space<vmem>>) target_semaphore(%run_scoped3A : memref<!tpu.dma_semaphore, #tpu.memory_space<semaphore_mem>>)
        %dma_wait3A_1893 = arith.constant 6400 : i32
        %dma_wait3A_1894 = tpu.memref_slice %arg10[%dma_wait3A_1893] : memref<16000xf32, #tpu.memory_space<vmem>> -> memref<1600xf32, #tpu.memory_space<vmem>>
        %dma_wait3A_1895 = tpu.memref_slice %arg3[%mul3A_1846] : memref<1638400xf32, #tpu.memory_space<hbm>> -> memref<1600xf32, #tpu.memory_space<hbm>>
        %dma_wait3A_1896 = arith.constant 6400 : i32
        %dma_wait3A_1897 = tpu.memref_slice %arg10[%dma_wait3A_1896] : memref<16000xf32, #tpu.memory_space<vmem>> -> memref<1600xf32, #tpu.memory_space<vmem>>
        %dma_wait3A_1898 = tpu.memref_slice %arg3[%mul3A_1846] : memref<1638400xf32, #tpu.memory_space<hbm>> -> memref<1600xf32, #tpu.memory_space<hbm>>
        tpu.wait_dma2 semaphore(%run_scoped3A : memref<!tpu.dma_semaphore, #tpu.memory_space<semaphore_mem>>) src(%dma_wait3A_1898 : memref<1600xf32, #tpu.memory_space<hbm>>) dst(%dma_wait3A_1897 : memref<1600xf32, #tpu.memory_space<vmem>>)
        tpu.yield
      }) : () -> ()
      %mul3A_1847 = arith.constant 88000 : i32
      %mul3A_1848 = arith.muli %add3A_1830, %mul3A_1847 : i32
      %dma_start3A_1849 = arith.constant 3200 : i32
      %dma_start3A_1850 = tpu.memref_slice %arg10[%dma_start3A_1849] : memref<16000xf32, #tpu.memory_space<vmem>> -> memref<4800xf32, #tpu.memory_space<vmem>>
      %dma_start3A_1851 = tpu.memref_slice %arg6[%mul3A_1848] : memref<90112000xf32, #tpu.memory_space<hbm>> -> memref<4800xf32, #tpu.memory_space<hbm>>
      %dma_start3A_1852 = tpu.memref_slice %arg6[%mul3A_1848] : memref<90112000xf32, #tpu.memory_space<hbm>> -> memref<4800xf32, #tpu.memory_space<hbm>>
      %dma_start3A_1853 = arith.constant 3200 : i32
      %dma_start3A_1854 = tpu.memref_slice %arg10[%dma_start3A_1853] : memref<16000xf32, #tpu.memory_space<vmem>> -> memref<4800xf32, #tpu.memory_space<vmem>>
      tpu.enqueue_dma source(%dma_start3A_1854 : memref<4800xf32, #tpu.memory_space<vmem>>) target(%dma_start3A_1852 : memref<4800xf32, #tpu.memory_space<hbm>>) target_semaphore(%arg21 : memref<!tpu.dma_semaphore, #tpu.memory_space<semaphore_mem>>)
      %mul3A_1855 = arith.constant 32 : i32
      %mul3A_1856 = arith.muli %add3A, %mul3A_1855 : i32
      %mul3A_1857 = arith.constant 2 : i32
      %mul3A_1858 = arith.muli %mul3A_1857, %scan3A_1822 : i32
      %add3A_1859 = arith.addi %mul3A_1856, %mul3A_1858 : i32
      %add3A_1860 = arith.constant 1 : i32
      %add3A_1861 = arith.addi %add3A_1859, %add3A_1860 : i32
      %mul3A_1862 = arith.constant 88000 : i32
      %mul3A_1863 = arith.muli %add3A_1861, %mul3A_1862 : i32
      %dma_wait3A_1864 = arith.constant 11200 : i32
      %dma_wait3A_1865 = tpu.memref_slice %arg10[%dma_wait3A_1864] : memref<16000xf32, #tpu.memory_space<vmem>> -> memref<4800xf32, #tpu.memory_space<vmem>>
      %dma_wait3A_1866 = tpu.memref_slice %arg6[%mul3A_1863] : memref<90112000xf32, #tpu.memory_space<hbm>> -> memref<4800xf32, #tpu.memory_space<hbm>>
      %dma_wait3A_1867 = tpu.memref_slice %arg6[%mul3A_1863] : memref<90112000xf32, #tpu.memory_space<hbm>> -> memref<4800xf32, #tpu.memory_space<hbm>>
      %dma_wait3A_1868 = arith.constant 11200 : i32
      %dma_wait3A_1869 = tpu.memref_slice %arg10[%dma_wait3A_1868] : memref<16000xf32, #tpu.memory_space<vmem>> -> memref<4800xf32, #tpu.memory_space<vmem>>
      tpu.wait_dma2 semaphore(%arg21 : memref<!tpu.dma_semaphore, #tpu.memory_space<semaphore_mem>>) src(%dma_wait3A_1869 : memref<4800xf32, #tpu.memory_space<vmem>>) dst(%dma_wait3A_1867 : memref<4800xf32, #tpu.memory_space<hbm>>)
      %mul3A_1870 = arith.constant 16 : i32
      %mul3A_1871 = arith.muli %add3A_1861, %mul3A_1870 : i32
      %mul3A_1872 = arith.constant 200 : i32
      %mul3A_1873 = arith.muli %mul3A_1871, %mul3A_1872 : i32
      "tpu.region"() ({
        %run_scoped3A = tpu.sem_alloc : memref<!tpu.dma_semaphore, #tpu.memory_space<semaphore_mem>>
        %dma_start3A_1887 = arith.constant 11200 : i32
        %dma_start3A_1888 = tpu.memref_slice %arg10[%dma_start3A_1887] : memref<16000xf32, #tpu.memory_space<vmem>> -> memref<3200xf32, #tpu.memory_space<vmem>>
        %dma_start3A_1889 = tpu.memref_slice %arg2[%mul3A_1873] : memref<3276800xf32, #tpu.memory_space<hbm>> -> memref<3200xf32, #tpu.memory_space<hbm>>
        %dma_start3A_1890 = arith.constant 11200 : i32
        %dma_start3A_1891 = tpu.memref_slice %arg10[%dma_start3A_1890] : memref<16000xf32, #tpu.memory_space<vmem>> -> memref<3200xf32, #tpu.memory_space<vmem>>
        %dma_start3A_1892 = tpu.memref_slice %arg2[%mul3A_1873] : memref<3276800xf32, #tpu.memory_space<hbm>> -> memref<3200xf32, #tpu.memory_space<hbm>>
        tpu.enqueue_dma source(%dma_start3A_1892 : memref<3200xf32, #tpu.memory_space<hbm>>) target(%dma_start3A_1891 : memref<3200xf32, #tpu.memory_space<vmem>>) target_semaphore(%run_scoped3A : memref<!tpu.dma_semaphore, #tpu.memory_space<semaphore_mem>>)
        %dma_wait3A_1893 = arith.constant 11200 : i32
        %dma_wait3A_1894 = tpu.memref_slice %arg10[%dma_wait3A_1893] : memref<16000xf32, #tpu.memory_space<vmem>> -> memref<3200xf32, #tpu.memory_space<vmem>>
        %dma_wait3A_1895 = tpu.memref_slice %arg2[%mul3A_1873] : memref<3276800xf32, #tpu.memory_space<hbm>> -> memref<3200xf32, #tpu.memory_space<hbm>>
        %dma_wait3A_1896 = arith.constant 11200 : i32
        %dma_wait3A_1897 = tpu.memref_slice %arg10[%dma_wait3A_1896] : memref<16000xf32, #tpu.memory_space<vmem>> -> memref<3200xf32, #tpu.memory_space<vmem>>
        %dma_wait3A_1898 = tpu.memref_slice %arg2[%mul3A_1873] : memref<3276800xf32, #tpu.memory_space<hbm>> -> memref<3200xf32, #tpu.memory_space<hbm>>
        tpu.wait_dma2 semaphore(%run_scoped3A : memref<!tpu.dma_semaphore, #tpu.memory_space<semaphore_mem>>) src(%dma_wait3A_1898 : memref<3200xf32, #tpu.memory_space<hbm>>) dst(%dma_wait3A_1897 : memref<3200xf32, #tpu.memory_space<vmem>>)
        tpu.yield
      }) : () -> ()
      %mul3A_1874 = arith.constant 8 : i32
      %mul3A_1875 = arith.muli %add3A_1861, %mul3A_1874 : i32
      %mul3A_1876 = arith.constant 200 : i32
      %mul3A_1877 = arith.muli %mul3A_1875, %mul3A_1876 : i32
      "tpu.region"() ({
        %run_scoped3A = tpu.sem_alloc : memref<!tpu.dma_semaphore, #tpu.memory_space<semaphore_mem>>
        %dma_start3A_1887 = arith.constant 14400 : i32
        %dma_start3A_1888 = tpu.memref_slice %arg10[%dma_start3A_1887] : memref<16000xf32, #tpu.memory_space<vmem>> -> memref<1600xf32, #tpu.memory_space<vmem>>
        %dma_start3A_1889 = tpu.memref_slice %arg3[%mul3A_1877] : memref<1638400xf32, #tpu.memory_space<hbm>> -> memref<1600xf32, #tpu.memory_space<hbm>>
        %dma_start3A_1890 = arith.constant 14400 : i32
        %dma_start3A_1891 = tpu.memref_slice %arg10[%dma_start3A_1890] : memref<16000xf32, #tpu.memory_space<vmem>> -> memref<1600xf32, #tpu.memory_space<vmem>>
        %dma_start3A_1892 = tpu.memref_slice %arg3[%mul3A_1877] : memref<1638400xf32, #tpu.memory_space<hbm>> -> memref<1600xf32, #tpu.memory_space<hbm>>
        tpu.enqueue_dma source(%dma_start3A_1892 : memref<1600xf32, #tpu.memory_space<hbm>>) target(%dma_start3A_1891 : memref<1600xf32, #tpu.memory_space<vmem>>) target_semaphore(%run_scoped3A : memref<!tpu.dma_semaphore, #tpu.memory_space<semaphore_mem>>)
        %dma_wait3A_1893 = arith.constant 14400 : i32
        %dma_wait3A_1894 = tpu.memref_slice %arg10[%dma_wait3A_1893] : memref<16000xf32, #tpu.memory_space<vmem>> -> memref<1600xf32, #tpu.memory_space<vmem>>
        %dma_wait3A_1895 = tpu.memref_slice %arg3[%mul3A_1877] : memref<1638400xf32, #tpu.memory_space<hbm>> -> memref<1600xf32, #tpu.memory_space<hbm>>
        %dma_wait3A_1896 = arith.constant 14400 : i32
        %dma_wait3A_1897 = tpu.memref_slice %arg10[%dma_wait3A_1896] : memref<16000xf32, #tpu.memory_space<vmem>> -> memref<1600xf32, #tpu.memory_space<vmem>>
        %dma_wait3A_1898 = tpu.memref_slice %arg3[%mul3A_1877] : memref<1638400xf32, #tpu.memory_space<hbm>> -> memref<1600xf32, #tpu.memory_space<hbm>>
        tpu.wait_dma2 semaphore(%run_scoped3A : memref<!tpu.dma_semaphore, #tpu.memory_space<semaphore_mem>>) src(%dma_wait3A_1898 : memref<1600xf32, #tpu.memory_space<hbm>>) dst(%dma_wait3A_1897 : memref<1600xf32, #tpu.memory_space<vmem>>)
        tpu.yield
      }) : () -> ()
      %mul3A_1878 = arith.constant 88000 : i32
      %mul3A_1879 = arith.muli %add3A_1861, %mul3A_1878 : i32
      %dma_start3A_1880 = arith.constant 11200 : i32
      %dma_start3A_1881 = tpu.memref_slice %arg10[%dma_start3A_1880] : memref<16000xf32, #tpu.memory_space<vmem>> -> memref<4800xf32, #tpu.memory_space<vmem>>
      %dma_start3A_1882 = tpu.memref_slice %arg6[%mul3A_1879] : memref<90112000xf32, #tpu.memory_space<hbm>> -> memref<4800xf32, #tpu.memory_space<hbm>>
      %dma_start3A_1883 = tpu.memref_slice %arg6[%mul3A_1879] : memref<90112000xf32, #tpu.memory_space<hbm>> -> memref<4800xf32, #tpu.memory_space<hbm>>
      %dma_start3A_1884 = arith.constant 11200 : i32
      %dma_start3A_1885 = tpu.memref_slice %arg10[%dma_start3A_1884] : memref<16000xf32, #tpu.memory_space<vmem>> -> memref<4800xf32, #tpu.memory_space<vmem>>
      tpu.enqueue_dma source(%dma_start3A_1885 : memref<4800xf32, #tpu.memory_space<vmem>>) target(%dma_start3A_1883 : memref<4800xf32, #tpu.memory_space<hbm>>) target_semaphore(%arg21 : memref<!tpu.dma_semaphore, #tpu.memory_space<semaphore_mem>>)
      %scan3A_1886 = arith.constant 0 : i32
      scf.yield %scan3A_1886 : i32
    }
    %scan3A_1423 = arith.constant 16 : i32
    %mul3A_1424 = arith.constant 32 : i32
    %mul3A_1425 = arith.muli %add3A, %mul3A_1424 : i32
    %add3A_1426 = arith.constant 32 : i32
    %add3A_1427 = arith.addi %mul3A_1425, %add3A_1426 : i32
    %sub3A_1428 = arith.constant 2 : i32
    %sub3A_1429 = arith.subi %add3A_1427, %sub3A_1428 : i32
    %add3A_1430 = arith.constant 0 : i32
    %add3A_1431 = arith.addi %sub3A_1429, %add3A_1430 : i32
    %mul3A_1432 = arith.constant 88000 : i32
    %mul3A_1433 = arith.muli %add3A_1431, %mul3A_1432 : i32
    %dma_wait3A = arith.constant 3200 : i32
    %dma_wait3A_1434 = tpu.memref_slice %arg10[%dma_wait3A] : memref<16000xf32, #tpu.memory_space<vmem>> -> memref<4800xf32, #tpu.memory_space<vmem>>
    %dma_wait3A_1435 = tpu.memref_slice %arg6[%mul3A_1433] : memref<90112000xf32, #tpu.memory_space<hbm>> -> memref<4800xf32, #tpu.memory_space<hbm>>
    %dma_wait3A_1436 = tpu.memref_slice %arg6[%mul3A_1433] : memref<90112000xf32, #tpu.memory_space<hbm>> -> memref<4800xf32, #tpu.memory_space<hbm>>
    %dma_wait3A_1437 = arith.constant 3200 : i32
    %dma_wait3A_1438 = tpu.memref_slice %arg10[%dma_wait3A_1437] : memref<16000xf32, #tpu.memory_space<vmem>> -> memref<4800xf32, #tpu.memory_space<vmem>>
    tpu.wait_dma2 semaphore(%arg21 : memref<!tpu.dma_semaphore, #tpu.memory_space<semaphore_mem>>) src(%dma_wait3A_1438 : memref<4800xf32, #tpu.memory_space<vmem>>) dst(%dma_wait3A_1436 : memref<4800xf32, #tpu.memory_space<hbm>>)
    %mul3A_1439 = arith.constant 32 : i32
    %mul3A_1440 = arith.muli %add3A, %mul3A_1439 : i32
    %add3A_1441 = arith.constant 32 : i32
    %add3A_1442 = arith.addi %mul3A_1440, %add3A_1441 : i32
    %sub3A_1443 = arith.constant 2 : i32
    %sub3A_1444 = arith.subi %add3A_1442, %sub3A_1443 : i32
    %add3A_1445 = arith.constant 1 : i32
    %add3A_1446 = arith.addi %sub3A_1444, %add3A_1445 : i32
    %mul3A_1447 = arith.constant 88000 : i32
    %mul3A_1448 = arith.muli %add3A_1446, %mul3A_1447 : i32
    %dma_wait3A_1449 = arith.constant 11200 : i32
    %dma_wait3A_1450 = tpu.memref_slice %arg10[%dma_wait3A_1449] : memref<16000xf32, #tpu.memory_space<vmem>> -> memref<4800xf32, #tpu.memory_space<vmem>>
    %dma_wait3A_1451 = tpu.memref_slice %arg6[%mul3A_1448] : memref<90112000xf32, #tpu.memory_space<hbm>> -> memref<4800xf32, #tpu.memory_space<hbm>>
    %dma_wait3A_1452 = tpu.memref_slice %arg6[%mul3A_1448] : memref<90112000xf32, #tpu.memory_space<hbm>> -> memref<4800xf32, #tpu.memory_space<hbm>>
    %dma_wait3A_1453 = arith.constant 11200 : i32
    %dma_wait3A_1454 = tpu.memref_slice %arg10[%dma_wait3A_1453] : memref<16000xf32, #tpu.memory_space<vmem>> -> memref<4800xf32, #tpu.memory_space<vmem>>
    tpu.wait_dma2 semaphore(%arg21 : memref<!tpu.dma_semaphore, #tpu.memory_space<semaphore_mem>>) src(%dma_wait3A_1454 : memref<4800xf32, #tpu.memory_space<vmem>>) dst(%dma_wait3A_1452 : memref<4800xf32, #tpu.memory_space<hbm>>)
    %add3A_1455 = arith.constant 0 : i32
    %add3A_1456 = arith.addi %mul3A_2, %add3A_1455 : i32
    %jit3A_1457 = arith.constant 26 : i32
    %div3A_1458 = arith.divsi %add3A_1456, %jit3A_1457 : i32
    %sign3A_1459 = arith.constant 0 : i32
    %sign3A_1460 = arith.cmpi sgt, %add3A_1456, %sign3A_1459 : i32
    %sign3A_1461 = arith.extui %sign3A_1460 : i1 to i32
    %sign3A_1462 = arith.constant 0 : i32
    %sign3A_1463 = arith.cmpi slt, %add3A_1456, %sign3A_1462 : i32
    %sign3A_1464 = arith.extui %sign3A_1463 : i1 to i32
    %sign3A_1465 = arith.subi %sign3A_1461, %sign3A_1464 : i32
    %sign3A_1466 = arith.constant 0 : i32
    %sign3A_1467 = arith.cmpi sgt, %jit3A_1457, %sign3A_1466 : i32
    %sign3A_1468 = arith.extui %sign3A_1467 : i1 to i32
    %sign3A_1469 = arith.constant 0 : i32
    %sign3A_1470 = arith.cmpi slt, %jit3A_1457, %sign3A_1469 : i32
    %sign3A_1471 = arith.extui %sign3A_1470 : i1 to i32
    %sign3A_1472 = arith.subi %sign3A_1468, %sign3A_1471 : i32
    %ne3A_1473 = arith.cmpi ne, %sign3A_1465, %sign3A_1472 : i32
    %rem3A_1474 = arith.remsi %add3A_1456, %jit3A_1457 : i32
    %ne3A_1475 = arith.constant 0 : i32
    %ne3A_1476 = arith.cmpi ne, %rem3A_1474, %ne3A_1475 : i32
    %and3A_1477 = arith.andi %ne3A_1473, %ne3A_1476 : i1
    %sub3A_1478 = arith.constant 1 : i32
    %sub3A_1479 = arith.subi %div3A_1458, %sub3A_1478 : i32
    %select_n3A_1480 = arith.select %and3A_1477, %sub3A_1479, %div3A_1458 : i32
    %mul3A_1481 = arith.constant 26 : i32
    %mul3A_1482 = arith.muli %select_n3A_1480, %mul3A_1481 : i32
    %sub3A_1483 = arith.subi %add3A_1456, %mul3A_1482 : i32
    %mul3A_1484 = arith.constant 88000 : i32
    %mul3A_1485 = arith.muli %select_n3A_1480, %mul3A_1484 : i32
    %mul3A_1486 = arith.constant 16 : i32
    %mul3A_1487 = arith.muli %mul3A_1486, %sub3A_1483 : i32
    %add3A_1488 = arith.constant 24 : i32
    %add3A_1489 = arith.addi %add3A_1488, %mul3A_1487 : i32
    %mul3A_1490 = arith.constant 200 : i32
    %mul3A_1491 = arith.muli %add3A_1489, %mul3A_1490 : i32
    %add3A_1492 = arith.addi %mul3A_1485, %mul3A_1491 : i32
    %dma_start3A_1493 = arith.constant 0 : i32
    %dma_start3A_1494 = tpu.memref_slice %arg10[%dma_start3A_1493] : memref<16000xf32, #tpu.memory_space<vmem>> -> memref<3200xf32, #tpu.memory_space<vmem>>
    %dma_start3A_1495 = tpu.memref_slice %arg6[%add3A_1492] : memref<90112000xf32, #tpu.memory_space<hbm>> -> memref<3200xf32, #tpu.memory_space<hbm>>
    %dma_start3A_1496 = tpu.memref_slice %arg6[%add3A_1492] : memref<90112000xf32, #tpu.memory_space<hbm>> -> memref<3200xf32, #tpu.memory_space<hbm>>
    %dma_start3A_1497 = arith.constant 0 : i32
    %dma_start3A_1498 = tpu.memref_slice %arg10[%dma_start3A_1497] : memref<16000xf32, #tpu.memory_space<vmem>> -> memref<3200xf32, #tpu.memory_space<vmem>>
    tpu.enqueue_dma source(%dma_start3A_1498 : memref<3200xf32, #tpu.memory_space<vmem>>) target(%dma_start3A_1496 : memref<3200xf32, #tpu.memory_space<hbm>>) target_semaphore(%arg19 : memref<!tpu.dma_semaphore, #tpu.memory_space<semaphore_mem>>)
    %add3A_1499 = arith.constant 1 : i32
    %add3A_1500 = arith.addi %mul3A_2, %add3A_1499 : i32
    %jit3A_1501 = arith.constant 26 : i32
    %div3A_1502 = arith.divsi %add3A_1500, %jit3A_1501 : i32
    %sign3A_1503 = arith.constant 0 : i32
    %sign3A_1504 = arith.cmpi sgt, %add3A_1500, %sign3A_1503 : i32
    %sign3A_1505 = arith.extui %sign3A_1504 : i1 to i32
    %sign3A_1506 = arith.constant 0 : i32
    %sign3A_1507 = arith.cmpi slt, %add3A_1500, %sign3A_1506 : i32
    %sign3A_1508 = arith.extui %sign3A_1507 : i1 to i32
    %sign3A_1509 = arith.subi %sign3A_1505, %sign3A_1508 : i32
    %sign3A_1510 = arith.constant 0 : i32
    %sign3A_1511 = arith.cmpi sgt, %jit3A_1501, %sign3A_1510 : i32
    %sign3A_1512 = arith.extui %sign3A_1511 : i1 to i32
    %sign3A_1513 = arith.constant 0 : i32
    %sign3A_1514 = arith.cmpi slt, %jit3A_1501, %sign3A_1513 : i32
    %sign3A_1515 = arith.extui %sign3A_1514 : i1 to i32
    %sign3A_1516 = arith.subi %sign3A_1512, %sign3A_1515 : i32
    %ne3A_1517 = arith.cmpi ne, %sign3A_1509, %sign3A_1516 : i32
    %rem3A_1518 = arith.remsi %add3A_1500, %jit3A_1501 : i32
    %ne3A_1519 = arith.constant 0 : i32
    %ne3A_1520 = arith.cmpi ne, %rem3A_1518, %ne3A_1519 : i32
    %and3A_1521 = arith.andi %ne3A_1517, %ne3A_1520 : i1
    %sub3A_1522 = arith.constant 1 : i32
    %sub3A_1523 = arith.subi %div3A_1502, %sub3A_1522 : i32
    %select_n3A_1524 = arith.select %and3A_1521, %sub3A_1523, %div3A_1502 : i32
    %mul3A_1525 = arith.constant 26 : i32
    %mul3A_1526 = arith.muli %select_n3A_1524, %mul3A_1525 : i32
    %sub3A_1527 = arith.subi %add3A_1500, %mul3A_1526 : i32
    %mul3A_1528 = arith.constant 88000 : i32
    %mul3A_1529 = arith.muli %select_n3A_1524, %mul3A_1528 : i32
    %mul3A_1530 = arith.constant 16 : i32
    %mul3A_1531 = arith.muli %mul3A_1530, %sub3A_1527 : i32
    %add3A_1532 = arith.constant 24 : i32
    %add3A_1533 = arith.addi %add3A_1532, %mul3A_1531 : i32
    %mul3A_1534 = arith.constant 200 : i32
    %mul3A_1535 = arith.muli %add3A_1533, %mul3A_1534 : i32
    %add3A_1536 = arith.addi %mul3A_1529, %mul3A_1535 : i32
    %dma_start3A_1537 = arith.constant 8000 : i32
    %dma_start3A_1538 = tpu.memref_slice %arg10[%dma_start3A_1537] : memref<16000xf32, #tpu.memory_space<vmem>> -> memref<3200xf32, #tpu.memory_space<vmem>>
    %dma_start3A_1539 = tpu.memref_slice %arg6[%add3A_1536] : memref<90112000xf32, #tpu.memory_space<hbm>> -> memref<3200xf32, #tpu.memory_space<hbm>>
    %dma_start3A_1540 = tpu.memref_slice %arg6[%add3A_1536] : memref<90112000xf32, #tpu.memory_space<hbm>> -> memref<3200xf32, #tpu.memory_space<hbm>>
    %dma_start3A_1541 = arith.constant 8000 : i32
    %dma_start3A_1542 = tpu.memref_slice %arg10[%dma_start3A_1541] : memref<16000xf32, #tpu.memory_space<vmem>> -> memref<3200xf32, #tpu.memory_space<vmem>>
    tpu.enqueue_dma source(%dma_start3A_1542 : memref<3200xf32, #tpu.memory_space<vmem>>) target(%dma_start3A_1540 : memref<3200xf32, #tpu.memory_space<hbm>>) target_semaphore(%arg20 : memref<!tpu.dma_semaphore, #tpu.memory_space<semaphore_mem>>)
    %scan3A_1543 = arith.constant 0 : i32
    %scan3A_1544 = arith.constant 1 : i32
    %scan3A_1545 = arith.constant 2 : i32
    %scan3A_1546 = arith.constant 3 : i32
    %scan3A_1547 = arith.constant 4 : i32
    %scan3A_1548 = arith.constant 5 : i32
    %scan3A_1549 = arith.constant 6 : i32
    %scan3A_1550 = arith.constant 7 : i32
    %scan3A_1551 = arith.constant 8 : i32
    %scan3A_1552 = arith.constant 9 : i32
    %scan3A_1553 = arith.constant 10 : i32
    %scan3A_1554 = arith.constant 11 : i32
    %scan3A_1555 = arith.constant 12 : i32
    %scan3A_1556 = arith.constant 13 : i32
    %scan3A_1557 = arith.constant 14 : i32
    %scan3A_1558 = arith.constant 15 : i32
    %scan3A_1559 = arith.constant 0 : i32
    %scan3A_1560 = arith.constant 0 : i32
    %scan3A_1561 = arith.constant 26 : i32
    %scan3A_1562 = arith.addi %scan3A_1560, %scan3A_1561 : i32
    %scan3A_1563 = arith.constant 1 : i32
    %scan3A_1564 = scf.for %scan3A_1822 = %scan3A_1560 to %scan3A_1562 step %scan3A_1563 iter_args(%scan3A_1823 = %scan3A_1559) -> (i32)  : i32 {
      %mul3A_1824 = arith.constant 32 : i32
      %mul3A_1825 = arith.muli %scan3A_1822, %mul3A_1824 : i32
      %add3A_1826 = arith.constant 8 : i32
      %add3A_1827 = arith.addi %mul3A_1825, %add3A_1826 : i32
      %min3A = arith.constant 800 : i32
      %min3A_1828 = arith.minsi %add3A_1827, %min3A : i32
      %add3A_1829 = arith.addi %mul3A_2, %min3A_1828 : i32
      "tpu.region"() ({
        %run_scoped3A = tpu.sem_alloc : memref<!tpu.dma_semaphore, #tpu.memory_space<semaphore_mem>>
        %dma_start3A_1838 = arith.constant 0 : i32
        %dma_start3A_1839 = tpu.memref_slice %arg4[%add3A_1829, %dma_start3A_1838] : memref<26624x200xi32, #tpu.memory_space<hbm>> -> memref<32x200xi32, #tpu.memory_space<hbm>>
        %dma_start3A_1840 = arith.constant 0 : i32
        %dma_start3A_1841 = tpu.memref_slice %arg4[%add3A_1829, %dma_start3A_1840] : memref<26624x200xi32, #tpu.memory_space<hbm>> -> memref<32x200xi32, #tpu.memory_space<hbm>>
        tpu.enqueue_dma source(%dma_start3A_1841 : memref<32x200xi32, #tpu.memory_space<hbm>>) target(%arg7 : memref<32x200xi32, #tpu.memory_space<vmem>>) target_semaphore(%run_scoped3A : memref<!tpu.dma_semaphore, #tpu.memory_space<semaphore_mem>>)
        %dma_wait3A_1842 = arith.constant 0 : i32
        %dma_wait3A_1843 = tpu.memref_slice %arg4[%add3A_1829, %dma_wait3A_1842] : memref<26624x200xi32, #tpu.memory_space<hbm>> -> memref<32x200xi32, #tpu.memory_space<hbm>>
        %dma_wait3A_1844 = arith.constant 0 : i32
        %dma_wait3A_1845 = tpu.memref_slice %arg4[%add3A_1829, %dma_wait3A_1844] : memref<26624x200xi32, #tpu.memory_space<hbm>> -> memref<32x200xi32, #tpu.memory_space<hbm>>
        tpu.wait_dma2 semaphore(%run_scoped3A : memref<!tpu.dma_semaphore, #tpu.memory_space<semaphore_mem>>) src(%dma_wait3A_1845 : memref<32x200xi32, #tpu.memory_space<hbm>>) dst(%arg7 : memref<32x200xi32, #tpu.memory_space<vmem>>)
        tpu.yield
      }) : () -> ()
      %scan3A_1830 = arith.constant 0 : i32
      %scan3A_1831 = arith.constant 0 : i32
      %scan3A_1832 = arith.constant 4 : i32
      %scan3A_1833 = arith.addi %scan3A_1831, %scan3A_1832 : i32
      %scan3A_1834 = arith.constant 1 : i32
      %scan3A_1835 = scf.for %scan3A_1838 = %scan3A_1831 to %scan3A_1833 step %scan3A_1834 iter_args(%scan3A_1839 = %scan3A_1830) -> (i32)  : i32 {
        %mul3A_1840 = arith.constant 32 : i32
        %mul3A_1841 = arith.muli %scan3A_1822, %mul3A_1840 : i32
        %mul3A_1842 = arith.constant 8 : i32
        %mul3A_1843 = arith.muli %mul3A_1842, %scan3A_1838 : i32
        %add3A_1844 = arith.addi %mul3A_1841, %mul3A_1843 : i32
        %add3A_1845 = arith.constant 0 : i32
        %add3A_1846 = arith.addi %add3A_1844, %add3A_1845 : i32
        %add3A_1847 = arith.addi %mul3A_2, %add3A_1846 : i32
        %dma_wait3A_1848 = arith.constant 0 : i32
        %dma_wait3A_1849 = arith.constant 0 : i32
        %dma_wait3A_1850 = tpu.memref_slice %arg9[%dma_wait3A_1848, %dma_wait3A_1849] : memref<1664x16xf32, #tpu.memory_space<vmem>> -> memref<104x16xf32, #tpu.memory_space<vmem>>
        %dma_wait3A_1851 = arith.constant 0 : i32
        %dma_wait3A_1852 = tpu.memref_slice %arg8[%scan3A_1543, %dma_wait3A_1851] : memref<16x104xi32, #tpu.memory_space<vmem>> -> memref<1x104xi32, #tpu.memory_space<vmem>>
        %dma_wait3A_1853 = tpu.memref_squeeze %dma_wait3A_1852 : memref<1x104xi32, #tpu.memory_space<vmem>> -> memref<104xi32, #tpu.memory_space<vmem>>
        %dma_wait3A_1854 = arith.constant 0 : i32
        %dma_wait3A_1855 = arith.constant 0 : i32
        %dma_wait3A_1856 = tpu.memref_slice %arg5[%dma_wait3A_1854, %dma_wait3A_1855] : memref<2600000x16xf32, #tpu.memory_space<hbm>> -> memref<2600000x16xf32, #tpu.memory_space<hbm>>
        tpu.wait_indirect_dma semaphore(%arg11 : memref<!tpu.dma_semaphore, #tpu.memory_space<semaphore_mem>>) src(%dma_wait3A_1856 : memref<2600000x16xf32, #tpu.memory_space<hbm>>) dst(%dma_wait3A_1850 : memref<104x16xf32, #tpu.memory_space<vmem>>)
        %dma_wait3A_1857 = arith.constant 104 : i32
        %dma_wait3A_1858 = arith.constant 0 : i32
        %dma_wait3A_1859 = tpu.memref_slice %arg9[%dma_wait3A_1857, %dma_wait3A_1858] : memref<1664x16xf32, #tpu.memory_space<vmem>> -> memref<104x16xf32, #tpu.memory_space<vmem>>
        %dma_wait3A_1860 = arith.constant 0 : i32
        %dma_wait3A_1861 = tpu.memref_slice %arg8[%scan3A_1544, %dma_wait3A_1860] : memref<16x104xi32, #tpu.memory_space<vmem>> -> memref<1x104xi32, #tpu.memory_space<vmem>>
        %dma_wait3A_1862 = tpu.memref_squeeze %dma_wait3A_1861 : memref<1x104xi32, #tpu.memory_space<vmem>> -> memref<104xi32, #tpu.memory_space<vmem>>
        %dma_wait3A_1863 = arith.constant 0 : i32
        %dma_wait3A_1864 = arith.constant 0 : i32
        %dma_wait3A_1865 = tpu.memref_slice %arg5[%dma_wait3A_1863, %dma_wait3A_1864] : memref<2600000x16xf32, #tpu.memory_space<hbm>> -> memref<2600000x16xf32, #tpu.memory_space<hbm>>
        tpu.wait_indirect_dma semaphore(%arg11 : memref<!tpu.dma_semaphore, #tpu.memory_space<semaphore_mem>>) src(%dma_wait3A_1865 : memref<2600000x16xf32, #tpu.memory_space<hbm>>) dst(%dma_wait3A_1859 : memref<104x16xf32, #tpu.memory_space<vmem>>)
        %jit3A_1866 = arith.constant 26 : i32
        %div3A_1867 = arith.divsi %add3A_1847, %jit3A_1866 : i32
        %sign3A_1868 = arith.constant 0 : i32
        %sign3A_1869 = arith.cmpi sgt, %add3A_1847, %sign3A_1868 : i32
        %sign3A_1870 = arith.extui %sign3A_1869 : i1 to i32
        %sign3A_1871 = arith.constant 0 : i32
        %sign3A_1872 = arith.cmpi slt, %add3A_1847, %sign3A_1871 : i32
        %sign3A_1873 = arith.extui %sign3A_1872 : i1 to i32
        %sign3A_1874 = arith.subi %sign3A_1870, %sign3A_1873 : i32
        %sign3A_1875 = arith.constant 0 : i32
        %sign3A_1876 = arith.cmpi sgt, %jit3A_1866, %sign3A_1875 : i32
        %sign3A_1877 = arith.extui %sign3A_1876 : i1 to i32
        %sign3A_1878 = arith.constant 0 : i32
        %sign3A_1879 = arith.cmpi slt, %jit3A_1866, %sign3A_1878 : i32
        %sign3A_1880 = arith.extui %sign3A_1879 : i1 to i32
        %sign3A_1881 = arith.subi %sign3A_1877, %sign3A_1880 : i32
        %ne3A_1882 = arith.cmpi ne, %sign3A_1874, %sign3A_1881 : i32
        %rem3A_1883 = arith.remsi %add3A_1847, %jit3A_1866 : i32
        %ne3A_1884 = arith.constant 0 : i32
        %ne3A_1885 = arith.cmpi ne, %rem3A_1883, %ne3A_1884 : i32
        %and3A_1886 = arith.andi %ne3A_1882, %ne3A_1885 : i1
        %sub3A_1887 = arith.constant 1 : i32
        %sub3A_1888 = arith.subi %div3A_1867, %sub3A_1887 : i32
        %select_n3A_1889 = arith.select %and3A_1886, %sub3A_1888, %div3A_1867 : i32
        %mul3A_1890 = arith.constant 26 : i32
        %mul3A_1891 = arith.muli %select_n3A_1889, %mul3A_1890 : i32
        %sub3A_1892 = arith.subi %add3A_1847, %mul3A_1891 : i32
        %mul3A_1893 = arith.constant 88000 : i32
        %mul3A_1894 = arith.muli %select_n3A_1889, %mul3A_1893 : i32
        %mul3A_1895 = arith.constant 16 : i32
        %mul3A_1896 = arith.muli %mul3A_1895, %sub3A_1892 : i32
        %add3A_1897 = arith.constant 24 : i32
        %add3A_1898 = arith.addi %add3A_1897, %mul3A_1896 : i32
        %mul3A_1899 = arith.constant 200 : i32
        %mul3A_1900 = arith.muli %add3A_1898, %mul3A_1899 : i32
        %add3A_1901 = arith.addi %mul3A_1894, %mul3A_1900 : i32
        %dma_wait3A_1902 = arith.constant 0 : i32
        %dma_wait3A_1903 = tpu.memref_slice %arg10[%dma_wait3A_1902] : memref<16000xf32, #tpu.memory_space<vmem>> -> memref<3200xf32, #tpu.memory_space<vmem>>
        %dma_wait3A_1904 = tpu.memref_slice %arg6[%add3A_1901] : memref<90112000xf32, #tpu.memory_space<hbm>> -> memref<3200xf32, #tpu.memory_space<hbm>>
        %dma_wait3A_1905 = tpu.memref_slice %arg6[%add3A_1901] : memref<90112000xf32, #tpu.memory_space<hbm>> -> memref<3200xf32, #tpu.memory_space<hbm>>
        %dma_wait3A_1906 = arith.constant 0 : i32
        %dma_wait3A_1907 = tpu.memref_slice %arg10[%dma_wait3A_1906] : memref<16000xf32, #tpu.memory_space<vmem>> -> memref<3200xf32, #tpu.memory_space<vmem>>
        tpu.wait_dma2 semaphore(%arg19 : memref<!tpu.dma_semaphore, #tpu.memory_space<semaphore_mem>>) src(%dma_wait3A_1907 : memref<3200xf32, #tpu.memory_space<vmem>>) dst(%dma_wait3A_1905 : memref<3200xf32, #tpu.memory_space<hbm>>)
        %add3A_1908 = arith.constant 0 : i32
        %add3A_1909 = vector.broadcast %add3A_1908 : i32 to vector<16xi32>
        %add3A_1910 = arith.addi %mul3A_5, %add3A_1909 : vector<16xi32>
        %parallel_loop3A = arith.constant 0 : i32
        %parallel_loop3A_1911 = arith.constant 200 : i32
        %parallel_loop3A_1912 = arith.constant 1 : i32
        scf.for %parallel_loop3A_4048 = %parallel_loop3A to %parallel_loop3A_1911 step %parallel_loop3A_1912  : i32 {
          %parallel_loop3A_4049 = arith.constant 0 : i32
          %parallel_loop3A_4050 = arith.addi %parallel_loop3A_4049, %parallel_loop3A_4048 : i32
          %parallel_loop3A_4051 = arith.index_cast %parallel_loop3A_4050 : i32 to index
          %parallel_loop3A_4052 = arith.constant 0 : index
          %parallel_loop3A_4053 = tpu.vector_load %arg9[%parallel_loop3A_4051, %parallel_loop3A_4052] {strides = array<i32>} : memref<1664x16xf32, #tpu.memory_space<vmem>>, vector<16xf32>,
          %parallel_loop3A_4054 = vector.broadcast %parallel_loop3A_4048 : i32 to vector<16xi32>
          %parallel_loop3A_4055 = arith.addi %add3A_1910, %parallel_loop3A_4054 : vector<16xi32>
          tpu.vector_store_idx %arg10[%parallel_loop3A_4055], %parallel_loop3A_4053 : memref<16000xf32, #tpu.memory_space<vmem>>[vector<16xi32>], vector<16xf32>,
        } {sc.loop_unroll_factor = 8 : i64, sc.parallel_access}
        %jit3A_1913 = arith.constant 26 : i32
        %div3A_1914 = arith.divsi %add3A_1847, %jit3A_1913 : i32
        %sign3A_1915 = arith.constant 0 : i32
        %sign3A_1916 = arith.cmpi sgt, %add3A_1847, %sign3A_1915 : i32
        %sign3A_1917 = arith.extui %sign3A_1916 : i1 to i32
        %sign3A_1918 = arith.constant 0 : i32
        %sign3A_1919 = arith.cmpi slt, %add3A_1847, %sign3A_1918 : i32
        %sign3A_1920 = arith.extui %sign3A_1919 : i1 to i32
        %sign3A_1921 = arith.subi %sign3A_1917, %sign3A_1920 : i32
        %sign3A_1922 = arith.constant 0 : i32
        %sign3A_1923 = arith.cmpi sgt, %jit3A_1913, %sign3A_1922 : i32
        %sign3A_1924 = arith.extui %sign3A_1923 : i1 to i32
        %sign3A_1925 = arith.constant 0 : i32
        %sign3A_1926 = arith.cmpi slt, %jit3A_1913, %sign3A_1925 : i32
        %sign3A_1927 = arith.extui %sign3A_1926 : i1 to i32
        %sign3A_1928 = arith.subi %sign3A_1924, %sign3A_1927 : i32
        %ne3A_1929 = arith.cmpi ne, %sign3A_1921, %sign3A_1928 : i32
        %rem3A_1930 = arith.remsi %add3A_1847, %jit3A_1913 : i32
        %ne3A_1931 = arith.constant 0 : i32
        %ne3A_1932 = arith.cmpi ne, %rem3A_1930, %ne3A_1931 : i32
        %and3A_1933 = arith.andi %ne3A_1929, %ne3A_1932 : i1
        %sub3A_1934 = arith.constant 1 : i32
        %sub3A_1935 = arith.subi %div3A_1914, %sub3A_1934 : i32
        %select_n3A_1936 = arith.select %and3A_1933, %sub3A_1935, %div3A_1914 : i32
        %mul3A_1937 = arith.constant 26 : i32
        %mul3A_1938 = arith.muli %select_n3A_1936, %mul3A_1937 : i32
        %sub3A_1939 = arith.subi %add3A_1847, %mul3A_1938 : i32
        %mul3A_1940 = arith.constant 88000 : i32
        %mul3A_1941 = arith.muli %select_n3A_1936, %mul3A_1940 : i32
        %mul3A_1942 = arith.constant 16 : i32
        %mul3A_1943 = arith.muli %mul3A_1942, %sub3A_1939 : i32
        %add3A_1944 = arith.constant 24 : i32
        %add3A_1945 = arith.addi %add3A_1944, %mul3A_1943 : i32
        %mul3A_1946 = arith.constant 200 : i32
        %mul3A_1947 = arith.muli %add3A_1945, %mul3A_1946 : i32
        %add3A_1948 = arith.addi %mul3A_1941, %mul3A_1947 : i32
        %dma_start3A_1949 = arith.constant 0 : i32
        %dma_start3A_1950 = tpu.memref_slice %arg10[%dma_start3A_1949] : memref<16000xf32, #tpu.memory_space<vmem>> -> memref<3200xf32, #tpu.memory_space<vmem>>
        %dma_start3A_1951 = tpu.memref_slice %arg6[%add3A_1948] : memref<90112000xf32, #tpu.memory_space<hbm>> -> memref<3200xf32, #tpu.memory_space<hbm>>
        %dma_start3A_1952 = tpu.memref_slice %arg6[%add3A_1948] : memref<90112000xf32, #tpu.memory_space<hbm>> -> memref<3200xf32, #tpu.memory_space<hbm>>
        %dma_start3A_1953 = arith.constant 0 : i32
        %dma_start3A_1954 = tpu.memref_slice %arg10[%dma_start3A_1953] : memref<16000xf32, #tpu.memory_space<vmem>> -> memref<3200xf32, #tpu.memory_space<vmem>>
        tpu.enqueue_dma source(%dma_start3A_1954 : memref<3200xf32, #tpu.memory_space<vmem>>) target(%dma_start3A_1952 : memref<3200xf32, #tpu.memory_space<hbm>>) target_semaphore(%arg19 : memref<!tpu.dma_semaphore, #tpu.memory_space<semaphore_mem>>)
        %add3A_1955 = arith.constant 8 : i32
        %add3A_1956 = arith.addi %add3A_1847, %add3A_1955 : i32
        %add3A_1957 = arith.constant 832 : i32
        %add3A_1958 = arith.addi %mul3A_2, %add3A_1957 : i32
        %sub3A_1959 = arith.constant 1 : i32
        %sub3A_1960 = arith.subi %add3A_1958, %sub3A_1959 : i32
        %min3A_1961 = arith.minsi %add3A_1956, %sub3A_1960 : i32
        %sub3A_1962 = arith.subi %min3A_1961, %add3A_1829 : i32
        %jit3A_1963 = arith.constant 26 : i32
        %div3A_1964 = arith.divsi %min3A_1961, %jit3A_1963 : i32
        %sign3A_1965 = arith.constant 0 : i32
        %sign3A_1966 = arith.cmpi sgt, %min3A_1961, %sign3A_1965 : i32
        %sign3A_1967 = arith.extui %sign3A_1966 : i1 to i32
        %sign3A_1968 = arith.constant 0 : i32
        %sign3A_1969 = arith.cmpi slt, %min3A_1961, %sign3A_1968 : i32
        %sign3A_1970 = arith.extui %sign3A_1969 : i1 to i32
        %sign3A_1971 = arith.subi %sign3A_1967, %sign3A_1970 : i32
        %sign3A_1972 = arith.constant 0 : i32
        %sign3A_1973 = arith.cmpi sgt, %jit3A_1963, %sign3A_1972 : i32
        %sign3A_1974 = arith.extui %sign3A_1973 : i1 to i32
        %sign3A_1975 = arith.constant 0 : i32
        %sign3A_1976 = arith.cmpi slt, %jit3A_1963, %sign3A_1975 : i32
        %sign3A_1977 = arith.extui %sign3A_1976 : i1 to i32
        %sign3A_1978 = arith.subi %sign3A_1974, %sign3A_1977 : i32
        %ne3A_1979 = arith.cmpi ne, %sign3A_1971, %sign3A_1978 : i32
        %rem3A_1980 = arith.remsi %min3A_1961, %jit3A_1963 : i32
        %ne3A_1981 = arith.constant 0 : i32
        %ne3A_1982 = arith.cmpi ne, %rem3A_1980, %ne3A_1981 : i32
        %and3A_1983 = arith.andi %ne3A_1979, %ne3A_1982 : i1
        %sub3A_1984 = arith.constant 1 : i32
        %sub3A_1985 = arith.subi %div3A_1964, %sub3A_1984 : i32
        %select_n3A_1986 = arith.select %and3A_1983, %sub3A_1985, %div3A_1964 : i32
        %mul3A_1987 = arith.constant 26 : i32
        %mul3A_1988 = arith.muli %select_n3A_1986, %mul3A_1987 : i32
        %sub3A_1989 = arith.subi %min3A_1961, %mul3A_1988 : i32
        %mul3A_1990 = arith.constant 100000 : i32
        %mul3A_1991 = arith.muli %sub3A_1989, %mul3A_1990 : i32
        %broadcast_in_dim3A_1992 = vector.broadcast %mul3A_1991 : i32 to vector<16xi32>
        %get3A_1993 = arith.index_cast %sub3A_1962 : i32 to index
        %get3A_1994 = arith.constant 0 : index
        %get3A_1995 = tpu.vector_load %arg7[%get3A_1993, %get3A_1994] {strides = array<i32>} : memref<32x200xi32, #tpu.memory_space<vmem>>, vector<16xi32>,
        %add3A_1996 = arith.addi %get3A_1995, %broadcast_in_dim3A_1992 : vector<16xi32>
        %swap3A_1997 = arith.constant 0 : i32
        %swap3A_1998 = arith.index_cast %swap3A_1997 : i32 to index
        %swap3A_1999 = arith.constant 0 : index
        %swap3A_2000 = tpu.vector_load %arg8[%swap3A_1998, %swap3A_1999] {strides = array<i32>} : memref<16x104xi32, #tpu.memory_space<vmem>>, vector<16xi32>,
        tpu.vector_store %arg8[%swap3A_1998, %swap3A_1999], %add3A_1996 {strides = array<i32>} : memref<16x104xi32, #tpu.memory_space<vmem>>, vector<16xi32>,
        %get3A_2001 = arith.index_cast %sub3A_1962 : i32 to index
        %get3A_2002 = arith.constant 16 : index
        %get3A_2003 = tpu.vector_load %arg7[%get3A_2001, %get3A_2002] {strides = array<i32>} : memref<32x200xi32, #tpu.memory_space<vmem>>, vector<16xi32>,
        %add3A_2004 = arith.addi %get3A_2003, %broadcast_in_dim3A_1992 : vector<16xi32>
        %swap3A_2005 = arith.constant 0 : i32
        %swap3A_2006 = arith.index_cast %swap3A_2005 : i32 to index
        %swap3A_2007 = arith.constant 16 : index
        %swap3A_2008 = tpu.vector_load %arg8[%swap3A_2006, %swap3A_2007] {strides = array<i32>} : memref<16x104xi32, #tpu.memory_space<vmem>>, vector<16xi32>,
        tpu.vector_store %arg8[%swap3A_2006, %swap3A_2007], %add3A_2004 {strides = array<i32>} : memref<16x104xi32, #tpu.memory_space<vmem>>, vector<16xi32>,
        %get3A_2009 = arith.index_cast %sub3A_1962 : i32 to index
        %get3A_2010 = arith.constant 32 : index
        %get3A_2011 = tpu.vector_load %arg7[%get3A_2009, %get3A_2010] {strides = array<i32>} : memref<32x200xi32, #tpu.memory_space<vmem>>, vector<16xi32>,
        %add3A_2012 = arith.addi %get3A_2011, %broadcast_in_dim3A_1992 : vector<16xi32>
        %swap3A_2013 = arith.constant 0 : i32
        %swap3A_2014 = arith.index_cast %swap3A_2013 : i32 to index
        %swap3A_2015 = arith.constant 32 : index
        %swap3A_2016 = tpu.vector_load %arg8[%swap3A_2014, %swap3A_2015] {strides = array<i32>} : memref<16x104xi32, #tpu.memory_space<vmem>>, vector<16xi32>,
        tpu.vector_store %arg8[%swap3A_2014, %swap3A_2015], %add3A_2012 {strides = array<i32>} : memref<16x104xi32, #tpu.memory_space<vmem>>, vector<16xi32>,
        %get3A_2017 = arith.index_cast %sub3A_1962 : i32 to index
        %get3A_2018 = arith.constant 48 : index
        %get3A_2019 = tpu.vector_load %arg7[%get3A_2017, %get3A_2018] {strides = array<i32>} : memref<32x200xi32, #tpu.memory_space<vmem>>, vector<16xi32>,
        %add3A_2020 = arith.addi %get3A_2019, %broadcast_in_dim3A_1992 : vector<16xi32>
        %swap3A_2021 = arith.constant 0 : i32
        %swap3A_2022 = arith.index_cast %swap3A_2021 : i32 to index
        %swap3A_2023 = arith.constant 48 : index
        %swap3A_2024 = tpu.vector_load %arg8[%swap3A_2022, %swap3A_2023] {strides = array<i32>} : memref<16x104xi32, #tpu.memory_space<vmem>>, vector<16xi32>,
        tpu.vector_store %arg8[%swap3A_2022, %swap3A_2023], %add3A_2020 {strides = array<i32>} : memref<16x104xi32, #tpu.memory_space<vmem>>, vector<16xi32>,
        %get3A_2025 = arith.index_cast %sub3A_1962 : i32 to index
        %get3A_2026 = arith.constant 64 : index
        %get3A_2027 = tpu.vector_load %arg7[%get3A_2025, %get3A_2026] {strides = array<i32>} : memref<32x200xi32, #tpu.memory_space<vmem>>, vector<16xi32>,
        %add3A_2028 = arith.addi %get3A_2027, %broadcast_in_dim3A_1992 : vector<16xi32>
        %swap3A_2029 = arith.constant 0 : i32
        %swap3A_2030 = arith.index_cast %swap3A_2029 : i32 to index
        %swap3A_2031 = arith.constant 64 : index
        %swap3A_2032 = tpu.vector_load %arg8[%swap3A_2030, %swap3A_2031] {strides = array<i32>} : memref<16x104xi32, #tpu.memory_space<vmem>>, vector<16xi32>,
        tpu.vector_store %arg8[%swap3A_2030, %swap3A_2031], %add3A_2028 {strides = array<i32>} : memref<16x104xi32, #tpu.memory_space<vmem>>, vector<16xi32>,
        %get3A_2033 = arith.index_cast %sub3A_1962 : i32 to index
        %get3A_2034 = arith.constant 80 : index
        %get3A_2035 = tpu.vector_load %arg7[%get3A_2033, %get3A_2034] {strides = array<i32>} : memref<32x200xi32, #tpu.memory_space<vmem>>, vector<16xi32>,
        %add3A_2036 = arith.addi %get3A_2035, %broadcast_in_dim3A_1992 : vector<16xi32>
        %swap3A_2037 = arith.constant 0 : i32
        %swap3A_2038 = arith.index_cast %swap3A_2037 : i32 to index
        %swap3A_2039 = arith.constant 80 : index
        %swap3A_2040 = tpu.vector_load %arg8[%swap3A_2038, %swap3A_2039] {strides = array<i32>} : memref<16x104xi32, #tpu.memory_space<vmem>>, vector<16xi32>,
        tpu.vector_store %arg8[%swap3A_2038, %swap3A_2039], %add3A_2036 {strides = array<i32>} : memref<16x104xi32, #tpu.memory_space<vmem>>, vector<16xi32>,
        %get3A_2041 = arith.index_cast %sub3A_1962 : i32 to index
        %get3A_2042 = arith.constant 88 : index
        %get3A_2043 = tpu.vector_load %arg7[%get3A_2041, %get3A_2042] {strides = array<i32>} : memref<32x200xi32, #tpu.memory_space<vmem>>, vector<16xi32>,
        %add3A_2044 = arith.addi %get3A_2043, %broadcast_in_dim3A_1992 : vector<16xi32>
        %swap3A_2045 = arith.constant 0 : i32
        %swap3A_2046 = arith.index_cast %swap3A_2045 : i32 to index
        %swap3A_2047 = arith.constant 88 : index
        %swap3A_2048 = tpu.vector_load %arg8[%swap3A_2046, %swap3A_2047] {strides = array<i32>} : memref<16x104xi32, #tpu.memory_space<vmem>>, vector<16xi32>,
        tpu.vector_store %arg8[%swap3A_2046, %swap3A_2047], %add3A_2044 {strides = array<i32>} : memref<16x104xi32, #tpu.memory_space<vmem>>, vector<16xi32>,
        %get3A_2049 = arith.index_cast %sub3A_1962 : i32 to index
        %get3A_2050 = arith.constant 104 : index
        %get3A_2051 = tpu.vector_load %arg7[%get3A_2049, %get3A_2050] {strides = array<i32>} : memref<32x200xi32, #tpu.memory_space<vmem>>, vector<16xi32>,
        %add3A_2052 = arith.addi %get3A_2051, %broadcast_in_dim3A_1992 : vector<16xi32>
        %swap3A_2053 = arith.constant 1 : i32
        %swap3A_2054 = arith.index_cast %swap3A_2053 : i32 to index
        %swap3A_2055 = arith.constant 0 : index
        %swap3A_2056 = tpu.vector_load %arg8[%swap3A_2054, %swap3A_2055] {strides = array<i32>} : memref<16x104xi32, #tpu.memory_space<vmem>>, vector<16xi32>,
        tpu.vector_store %arg8[%swap3A_2054, %swap3A_2055], %add3A_2052 {strides = array<i32>} : memref<16x104xi32, #tpu.memory_space<vmem>>, vector<16xi32>,
        %get3A_2057 = arith.index_cast %sub3A_1962 : i32 to index
        %get3A_2058 = arith.constant 120 : index
        %get3A_2059 = tpu.vector_load %arg7[%get3A_2057, %get3A_2058] {strides = array<i32>} : memref<32x200xi32, #tpu.memory_space<vmem>>, vector<16xi32>,
        %add3A_2060 = arith.addi %get3A_2059, %broadcast_in_dim3A_1992 : vector<16xi32>
        %swap3A_2061 = arith.constant 1 : i32
        %swap3A_2062 = arith.index_cast %swap3A_2061 : i32 to index
        %swap3A_2063 = arith.constant 16 : index
        %swap3A_2064 = tpu.vector_load %arg8[%swap3A_2062, %swap3A_2063] {strides = array<i32>} : memref<16x104xi32, #tpu.memory_space<vmem>>, vector<16xi32>,
        tpu.vector_store %arg8[%swap3A_2062, %swap3A_2063], %add3A_2060 {strides = array<i32>} : memref<16x104xi32, #tpu.memory_space<vmem>>, vector<16xi32>,
        %get3A_2065 = arith.index_cast %sub3A_1962 : i32 to index
        %get3A_2066 = arith.constant 136 : index
        %get3A_2067 = tpu.vector_load %arg7[%get3A_2065, %get3A_2066] {strides = array<i32>} : memref<32x200xi32, #tpu.memory_space<vmem>>, vector<16xi32>,
        %add3A_2068 = arith.addi %get3A_2067, %broadcast_in_dim3A_1992 : vector<16xi32>
        %swap3A_2069 = arith.constant 1 : i32
        %swap3A_2070 = arith.index_cast %swap3A_2069 : i32 to index
        %swap3A_2071 = arith.constant 32 : index
        %swap3A_2072 = tpu.vector_load %arg8[%swap3A_2070, %swap3A_2071] {strides = array<i32>} : memref<16x104xi32, #tpu.memory_space<vmem>>, vector<16xi32>,
        tpu.vector_store %arg8[%swap3A_2070, %swap3A_2071], %add3A_2068 {strides = array<i32>} : memref<16x104xi32, #tpu.memory_space<vmem>>, vector<16xi32>,
        %get3A_2073 = arith.index_cast %sub3A_1962 : i32 to index
        %get3A_2074 = arith.constant 152 : index
        %get3A_2075 = tpu.vector_load %arg7[%get3A_2073, %get3A_2074] {strides = array<i32>} : memref<32x200xi32, #tpu.memory_space<vmem>>, vector<16xi32>,
        %add3A_2076 = arith.addi %get3A_2075, %broadcast_in_dim3A_1992 : vector<16xi32>
        %swap3A_2077 = arith.constant 1 : i32
        %swap3A_2078 = arith.index_cast %swap3A_2077 : i32 to index
        %swap3A_2079 = arith.constant 48 : index
        %swap3A_2080 = tpu.vector_load %arg8[%swap3A_2078, %swap3A_2079] {strides = array<i32>} : memref<16x104xi32, #tpu.memory_space<vmem>>, vector<16xi32>,
        tpu.vector_store %arg8[%swap3A_2078, %swap3A_2079], %add3A_2076 {strides = array<i32>} : memref<16x104xi32, #tpu.memory_space<vmem>>, vector<16xi32>,
        %get3A_2081 = arith.index_cast %sub3A_1962 : i32 to index
        %get3A_2082 = arith.constant 168 : index
        %get3A_2083 = tpu.vector_load %arg7[%get3A_2081, %get3A_2082] {strides = array<i32>} : memref<32x200xi32, #tpu.memory_space<vmem>>, vector<16xi32>,
        %add3A_2084 = arith.addi %get3A_2083, %broadcast_in_dim3A_1992 : vector<16xi32>
        %swap3A_2085 = arith.constant 1 : i32
        %swap3A_2086 = arith.index_cast %swap3A_2085 : i32 to index
        %swap3A_2087 = arith.constant 64 : index
        %swap3A_2088 = tpu.vector_load %arg8[%swap3A_2086, %swap3A_2087] {strides = array<i32>} : memref<16x104xi32, #tpu.memory_space<vmem>>, vector<16xi32>,
        tpu.vector_store %arg8[%swap3A_2086, %swap3A_2087], %add3A_2084 {strides = array<i32>} : memref<16x104xi32, #tpu.memory_space<vmem>>, vector<16xi32>,
        %get3A_2089 = arith.index_cast %sub3A_1962 : i32 to index
        %get3A_2090 = arith.constant 184 : index
        %get3A_2091 = tpu.vector_load %arg7[%get3A_2089, %get3A_2090] {strides = array<i32>} : memref<32x200xi32, #tpu.memory_space<vmem>>, vector<16xi32>,
        %add3A_2092 = arith.addi %get3A_2091, %broadcast_in_dim3A_1992 : vector<16xi32>
        %swap3A_2093 = arith.constant 1 : i32
        %swap3A_2094 = arith.index_cast %swap3A_2093 : i32 to index
        %swap3A_2095 = arith.constant 80 : index
        %swap3A_2096 = tpu.vector_load %arg8[%swap3A_2094, %swap3A_2095] {strides = array<i32>} : memref<16x104xi32, #tpu.memory_space<vmem>>, vector<16xi32>,
        tpu.vector_store %arg8[%swap3A_2094, %swap3A_2095], %add3A_2092 {strides = array<i32>} : memref<16x104xi32, #tpu.memory_space<vmem>>, vector<16xi32>,
        %dma_start3A_2097 = arith.constant 0 : i32
        %dma_start3A_2098 = arith.constant 0 : i32
        %dma_start3A_2099 = tpu.memref_slice %arg9[%dma_start3A_2097, %dma_start3A_2098] : memref<1664x16xf32, #tpu.memory_space<vmem>> -> memref<104x16xf32, #tpu.memory_space<vmem>>
        %dma_start3A_2100 = arith.constant 0 : i32
        %dma_start3A_2101 = tpu.memref_slice %arg8[%scan3A_1543, %dma_start3A_2100] : memref<16x104xi32, #tpu.memory_space<vmem>> -> memref<1x104xi32, #tpu.memory_space<vmem>>
        %dma_start3A_2102 = tpu.memref_squeeze %dma_start3A_2101 : memref<1x104xi32, #tpu.memory_space<vmem>> -> memref<104xi32, #tpu.memory_space<vmem>>
        %dma_start3A_2103 = arith.constant 0 : i32
        %dma_start3A_2104 = arith.constant 0 : i32
        %dma_start3A_2105 = tpu.memref_slice %arg5[%dma_start3A_2103, %dma_start3A_2104] : memref<2600000x16xf32, #tpu.memory_space<hbm>> -> memref<2600000x16xf32, #tpu.memory_space<hbm>>
        tpu.enqueue_indirect_dma source(%dma_start3A_2105 : memref<2600000x16xf32, #tpu.memory_space<hbm>>) target(%dma_start3A_2099 : memref<104x16xf32, #tpu.memory_space<vmem>>) offsets(%dma_start3A_2102 : memref<104xi32, #tpu.memory_space<vmem>>) semaphore(%arg11 : memref<!tpu.dma_semaphore, #tpu.memory_space<semaphore_mem>>)
        %dma_start3A_2106 = arith.constant 104 : i32
        %dma_start3A_2107 = arith.constant 0 : i32
        %dma_start3A_2108 = tpu.memref_slice %arg9[%dma_start3A_2106, %dma_start3A_2107] : memref<1664x16xf32, #tpu.memory_space<vmem>> -> memref<104x16xf32, #tpu.memory_space<vmem>>
        %dma_start3A_2109 = arith.constant 0 : i32
        %dma_start3A_2110 = tpu.memref_slice %arg8[%scan3A_1544, %dma_start3A_2109] : memref<16x104xi32, #tpu.memory_space<vmem>> -> memref<1x104xi32, #tpu.memory_space<vmem>>
        %dma_start3A_2111 = tpu.memref_squeeze %dma_start3A_2110 : memref<1x104xi32, #tpu.memory_space<vmem>> -> memref<104xi32, #tpu.memory_space<vmem>>
        %dma_start3A_2112 = arith.constant 0 : i32
        %dma_start3A_2113 = arith.constant 0 : i32
        %dma_start3A_2114 = tpu.memref_slice %arg5[%dma_start3A_2112, %dma_start3A_2113] : memref<2600000x16xf32, #tpu.memory_space<hbm>> -> memref<2600000x16xf32, #tpu.memory_space<hbm>>
        tpu.enqueue_indirect_dma source(%dma_start3A_2114 : memref<2600000x16xf32, #tpu.memory_space<hbm>>) target(%dma_start3A_2108 : memref<104x16xf32, #tpu.memory_space<vmem>>) offsets(%dma_start3A_2111 : memref<104xi32, #tpu.memory_space<vmem>>) semaphore(%arg11 : memref<!tpu.dma_semaphore, #tpu.memory_space<semaphore_mem>>)
        %mul3A_2115 = arith.constant 32 : i32
        %mul3A_2116 = arith.muli %scan3A_1822, %mul3A_2115 : i32
        %mul3A_2117 = arith.constant 8 : i32
        %mul3A_2118 = arith.muli %mul3A_2117, %scan3A_1838 : i32
        %add3A_2119 = arith.addi %mul3A_2116, %mul3A_2118 : i32
        %add3A_2120 = arith.constant 1 : i32
        %add3A_2121 = arith.addi %add3A_2119, %add3A_2120 : i32
        %add3A_2122 = arith.addi %mul3A_2, %add3A_2121 : i32
        %dma_wait3A_2123 = arith.constant 208 : i32
        %dma_wait3A_2124 = arith.constant 0 : i32
        %dma_wait3A_2125 = tpu.memref_slice %arg9[%dma_wait3A_2123, %dma_wait3A_2124] : memref<1664x16xf32, #tpu.memory_space<vmem>> -> memref<104x16xf32, #tpu.memory_space<vmem>>
        %dma_wait3A_2126 = arith.constant 0 : i32
        %dma_wait3A_2127 = tpu.memref_slice %arg8[%scan3A_1545, %dma_wait3A_2126] : memref<16x104xi32, #tpu.memory_space<vmem>> -> memref<1x104xi32, #tpu.memory_space<vmem>>
        %dma_wait3A_2128 = tpu.memref_squeeze %dma_wait3A_2127 : memref<1x104xi32, #tpu.memory_space<vmem>> -> memref<104xi32, #tpu.memory_space<vmem>>
        %dma_wait3A_2129 = arith.constant 0 : i32
        %dma_wait3A_2130 = arith.constant 0 : i32
        %dma_wait3A_2131 = tpu.memref_slice %arg5[%dma_wait3A_2129, %dma_wait3A_2130] : memref<2600000x16xf32, #tpu.memory_space<hbm>> -> memref<2600000x16xf32, #tpu.memory_space<hbm>>
        tpu.wait_indirect_dma semaphore(%arg12 : memref<!tpu.dma_semaphore, #tpu.memory_space<semaphore_mem>>) src(%dma_wait3A_2131 : memref<2600000x16xf32, #tpu.memory_space<hbm>>) dst(%dma_wait3A_2125 : memref<104x16xf32, #tpu.memory_space<vmem>>)
        %dma_wait3A_2132 = arith.constant 312 : i32
        %dma_wait3A_2133 = arith.constant 0 : i32
        %dma_wait3A_2134 = tpu.memref_slice %arg9[%dma_wait3A_2132, %dma_wait3A_2133] : memref<1664x16xf32, #tpu.memory_space<vmem>> -> memref<104x16xf32, #tpu.memory_space<vmem>>
        %dma_wait3A_2135 = arith.constant 0 : i32
        %dma_wait3A_2136 = tpu.memref_slice %arg8[%scan3A_1546, %dma_wait3A_2135] : memref<16x104xi32, #tpu.memory_space<vmem>> -> memref<1x104xi32, #tpu.memory_space<vmem>>
        %dma_wait3A_2137 = tpu.memref_squeeze %dma_wait3A_2136 : memref<1x104xi32, #tpu.memory_space<vmem>> -> memref<104xi32, #tpu.memory_space<vmem>>
        %dma_wait3A_2138 = arith.constant 0 : i32
        %dma_wait3A_2139 = arith.constant 0 : i32
        %dma_wait3A_2140 = tpu.memref_slice %arg5[%dma_wait3A_2138, %dma_wait3A_2139] : memref<2600000x16xf32, #tpu.memory_space<hbm>> -> memref<2600000x16xf32, #tpu.memory_space<hbm>>
        tpu.wait_indirect_dma semaphore(%arg12 : memref<!tpu.dma_semaphore, #tpu.memory_space<semaphore_mem>>) src(%dma_wait3A_2140 : memref<2600000x16xf32, #tpu.memory_space<hbm>>) dst(%dma_wait3A_2134 : memref<104x16xf32, #tpu.memory_space<vmem>>)
        %jit3A_2141 = arith.constant 26 : i32
        %div3A_2142 = arith.divsi %add3A_2122, %jit3A_2141 : i32
        %sign3A_2143 = arith.constant 0 : i32
        %sign3A_2144 = arith.cmpi sgt, %add3A_2122, %sign3A_2143 : i32
        %sign3A_2145 = arith.extui %sign3A_2144 : i1 to i32
        %sign3A_2146 = arith.constant 0 : i32
        %sign3A_2147 = arith.cmpi slt, %add3A_2122, %sign3A_2146 : i32
        %sign3A_2148 = arith.extui %sign3A_2147 : i1 to i32
        %sign3A_2149 = arith.subi %sign3A_2145, %sign3A_2148 : i32
        %sign3A_2150 = arith.constant 0 : i32
        %sign3A_2151 = arith.cmpi sgt, %jit3A_2141, %sign3A_2150 : i32
        %sign3A_2152 = arith.extui %sign3A_2151 : i1 to i32
        %sign3A_2153 = arith.constant 0 : i32
        %sign3A_2154 = arith.cmpi slt, %jit3A_2141, %sign3A_2153 : i32
        %sign3A_2155 = arith.extui %sign3A_2154 : i1 to i32
        %sign3A_2156 = arith.subi %sign3A_2152, %sign3A_2155 : i32
        %ne3A_2157 = arith.cmpi ne, %sign3A_2149, %sign3A_2156 : i32
        %rem3A_2158 = arith.remsi %add3A_2122, %jit3A_2141 : i32
        %ne3A_2159 = arith.constant 0 : i32
        %ne3A_2160 = arith.cmpi ne, %rem3A_2158, %ne3A_2159 : i32
        %and3A_2161 = arith.andi %ne3A_2157, %ne3A_2160 : i1
        %sub3A_2162 = arith.constant 1 : i32
        %sub3A_2163 = arith.subi %div3A_2142, %sub3A_2162 : i32
        %select_n3A_2164 = arith.select %and3A_2161, %sub3A_2163, %div3A_2142 : i32
        %mul3A_2165 = arith.constant 26 : i32
        %mul3A_2166 = arith.muli %select_n3A_2164, %mul3A_2165 : i32
        %sub3A_2167 = arith.subi %add3A_2122, %mul3A_2166 : i32
        %mul3A_2168 = arith.constant 88000 : i32
        %mul3A_2169 = arith.muli %select_n3A_2164, %mul3A_2168 : i32
        %mul3A_2170 = arith.constant 16 : i32
        %mul3A_2171 = arith.muli %mul3A_2170, %sub3A_2167 : i32
        %add3A_2172 = arith.constant 24 : i32
        %add3A_2173 = arith.addi %add3A_2172, %mul3A_2171 : i32
        %mul3A_2174 = arith.constant 200 : i32
        %mul3A_2175 = arith.muli %add3A_2173, %mul3A_2174 : i32
        %add3A_2176 = arith.addi %mul3A_2169, %mul3A_2175 : i32
        %dma_wait3A_2177 = arith.constant 8000 : i32
        %dma_wait3A_2178 = tpu.memref_slice %arg10[%dma_wait3A_2177] : memref<16000xf32, #tpu.memory_space<vmem>> -> memref<3200xf32, #tpu.memory_space<vmem>>
        %dma_wait3A_2179 = tpu.memref_slice %arg6[%add3A_2176] : memref<90112000xf32, #tpu.memory_space<hbm>> -> memref<3200xf32, #tpu.memory_space<hbm>>
        %dma_wait3A_2180 = tpu.memref_slice %arg6[%add3A_2176] : memref<90112000xf32, #tpu.memory_space<hbm>> -> memref<3200xf32, #tpu.memory_space<hbm>>
        %dma_wait3A_2181 = arith.constant 8000 : i32
        %dma_wait3A_2182 = tpu.memref_slice %arg10[%dma_wait3A_2181] : memref<16000xf32, #tpu.memory_space<vmem>> -> memref<3200xf32, #tpu.memory_space<vmem>>
        tpu.wait_dma2 semaphore(%arg20 : memref<!tpu.dma_semaphore, #tpu.memory_space<semaphore_mem>>) src(%dma_wait3A_2182 : memref<3200xf32, #tpu.memory_space<vmem>>) dst(%dma_wait3A_2180 : memref<3200xf32, #tpu.memory_space<hbm>>)
        %add3A_2183 = arith.constant 8000 : i32
        %add3A_2184 = vector.broadcast %add3A_2183 : i32 to vector<16xi32>
        %add3A_2185 = arith.addi %mul3A_5, %add3A_2184 : vector<16xi32>
        %parallel_loop3A_2186 = arith.constant 0 : i32
        %parallel_loop3A_2187 = arith.constant 200 : i32
        %parallel_loop3A_2188 = arith.constant 1 : i32
        scf.for %parallel_loop3A_4048 = %parallel_loop3A_2186 to %parallel_loop3A_2187 step %parallel_loop3A_2188  : i32 {
          %parallel_loop3A_4049 = arith.constant 208 : i32
          %parallel_loop3A_4050 = arith.addi %parallel_loop3A_4049, %parallel_loop3A_4048 : i32
          %parallel_loop3A_4051 = arith.index_cast %parallel_loop3A_4050 : i32 to index
          %parallel_loop3A_4052 = arith.constant 0 : index
          %parallel_loop3A_4053 = tpu.vector_load %arg9[%parallel_loop3A_4051, %parallel_loop3A_4052] {strides = array<i32>} : memref<1664x16xf32, #tpu.memory_space<vmem>>, vector<16xf32>,
          %parallel_loop3A_4054 = vector.broadcast %parallel_loop3A_4048 : i32 to vector<16xi32>
          %parallel_loop3A_4055 = arith.addi %add3A_2185, %parallel_loop3A_4054 : vector<16xi32>
          tpu.vector_store_idx %arg10[%parallel_loop3A_4055], %parallel_loop3A_4053 : memref<16000xf32, #tpu.memory_space<vmem>>[vector<16xi32>], vector<16xf32>,
        } {sc.loop_unroll_factor = 8 : i64, sc.parallel_access}
        %jit3A_2189 = arith.constant 26 : i32
        %div3A_2190 = arith.divsi %add3A_2122, %jit3A_2189 : i32
        %sign3A_2191 = arith.constant 0 : i32
        %sign3A_2192 = arith.cmpi sgt, %add3A_2122, %sign3A_2191 : i32
        %sign3A_2193 = arith.extui %sign3A_2192 : i1 to i32
        %sign3A_2194 = arith.constant 0 : i32
        %sign3A_2195 = arith.cmpi slt, %add3A_2122, %sign3A_2194 : i32
        %sign3A_2196 = arith.extui %sign3A_2195 : i1 to i32
        %sign3A_2197 = arith.subi %sign3A_2193, %sign3A_2196 : i32
        %sign3A_2198 = arith.constant 0 : i32
        %sign3A_2199 = arith.cmpi sgt, %jit3A_2189, %sign3A_2198 : i32
        %sign3A_2200 = arith.extui %sign3A_2199 : i1 to i32
        %sign3A_2201 = arith.constant 0 : i32
        %sign3A_2202 = arith.cmpi slt, %jit3A_2189, %sign3A_2201 : i32
        %sign3A_2203 = arith.extui %sign3A_2202 : i1 to i32
        %sign3A_2204 = arith.subi %sign3A_2200, %sign3A_2203 : i32
        %ne3A_2205 = arith.cmpi ne, %sign3A_2197, %sign3A_2204 : i32
        %rem3A_2206 = arith.remsi %add3A_2122, %jit3A_2189 : i32
        %ne3A_2207 = arith.constant 0 : i32
        %ne3A_2208 = arith.cmpi ne, %rem3A_2206, %ne3A_2207 : i32
        %and3A_2209 = arith.andi %ne3A_2205, %ne3A_2208 : i1
        %sub3A_2210 = arith.constant 1 : i32
        %sub3A_2211 = arith.subi %div3A_2190, %sub3A_2210 : i32
        %select_n3A_2212 = arith.select %and3A_2209, %sub3A_2211, %div3A_2190 : i32
        %mul3A_2213 = arith.constant 26 : i32
        %mul3A_2214 = arith.muli %select_n3A_2212, %mul3A_2213 : i32
        %sub3A_2215 = arith.subi %add3A_2122, %mul3A_2214 : i32
        %mul3A_2216 = arith.constant 88000 : i32
        %mul3A_2217 = arith.muli %select_n3A_2212, %mul3A_2216 : i32
        %mul3A_2218 = arith.constant 16 : i32
        %mul3A_2219 = arith.muli %mul3A_2218, %sub3A_2215 : i32
        %add3A_2220 = arith.constant 24 : i32
        %add3A_2221 = arith.addi %add3A_2220, %mul3A_2219 : i32
        %mul3A_2222 = arith.constant 200 : i32
        %mul3A_2223 = arith.muli %add3A_2221, %mul3A_2222 : i32
        %add3A_2224 = arith.addi %mul3A_2217, %mul3A_2223 : i32
        %dma_start3A_2225 = arith.constant 8000 : i32
        %dma_start3A_2226 = tpu.memref_slice %arg10[%dma_start3A_2225] : memref<16000xf32, #tpu.memory_space<vmem>> -> memref<3200xf32, #tpu.memory_space<vmem>>
        %dma_start3A_2227 = tpu.memref_slice %arg6[%add3A_2224] : memref<90112000xf32, #tpu.memory_space<hbm>> -> memref<3200xf32, #tpu.memory_space<hbm>>
        %dma_start3A_2228 = tpu.memref_slice %arg6[%add3A_2224] : memref<90112000xf32, #tpu.memory_space<hbm>> -> memref<3200xf32, #tpu.memory_space<hbm>>
        %dma_start3A_2229 = arith.constant 8000 : i32
        %dma_start3A_2230 = tpu.memref_slice %arg10[%dma_start3A_2229] : memref<16000xf32, #tpu.memory_space<vmem>> -> memref<3200xf32, #tpu.memory_space<vmem>>
        tpu.enqueue_dma source(%dma_start3A_2230 : memref<3200xf32, #tpu.memory_space<vmem>>) target(%dma_start3A_2228 : memref<3200xf32, #tpu.memory_space<hbm>>) target_semaphore(%arg20 : memref<!tpu.dma_semaphore, #tpu.memory_space<semaphore_mem>>)
        %add3A_2231 = arith.constant 8 : i32
        %add3A_2232 = arith.addi %add3A_2122, %add3A_2231 : i32
        %add3A_2233 = arith.constant 832 : i32
        %add3A_2234 = arith.addi %mul3A_2, %add3A_2233 : i32
        %sub3A_2235 = arith.constant 1 : i32
        %sub3A_2236 = arith.subi %add3A_2234, %sub3A_2235 : i32
        %min3A_2237 = arith.minsi %add3A_2232, %sub3A_2236 : i32
        %sub3A_2238 = arith.subi %min3A_2237, %add3A_1829 : i32
        %jit3A_2239 = arith.constant 26 : i32
        %div3A_2240 = arith.divsi %min3A_2237, %jit3A_2239 : i32
        %sign3A_2241 = arith.constant 0 : i32
        %sign3A_2242 = arith.cmpi sgt, %min3A_2237, %sign3A_2241 : i32
        %sign3A_2243 = arith.extui %sign3A_2242 : i1 to i32
        %sign3A_2244 = arith.constant 0 : i32
        %sign3A_2245 = arith.cmpi slt, %min3A_2237, %sign3A_2244 : i32
        %sign3A_2246 = arith.extui %sign3A_2245 : i1 to i32
        %sign3A_2247 = arith.subi %sign3A_2243, %sign3A_2246 : i32
        %sign3A_2248 = arith.constant 0 : i32
        %sign3A_2249 = arith.cmpi sgt, %jit3A_2239, %sign3A_2248 : i32
        %sign3A_2250 = arith.extui %sign3A_2249 : i1 to i32
        %sign3A_2251 = arith.constant 0 : i32
        %sign3A_2252 = arith.cmpi slt, %jit3A_2239, %sign3A_2251 : i32
        %sign3A_2253 = arith.extui %sign3A_2252 : i1 to i32
        %sign3A_2254 = arith.subi %sign3A_2250, %sign3A_2253 : i32
        %ne3A_2255 = arith.cmpi ne, %sign3A_2247, %sign3A_2254 : i32
        %rem3A_2256 = arith.remsi %min3A_2237, %jit3A_2239 : i32
        %ne3A_2257 = arith.constant 0 : i32
        %ne3A_2258 = arith.cmpi ne, %rem3A_2256, %ne3A_2257 : i32
        %and3A_2259 = arith.andi %ne3A_2255, %ne3A_2258 : i1
        %sub3A_2260 = arith.constant 1 : i32
        %sub3A_2261 = arith.subi %div3A_2240, %sub3A_2260 : i32
        %select_n3A_2262 = arith.select %and3A_2259, %sub3A_2261, %div3A_2240 : i32
        %mul3A_2263 = arith.constant 26 : i32
        %mul3A_2264 = arith.muli %select_n3A_2262, %mul3A_2263 : i32
        %sub3A_2265 = arith.subi %min3A_2237, %mul3A_2264 : i32
        %mul3A_2266 = arith.constant 100000 : i32
        %mul3A_2267 = arith.muli %sub3A_2265, %mul3A_2266 : i32
        %broadcast_in_dim3A_2268 = vector.broadcast %mul3A_2267 : i32 to vector<16xi32>
        %get3A_2269 = arith.index_cast %sub3A_2238 : i32 to index
        %get3A_2270 = arith.constant 0 : index
        %get3A_2271 = tpu.vector_load %arg7[%get3A_2269, %get3A_2270] {strides = array<i32>} : memref<32x200xi32, #tpu.memory_space<vmem>>, vector<16xi32>,
        %add3A_2272 = arith.addi %get3A_2271, %broadcast_in_dim3A_2268 : vector<16xi32>
        %swap3A_2273 = arith.constant 2 : i32
        %swap3A_2274 = arith.index_cast %swap3A_2273 : i32 to index
        %swap3A_2275 = arith.constant 0 : index
        %swap3A_2276 = tpu.vector_load %arg8[%swap3A_2274, %swap3A_2275] {strides = array<i32>} : memref<16x104xi32, #tpu.memory_space<vmem>>, vector<16xi32>,
        tpu.vector_store %arg8[%swap3A_2274, %swap3A_2275], %add3A_2272 {strides = array<i32>} : memref<16x104xi32, #tpu.memory_space<vmem>>, vector<16xi32>,
        %get3A_2277 = arith.index_cast %sub3A_2238 : i32 to index
        %get3A_2278 = arith.constant 16 : index
        %get3A_2279 = tpu.vector_load %arg7[%get3A_2277, %get3A_2278] {strides = array<i32>} : memref<32x200xi32, #tpu.memory_space<vmem>>, vector<16xi32>,
        %add3A_2280 = arith.addi %get3A_2279, %broadcast_in_dim3A_2268 : vector<16xi32>
        %swap3A_2281 = arith.constant 2 : i32
        %swap3A_2282 = arith.index_cast %swap3A_2281 : i32 to index
        %swap3A_2283 = arith.constant 16 : index
        %swap3A_2284 = tpu.vector_load %arg8[%swap3A_2282, %swap3A_2283] {strides = array<i32>} : memref<16x104xi32, #tpu.memory_space<vmem>>, vector<16xi32>,
        tpu.vector_store %arg8[%swap3A_2282, %swap3A_2283], %add3A_2280 {strides = array<i32>} : memref<16x104xi32, #tpu.memory_space<vmem>>, vector<16xi32>,
        %get3A_2285 = arith.index_cast %sub3A_2238 : i32 to index
        %get3A_2286 = arith.constant 32 : index
        %get3A_2287 = tpu.vector_load %arg7[%get3A_2285, %get3A_2286] {strides = array<i32>} : memref<32x200xi32, #tpu.memory_space<vmem>>, vector<16xi32>,
        %add3A_2288 = arith.addi %get3A_2287, %broadcast_in_dim3A_2268 : vector<16xi32>
        %swap3A_2289 = arith.constant 2 : i32
        %swap3A_2290 = arith.index_cast %swap3A_2289 : i32 to index
        %swap3A_2291 = arith.constant 32 : index
        %swap3A_2292 = tpu.vector_load %arg8[%swap3A_2290, %swap3A_2291] {strides = array<i32>} : memref<16x104xi32, #tpu.memory_space<vmem>>, vector<16xi32>,
        tpu.vector_store %arg8[%swap3A_2290, %swap3A_2291], %add3A_2288 {strides = array<i32>} : memref<16x104xi32, #tpu.memory_space<vmem>>, vector<16xi32>,
        %get3A_2293 = arith.index_cast %sub3A_2238 : i32 to index
        %get3A_2294 = arith.constant 48 : index
        %get3A_2295 = tpu.vector_load %arg7[%get3A_2293, %get3A_2294] {strides = array<i32>} : memref<32x200xi32, #tpu.memory_space<vmem>>, vector<16xi32>,
        %add3A_2296 = arith.addi %get3A_2295, %broadcast_in_dim3A_2268 : vector<16xi32>
        %swap3A_2297 = arith.constant 2 : i32
        %swap3A_2298 = arith.index_cast %swap3A_2297 : i32 to index
        %swap3A_2299 = arith.constant 48 : index
        %swap3A_2300 = tpu.vector_load %arg8[%swap3A_2298, %swap3A_2299] {strides = array<i32>} : memref<16x104xi32, #tpu.memory_space<vmem>>, vector<16xi32>,
        tpu.vector_store %arg8[%swap3A_2298, %swap3A_2299], %add3A_2296 {strides = array<i32>} : memref<16x104xi32, #tpu.memory_space<vmem>>, vector<16xi32>,
        %get3A_2301 = arith.index_cast %sub3A_2238 : i32 to index
        %get3A_2302 = arith.constant 64 : index
        %get3A_2303 = tpu.vector_load %arg7[%get3A_2301, %get3A_2302] {strides = array<i32>} : memref<32x200xi32, #tpu.memory_space<vmem>>, vector<16xi32>,
        %add3A_2304 = arith.addi %get3A_2303, %broadcast_in_dim3A_2268 : vector<16xi32>
        %swap3A_2305 = arith.constant 2 : i32
        %swap3A_2306 = arith.index_cast %swap3A_2305 : i32 to index
        %swap3A_2307 = arith.constant 64 : index
        %swap3A_2308 = tpu.vector_load %arg8[%swap3A_2306, %swap3A_2307] {strides = array<i32>} : memref<16x104xi32, #tpu.memory_space<vmem>>, vector<16xi32>,
        tpu.vector_store %arg8[%swap3A_2306, %swap3A_2307], %add3A_2304 {strides = array<i32>} : memref<16x104xi32, #tpu.memory_space<vmem>>, vector<16xi32>,
        %get3A_2309 = arith.index_cast %sub3A_2238 : i32 to index
        %get3A_2310 = arith.constant 80 : index
        %get3A_2311 = tpu.vector_load %arg7[%get3A_2309, %get3A_2310] {strides = array<i32>} : memref<32x200xi32, #tpu.memory_space<vmem>>, vector<16xi32>,
        %add3A_2312 = arith.addi %get3A_2311, %broadcast_in_dim3A_2268 : vector<16xi32>
        %swap3A_2313 = arith.constant 2 : i32
        %swap3A_2314 = arith.index_cast %swap3A_2313 : i32 to index
        %swap3A_2315 = arith.constant 80 : index
        %swap3A_2316 = tpu.vector_load %arg8[%swap3A_2314, %swap3A_2315] {strides = array<i32>} : memref<16x104xi32, #tpu.memory_space<vmem>>, vector<16xi32>,
        tpu.vector_store %arg8[%swap3A_2314, %swap3A_2315], %add3A_2312 {strides = array<i32>} : memref<16x104xi32, #tpu.memory_space<vmem>>, vector<16xi32>,
        %get3A_2317 = arith.index_cast %sub3A_2238 : i32 to index
        %get3A_2318 = arith.constant 88 : index
        %get3A_2319 = tpu.vector_load %arg7[%get3A_2317, %get3A_2318] {strides = array<i32>} : memref<32x200xi32, #tpu.memory_space<vmem>>, vector<16xi32>,
        %add3A_2320 = arith.addi %get3A_2319, %broadcast_in_dim3A_2268 : vector<16xi32>
        %swap3A_2321 = arith.constant 2 : i32
        %swap3A_2322 = arith.index_cast %swap3A_2321 : i32 to index
        %swap3A_2323 = arith.constant 88 : index
        %swap3A_2324 = tpu.vector_load %arg8[%swap3A_2322, %swap3A_2323] {strides = array<i32>} : memref<16x104xi32, #tpu.memory_space<vmem>>, vector<16xi32>,
        tpu.vector_store %arg8[%swap3A_2322, %swap3A_2323], %add3A_2320 {strides = array<i32>} : memref<16x104xi32, #tpu.memory_space<vmem>>, vector<16xi32>,
        %get3A_2325 = arith.index_cast %sub3A_2238 : i32 to index
        %get3A_2326 = arith.constant 104 : index
        %get3A_2327 = tpu.vector_load %arg7[%get3A_2325, %get3A_2326] {strides = array<i32>} : memref<32x200xi32, #tpu.memory_space<vmem>>, vector<16xi32>,
        %add3A_2328 = arith.addi %get3A_2327, %broadcast_in_dim3A_2268 : vector<16xi32>
        %swap3A_2329 = arith.constant 3 : i32
        %swap3A_2330 = arith.index_cast %swap3A_2329 : i32 to index
        %swap3A_2331 = arith.constant 0 : index
        %swap3A_2332 = tpu.vector_load %arg8[%swap3A_2330, %swap3A_2331] {strides = array<i32>} : memref<16x104xi32, #tpu.memory_space<vmem>>, vector<16xi32>,
        tpu.vector_store %arg8[%swap3A_2330, %swap3A_2331], %add3A_2328 {strides = array<i32>} : memref<16x104xi32, #tpu.memory_space<vmem>>, vector<16xi32>,
        %get3A_2333 = arith.index_cast %sub3A_2238 : i32 to index
        %get3A_2334 = arith.constant 120 : index
        %get3A_2335 = tpu.vector_load %arg7[%get3A_2333, %get3A_2334] {strides = array<i32>} : memref<32x200xi32, #tpu.memory_space<vmem>>, vector<16xi32>,
        %add3A_2336 = arith.addi %get3A_2335, %broadcast_in_dim3A_2268 : vector<16xi32>
        %swap3A_2337 = arith.constant 3 : i32
        %swap3A_2338 = arith.index_cast %swap3A_2337 : i32 to index
        %swap3A_2339 = arith.constant 16 : index
        %swap3A_2340 = tpu.vector_load %arg8[%swap3A_2338, %swap3A_2339] {strides = array<i32>} : memref<16x104xi32, #tpu.memory_space<vmem>>, vector<16xi32>,
        tpu.vector_store %arg8[%swap3A_2338, %swap3A_2339], %add3A_2336 {strides = array<i32>} : memref<16x104xi32, #tpu.memory_space<vmem>>, vector<16xi32>,
        %get3A_2341 = arith.index_cast %sub3A_2238 : i32 to index
        %get3A_2342 = arith.constant 136 : index
        %get3A_2343 = tpu.vector_load %arg7[%get3A_2341, %get3A_2342] {strides = array<i32>} : memref<32x200xi32, #tpu.memory_space<vmem>>, vector<16xi32>,
        %add3A_2344 = arith.addi %get3A_2343, %broadcast_in_dim3A_2268 : vector<16xi32>
        %swap3A_2345 = arith.constant 3 : i32
        %swap3A_2346 = arith.index_cast %swap3A_2345 : i32 to index
        %swap3A_2347 = arith.constant 32 : index
        %swap3A_2348 = tpu.vector_load %arg8[%swap3A_2346, %swap3A_2347] {strides = array<i32>} : memref<16x104xi32, #tpu.memory_space<vmem>>, vector<16xi32>,
        tpu.vector_store %arg8[%swap3A_2346, %swap3A_2347], %add3A_2344 {strides = array<i32>} : memref<16x104xi32, #tpu.memory_space<vmem>>, vector<16xi32>,
        %get3A_2349 = arith.index_cast %sub3A_2238 : i32 to index
        %get3A_2350 = arith.constant 152 : index
        %get3A_2351 = tpu.vector_load %arg7[%get3A_2349, %get3A_2350] {strides = array<i32>} : memref<32x200xi32, #tpu.memory_space<vmem>>, vector<16xi32>,
        %add3A_2352 = arith.addi %get3A_2351, %broadcast_in_dim3A_2268 : vector<16xi32>
        %swap3A_2353 = arith.constant 3 : i32
        %swap3A_2354 = arith.index_cast %swap3A_2353 : i32 to index
        %swap3A_2355 = arith.constant 48 : index
        %swap3A_2356 = tpu.vector_load %arg8[%swap3A_2354, %swap3A_2355] {strides = array<i32>} : memref<16x104xi32, #tpu.memory_space<vmem>>, vector<16xi32>,
        tpu.vector_store %arg8[%swap3A_2354, %swap3A_2355], %add3A_2352 {strides = array<i32>} : memref<16x104xi32, #tpu.memory_space<vmem>>, vector<16xi32>,
        %get3A_2357 = arith.index_cast %sub3A_2238 : i32 to index
        %get3A_2358 = arith.constant 168 : index
        %get3A_2359 = tpu.vector_load %arg7[%get3A_2357, %get3A_2358] {strides = array<i32>} : memref<32x200xi32, #tpu.memory_space<vmem>>, vector<16xi32>,
        %add3A_2360 = arith.addi %get3A_2359, %broadcast_in_dim3A_2268 : vector<16xi32>
        %swap3A_2361 = arith.constant 3 : i32
        %swap3A_2362 = arith.index_cast %swap3A_2361 : i32 to index
        %swap3A_2363 = arith.constant 64 : index
        %swap3A_2364 = tpu.vector_load %arg8[%swap3A_2362, %swap3A_2363] {strides = array<i32>} : memref<16x104xi32, #tpu.memory_space<vmem>>, vector<16xi32>,
        tpu.vector_store %arg8[%swap3A_2362, %swap3A_2363], %add3A_2360 {strides = array<i32>} : memref<16x104xi32, #tpu.memory_space<vmem>>, vector<16xi32>,
        %get3A_2365 = arith.index_cast %sub3A_2238 : i32 to index
        %get3A_2366 = arith.constant 184 : index
        %get3A_2367 = tpu.vector_load %arg7[%get3A_2365, %get3A_2366] {strides = array<i32>} : memref<32x200xi32, #tpu.memory_space<vmem>>, vector<16xi32>,
        %add3A_2368 = arith.addi %get3A_2367, %broadcast_in_dim3A_2268 : vector<16xi32>
        %swap3A_2369 = arith.constant 3 : i32
        %swap3A_2370 = arith.index_cast %swap3A_2369 : i32 to index
        %swap3A_2371 = arith.constant 80 : index
        %swap3A_2372 = tpu.vector_load %arg8[%swap3A_2370, %swap3A_2371] {strides = array<i32>} : memref<16x104xi32, #tpu.memory_space<vmem>>, vector<16xi32>,
        tpu.vector_store %arg8[%swap3A_2370, %swap3A_2371], %add3A_2368 {strides = array<i32>} : memref<16x104xi32, #tpu.memory_space<vmem>>, vector<16xi32>,
        %dma_start3A_2373 = arith.constant 208 : i32
        %dma_start3A_2374 = arith.constant 0 : i32
        %dma_start3A_2375 = tpu.memref_slice %arg9[%dma_start3A_2373, %dma_start3A_2374] : memref<1664x16xf32, #tpu.memory_space<vmem>> -> memref<104x16xf32, #tpu.memory_space<vmem>>
        %dma_start3A_2376 = arith.constant 0 : i32
        %dma_start3A_2377 = tpu.memref_slice %arg8[%scan3A_1545, %dma_start3A_2376] : memref<16x104xi32, #tpu.memory_space<vmem>> -> memref<1x104xi32, #tpu.memory_space<vmem>>
        %dma_start3A_2378 = tpu.memref_squeeze %dma_start3A_2377 : memref<1x104xi32, #tpu.memory_space<vmem>> -> memref<104xi32, #tpu.memory_space<vmem>>
        %dma_start3A_2379 = arith.constant 0 : i32
        %dma_start3A_2380 = arith.constant 0 : i32
        %dma_start3A_2381 = tpu.memref_slice %arg5[%dma_start3A_2379, %dma_start3A_2380] : memref<2600000x16xf32, #tpu.memory_space<hbm>> -> memref<2600000x16xf32, #tpu.memory_space<hbm>>
        tpu.enqueue_indirect_dma source(%dma_start3A_2381 : memref<2600000x16xf32, #tpu.memory_space<hbm>>) target(%dma_start3A_2375 : memref<104x16xf32, #tpu.memory_space<vmem>>) offsets(%dma_start3A_2378 : memref<104xi32, #tpu.memory_space<vmem>>) semaphore(%arg12 : memref<!tpu.dma_semaphore, #tpu.memory_space<semaphore_mem>>)
        %dma_start3A_2382 = arith.constant 312 : i32
        %dma_start3A_2383 = arith.constant 0 : i32
        %dma_start3A_2384 = tpu.memref_slice %arg9[%dma_start3A_2382, %dma_start3A_2383] : memref<1664x16xf32, #tpu.memory_space<vmem>> -> memref<104x16xf32, #tpu.memory_space<vmem>>
        %dma_start3A_2385 = arith.constant 0 : i32
        %dma_start3A_2386 = tpu.memref_slice %arg8[%scan3A_1546, %dma_start3A_2385] : memref<16x104xi32, #tpu.memory_space<vmem>> -> memref<1x104xi32, #tpu.memory_space<vmem>>
        %dma_start3A_2387 = tpu.memref_squeeze %dma_start3A_2386 : memref<1x104xi32, #tpu.memory_space<vmem>> -> memref<104xi32, #tpu.memory_space<vmem>>
        %dma_start3A_2388 = arith.constant 0 : i32
        %dma_start3A_2389 = arith.constant 0 : i32
        %dma_start3A_2390 = tpu.memref_slice %arg5[%dma_start3A_2388, %dma_start3A_2389] : memref<2600000x16xf32, #tpu.memory_space<hbm>> -> memref<2600000x16xf32, #tpu.memory_space<hbm>>
        tpu.enqueue_indirect_dma source(%dma_start3A_2390 : memref<2600000x16xf32, #tpu.memory_space<hbm>>) target(%dma_start3A_2384 : memref<104x16xf32, #tpu.memory_space<vmem>>) offsets(%dma_start3A_2387 : memref<104xi32, #tpu.memory_space<vmem>>) semaphore(%arg12 : memref<!tpu.dma_semaphore, #tpu.memory_space<semaphore_mem>>)
        %mul3A_2391 = arith.constant 32 : i32
        %mul3A_2392 = arith.muli %scan3A_1822, %mul3A_2391 : i32
        %mul3A_2393 = arith.constant 8 : i32
        %mul3A_2394 = arith.muli %mul3A_2393, %scan3A_1838 : i32
        %add3A_2395 = arith.addi %mul3A_2392, %mul3A_2394 : i32
        %add3A_2396 = arith.constant 2 : i32
        %add3A_2397 = arith.addi %add3A_2395, %add3A_2396 : i32
        %add3A_2398 = arith.addi %mul3A_2, %add3A_2397 : i32
        %dma_wait3A_2399 = arith.constant 416 : i32
        %dma_wait3A_2400 = arith.constant 0 : i32
        %dma_wait3A_2401 = tpu.memref_slice %arg9[%dma_wait3A_2399, %dma_wait3A_2400] : memref<1664x16xf32, #tpu.memory_space<vmem>> -> memref<104x16xf32, #tpu.memory_space<vmem>>
        %dma_wait3A_2402 = arith.constant 0 : i32
        %dma_wait3A_2403 = tpu.memref_slice %arg8[%scan3A_1547, %dma_wait3A_2402] : memref<16x104xi32, #tpu.memory_space<vmem>> -> memref<1x104xi32, #tpu.memory_space<vmem>>
        %dma_wait3A_2404 = tpu.memref_squeeze %dma_wait3A_2403 : memref<1x104xi32, #tpu.memory_space<vmem>> -> memref<104xi32, #tpu.memory_space<vmem>>
        %dma_wait3A_2405 = arith.constant 0 : i32
        %dma_wait3A_2406 = arith.constant 0 : i32
        %dma_wait3A_2407 = tpu.memref_slice %arg5[%dma_wait3A_2405, %dma_wait3A_2406] : memref<2600000x16xf32, #tpu.memory_space<hbm>> -> memref<2600000x16xf32, #tpu.memory_space<hbm>>
        tpu.wait_indirect_dma semaphore(%arg13 : memref<!tpu.dma_semaphore, #tpu.memory_space<semaphore_mem>>) src(%dma_wait3A_2407 : memref<2600000x16xf32, #tpu.memory_space<hbm>>) dst(%dma_wait3A_2401 : memref<104x16xf32, #tpu.memory_space<vmem>>)
        %dma_wait3A_2408 = arith.constant 520 : i32
        %dma_wait3A_2409 = arith.constant 0 : i32
        %dma_wait3A_2410 = tpu.memref_slice %arg9[%dma_wait3A_2408, %dma_wait3A_2409] : memref<1664x16xf32, #tpu.memory_space<vmem>> -> memref<104x16xf32, #tpu.memory_space<vmem>>
        %dma_wait3A_2411 = arith.constant 0 : i32
        %dma_wait3A_2412 = tpu.memref_slice %arg8[%scan3A_1548, %dma_wait3A_2411] : memref<16x104xi32, #tpu.memory_space<vmem>> -> memref<1x104xi32, #tpu.memory_space<vmem>>
        %dma_wait3A_2413 = tpu.memref_squeeze %dma_wait3A_2412 : memref<1x104xi32, #tpu.memory_space<vmem>> -> memref<104xi32, #tpu.memory_space<vmem>>
        %dma_wait3A_2414 = arith.constant 0 : i32
        %dma_wait3A_2415 = arith.constant 0 : i32
        %dma_wait3A_2416 = tpu.memref_slice %arg5[%dma_wait3A_2414, %dma_wait3A_2415] : memref<2600000x16xf32, #tpu.memory_space<hbm>> -> memref<2600000x16xf32, #tpu.memory_space<hbm>>
        tpu.wait_indirect_dma semaphore(%arg13 : memref<!tpu.dma_semaphore, #tpu.memory_space<semaphore_mem>>) src(%dma_wait3A_2416 : memref<2600000x16xf32, #tpu.memory_space<hbm>>) dst(%dma_wait3A_2410 : memref<104x16xf32, #tpu.memory_space<vmem>>)
        %jit3A_2417 = arith.constant 26 : i32
        %div3A_2418 = arith.divsi %add3A_2398, %jit3A_2417 : i32
        %sign3A_2419 = arith.constant 0 : i32
        %sign3A_2420 = arith.cmpi sgt, %add3A_2398, %sign3A_2419 : i32
        %sign3A_2421 = arith.extui %sign3A_2420 : i1 to i32
        %sign3A_2422 = arith.constant 0 : i32
        %sign3A_2423 = arith.cmpi slt, %add3A_2398, %sign3A_2422 : i32
        %sign3A_2424 = arith.extui %sign3A_2423 : i1 to i32
        %sign3A_2425 = arith.subi %sign3A_2421, %sign3A_2424 : i32
        %sign3A_2426 = arith.constant 0 : i32
        %sign3A_2427 = arith.cmpi sgt, %jit3A_2417, %sign3A_2426 : i32
        %sign3A_2428 = arith.extui %sign3A_2427 : i1 to i32
        %sign3A_2429 = arith.constant 0 : i32
        %sign3A_2430 = arith.cmpi slt, %jit3A_2417, %sign3A_2429 : i32
        %sign3A_2431 = arith.extui %sign3A_2430 : i1 to i32
        %sign3A_2432 = arith.subi %sign3A_2428, %sign3A_2431 : i32
        %ne3A_2433 = arith.cmpi ne, %sign3A_2425, %sign3A_2432 : i32
        %rem3A_2434 = arith.remsi %add3A_2398, %jit3A_2417 : i32
        %ne3A_2435 = arith.constant 0 : i32
        %ne3A_2436 = arith.cmpi ne, %rem3A_2434, %ne3A_2435 : i32
        %and3A_2437 = arith.andi %ne3A_2433, %ne3A_2436 : i1
        %sub3A_2438 = arith.constant 1 : i32
        %sub3A_2439 = arith.subi %div3A_2418, %sub3A_2438 : i32
        %select_n3A_2440 = arith.select %and3A_2437, %sub3A_2439, %div3A_2418 : i32
        %mul3A_2441 = arith.constant 26 : i32
        %mul3A_2442 = arith.muli %select_n3A_2440, %mul3A_2441 : i32
        %sub3A_2443 = arith.subi %add3A_2398, %mul3A_2442 : i32
        %mul3A_2444 = arith.constant 88000 : i32
        %mul3A_2445 = arith.muli %select_n3A_2440, %mul3A_2444 : i32
        %mul3A_2446 = arith.constant 16 : i32
        %mul3A_2447 = arith.muli %mul3A_2446, %sub3A_2443 : i32
        %add3A_2448 = arith.constant 24 : i32
        %add3A_2449 = arith.addi %add3A_2448, %mul3A_2447 : i32
        %mul3A_2450 = arith.constant 200 : i32
        %mul3A_2451 = arith.muli %add3A_2449, %mul3A_2450 : i32
        %add3A_2452 = arith.addi %mul3A_2445, %mul3A_2451 : i32
        %dma_wait3A_2453 = arith.constant 0 : i32
        %dma_wait3A_2454 = tpu.memref_slice %arg10[%dma_wait3A_2453] : memref<16000xf32, #tpu.memory_space<vmem>> -> memref<3200xf32, #tpu.memory_space<vmem>>
        %dma_wait3A_2455 = tpu.memref_slice %arg6[%add3A_2452] : memref<90112000xf32, #tpu.memory_space<hbm>> -> memref<3200xf32, #tpu.memory_space<hbm>>
        %dma_wait3A_2456 = tpu.memref_slice %arg6[%add3A_2452] : memref<90112000xf32, #tpu.memory_space<hbm>> -> memref<3200xf32, #tpu.memory_space<hbm>>
        %dma_wait3A_2457 = arith.constant 0 : i32
        %dma_wait3A_2458 = tpu.memref_slice %arg10[%dma_wait3A_2457] : memref<16000xf32, #tpu.memory_space<vmem>> -> memref<3200xf32, #tpu.memory_space<vmem>>
        tpu.wait_dma2 semaphore(%arg19 : memref<!tpu.dma_semaphore, #tpu.memory_space<semaphore_mem>>) src(%dma_wait3A_2458 : memref<3200xf32, #tpu.memory_space<vmem>>) dst(%dma_wait3A_2456 : memref<3200xf32, #tpu.memory_space<hbm>>)
        %add3A_2459 = arith.constant 0 : i32
        %add3A_2460 = vector.broadcast %add3A_2459 : i32 to vector<16xi32>
        %add3A_2461 = arith.addi %mul3A_5, %add3A_2460 : vector<16xi32>
        %parallel_loop3A_2462 = arith.constant 0 : i32
        %parallel_loop3A_2463 = arith.constant 200 : i32
        %parallel_loop3A_2464 = arith.constant 1 : i32
        scf.for %parallel_loop3A_4048 = %parallel_loop3A_2462 to %parallel_loop3A_2463 step %parallel_loop3A_2464  : i32 {
          %parallel_loop3A_4049 = arith.constant 416 : i32
          %parallel_loop3A_4050 = arith.addi %parallel_loop3A_4049, %parallel_loop3A_4048 : i32
          %parallel_loop3A_4051 = arith.index_cast %parallel_loop3A_4050 : i32 to index
          %parallel_loop3A_4052 = arith.constant 0 : index
          %parallel_loop3A_4053 = tpu.vector_load %arg9[%parallel_loop3A_4051, %parallel_loop3A_4052] {strides = array<i32>} : memref<1664x16xf32, #tpu.memory_space<vmem>>, vector<16xf32>,
          %parallel_loop3A_4054 = vector.broadcast %parallel_loop3A_4048 : i32 to vector<16xi32>
          %parallel_loop3A_4055 = arith.addi %add3A_2461, %parallel_loop3A_4054 : vector<16xi32>
          tpu.vector_store_idx %arg10[%parallel_loop3A_4055], %parallel_loop3A_4053 : memref<16000xf32, #tpu.memory_space<vmem>>[vector<16xi32>], vector<16xf32>,
        } {sc.loop_unroll_factor = 8 : i64, sc.parallel_access}
        %jit3A_2465 = arith.constant 26 : i32
        %div3A_2466 = arith.divsi %add3A_2398, %jit3A_2465 : i32
        %sign3A_2467 = arith.constant 0 : i32
        %sign3A_2468 = arith.cmpi sgt, %add3A_2398, %sign3A_2467 : i32
        %sign3A_2469 = arith.extui %sign3A_2468 : i1 to i32
        %sign3A_2470 = arith.constant 0 : i32
        %sign3A_2471 = arith.cmpi slt, %add3A_2398, %sign3A_2470 : i32
        %sign3A_2472 = arith.extui %sign3A_2471 : i1 to i32
        %sign3A_2473 = arith.subi %sign3A_2469, %sign3A_2472 : i32
        %sign3A_2474 = arith.constant 0 : i32
        %sign3A_2475 = arith.cmpi sgt, %jit3A_2465, %sign3A_2474 : i32
        %sign3A_2476 = arith.extui %sign3A_2475 : i1 to i32
        %sign3A_2477 = arith.constant 0 : i32
        %sign3A_2478 = arith.cmpi slt, %jit3A_2465, %sign3A_2477 : i32
        %sign3A_2479 = arith.extui %sign3A_2478 : i1 to i32
        %sign3A_2480 = arith.subi %sign3A_2476, %sign3A_2479 : i32
        %ne3A_2481 = arith.cmpi ne, %sign3A_2473, %sign3A_2480 : i32
        %rem3A_2482 = arith.remsi %add3A_2398, %jit3A_2465 : i32
        %ne3A_2483 = arith.constant 0 : i32
        %ne3A_2484 = arith.cmpi ne, %rem3A_2482, %ne3A_2483 : i32
        %and3A_2485 = arith.andi %ne3A_2481, %ne3A_2484 : i1
        %sub3A_2486 = arith.constant 1 : i32
        %sub3A_2487 = arith.subi %div3A_2466, %sub3A_2486 : i32
        %select_n3A_2488 = arith.select %and3A_2485, %sub3A_2487, %div3A_2466 : i32
        %mul3A_2489 = arith.constant 26 : i32
        %mul3A_2490 = arith.muli %select_n3A_2488, %mul3A_2489 : i32
        %sub3A_2491 = arith.subi %add3A_2398, %mul3A_2490 : i32
        %mul3A_2492 = arith.constant 88000 : i32
        %mul3A_2493 = arith.muli %select_n3A_2488, %mul3A_2492 : i32
        %mul3A_2494 = arith.constant 16 : i32
        %mul3A_2495 = arith.muli %mul3A_2494, %sub3A_2491 : i32
        %add3A_2496 = arith.constant 24 : i32
        %add3A_2497 = arith.addi %add3A_2496, %mul3A_2495 : i32
        %mul3A_2498 = arith.constant 200 : i32
        %mul3A_2499 = arith.muli %add3A_2497, %mul3A_2498 : i32
        %add3A_2500 = arith.addi %mul3A_2493, %mul3A_2499 : i32
        %dma_start3A_2501 = arith.constant 0 : i32
        %dma_start3A_2502 = tpu.memref_slice %arg10[%dma_start3A_2501] : memref<16000xf32, #tpu.memory_space<vmem>> -> memref<3200xf32, #tpu.memory_space<vmem>>
        %dma_start3A_2503 = tpu.memref_slice %arg6[%add3A_2500] : memref<90112000xf32, #tpu.memory_space<hbm>> -> memref<3200xf32, #tpu.memory_space<hbm>>
        %dma_start3A_2504 = tpu.memref_slice %arg6[%add3A_2500] : memref<90112000xf32, #tpu.memory_space<hbm>> -> memref<3200xf32, #tpu.memory_space<hbm>>
        %dma_start3A_2505 = arith.constant 0 : i32
        %dma_start3A_2506 = tpu.memref_slice %arg10[%dma_start3A_2505] : memref<16000xf32, #tpu.memory_space<vmem>> -> memref<3200xf32, #tpu.memory_space<vmem>>
        tpu.enqueue_dma source(%dma_start3A_2506 : memref<3200xf32, #tpu.memory_space<vmem>>) target(%dma_start3A_2504 : memref<3200xf32, #tpu.memory_space<hbm>>) target_semaphore(%arg19 : memref<!tpu.dma_semaphore, #tpu.memory_space<semaphore_mem>>)
        %add3A_2507 = arith.constant 8 : i32
        %add3A_2508 = arith.addi %add3A_2398, %add3A_2507 : i32
        %add3A_2509 = arith.constant 832 : i32
        %add3A_2510 = arith.addi %mul3A_2, %add3A_2509 : i32
        %sub3A_2511 = arith.constant 1 : i32
        %sub3A_2512 = arith.subi %add3A_2510, %sub3A_2511 : i32
        %min3A_2513 = arith.minsi %add3A_2508, %sub3A_2512 : i32
        %sub3A_2514 = arith.subi %min3A_2513, %add3A_1829 : i32
        %jit3A_2515 = arith.constant 26 : i32
        %div3A_2516 = arith.divsi %min3A_2513, %jit3A_2515 : i32
        %sign3A_2517 = arith.constant 0 : i32
        %sign3A_2518 = arith.cmpi sgt, %min3A_2513, %sign3A_2517 : i32
        %sign3A_2519 = arith.extui %sign3A_2518 : i1 to i32
        %sign3A_2520 = arith.constant 0 : i32
        %sign3A_2521 = arith.cmpi slt, %min3A_2513, %sign3A_2520 : i32
        %sign3A_2522 = arith.extui %sign3A_2521 : i1 to i32
        %sign3A_2523 = arith.subi %sign3A_2519, %sign3A_2522 : i32
        %sign3A_2524 = arith.constant 0 : i32
        %sign3A_2525 = arith.cmpi sgt, %jit3A_2515, %sign3A_2524 : i32
        %sign3A_2526 = arith.extui %sign3A_2525 : i1 to i32
        %sign3A_2527 = arith.constant 0 : i32
        %sign3A_2528 = arith.cmpi slt, %jit3A_2515, %sign3A_2527 : i32
        %sign3A_2529 = arith.extui %sign3A_2528 : i1 to i32
        %sign3A_2530 = arith.subi %sign3A_2526, %sign3A_2529 : i32
        %ne3A_2531 = arith.cmpi ne, %sign3A_2523, %sign3A_2530 : i32
        %rem3A_2532 = arith.remsi %min3A_2513, %jit3A_2515 : i32
        %ne3A_2533 = arith.constant 0 : i32
        %ne3A_2534 = arith.cmpi ne, %rem3A_2532, %ne3A_2533 : i32
        %and3A_2535 = arith.andi %ne3A_2531, %ne3A_2534 : i1
        %sub3A_2536 = arith.constant 1 : i32
        %sub3A_2537 = arith.subi %div3A_2516, %sub3A_2536 : i32
        %select_n3A_2538 = arith.select %and3A_2535, %sub3A_2537, %div3A_2516 : i32
        %mul3A_2539 = arith.constant 26 : i32
        %mul3A_2540 = arith.muli %select_n3A_2538, %mul3A_2539 : i32
        %sub3A_2541 = arith.subi %min3A_2513, %mul3A_2540 : i32
        %mul3A_2542 = arith.constant 100000 : i32
        %mul3A_2543 = arith.muli %sub3A_2541, %mul3A_2542 : i32
        %broadcast_in_dim3A_2544 = vector.broadcast %mul3A_2543 : i32 to vector<16xi32>
        %get3A_2545 = arith.index_cast %sub3A_2514 : i32 to index
        %get3A_2546 = arith.constant 0 : index
        %get3A_2547 = tpu.vector_load %arg7[%get3A_2545, %get3A_2546] {strides = array<i32>} : memref<32x200xi32, #tpu.memory_space<vmem>>, vector<16xi32>,
        %add3A_2548 = arith.addi %get3A_2547, %broadcast_in_dim3A_2544 : vector<16xi32>
        %swap3A_2549 = arith.constant 4 : i32
        %swap3A_2550 = arith.index_cast %swap3A_2549 : i32 to index
        %swap3A_2551 = arith.constant 0 : index
        %swap3A_2552 = tpu.vector_load %arg8[%swap3A_2550, %swap3A_2551] {strides = array<i32>} : memref<16x104xi32, #tpu.memory_space<vmem>>, vector<16xi32>,
        tpu.vector_store %arg8[%swap3A_2550, %swap3A_2551], %add3A_2548 {strides = array<i32>} : memref<16x104xi32, #tpu.memory_space<vmem>>, vector<16xi32>,
        %get3A_2553 = arith.index_cast %sub3A_2514 : i32 to index
        %get3A_2554 = arith.constant 16 : index
        %get3A_2555 = tpu.vector_load %arg7[%get3A_2553, %get3A_2554] {strides = array<i32>} : memref<32x200xi32, #tpu.memory_space<vmem>>, vector<16xi32>,
        %add3A_2556 = arith.addi %get3A_2555, %broadcast_in_dim3A_2544 : vector<16xi32>
        %swap3A_2557 = arith.constant 4 : i32
        %swap3A_2558 = arith.index_cast %swap3A_2557 : i32 to index
        %swap3A_2559 = arith.constant 16 : index
        %swap3A_2560 = tpu.vector_load %arg8[%swap3A_2558, %swap3A_2559] {strides = array<i32>} : memref<16x104xi32, #tpu.memory_space<vmem>>, vector<16xi32>,
        tpu.vector_store %arg8[%swap3A_2558, %swap3A_2559], %add3A_2556 {strides = array<i32>} : memref<16x104xi32, #tpu.memory_space<vmem>>, vector<16xi32>,
        %get3A_2561 = arith.index_cast %sub3A_2514 : i32 to index
        %get3A_2562 = arith.constant 32 : index
        %get3A_2563 = tpu.vector_load %arg7[%get3A_2561, %get3A_2562] {strides = array<i32>} : memref<32x200xi32, #tpu.memory_space<vmem>>, vector<16xi32>,
        %add3A_2564 = arith.addi %get3A_2563, %broadcast_in_dim3A_2544 : vector<16xi32>
        %swap3A_2565 = arith.constant 4 : i32
        %swap3A_2566 = arith.index_cast %swap3A_2565 : i32 to index
        %swap3A_2567 = arith.constant 32 : index
        %swap3A_2568 = tpu.vector_load %arg8[%swap3A_2566, %swap3A_2567] {strides = array<i32>} : memref<16x104xi32, #tpu.memory_space<vmem>>, vector<16xi32>,
        tpu.vector_store %arg8[%swap3A_2566, %swap3A_2567], %add3A_2564 {strides = array<i32>} : memref<16x104xi32, #tpu.memory_space<vmem>>, vector<16xi32>,
        %get3A_2569 = arith.index_cast %sub3A_2514 : i32 to index
        %get3A_2570 = arith.constant 48 : index
        %get3A_2571 = tpu.vector_load %arg7[%get3A_2569, %get3A_2570] {strides = array<i32>} : memref<32x200xi32, #tpu.memory_space<vmem>>, vector<16xi32>,
        %add3A_2572 = arith.addi %get3A_2571, %broadcast_in_dim3A_2544 : vector<16xi32>
        %swap3A_2573 = arith.constant 4 : i32
        %swap3A_2574 = arith.index_cast %swap3A_2573 : i32 to index
        %swap3A_2575 = arith.constant 48 : index
        %swap3A_2576 = tpu.vector_load %arg8[%swap3A_2574, %swap3A_2575] {strides = array<i32>} : memref<16x104xi32, #tpu.memory_space<vmem>>, vector<16xi32>,
        tpu.vector_store %arg8[%swap3A_2574, %swap3A_2575], %add3A_2572 {strides = array<i32>} : memref<16x104xi32, #tpu.memory_space<vmem>>, vector<16xi32>,
        %get3A_2577 = arith.index_cast %sub3A_2514 : i32 to index
        %get3A_2578 = arith.constant 64 : index
        %get3A_2579 = tpu.vector_load %arg7[%get3A_2577, %get3A_2578] {strides = array<i32>} : memref<32x200xi32, #tpu.memory_space<vmem>>, vector<16xi32>,
        %add3A_2580 = arith.addi %get3A_2579, %broadcast_in_dim3A_2544 : vector<16xi32>
        %swap3A_2581 = arith.constant 4 : i32
        %swap3A_2582 = arith.index_cast %swap3A_2581 : i32 to index
        %swap3A_2583 = arith.constant 64 : index
        %swap3A_2584 = tpu.vector_load %arg8[%swap3A_2582, %swap3A_2583] {strides = array<i32>} : memref<16x104xi32, #tpu.memory_space<vmem>>, vector<16xi32>,
        tpu.vector_store %arg8[%swap3A_2582, %swap3A_2583], %add3A_2580 {strides = array<i32>} : memref<16x104xi32, #tpu.memory_space<vmem>>, vector<16xi32>,
        %get3A_2585 = arith.index_cast %sub3A_2514 : i32 to index
        %get3A_2586 = arith.constant 80 : index
        %get3A_2587 = tpu.vector_load %arg7[%get3A_2585, %get3A_2586] {strides = array<i32>} : memref<32x200xi32, #tpu.memory_space<vmem>>, vector<16xi32>,
        %add3A_2588 = arith.addi %get3A_2587, %broadcast_in_dim3A_2544 : vector<16xi32>
        %swap3A_2589 = arith.constant 4 : i32
        %swap3A_2590 = arith.index_cast %swap3A_2589 : i32 to index
        %swap3A_2591 = arith.constant 80 : index
        %swap3A_2592 = tpu.vector_load %arg8[%swap3A_2590, %swap3A_2591] {strides = array<i32>} : memref<16x104xi32, #tpu.memory_space<vmem>>, vector<16xi32>,
        tpu.vector_store %arg8[%swap3A_2590, %swap3A_2591], %add3A_2588 {strides = array<i32>} : memref<16x104xi32, #tpu.memory_space<vmem>>, vector<16xi32>,
        %get3A_2593 = arith.index_cast %sub3A_2514 : i32 to index
        %get3A_2594 = arith.constant 88 : index
        %get3A_2595 = tpu.vector_load %arg7[%get3A_2593, %get3A_2594] {strides = array<i32>} : memref<32x200xi32, #tpu.memory_space<vmem>>, vector<16xi32>,
        %add3A_2596 = arith.addi %get3A_2595, %broadcast_in_dim3A_2544 : vector<16xi32>
        %swap3A_2597 = arith.constant 4 : i32
        %swap3A_2598 = arith.index_cast %swap3A_2597 : i32 to index
        %swap3A_2599 = arith.constant 88 : index
        %swap3A_2600 = tpu.vector_load %arg8[%swap3A_2598, %swap3A_2599] {strides = array<i32>} : memref<16x104xi32, #tpu.memory_space<vmem>>, vector<16xi32>,
        tpu.vector_store %arg8[%swap3A_2598, %swap3A_2599], %add3A_2596 {strides = array<i32>} : memref<16x104xi32, #tpu.memory_space<vmem>>, vector<16xi32>,
        %get3A_2601 = arith.index_cast %sub3A_2514 : i32 to index
        %get3A_2602 = arith.constant 104 : index
        %get3A_2603 = tpu.vector_load %arg7[%get3A_2601, %get3A_2602] {strides = array<i32>} : memref<32x200xi32, #tpu.memory_space<vmem>>, vector<16xi32>,
        %add3A_2604 = arith.addi %get3A_2603, %broadcast_in_dim3A_2544 : vector<16xi32>
        %swap3A_2605 = arith.constant 5 : i32
        %swap3A_2606 = arith.index_cast %swap3A_2605 : i32 to index
        %swap3A_2607 = arith.constant 0 : index
        %swap3A_2608 = tpu.vector_load %arg8[%swap3A_2606, %swap3A_2607] {strides = array<i32>} : memref<16x104xi32, #tpu.memory_space<vmem>>, vector<16xi32>,
        tpu.vector_store %arg8[%swap3A_2606, %swap3A_2607], %add3A_2604 {strides = array<i32>} : memref<16x104xi32, #tpu.memory_space<vmem>>, vector<16xi32>,
        %get3A_2609 = arith.index_cast %sub3A_2514 : i32 to index
        %get3A_2610 = arith.constant 120 : index
        %get3A_2611 = tpu.vector_load %arg7[%get3A_2609, %get3A_2610] {strides = array<i32>} : memref<32x200xi32, #tpu.memory_space<vmem>>, vector<16xi32>,
        %add3A_2612 = arith.addi %get3A_2611, %broadcast_in_dim3A_2544 : vector<16xi32>
        %swap3A_2613 = arith.constant 5 : i32
        %swap3A_2614 = arith.index_cast %swap3A_2613 : i32 to index
        %swap3A_2615 = arith.constant 16 : index
        %swap3A_2616 = tpu.vector_load %arg8[%swap3A_2614, %swap3A_2615] {strides = array<i32>} : memref<16x104xi32, #tpu.memory_space<vmem>>, vector<16xi32>,
        tpu.vector_store %arg8[%swap3A_2614, %swap3A_2615], %add3A_2612 {strides = array<i32>} : memref<16x104xi32, #tpu.memory_space<vmem>>, vector<16xi32>,
        %get3A_2617 = arith.index_cast %sub3A_2514 : i32 to index
        %get3A_2618 = arith.constant 136 : index
        %get3A_2619 = tpu.vector_load %arg7[%get3A_2617, %get3A_2618] {strides = array<i32>} : memref<32x200xi32, #tpu.memory_space<vmem>>, vector<16xi32>,
        %add3A_2620 = arith.addi %get3A_2619, %broadcast_in_dim3A_2544 : vector<16xi32>
        %swap3A_2621 = arith.constant 5 : i32
        %swap3A_2622 = arith.index_cast %swap3A_2621 : i32 to index
        %swap3A_2623 = arith.constant 32 : index
        %swap3A_2624 = tpu.vector_load %arg8[%swap3A_2622, %swap3A_2623] {strides = array<i32>} : memref<16x104xi32, #tpu.memory_space<vmem>>, vector<16xi32>,
        tpu.vector_store %arg8[%swap3A_2622, %swap3A_2623], %add3A_2620 {strides = array<i32>} : memref<16x104xi32, #tpu.memory_space<vmem>>, vector<16xi32>,
        %get3A_2625 = arith.index_cast %sub3A_2514 : i32 to index
        %get3A_2626 = arith.constant 152 : index
        %get3A_2627 = tpu.vector_load %arg7[%get3A_2625, %get3A_2626] {strides = array<i32>} : memref<32x200xi32, #tpu.memory_space<vmem>>, vector<16xi32>,
        %add3A_2628 = arith.addi %get3A_2627, %broadcast_in_dim3A_2544 : vector<16xi32>
        %swap3A_2629 = arith.constant 5 : i32
        %swap3A_2630 = arith.index_cast %swap3A_2629 : i32 to index
        %swap3A_2631 = arith.constant 48 : index
        %swap3A_2632 = tpu.vector_load %arg8[%swap3A_2630, %swap3A_2631] {strides = array<i32>} : memref<16x104xi32, #tpu.memory_space<vmem>>, vector<16xi32>,
        tpu.vector_store %arg8[%swap3A_2630, %swap3A_2631], %add3A_2628 {strides = array<i32>} : memref<16x104xi32, #tpu.memory_space<vmem>>, vector<16xi32>,
        %get3A_2633 = arith.index_cast %sub3A_2514 : i32 to index
        %get3A_2634 = arith.constant 168 : index
        %get3A_2635 = tpu.vector_load %arg7[%get3A_2633, %get3A_2634] {strides = array<i32>} : memref<32x200xi32, #tpu.memory_space<vmem>>, vector<16xi32>,
        %add3A_2636 = arith.addi %get3A_2635, %broadcast_in_dim3A_2544 : vector<16xi32>
        %swap3A_2637 = arith.constant 5 : i32
        %swap3A_2638 = arith.index_cast %swap3A_2637 : i32 to index
        %swap3A_2639 = arith.constant 64 : index
        %swap3A_2640 = tpu.vector_load %arg8[%swap3A_2638, %swap3A_2639] {strides = array<i32>} : memref<16x104xi32, #tpu.memory_space<vmem>>, vector<16xi32>,
        tpu.vector_store %arg8[%swap3A_2638, %swap3A_2639], %add3A_2636 {strides = array<i32>} : memref<16x104xi32, #tpu.memory_space<vmem>>, vector<16xi32>,
        %get3A_2641 = arith.index_cast %sub3A_2514 : i32 to index
        %get3A_2642 = arith.constant 184 : index
        %get3A_2643 = tpu.vector_load %arg7[%get3A_2641, %get3A_2642] {strides = array<i32>} : memref<32x200xi32, #tpu.memory_space<vmem>>, vector<16xi32>,
        %add3A_2644 = arith.addi %get3A_2643, %broadcast_in_dim3A_2544 : vector<16xi32>
        %swap3A_2645 = arith.constant 5 : i32
        %swap3A_2646 = arith.index_cast %swap3A_2645 : i32 to index
        %swap3A_2647 = arith.constant 80 : index
        %swap3A_2648 = tpu.vector_load %arg8[%swap3A_2646, %swap3A_2647] {strides = array<i32>} : memref<16x104xi32, #tpu.memory_space<vmem>>, vector<16xi32>,
        tpu.vector_store %arg8[%swap3A_2646, %swap3A_2647], %add3A_2644 {strides = array<i32>} : memref<16x104xi32, #tpu.memory_space<vmem>>, vector<16xi32>,
        %dma_start3A_2649 = arith.constant 416 : i32
        %dma_start3A_2650 = arith.constant 0 : i32
        %dma_start3A_2651 = tpu.memref_slice %arg9[%dma_start3A_2649, %dma_start3A_2650] : memref<1664x16xf32, #tpu.memory_space<vmem>> -> memref<104x16xf32, #tpu.memory_space<vmem>>
        %dma_start3A_2652 = arith.constant 0 : i32
        %dma_start3A_2653 = tpu.memref_slice %arg8[%scan3A_1547, %dma_start3A_2652] : memref<16x104xi32, #tpu.memory_space<vmem>> -> memref<1x104xi32, #tpu.memory_space<vmem>>
        %dma_start3A_2654 = tpu.memref_squeeze %dma_start3A_2653 : memref<1x104xi32, #tpu.memory_space<vmem>> -> memref<104xi32, #tpu.memory_space<vmem>>
        %dma_start3A_2655 = arith.constant 0 : i32
        %dma_start3A_2656 = arith.constant 0 : i32
        %dma_start3A_2657 = tpu.memref_slice %arg5[%dma_start3A_2655, %dma_start3A_2656] : memref<2600000x16xf32, #tpu.memory_space<hbm>> -> memref<2600000x16xf32, #tpu.memory_space<hbm>>
        tpu.enqueue_indirect_dma source(%dma_start3A_2657 : memref<2600000x16xf32, #tpu.memory_space<hbm>>) target(%dma_start3A_2651 : memref<104x16xf32, #tpu.memory_space<vmem>>) offsets(%dma_start3A_2654 : memref<104xi32, #tpu.memory_space<vmem>>) semaphore(%arg13 : memref<!tpu.dma_semaphore, #tpu.memory_space<semaphore_mem>>)
        %dma_start3A_2658 = arith.constant 520 : i32
        %dma_start3A_2659 = arith.constant 0 : i32
        %dma_start3A_2660 = tpu.memref_slice %arg9[%dma_start3A_2658, %dma_start3A_2659] : memref<1664x16xf32, #tpu.memory_space<vmem>> -> memref<104x16xf32, #tpu.memory_space<vmem>>
        %dma_start3A_2661 = arith.constant 0 : i32
        %dma_start3A_2662 = tpu.memref_slice %arg8[%scan3A_1548, %dma_start3A_2661] : memref<16x104xi32, #tpu.memory_space<vmem>> -> memref<1x104xi32, #tpu.memory_space<vmem>>
        %dma_start3A_2663 = tpu.memref_squeeze %dma_start3A_2662 : memref<1x104xi32, #tpu.memory_space<vmem>> -> memref<104xi32, #tpu.memory_space<vmem>>
        %dma_start3A_2664 = arith.constant 0 : i32
        %dma_start3A_2665 = arith.constant 0 : i32
        %dma_start3A_2666 = tpu.memref_slice %arg5[%dma_start3A_2664, %dma_start3A_2665] : memref<2600000x16xf32, #tpu.memory_space<hbm>> -> memref<2600000x16xf32, #tpu.memory_space<hbm>>
        tpu.enqueue_indirect_dma source(%dma_start3A_2666 : memref<2600000x16xf32, #tpu.memory_space<hbm>>) target(%dma_start3A_2660 : memref<104x16xf32, #tpu.memory_space<vmem>>) offsets(%dma_start3A_2663 : memref<104xi32, #tpu.memory_space<vmem>>) semaphore(%arg13 : memref<!tpu.dma_semaphore, #tpu.memory_space<semaphore_mem>>)
        %mul3A_2667 = arith.constant 32 : i32
        %mul3A_2668 = arith.muli %scan3A_1822, %mul3A_2667 : i32
        %mul3A_2669 = arith.constant 8 : i32
        %mul3A_2670 = arith.muli %mul3A_2669, %scan3A_1838 : i32
        %add3A_2671 = arith.addi %mul3A_2668, %mul3A_2670 : i32
        %add3A_2672 = arith.constant 3 : i32
        %add3A_2673 = arith.addi %add3A_2671, %add3A_2672 : i32
        %add3A_2674 = arith.addi %mul3A_2, %add3A_2673 : i32
        %dma_wait3A_2675 = arith.constant 624 : i32
        %dma_wait3A_2676 = arith.constant 0 : i32
        %dma_wait3A_2677 = tpu.memref_slice %arg9[%dma_wait3A_2675, %dma_wait3A_2676] : memref<1664x16xf32, #tpu.memory_space<vmem>> -> memref<104x16xf32, #tpu.memory_space<vmem>>
        %dma_wait3A_2678 = arith.constant 0 : i32
        %dma_wait3A_2679 = tpu.memref_slice %arg8[%scan3A_1549, %dma_wait3A_2678] : memref<16x104xi32, #tpu.memory_space<vmem>> -> memref<1x104xi32, #tpu.memory_space<vmem>>
        %dma_wait3A_2680 = tpu.memref_squeeze %dma_wait3A_2679 : memref<1x104xi32, #tpu.memory_space<vmem>> -> memref<104xi32, #tpu.memory_space<vmem>>
        %dma_wait3A_2681 = arith.constant 0 : i32
        %dma_wait3A_2682 = arith.constant 0 : i32
        %dma_wait3A_2683 = tpu.memref_slice %arg5[%dma_wait3A_2681, %dma_wait3A_2682] : memref<2600000x16xf32, #tpu.memory_space<hbm>> -> memref<2600000x16xf32, #tpu.memory_space<hbm>>
        tpu.wait_indirect_dma semaphore(%arg14 : memref<!tpu.dma_semaphore, #tpu.memory_space<semaphore_mem>>) src(%dma_wait3A_2683 : memref<2600000x16xf32, #tpu.memory_space<hbm>>) dst(%dma_wait3A_2677 : memref<104x16xf32, #tpu.memory_space<vmem>>)
        %dma_wait3A_2684 = arith.constant 728 : i32
        %dma_wait3A_2685 = arith.constant 0 : i32
        %dma_wait3A_2686 = tpu.memref_slice %arg9[%dma_wait3A_2684, %dma_wait3A_2685] : memref<1664x16xf32, #tpu.memory_space<vmem>> -> memref<104x16xf32, #tpu.memory_space<vmem>>
        %dma_wait3A_2687 = arith.constant 0 : i32
        %dma_wait3A_2688 = tpu.memref_slice %arg8[%scan3A_1550, %dma_wait3A_2687] : memref<16x104xi32, #tpu.memory_space<vmem>> -> memref<1x104xi32, #tpu.memory_space<vmem>>
        %dma_wait3A_2689 = tpu.memref_squeeze %dma_wait3A_2688 : memref<1x104xi32, #tpu.memory_space<vmem>> -> memref<104xi32, #tpu.memory_space<vmem>>
        %dma_wait3A_2690 = arith.constant 0 : i32
        %dma_wait3A_2691 = arith.constant 0 : i32
        %dma_wait3A_2692 = tpu.memref_slice %arg5[%dma_wait3A_2690, %dma_wait3A_2691] : memref<2600000x16xf32, #tpu.memory_space<hbm>> -> memref<2600000x16xf32, #tpu.memory_space<hbm>>
        tpu.wait_indirect_dma semaphore(%arg14 : memref<!tpu.dma_semaphore, #tpu.memory_space<semaphore_mem>>) src(%dma_wait3A_2692 : memref<2600000x16xf32, #tpu.memory_space<hbm>>) dst(%dma_wait3A_2686 : memref<104x16xf32, #tpu.memory_space<vmem>>)
        %jit3A_2693 = arith.constant 26 : i32
        %div3A_2694 = arith.divsi %add3A_2674, %jit3A_2693 : i32
        %sign3A_2695 = arith.constant 0 : i32
        %sign3A_2696 = arith.cmpi sgt, %add3A_2674, %sign3A_2695 : i32
        %sign3A_2697 = arith.extui %sign3A_2696 : i1 to i32
        %sign3A_2698 = arith.constant 0 : i32
        %sign3A_2699 = arith.cmpi slt, %add3A_2674, %sign3A_2698 : i32
        %sign3A_2700 = arith.extui %sign3A_2699 : i1 to i32
        %sign3A_2701 = arith.subi %sign3A_2697, %sign3A_2700 : i32
        %sign3A_2702 = arith.constant 0 : i32
        %sign3A_2703 = arith.cmpi sgt, %jit3A_2693, %sign3A_2702 : i32
        %sign3A_2704 = arith.extui %sign3A_2703 : i1 to i32
        %sign3A_2705 = arith.constant 0 : i32
        %sign3A_2706 = arith.cmpi slt, %jit3A_2693, %sign3A_2705 : i32
        %sign3A_2707 = arith.extui %sign3A_2706 : i1 to i32
        %sign3A_2708 = arith.subi %sign3A_2704, %sign3A_2707 : i32
        %ne3A_2709 = arith.cmpi ne, %sign3A_2701, %sign3A_2708 : i32
        %rem3A_2710 = arith.remsi %add3A_2674, %jit3A_2693 : i32
        %ne3A_2711 = arith.constant 0 : i32
        %ne3A_2712 = arith.cmpi ne, %rem3A_2710, %ne3A_2711 : i32
        %and3A_2713 = arith.andi %ne3A_2709, %ne3A_2712 : i1
        %sub3A_2714 = arith.constant 1 : i32
        %sub3A_2715 = arith.subi %div3A_2694, %sub3A_2714 : i32
        %select_n3A_2716 = arith.select %and3A_2713, %sub3A_2715, %div3A_2694 : i32
        %mul3A_2717 = arith.constant 26 : i32
        %mul3A_2718 = arith.muli %select_n3A_2716, %mul3A_2717 : i32
        %sub3A_2719 = arith.subi %add3A_2674, %mul3A_2718 : i32
        %mul3A_2720 = arith.constant 88000 : i32
        %mul3A_2721 = arith.muli %select_n3A_2716, %mul3A_2720 : i32
        %mul3A_2722 = arith.constant 16 : i32
        %mul3A_2723 = arith.muli %mul3A_2722, %sub3A_2719 : i32
        %add3A_2724 = arith.constant 24 : i32
        %add3A_2725 = arith.addi %add3A_2724, %mul3A_2723 : i32
        %mul3A_2726 = arith.constant 200 : i32
        %mul3A_2727 = arith.muli %add3A_2725, %mul3A_2726 : i32
        %add3A_2728 = arith.addi %mul3A_2721, %mul3A_2727 : i32
        %dma_wait3A_2729 = arith.constant 8000 : i32
        %dma_wait3A_2730 = tpu.memref_slice %arg10[%dma_wait3A_2729] : memref<16000xf32, #tpu.memory_space<vmem>> -> memref<3200xf32, #tpu.memory_space<vmem>>
        %dma_wait3A_2731 = tpu.memref_slice %arg6[%add3A_2728] : memref<90112000xf32, #tpu.memory_space<hbm>> -> memref<3200xf32, #tpu.memory_space<hbm>>
        %dma_wait3A_2732 = tpu.memref_slice %arg6[%add3A_2728] : memref<90112000xf32, #tpu.memory_space<hbm>> -> memref<3200xf32, #tpu.memory_space<hbm>>
        %dma_wait3A_2733 = arith.constant 8000 : i32
        %dma_wait3A_2734 = tpu.memref_slice %arg10[%dma_wait3A_2733] : memref<16000xf32, #tpu.memory_space<vmem>> -> memref<3200xf32, #tpu.memory_space<vmem>>
        tpu.wait_dma2 semaphore(%arg20 : memref<!tpu.dma_semaphore, #tpu.memory_space<semaphore_mem>>) src(%dma_wait3A_2734 : memref<3200xf32, #tpu.memory_space<vmem>>) dst(%dma_wait3A_2732 : memref<3200xf32, #tpu.memory_space<hbm>>)
        %add3A_2735 = arith.constant 8000 : i32
        %add3A_2736 = vector.broadcast %add3A_2735 : i32 to vector<16xi32>
        %add3A_2737 = arith.addi %mul3A_5, %add3A_2736 : vector<16xi32>
        %parallel_loop3A_2738 = arith.constant 0 : i32
        %parallel_loop3A_2739 = arith.constant 200 : i32
        %parallel_loop3A_2740 = arith.constant 1 : i32
        scf.for %parallel_loop3A_4048 = %parallel_loop3A_2738 to %parallel_loop3A_2739 step %parallel_loop3A_2740  : i32 {
          %parallel_loop3A_4049 = arith.constant 624 : i32
          %parallel_loop3A_4050 = arith.addi %parallel_loop3A_4049, %parallel_loop3A_4048 : i32
          %parallel_loop3A_4051 = arith.index_cast %parallel_loop3A_4050 : i32 to index
          %parallel_loop3A_4052 = arith.constant 0 : index
          %parallel_loop3A_4053 = tpu.vector_load %arg9[%parallel_loop3A_4051, %parallel_loop3A_4052] {strides = array<i32>} : memref<1664x16xf32, #tpu.memory_space<vmem>>, vector<16xf32>,
          %parallel_loop3A_4054 = vector.broadcast %parallel_loop3A_4048 : i32 to vector<16xi32>
          %parallel_loop3A_4055 = arith.addi %add3A_2737, %parallel_loop3A_4054 : vector<16xi32>
          tpu.vector_store_idx %arg10[%parallel_loop3A_4055], %parallel_loop3A_4053 : memref<16000xf32, #tpu.memory_space<vmem>>[vector<16xi32>], vector<16xf32>,
        } {sc.loop_unroll_factor = 8 : i64, sc.parallel_access}
        %jit3A_2741 = arith.constant 26 : i32
        %div3A_2742 = arith.divsi %add3A_2674, %jit3A_2741 : i32
        %sign3A_2743 = arith.constant 0 : i32
        %sign3A_2744 = arith.cmpi sgt, %add3A_2674, %sign3A_2743 : i32
        %sign3A_2745 = arith.extui %sign3A_2744 : i1 to i32
        %sign3A_2746 = arith.constant 0 : i32
        %sign3A_2747 = arith.cmpi slt, %add3A_2674, %sign3A_2746 : i32
        %sign3A_2748 = arith.extui %sign3A_2747 : i1 to i32
        %sign3A_2749 = arith.subi %sign3A_2745, %sign3A_2748 : i32
        %sign3A_2750 = arith.constant 0 : i32
        %sign3A_2751 = arith.cmpi sgt, %jit3A_2741, %sign3A_2750 : i32
        %sign3A_2752 = arith.extui %sign3A_2751 : i1 to i32
        %sign3A_2753 = arith.constant 0 : i32
        %sign3A_2754 = arith.cmpi slt, %jit3A_2741, %sign3A_2753 : i32
        %sign3A_2755 = arith.extui %sign3A_2754 : i1 to i32
        %sign3A_2756 = arith.subi %sign3A_2752, %sign3A_2755 : i32
        %ne3A_2757 = arith.cmpi ne, %sign3A_2749, %sign3A_2756 : i32
        %rem3A_2758 = arith.remsi %add3A_2674, %jit3A_2741 : i32
        %ne3A_2759 = arith.constant 0 : i32
        %ne3A_2760 = arith.cmpi ne, %rem3A_2758, %ne3A_2759 : i32
        %and3A_2761 = arith.andi %ne3A_2757, %ne3A_2760 : i1
        %sub3A_2762 = arith.constant 1 : i32
        %sub3A_2763 = arith.subi %div3A_2742, %sub3A_2762 : i32
        %select_n3A_2764 = arith.select %and3A_2761, %sub3A_2763, %div3A_2742 : i32
        %mul3A_2765 = arith.constant 26 : i32
        %mul3A_2766 = arith.muli %select_n3A_2764, %mul3A_2765 : i32
        %sub3A_2767 = arith.subi %add3A_2674, %mul3A_2766 : i32
        %mul3A_2768 = arith.constant 88000 : i32
        %mul3A_2769 = arith.muli %select_n3A_2764, %mul3A_2768 : i32
        %mul3A_2770 = arith.constant 16 : i32
        %mul3A_2771 = arith.muli %mul3A_2770, %sub3A_2767 : i32
        %add3A_2772 = arith.constant 24 : i32
        %add3A_2773 = arith.addi %add3A_2772, %mul3A_2771 : i32
        %mul3A_2774 = arith.constant 200 : i32
        %mul3A_2775 = arith.muli %add3A_2773, %mul3A_2774 : i32
        %add3A_2776 = arith.addi %mul3A_2769, %mul3A_2775 : i32
        %dma_start3A_2777 = arith.constant 8000 : i32
        %dma_start3A_2778 = tpu.memref_slice %arg10[%dma_start3A_2777] : memref<16000xf32, #tpu.memory_space<vmem>> -> memref<3200xf32, #tpu.memory_space<vmem>>
        %dma_start3A_2779 = tpu.memref_slice %arg6[%add3A_2776] : memref<90112000xf32, #tpu.memory_space<hbm>> -> memref<3200xf32, #tpu.memory_space<hbm>>
        %dma_start3A_2780 = tpu.memref_slice %arg6[%add3A_2776] : memref<90112000xf32, #tpu.memory_space<hbm>> -> memref<3200xf32, #tpu.memory_space<hbm>>
        %dma_start3A_2781 = arith.constant 8000 : i32
        %dma_start3A_2782 = tpu.memref_slice %arg10[%dma_start3A_2781] : memref<16000xf32, #tpu.memory_space<vmem>> -> memref<3200xf32, #tpu.memory_space<vmem>>
        tpu.enqueue_dma source(%dma_start3A_2782 : memref<3200xf32, #tpu.memory_space<vmem>>) target(%dma_start3A_2780 : memref<3200xf32, #tpu.memory_space<hbm>>) target_semaphore(%arg20 : memref<!tpu.dma_semaphore, #tpu.memory_space<semaphore_mem>>)
        %add3A_2783 = arith.constant 8 : i32
        %add3A_2784 = arith.addi %add3A_2674, %add3A_2783 : i32
        %add3A_2785 = arith.constant 832 : i32
        %add3A_2786 = arith.addi %mul3A_2, %add3A_2785 : i32
        %sub3A_2787 = arith.constant 1 : i32
        %sub3A_2788 = arith.subi %add3A_2786, %sub3A_2787 : i32
        %min3A_2789 = arith.minsi %add3A_2784, %sub3A_2788 : i32
        %sub3A_2790 = arith.subi %min3A_2789, %add3A_1829 : i32
        %jit3A_2791 = arith.constant 26 : i32
        %div3A_2792 = arith.divsi %min3A_2789, %jit3A_2791 : i32
        %sign3A_2793 = arith.constant 0 : i32
        %sign3A_2794 = arith.cmpi sgt, %min3A_2789, %sign3A_2793 : i32
        %sign3A_2795 = arith.extui %sign3A_2794 : i1 to i32
        %sign3A_2796 = arith.constant 0 : i32
        %sign3A_2797 = arith.cmpi slt, %min3A_2789, %sign3A_2796 : i32
        %sign3A_2798 = arith.extui %sign3A_2797 : i1 to i32
        %sign3A_2799 = arith.subi %sign3A_2795, %sign3A_2798 : i32
        %sign3A_2800 = arith.constant 0 : i32
        %sign3A_2801 = arith.cmpi sgt, %jit3A_2791, %sign3A_2800 : i32
        %sign3A_2802 = arith.extui %sign3A_2801 : i1 to i32
        %sign3A_2803 = arith.constant 0 : i32
        %sign3A_2804 = arith.cmpi slt, %jit3A_2791, %sign3A_2803 : i32
        %sign3A_2805 = arith.extui %sign3A_2804 : i1 to i32
        %sign3A_2806 = arith.subi %sign3A_2802, %sign3A_2805 : i32
        %ne3A_2807 = arith.cmpi ne, %sign3A_2799, %sign3A_2806 : i32
        %rem3A_2808 = arith.remsi %min3A_2789, %jit3A_2791 : i32
        %ne3A_2809 = arith.constant 0 : i32
        %ne3A_2810 = arith.cmpi ne, %rem3A_2808, %ne3A_2809 : i32
        %and3A_2811 = arith.andi %ne3A_2807, %ne3A_2810 : i1
        %sub3A_2812 = arith.constant 1 : i32
        %sub3A_2813 = arith.subi %div3A_2792, %sub3A_2812 : i32
        %select_n3A_2814 = arith.select %and3A_2811, %sub3A_2813, %div3A_2792 : i32
        %mul3A_2815 = arith.constant 26 : i32
        %mul3A_2816 = arith.muli %select_n3A_2814, %mul3A_2815 : i32
        %sub3A_2817 = arith.subi %min3A_2789, %mul3A_2816 : i32
        %mul3A_2818 = arith.constant 100000 : i32
        %mul3A_2819 = arith.muli %sub3A_2817, %mul3A_2818 : i32
        %broadcast_in_dim3A_2820 = vector.broadcast %mul3A_2819 : i32 to vector<16xi32>
        %get3A_2821 = arith.index_cast %sub3A_2790 : i32 to index
        %get3A_2822 = arith.constant 0 : index
        %get3A_2823 = tpu.vector_load %arg7[%get3A_2821, %get3A_2822] {strides = array<i32>} : memref<32x200xi32, #tpu.memory_space<vmem>>, vector<16xi32>,
        %add3A_2824 = arith.addi %get3A_2823, %broadcast_in_dim3A_2820 : vector<16xi32>
        %swap3A_2825 = arith.constant 6 : i32
        %swap3A_2826 = arith.index_cast %swap3A_2825 : i32 to index
        %swap3A_2827 = arith.constant 0 : index
        %swap3A_2828 = tpu.vector_load %arg8[%swap3A_2826, %swap3A_2827] {strides = array<i32>} : memref<16x104xi32, #tpu.memory_space<vmem>>, vector<16xi32>,
        tpu.vector_store %arg8[%swap3A_2826, %swap3A_2827], %add3A_2824 {strides = array<i32>} : memref<16x104xi32, #tpu.memory_space<vmem>>, vector<16xi32>,
        %get3A_2829 = arith.index_cast %sub3A_2790 : i32 to index
        %get3A_2830 = arith.constant 16 : index
        %get3A_2831 = tpu.vector_load %arg7[%get3A_2829, %get3A_2830] {strides = array<i32>} : memref<32x200xi32, #tpu.memory_space<vmem>>, vector<16xi32>,
        %add3A_2832 = arith.addi %get3A_2831, %broadcast_in_dim3A_2820 : vector<16xi32>
        %swap3A_2833 = arith.constant 6 : i32
        %swap3A_2834 = arith.index_cast %swap3A_2833 : i32 to index
        %swap3A_2835 = arith.constant 16 : index
        %swap3A_2836 = tpu.vector_load %arg8[%swap3A_2834, %swap3A_2835] {strides = array<i32>} : memref<16x104xi32, #tpu.memory_space<vmem>>, vector<16xi32>,
        tpu.vector_store %arg8[%swap3A_2834, %swap3A_2835], %add3A_2832 {strides = array<i32>} : memref<16x104xi32, #tpu.memory_space<vmem>>, vector<16xi32>,
        %get3A_2837 = arith.index_cast %sub3A_2790 : i32 to index
        %get3A_2838 = arith.constant 32 : index
        %get3A_2839 = tpu.vector_load %arg7[%get3A_2837, %get3A_2838] {strides = array<i32>} : memref<32x200xi32, #tpu.memory_space<vmem>>, vector<16xi32>,
        %add3A_2840 = arith.addi %get3A_2839, %broadcast_in_dim3A_2820 : vector<16xi32>
        %swap3A_2841 = arith.constant 6 : i32
        %swap3A_2842 = arith.index_cast %swap3A_2841 : i32 to index
        %swap3A_2843 = arith.constant 32 : index
        %swap3A_2844 = tpu.vector_load %arg8[%swap3A_2842, %swap3A_2843] {strides = array<i32>} : memref<16x104xi32, #tpu.memory_space<vmem>>, vector<16xi32>,
        tpu.vector_store %arg8[%swap3A_2842, %swap3A_2843], %add3A_2840 {strides = array<i32>} : memref<16x104xi32, #tpu.memory_space<vmem>>, vector<16xi32>,
        %get3A_2845 = arith.index_cast %sub3A_2790 : i32 to index
        %get3A_2846 = arith.constant 48 : index
        %get3A_2847 = tpu.vector_load %arg7[%get3A_2845, %get3A_2846] {strides = array<i32>} : memref<32x200xi32, #tpu.memory_space<vmem>>, vector<16xi32>,
        %add3A_2848 = arith.addi %get3A_2847, %broadcast_in_dim3A_2820 : vector<16xi32>
        %swap3A_2849 = arith.constant 6 : i32
        %swap3A_2850 = arith.index_cast %swap3A_2849 : i32 to index
        %swap3A_2851 = arith.constant 48 : index
        %swap3A_2852 = tpu.vector_load %arg8[%swap3A_2850, %swap3A_2851] {strides = array<i32>} : memref<16x104xi32, #tpu.memory_space<vmem>>, vector<16xi32>,
        tpu.vector_store %arg8[%swap3A_2850, %swap3A_2851], %add3A_2848 {strides = array<i32>} : memref<16x104xi32, #tpu.memory_space<vmem>>, vector<16xi32>,
        %get3A_2853 = arith.index_cast %sub3A_2790 : i32 to index
        %get3A_2854 = arith.constant 64 : index
        %get3A_2855 = tpu.vector_load %arg7[%get3A_2853, %get3A_2854] {strides = array<i32>} : memref<32x200xi32, #tpu.memory_space<vmem>>, vector<16xi32>,
        %add3A_2856 = arith.addi %get3A_2855, %broadcast_in_dim3A_2820 : vector<16xi32>
        %swap3A_2857 = arith.constant 6 : i32
        %swap3A_2858 = arith.index_cast %swap3A_2857 : i32 to index
        %swap3A_2859 = arith.constant 64 : index
        %swap3A_2860 = tpu.vector_load %arg8[%swap3A_2858, %swap3A_2859] {strides = array<i32>} : memref<16x104xi32, #tpu.memory_space<vmem>>, vector<16xi32>,
        tpu.vector_store %arg8[%swap3A_2858, %swap3A_2859], %add3A_2856 {strides = array<i32>} : memref<16x104xi32, #tpu.memory_space<vmem>>, vector<16xi32>,
        %get3A_2861 = arith.index_cast %sub3A_2790 : i32 to index
        %get3A_2862 = arith.constant 80 : index
        %get3A_2863 = tpu.vector_load %arg7[%get3A_2861, %get3A_2862] {strides = array<i32>} : memref<32x200xi32, #tpu.memory_space<vmem>>, vector<16xi32>,
        %add3A_2864 = arith.addi %get3A_2863, %broadcast_in_dim3A_2820 : vector<16xi32>
        %swap3A_2865 = arith.constant 6 : i32
        %swap3A_2866 = arith.index_cast %swap3A_2865 : i32 to index
        %swap3A_2867 = arith.constant 80 : index
        %swap3A_2868 = tpu.vector_load %arg8[%swap3A_2866, %swap3A_2867] {strides = array<i32>} : memref<16x104xi32, #tpu.memory_space<vmem>>, vector<16xi32>,
        tpu.vector_store %arg8[%swap3A_2866, %swap3A_2867], %add3A_2864 {strides = array<i32>} : memref<16x104xi32, #tpu.memory_space<vmem>>, vector<16xi32>,
        %get3A_2869 = arith.index_cast %sub3A_2790 : i32 to index
        %get3A_2870 = arith.constant 88 : index
        %get3A_2871 = tpu.vector_load %arg7[%get3A_2869, %get3A_2870] {strides = array<i32>} : memref<32x200xi32, #tpu.memory_space<vmem>>, vector<16xi32>,
        %add3A_2872 = arith.addi %get3A_2871, %broadcast_in_dim3A_2820 : vector<16xi32>
        %swap3A_2873 = arith.constant 6 : i32
        %swap3A_2874 = arith.index_cast %swap3A_2873 : i32 to index
        %swap3A_2875 = arith.constant 88 : index
        %swap3A_2876 = tpu.vector_load %arg8[%swap3A_2874, %swap3A_2875] {strides = array<i32>} : memref<16x104xi32, #tpu.memory_space<vmem>>, vector<16xi32>,
        tpu.vector_store %arg8[%swap3A_2874, %swap3A_2875], %add3A_2872 {strides = array<i32>} : memref<16x104xi32, #tpu.memory_space<vmem>>, vector<16xi32>,
        %get3A_2877 = arith.index_cast %sub3A_2790 : i32 to index
        %get3A_2878 = arith.constant 104 : index
        %get3A_2879 = tpu.vector_load %arg7[%get3A_2877, %get3A_2878] {strides = array<i32>} : memref<32x200xi32, #tpu.memory_space<vmem>>, vector<16xi32>,
        %add3A_2880 = arith.addi %get3A_2879, %broadcast_in_dim3A_2820 : vector<16xi32>
        %swap3A_2881 = arith.constant 7 : i32
        %swap3A_2882 = arith.index_cast %swap3A_2881 : i32 to index
        %swap3A_2883 = arith.constant 0 : index
        %swap3A_2884 = tpu.vector_load %arg8[%swap3A_2882, %swap3A_2883] {strides = array<i32>} : memref<16x104xi32, #tpu.memory_space<vmem>>, vector<16xi32>,
        tpu.vector_store %arg8[%swap3A_2882, %swap3A_2883], %add3A_2880 {strides = array<i32>} : memref<16x104xi32, #tpu.memory_space<vmem>>, vector<16xi32>,
        %get3A_2885 = arith.index_cast %sub3A_2790 : i32 to index
        %get3A_2886 = arith.constant 120 : index
        %get3A_2887 = tpu.vector_load %arg7[%get3A_2885, %get3A_2886] {strides = array<i32>} : memref<32x200xi32, #tpu.memory_space<vmem>>, vector<16xi32>,
        %add3A_2888 = arith.addi %get3A_2887, %broadcast_in_dim3A_2820 : vector<16xi32>
        %swap3A_2889 = arith.constant 7 : i32
        %swap3A_2890 = arith.index_cast %swap3A_2889 : i32 to index
        %swap3A_2891 = arith.constant 16 : index
        %swap3A_2892 = tpu.vector_load %arg8[%swap3A_2890, %swap3A_2891] {strides = array<i32>} : memref<16x104xi32, #tpu.memory_space<vmem>>, vector<16xi32>,
        tpu.vector_store %arg8[%swap3A_2890, %swap3A_2891], %add3A_2888 {strides = array<i32>} : memref<16x104xi32, #tpu.memory_space<vmem>>, vector<16xi32>,
        %get3A_2893 = arith.index_cast %sub3A_2790 : i32 to index
        %get3A_2894 = arith.constant 136 : index
        %get3A_2895 = tpu.vector_load %arg7[%get3A_2893, %get3A_2894] {strides = array<i32>} : memref<32x200xi32, #tpu.memory_space<vmem>>, vector<16xi32>,
        %add3A_2896 = arith.addi %get3A_2895, %broadcast_in_dim3A_2820 : vector<16xi32>
        %swap3A_2897 = arith.constant 7 : i32
        %swap3A_2898 = arith.index_cast %swap3A_2897 : i32 to index
        %swap3A_2899 = arith.constant 32 : index
        %swap3A_2900 = tpu.vector_load %arg8[%swap3A_2898, %swap3A_2899] {strides = array<i32>} : memref<16x104xi32, #tpu.memory_space<vmem>>, vector<16xi32>,
        tpu.vector_store %arg8[%swap3A_2898, %swap3A_2899], %add3A_2896 {strides = array<i32>} : memref<16x104xi32, #tpu.memory_space<vmem>>, vector<16xi32>,
        %get3A_2901 = arith.index_cast %sub3A_2790 : i32 to index
        %get3A_2902 = arith.constant 152 : index
        %get3A_2903 = tpu.vector_load %arg7[%get3A_2901, %get3A_2902] {strides = array<i32>} : memref<32x200xi32, #tpu.memory_space<vmem>>, vector<16xi32>,
        %add3A_2904 = arith.addi %get3A_2903, %broadcast_in_dim3A_2820 : vector<16xi32>
        %swap3A_2905 = arith.constant 7 : i32
        %swap3A_2906 = arith.index_cast %swap3A_2905 : i32 to index
        %swap3A_2907 = arith.constant 48 : index
        %swap3A_2908 = tpu.vector_load %arg8[%swap3A_2906, %swap3A_2907] {strides = array<i32>} : memref<16x104xi32, #tpu.memory_space<vmem>>, vector<16xi32>,
        tpu.vector_store %arg8[%swap3A_2906, %swap3A_2907], %add3A_2904 {strides = array<i32>} : memref<16x104xi32, #tpu.memory_space<vmem>>, vector<16xi32>,
        %get3A_2909 = arith.index_cast %sub3A_2790 : i32 to index
        %get3A_2910 = arith.constant 168 : index
        %get3A_2911 = tpu.vector_load %arg7[%get3A_2909, %get3A_2910] {strides = array<i32>} : memref<32x200xi32, #tpu.memory_space<vmem>>, vector<16xi32>,
        %add3A_2912 = arith.addi %get3A_2911, %broadcast_in_dim3A_2820 : vector<16xi32>
        %swap3A_2913 = arith.constant 7 : i32
        %swap3A_2914 = arith.index_cast %swap3A_2913 : i32 to index
        %swap3A_2915 = arith.constant 64 : index
        %swap3A_2916 = tpu.vector_load %arg8[%swap3A_2914, %swap3A_2915] {strides = array<i32>} : memref<16x104xi32, #tpu.memory_space<vmem>>, vector<16xi32>,
        tpu.vector_store %arg8[%swap3A_2914, %swap3A_2915], %add3A_2912 {strides = array<i32>} : memref<16x104xi32, #tpu.memory_space<vmem>>, vector<16xi32>,
        %get3A_2917 = arith.index_cast %sub3A_2790 : i32 to index
        %get3A_2918 = arith.constant 184 : index
        %get3A_2919 = tpu.vector_load %arg7[%get3A_2917, %get3A_2918] {strides = array<i32>} : memref<32x200xi32, #tpu.memory_space<vmem>>, vector<16xi32>,
        %add3A_2920 = arith.addi %get3A_2919, %broadcast_in_dim3A_2820 : vector<16xi32>
        %swap3A_2921 = arith.constant 7 : i32
        %swap3A_2922 = arith.index_cast %swap3A_2921 : i32 to index
        %swap3A_2923 = arith.constant 80 : index
        %swap3A_2924 = tpu.vector_load %arg8[%swap3A_2922, %swap3A_2923] {strides = array<i32>} : memref<16x104xi32, #tpu.memory_space<vmem>>, vector<16xi32>,
        tpu.vector_store %arg8[%swap3A_2922, %swap3A_2923], %add3A_2920 {strides = array<i32>} : memref<16x104xi32, #tpu.memory_space<vmem>>, vector<16xi32>,
        %dma_start3A_2925 = arith.constant 624 : i32
        %dma_start3A_2926 = arith.constant 0 : i32
        %dma_start3A_2927 = tpu.memref_slice %arg9[%dma_start3A_2925, %dma_start3A_2926] : memref<1664x16xf32, #tpu.memory_space<vmem>> -> memref<104x16xf32, #tpu.memory_space<vmem>>
        %dma_start3A_2928 = arith.constant 0 : i32
        %dma_start3A_2929 = tpu.memref_slice %arg8[%scan3A_1549, %dma_start3A_2928] : memref<16x104xi32, #tpu.memory_space<vmem>> -> memref<1x104xi32, #tpu.memory_space<vmem>>
        %dma_start3A_2930 = tpu.memref_squeeze %dma_start3A_2929 : memref<1x104xi32, #tpu.memory_space<vmem>> -> memref<104xi32, #tpu.memory_space<vmem>>
        %dma_start3A_2931 = arith.constant 0 : i32
        %dma_start3A_2932 = arith.constant 0 : i32
        %dma_start3A_2933 = tpu.memref_slice %arg5[%dma_start3A_2931, %dma_start3A_2932] : memref<2600000x16xf32, #tpu.memory_space<hbm>> -> memref<2600000x16xf32, #tpu.memory_space<hbm>>
        tpu.enqueue_indirect_dma source(%dma_start3A_2933 : memref<2600000x16xf32, #tpu.memory_space<hbm>>) target(%dma_start3A_2927 : memref<104x16xf32, #tpu.memory_space<vmem>>) offsets(%dma_start3A_2930 : memref<104xi32, #tpu.memory_space<vmem>>) semaphore(%arg14 : memref<!tpu.dma_semaphore, #tpu.memory_space<semaphore_mem>>)
        %dma_start3A_2934 = arith.constant 728 : i32
        %dma_start3A_2935 = arith.constant 0 : i32
        %dma_start3A_2936 = tpu.memref_slice %arg9[%dma_start3A_2934, %dma_start3A_2935] : memref<1664x16xf32, #tpu.memory_space<vmem>> -> memref<104x16xf32, #tpu.memory_space<vmem>>
        %dma_start3A_2937 = arith.constant 0 : i32
        %dma_start3A_2938 = tpu.memref_slice %arg8[%scan3A_1550, %dma_start3A_2937] : memref<16x104xi32, #tpu.memory_space<vmem>> -> memref<1x104xi32, #tpu.memory_space<vmem>>
        %dma_start3A_2939 = tpu.memref_squeeze %dma_start3A_2938 : memref<1x104xi32, #tpu.memory_space<vmem>> -> memref<104xi32, #tpu.memory_space<vmem>>
        %dma_start3A_2940 = arith.constant 0 : i32
        %dma_start3A_2941 = arith.constant 0 : i32
        %dma_start3A_2942 = tpu.memref_slice %arg5[%dma_start3A_2940, %dma_start3A_2941] : memref<2600000x16xf32, #tpu.memory_space<hbm>> -> memref<2600000x16xf32, #tpu.memory_space<hbm>>
        tpu.enqueue_indirect_dma source(%dma_start3A_2942 : memref<2600000x16xf32, #tpu.memory_space<hbm>>) target(%dma_start3A_2936 : memref<104x16xf32, #tpu.memory_space<vmem>>) offsets(%dma_start3A_2939 : memref<104xi32, #tpu.memory_space<vmem>>) semaphore(%arg14 : memref<!tpu.dma_semaphore, #tpu.memory_space<semaphore_mem>>)
        %mul3A_2943 = arith.constant 32 : i32
        %mul3A_2944 = arith.muli %scan3A_1822, %mul3A_2943 : i32
        %mul3A_2945 = arith.constant 8 : i32
        %mul3A_2946 = arith.muli %mul3A_2945, %scan3A_1838 : i32
        %add3A_2947 = arith.addi %mul3A_2944, %mul3A_2946 : i32
        %add3A_2948 = arith.constant 4 : i32
        %add3A_2949 = arith.addi %add3A_2947, %add3A_2948 : i32
        %add3A_2950 = arith.addi %mul3A_2, %add3A_2949 : i32
        %dma_wait3A_2951 = arith.constant 832 : i32
        %dma_wait3A_2952 = arith.constant 0 : i32
        %dma_wait3A_2953 = tpu.memref_slice %arg9[%dma_wait3A_2951, %dma_wait3A_2952] : memref<1664x16xf32, #tpu.memory_space<vmem>> -> memref<104x16xf32, #tpu.memory_space<vmem>>
        %dma_wait3A_2954 = arith.constant 0 : i32
        %dma_wait3A_2955 = tpu.memref_slice %arg8[%scan3A_1551, %dma_wait3A_2954] : memref<16x104xi32, #tpu.memory_space<vmem>> -> memref<1x104xi32, #tpu.memory_space<vmem>>
        %dma_wait3A_2956 = tpu.memref_squeeze %dma_wait3A_2955 : memref<1x104xi32, #tpu.memory_space<vmem>> -> memref<104xi32, #tpu.memory_space<vmem>>
        %dma_wait3A_2957 = arith.constant 0 : i32
        %dma_wait3A_2958 = arith.constant 0 : i32
        %dma_wait3A_2959 = tpu.memref_slice %arg5[%dma_wait3A_2957, %dma_wait3A_2958] : memref<2600000x16xf32, #tpu.memory_space<hbm>> -> memref<2600000x16xf32, #tpu.memory_space<hbm>>
        tpu.wait_indirect_dma semaphore(%arg15 : memref<!tpu.dma_semaphore, #tpu.memory_space<semaphore_mem>>) src(%dma_wait3A_2959 : memref<2600000x16xf32, #tpu.memory_space<hbm>>) dst(%dma_wait3A_2953 : memref<104x16xf32, #tpu.memory_space<vmem>>)
        %dma_wait3A_2960 = arith.constant 936 : i32
        %dma_wait3A_2961 = arith.constant 0 : i32
        %dma_wait3A_2962 = tpu.memref_slice %arg9[%dma_wait3A_2960, %dma_wait3A_2961] : memref<1664x16xf32, #tpu.memory_space<vmem>> -> memref<104x16xf32, #tpu.memory_space<vmem>>
        %dma_wait3A_2963 = arith.constant 0 : i32
        %dma_wait3A_2964 = tpu.memref_slice %arg8[%scan3A_1552, %dma_wait3A_2963] : memref<16x104xi32, #tpu.memory_space<vmem>> -> memref<1x104xi32, #tpu.memory_space<vmem>>
        %dma_wait3A_2965 = tpu.memref_squeeze %dma_wait3A_2964 : memref<1x104xi32, #tpu.memory_space<vmem>> -> memref<104xi32, #tpu.memory_space<vmem>>
        %dma_wait3A_2966 = arith.constant 0 : i32
        %dma_wait3A_2967 = arith.constant 0 : i32
        %dma_wait3A_2968 = tpu.memref_slice %arg5[%dma_wait3A_2966, %dma_wait3A_2967] : memref<2600000x16xf32, #tpu.memory_space<hbm>> -> memref<2600000x16xf32, #tpu.memory_space<hbm>>
        tpu.wait_indirect_dma semaphore(%arg15 : memref<!tpu.dma_semaphore, #tpu.memory_space<semaphore_mem>>) src(%dma_wait3A_2968 : memref<2600000x16xf32, #tpu.memory_space<hbm>>) dst(%dma_wait3A_2962 : memref<104x16xf32, #tpu.memory_space<vmem>>)
        %jit3A_2969 = arith.constant 26 : i32
        %div3A_2970 = arith.divsi %add3A_2950, %jit3A_2969 : i32
        %sign3A_2971 = arith.constant 0 : i32
        %sign3A_2972 = arith.cmpi sgt, %add3A_2950, %sign3A_2971 : i32
        %sign3A_2973 = arith.extui %sign3A_2972 : i1 to i32
        %sign3A_2974 = arith.constant 0 : i32
        %sign3A_2975 = arith.cmpi slt, %add3A_2950, %sign3A_2974 : i32
        %sign3A_2976 = arith.extui %sign3A_2975 : i1 to i32
        %sign3A_2977 = arith.subi %sign3A_2973, %sign3A_2976 : i32
        %sign3A_2978 = arith.constant 0 : i32
        %sign3A_2979 = arith.cmpi sgt, %jit3A_2969, %sign3A_2978 : i32
        %sign3A_2980 = arith.extui %sign3A_2979 : i1 to i32
        %sign3A_2981 = arith.constant 0 : i32
        %sign3A_2982 = arith.cmpi slt, %jit3A_2969, %sign3A_2981 : i32
        %sign3A_2983 = arith.extui %sign3A_2982 : i1 to i32
        %sign3A_2984 = arith.subi %sign3A_2980, %sign3A_2983 : i32
        %ne3A_2985 = arith.cmpi ne, %sign3A_2977, %sign3A_2984 : i32
        %rem3A_2986 = arith.remsi %add3A_2950, %jit3A_2969 : i32
        %ne3A_2987 = arith.constant 0 : i32
        %ne3A_2988 = arith.cmpi ne, %rem3A_2986, %ne3A_2987 : i32
        %and3A_2989 = arith.andi %ne3A_2985, %ne3A_2988 : i1
        %sub3A_2990 = arith.constant 1 : i32
        %sub3A_2991 = arith.subi %div3A_2970, %sub3A_2990 : i32
        %select_n3A_2992 = arith.select %and3A_2989, %sub3A_2991, %div3A_2970 : i32
        %mul3A_2993 = arith.constant 26 : i32
        %mul3A_2994 = arith.muli %select_n3A_2992, %mul3A_2993 : i32
        %sub3A_2995 = arith.subi %add3A_2950, %mul3A_2994 : i32
        %mul3A_2996 = arith.constant 88000 : i32
        %mul3A_2997 = arith.muli %select_n3A_2992, %mul3A_2996 : i32
        %mul3A_2998 = arith.constant 16 : i32
        %mul3A_2999 = arith.muli %mul3A_2998, %sub3A_2995 : i32
        %add3A_3000 = arith.constant 24 : i32
        %add3A_3001 = arith.addi %add3A_3000, %mul3A_2999 : i32
        %mul3A_3002 = arith.constant 200 : i32
        %mul3A_3003 = arith.muli %add3A_3001, %mul3A_3002 : i32
        %add3A_3004 = arith.addi %mul3A_2997, %mul3A_3003 : i32
        %dma_wait3A_3005 = arith.constant 0 : i32
        %dma_wait3A_3006 = tpu.memref_slice %arg10[%dma_wait3A_3005] : memref<16000xf32, #tpu.memory_space<vmem>> -> memref<3200xf32, #tpu.memory_space<vmem>>
        %dma_wait3A_3007 = tpu.memref_slice %arg6[%add3A_3004] : memref<90112000xf32, #tpu.memory_space<hbm>> -> memref<3200xf32, #tpu.memory_space<hbm>>
        %dma_wait3A_3008 = tpu.memref_slice %arg6[%add3A_3004] : memref<90112000xf32, #tpu.memory_space<hbm>> -> memref<3200xf32, #tpu.memory_space<hbm>>
        %dma_wait3A_3009 = arith.constant 0 : i32
        %dma_wait3A_3010 = tpu.memref_slice %arg10[%dma_wait3A_3009] : memref<16000xf32, #tpu.memory_space<vmem>> -> memref<3200xf32, #tpu.memory_space<vmem>>
        tpu.wait_dma2 semaphore(%arg19 : memref<!tpu.dma_semaphore, #tpu.memory_space<semaphore_mem>>) src(%dma_wait3A_3010 : memref<3200xf32, #tpu.memory_space<vmem>>) dst(%dma_wait3A_3008 : memref<3200xf32, #tpu.memory_space<hbm>>)
        %add3A_3011 = arith.constant 0 : i32
        %add3A_3012 = vector.broadcast %add3A_3011 : i32 to vector<16xi32>
        %add3A_3013 = arith.addi %mul3A_5, %add3A_3012 : vector<16xi32>
        %parallel_loop3A_3014 = arith.constant 0 : i32
        %parallel_loop3A_3015 = arith.constant 200 : i32
        %parallel_loop3A_3016 = arith.constant 1 : i32
        scf.for %parallel_loop3A_4048 = %parallel_loop3A_3014 to %parallel_loop3A_3015 step %parallel_loop3A_3016  : i32 {
          %parallel_loop3A_4049 = arith.constant 832 : i32
          %parallel_loop3A_4050 = arith.addi %parallel_loop3A_4049, %parallel_loop3A_4048 : i32
          %parallel_loop3A_4051 = arith.index_cast %parallel_loop3A_4050 : i32 to index
          %parallel_loop3A_4052 = arith.constant 0 : index
          %parallel_loop3A_4053 = tpu.vector_load %arg9[%parallel_loop3A_4051, %parallel_loop3A_4052] {strides = array<i32>} : memref<1664x16xf32, #tpu.memory_space<vmem>>, vector<16xf32>,
          %parallel_loop3A_4054 = vector.broadcast %parallel_loop3A_4048 : i32 to vector<16xi32>
          %parallel_loop3A_4055 = arith.addi %add3A_3013, %parallel_loop3A_4054 : vector<16xi32>
          tpu.vector_store_idx %arg10[%parallel_loop3A_4055], %parallel_loop3A_4053 : memref<16000xf32, #tpu.memory_space<vmem>>[vector<16xi32>], vector<16xf32>,
        } {sc.loop_unroll_factor = 8 : i64, sc.parallel_access}
        %jit3A_3017 = arith.constant 26 : i32
        %div3A_3018 = arith.divsi %add3A_2950, %jit3A_3017 : i32
        %sign3A_3019 = arith.constant 0 : i32
        %sign3A_3020 = arith.cmpi sgt, %add3A_2950, %sign3A_3019 : i32
        %sign3A_3021 = arith.extui %sign3A_3020 : i1 to i32
        %sign3A_3022 = arith.constant 0 : i32
        %sign3A_3023 = arith.cmpi slt, %add3A_2950, %sign3A_3022 : i32
        %sign3A_3024 = arith.extui %sign3A_3023 : i1 to i32
        %sign3A_3025 = arith.subi %sign3A_3021, %sign3A_3024 : i32
        %sign3A_3026 = arith.constant 0 : i32
        %sign3A_3027 = arith.cmpi sgt, %jit3A_3017, %sign3A_3026 : i32
        %sign3A_3028 = arith.extui %sign3A_3027 : i1 to i32
        %sign3A_3029 = arith.constant 0 : i32
        %sign3A_3030 = arith.cmpi slt, %jit3A_3017, %sign3A_3029 : i32
        %sign3A_3031 = arith.extui %sign3A_3030 : i1 to i32
        %sign3A_3032 = arith.subi %sign3A_3028, %sign3A_3031 : i32
        %ne3A_3033 = arith.cmpi ne, %sign3A_3025, %sign3A_3032 : i32
        %rem3A_3034 = arith.remsi %add3A_2950, %jit3A_3017 : i32
        %ne3A_3035 = arith.constant 0 : i32
        %ne3A_3036 = arith.cmpi ne, %rem3A_3034, %ne3A_3035 : i32
        %and3A_3037 = arith.andi %ne3A_3033, %ne3A_3036 : i1
        %sub3A_3038 = arith.constant 1 : i32
        %sub3A_3039 = arith.subi %div3A_3018, %sub3A_3038 : i32
        %select_n3A_3040 = arith.select %and3A_3037, %sub3A_3039, %div3A_3018 : i32
        %mul3A_3041 = arith.constant 26 : i32
        %mul3A_3042 = arith.muli %select_n3A_3040, %mul3A_3041 : i32
        %sub3A_3043 = arith.subi %add3A_2950, %mul3A_3042 : i32
        %mul3A_3044 = arith.constant 88000 : i32
        %mul3A_3045 = arith.muli %select_n3A_3040, %mul3A_3044 : i32
        %mul3A_3046 = arith.constant 16 : i32
        %mul3A_3047 = arith.muli %mul3A_3046, %sub3A_3043 : i32
        %add3A_3048 = arith.constant 24 : i32
        %add3A_3049 = arith.addi %add3A_3048, %mul3A_3047 : i32
        %mul3A_3050 = arith.constant 200 : i32
        %mul3A_3051 = arith.muli %add3A_3049, %mul3A_3050 : i32
        %add3A_3052 = arith.addi %mul3A_3045, %mul3A_3051 : i32
        %dma_start3A_3053 = arith.constant 0 : i32
        %dma_start3A_3054 = tpu.memref_slice %arg10[%dma_start3A_3053] : memref<16000xf32, #tpu.memory_space<vmem>> -> memref<3200xf32, #tpu.memory_space<vmem>>
        %dma_start3A_3055 = tpu.memref_slice %arg6[%add3A_3052] : memref<90112000xf32, #tpu.memory_space<hbm>> -> memref<3200xf32, #tpu.memory_space<hbm>>
        %dma_start3A_3056 = tpu.memref_slice %arg6[%add3A_3052] : memref<90112000xf32, #tpu.memory_space<hbm>> -> memref<3200xf32, #tpu.memory_space<hbm>>
        %dma_start3A_3057 = arith.constant 0 : i32
        %dma_start3A_3058 = tpu.memref_slice %arg10[%dma_start3A_3057] : memref<16000xf32, #tpu.memory_space<vmem>> -> memref<3200xf32, #tpu.memory_space<vmem>>
        tpu.enqueue_dma source(%dma_start3A_3058 : memref<3200xf32, #tpu.memory_space<vmem>>) target(%dma_start3A_3056 : memref<3200xf32, #tpu.memory_space<hbm>>) target_semaphore(%arg19 : memref<!tpu.dma_semaphore, #tpu.memory_space<semaphore_mem>>)
        %add3A_3059 = arith.constant 8 : i32
        %add3A_3060 = arith.addi %add3A_2950, %add3A_3059 : i32
        %add3A_3061 = arith.constant 832 : i32
        %add3A_3062 = arith.addi %mul3A_2, %add3A_3061 : i32
        %sub3A_3063 = arith.constant 1 : i32
        %sub3A_3064 = arith.subi %add3A_3062, %sub3A_3063 : i32
        %min3A_3065 = arith.minsi %add3A_3060, %sub3A_3064 : i32
        %sub3A_3066 = arith.subi %min3A_3065, %add3A_1829 : i32
        %jit3A_3067 = arith.constant 26 : i32
        %div3A_3068 = arith.divsi %min3A_3065, %jit3A_3067 : i32
        %sign3A_3069 = arith.constant 0 : i32
        %sign3A_3070 = arith.cmpi sgt, %min3A_3065, %sign3A_3069 : i32
        %sign3A_3071 = arith.extui %sign3A_3070 : i1 to i32
        %sign3A_3072 = arith.constant 0 : i32
        %sign3A_3073 = arith.cmpi slt, %min3A_3065, %sign3A_3072 : i32
        %sign3A_3074 = arith.extui %sign3A_3073 : i1 to i32
        %sign3A_3075 = arith.subi %sign3A_3071, %sign3A_3074 : i32
        %sign3A_3076 = arith.constant 0 : i32
        %sign3A_3077 = arith.cmpi sgt, %jit3A_3067, %sign3A_3076 : i32
        %sign3A_3078 = arith.extui %sign3A_3077 : i1 to i32
        %sign3A_3079 = arith.constant 0 : i32
        %sign3A_3080 = arith.cmpi slt, %jit3A_3067, %sign3A_3079 : i32
        %sign3A_3081 = arith.extui %sign3A_3080 : i1 to i32
        %sign3A_3082 = arith.subi %sign3A_3078, %sign3A_3081 : i32
        %ne3A_3083 = arith.cmpi ne, %sign3A_3075, %sign3A_3082 : i32
        %rem3A_3084 = arith.remsi %min3A_3065, %jit3A_3067 : i32
        %ne3A_3085 = arith.constant 0 : i32
        %ne3A_3086 = arith.cmpi ne, %rem3A_3084, %ne3A_3085 : i32
        %and3A_3087 = arith.andi %ne3A_3083, %ne3A_3086 : i1
        %sub3A_3088 = arith.constant 1 : i32
        %sub3A_3089 = arith.subi %div3A_3068, %sub3A_3088 : i32
        %select_n3A_3090 = arith.select %and3A_3087, %sub3A_3089, %div3A_3068 : i32
        %mul3A_3091 = arith.constant 26 : i32
        %mul3A_3092 = arith.muli %select_n3A_3090, %mul3A_3091 : i32
        %sub3A_3093 = arith.subi %min3A_3065, %mul3A_3092 : i32
        %mul3A_3094 = arith.constant 100000 : i32
        %mul3A_3095 = arith.muli %sub3A_3093, %mul3A_3094 : i32
        %broadcast_in_dim3A_3096 = vector.broadcast %mul3A_3095 : i32 to vector<16xi32>
        %get3A_3097 = arith.index_cast %sub3A_3066 : i32 to index
        %get3A_3098 = arith.constant 0 : index
        %get3A_3099 = tpu.vector_load %arg7[%get3A_3097, %get3A_3098] {strides = array<i32>} : memref<32x200xi32, #tpu.memory_space<vmem>>, vector<16xi32>,
        %add3A_3100 = arith.addi %get3A_3099, %broadcast_in_dim3A_3096 : vector<16xi32>
        %swap3A_3101 = arith.constant 8 : i32
        %swap3A_3102 = arith.index_cast %swap3A_3101 : i32 to index
        %swap3A_3103 = arith.constant 0 : index
        %swap3A_3104 = tpu.vector_load %arg8[%swap3A_3102, %swap3A_3103] {strides = array<i32>} : memref<16x104xi32, #tpu.memory_space<vmem>>, vector<16xi32>,
        tpu.vector_store %arg8[%swap3A_3102, %swap3A_3103], %add3A_3100 {strides = array<i32>} : memref<16x104xi32, #tpu.memory_space<vmem>>, vector<16xi32>,
        %get3A_3105 = arith.index_cast %sub3A_3066 : i32 to index
        %get3A_3106 = arith.constant 16 : index
        %get3A_3107 = tpu.vector_load %arg7[%get3A_3105, %get3A_3106] {strides = array<i32>} : memref<32x200xi32, #tpu.memory_space<vmem>>, vector<16xi32>,
        %add3A_3108 = arith.addi %get3A_3107, %broadcast_in_dim3A_3096 : vector<16xi32>
        %swap3A_3109 = arith.constant 8 : i32
        %swap3A_3110 = arith.index_cast %swap3A_3109 : i32 to index
        %swap3A_3111 = arith.constant 16 : index
        %swap3A_3112 = tpu.vector_load %arg8[%swap3A_3110, %swap3A_3111] {strides = array<i32>} : memref<16x104xi32, #tpu.memory_space<vmem>>, vector<16xi32>,
        tpu.vector_store %arg8[%swap3A_3110, %swap3A_3111], %add3A_3108 {strides = array<i32>} : memref<16x104xi32, #tpu.memory_space<vmem>>, vector<16xi32>,
        %get3A_3113 = arith.index_cast %sub3A_3066 : i32 to index
        %get3A_3114 = arith.constant 32 : index
        %get3A_3115 = tpu.vector_load %arg7[%get3A_3113, %get3A_3114] {strides = array<i32>} : memref<32x200xi32, #tpu.memory_space<vmem>>, vector<16xi32>,
        %add3A_3116 = arith.addi %get3A_3115, %broadcast_in_dim3A_3096 : vector<16xi32>
        %swap3A_3117 = arith.constant 8 : i32
        %swap3A_3118 = arith.index_cast %swap3A_3117 : i32 to index
        %swap3A_3119 = arith.constant 32 : index
        %swap3A_3120 = tpu.vector_load %arg8[%swap3A_3118, %swap3A_3119] {strides = array<i32>} : memref<16x104xi32, #tpu.memory_space<vmem>>, vector<16xi32>,
        tpu.vector_store %arg8[%swap3A_3118, %swap3A_3119], %add3A_3116 {strides = array<i32>} : memref<16x104xi32, #tpu.memory_space<vmem>>, vector<16xi32>,
        %get3A_3121 = arith.index_cast %sub3A_3066 : i32 to index
        %get3A_3122 = arith.constant 48 : index
        %get3A_3123 = tpu.vector_load %arg7[%get3A_3121, %get3A_3122] {strides = array<i32>} : memref<32x200xi32, #tpu.memory_space<vmem>>, vector<16xi32>,
        %add3A_3124 = arith.addi %get3A_3123, %broadcast_in_dim3A_3096 : vector<16xi32>
        %swap3A_3125 = arith.constant 8 : i32
        %swap3A_3126 = arith.index_cast %swap3A_3125 : i32 to index
        %swap3A_3127 = arith.constant 48 : index
        %swap3A_3128 = tpu.vector_load %arg8[%swap3A_3126, %swap3A_3127] {strides = array<i32>} : memref<16x104xi32, #tpu.memory_space<vmem>>, vector<16xi32>,
        tpu.vector_store %arg8[%swap3A_3126, %swap3A_3127], %add3A_3124 {strides = array<i32>} : memref<16x104xi32, #tpu.memory_space<vmem>>, vector<16xi32>,
        %get3A_3129 = arith.index_cast %sub3A_3066 : i32 to index
        %get3A_3130 = arith.constant 64 : index
        %get3A_3131 = tpu.vector_load %arg7[%get3A_3129, %get3A_3130] {strides = array<i32>} : memref<32x200xi32, #tpu.memory_space<vmem>>, vector<16xi32>,
        %add3A_3132 = arith.addi %get3A_3131, %broadcast_in_dim3A_3096 : vector<16xi32>
        %swap3A_3133 = arith.constant 8 : i32
        %swap3A_3134 = arith.index_cast %swap3A_3133 : i32 to index
        %swap3A_3135 = arith.constant 64 : index
        %swap3A_3136 = tpu.vector_load %arg8[%swap3A_3134, %swap3A_3135] {strides = array<i32>} : memref<16x104xi32, #tpu.memory_space<vmem>>, vector<16xi32>,
        tpu.vector_store %arg8[%swap3A_3134, %swap3A_3135], %add3A_3132 {strides = array<i32>} : memref<16x104xi32, #tpu.memory_space<vmem>>, vector<16xi32>,
        %get3A_3137 = arith.index_cast %sub3A_3066 : i32 to index
        %get3A_3138 = arith.constant 80 : index
        %get3A_3139 = tpu.vector_load %arg7[%get3A_3137, %get3A_3138] {strides = array<i32>} : memref<32x200xi32, #tpu.memory_space<vmem>>, vector<16xi32>,
        %add3A_3140 = arith.addi %get3A_3139, %broadcast_in_dim3A_3096 : vector<16xi32>
        %swap3A_3141 = arith.constant 8 : i32
        %swap3A_3142 = arith.index_cast %swap3A_3141 : i32 to index
        %swap3A_3143 = arith.constant 80 : index
        %swap3A_3144 = tpu.vector_load %arg8[%swap3A_3142, %swap3A_3143] {strides = array<i32>} : memref<16x104xi32, #tpu.memory_space<vmem>>, vector<16xi32>,
        tpu.vector_store %arg8[%swap3A_3142, %swap3A_3143], %add3A_3140 {strides = array<i32>} : memref<16x104xi32, #tpu.memory_space<vmem>>, vector<16xi32>,
        %get3A_3145 = arith.index_cast %sub3A_3066 : i32 to index
        %get3A_3146 = arith.constant 88 : index
        %get3A_3147 = tpu.vector_load %arg7[%get3A_3145, %get3A_3146] {strides = array<i32>} : memref<32x200xi32, #tpu.memory_space<vmem>>, vector<16xi32>,
        %add3A_3148 = arith.addi %get3A_3147, %broadcast_in_dim3A_3096 : vector<16xi32>
        %swap3A_3149 = arith.constant 8 : i32
        %swap3A_3150 = arith.index_cast %swap3A_3149 : i32 to index
        %swap3A_3151 = arith.constant 88 : index
        %swap3A_3152 = tpu.vector_load %arg8[%swap3A_3150, %swap3A_3151] {strides = array<i32>} : memref<16x104xi32, #tpu.memory_space<vmem>>, vector<16xi32>,
        tpu.vector_store %arg8[%swap3A_3150, %swap3A_3151], %add3A_3148 {strides = array<i32>} : memref<16x104xi32, #tpu.memory_space<vmem>>, vector<16xi32>,
        %get3A_3153 = arith.index_cast %sub3A_3066 : i32 to index
        %get3A_3154 = arith.constant 104 : index
        %get3A_3155 = tpu.vector_load %arg7[%get3A_3153, %get3A_3154] {strides = array<i32>} : memref<32x200xi32, #tpu.memory_space<vmem>>, vector<16xi32>,
        %add3A_3156 = arith.addi %get3A_3155, %broadcast_in_dim3A_3096 : vector<16xi32>
        %swap3A_3157 = arith.constant 9 : i32
        %swap3A_3158 = arith.index_cast %swap3A_3157 : i32 to index
        %swap3A_3159 = arith.constant 0 : index
        %swap3A_3160 = tpu.vector_load %arg8[%swap3A_3158, %swap3A_3159] {strides = array<i32>} : memref<16x104xi32, #tpu.memory_space<vmem>>, vector<16xi32>,
        tpu.vector_store %arg8[%swap3A_3158, %swap3A_3159], %add3A_3156 {strides = array<i32>} : memref<16x104xi32, #tpu.memory_space<vmem>>, vector<16xi32>,
        %get3A_3161 = arith.index_cast %sub3A_3066 : i32 to index
        %get3A_3162 = arith.constant 120 : index
        %get3A_3163 = tpu.vector_load %arg7[%get3A_3161, %get3A_3162] {strides = array<i32>} : memref<32x200xi32, #tpu.memory_space<vmem>>, vector<16xi32>,
        %add3A_3164 = arith.addi %get3A_3163, %broadcast_in_dim3A_3096 : vector<16xi32>
        %swap3A_3165 = arith.constant 9 : i32
        %swap3A_3166 = arith.index_cast %swap3A_3165 : i32 to index
        %swap3A_3167 = arith.constant 16 : index
        %swap3A_3168 = tpu.vector_load %arg8[%swap3A_3166, %swap3A_3167] {strides = array<i32>} : memref<16x104xi32, #tpu.memory_space<vmem>>, vector<16xi32>,
        tpu.vector_store %arg8[%swap3A_3166, %swap3A_3167], %add3A_3164 {strides = array<i32>} : memref<16x104xi32, #tpu.memory_space<vmem>>, vector<16xi32>,
        %get3A_3169 = arith.index_cast %sub3A_3066 : i32 to index
        %get3A_3170 = arith.constant 136 : index
        %get3A_3171 = tpu.vector_load %arg7[%get3A_3169, %get3A_3170] {strides = array<i32>} : memref<32x200xi32, #tpu.memory_space<vmem>>, vector<16xi32>,
        %add3A_3172 = arith.addi %get3A_3171, %broadcast_in_dim3A_3096 : vector<16xi32>
        %swap3A_3173 = arith.constant 9 : i32
        %swap3A_3174 = arith.index_cast %swap3A_3173 : i32 to index
        %swap3A_3175 = arith.constant 32 : index
        %swap3A_3176 = tpu.vector_load %arg8[%swap3A_3174, %swap3A_3175] {strides = array<i32>} : memref<16x104xi32, #tpu.memory_space<vmem>>, vector<16xi32>,
        tpu.vector_store %arg8[%swap3A_3174, %swap3A_3175], %add3A_3172 {strides = array<i32>} : memref<16x104xi32, #tpu.memory_space<vmem>>, vector<16xi32>,
        %get3A_3177 = arith.index_cast %sub3A_3066 : i32 to index
        %get3A_3178 = arith.constant 152 : index
        %get3A_3179 = tpu.vector_load %arg7[%get3A_3177, %get3A_3178] {strides = array<i32>} : memref<32x200xi32, #tpu.memory_space<vmem>>, vector<16xi32>,
        %add3A_3180 = arith.addi %get3A_3179, %broadcast_in_dim3A_3096 : vector<16xi32>
        %swap3A_3181 = arith.constant 9 : i32
        %swap3A_3182 = arith.index_cast %swap3A_3181 : i32 to index
        %swap3A_3183 = arith.constant 48 : index
        %swap3A_3184 = tpu.vector_load %arg8[%swap3A_3182, %swap3A_3183] {strides = array<i32>} : memref<16x104xi32, #tpu.memory_space<vmem>>, vector<16xi32>,
        tpu.vector_store %arg8[%swap3A_3182, %swap3A_3183], %add3A_3180 {strides = array<i32>} : memref<16x104xi32, #tpu.memory_space<vmem>>, vector<16xi32>,
        %get3A_3185 = arith.index_cast %sub3A_3066 : i32 to index
        %get3A_3186 = arith.constant 168 : index
        %get3A_3187 = tpu.vector_load %arg7[%get3A_3185, %get3A_3186] {strides = array<i32>} : memref<32x200xi32, #tpu.memory_space<vmem>>, vector<16xi32>,
        %add3A_3188 = arith.addi %get3A_3187, %broadcast_in_dim3A_3096 : vector<16xi32>
        %swap3A_3189 = arith.constant 9 : i32
        %swap3A_3190 = arith.index_cast %swap3A_3189 : i32 to index
        %swap3A_3191 = arith.constant 64 : index
        %swap3A_3192 = tpu.vector_load %arg8[%swap3A_3190, %swap3A_3191] {strides = array<i32>} : memref<16x104xi32, #tpu.memory_space<vmem>>, vector<16xi32>,
        tpu.vector_store %arg8[%swap3A_3190, %swap3A_3191], %add3A_3188 {strides = array<i32>} : memref<16x104xi32, #tpu.memory_space<vmem>>, vector<16xi32>,
        %get3A_3193 = arith.index_cast %sub3A_3066 : i32 to index
        %get3A_3194 = arith.constant 184 : index
        %get3A_3195 = tpu.vector_load %arg7[%get3A_3193, %get3A_3194] {strides = array<i32>} : memref<32x200xi32, #tpu.memory_space<vmem>>, vector<16xi32>,
        %add3A_3196 = arith.addi %get3A_3195, %broadcast_in_dim3A_3096 : vector<16xi32>
        %swap3A_3197 = arith.constant 9 : i32
        %swap3A_3198 = arith.index_cast %swap3A_3197 : i32 to index
        %swap3A_3199 = arith.constant 80 : index
        %swap3A_3200 = tpu.vector_load %arg8[%swap3A_3198, %swap3A_3199] {strides = array<i32>} : memref<16x104xi32, #tpu.memory_space<vmem>>, vector<16xi32>,
        tpu.vector_store %arg8[%swap3A_3198, %swap3A_3199], %add3A_3196 {strides = array<i32>} : memref<16x104xi32, #tpu.memory_space<vmem>>, vector<16xi32>,
        %dma_start3A_3201 = arith.constant 832 : i32
        %dma_start3A_3202 = arith.constant 0 : i32
        %dma_start3A_3203 = tpu.memref_slice %arg9[%dma_start3A_3201, %dma_start3A_3202] : memref<1664x16xf32, #tpu.memory_space<vmem>> -> memref<104x16xf32, #tpu.memory_space<vmem>>
        %dma_start3A_3204 = arith.constant 0 : i32
        %dma_start3A_3205 = tpu.memref_slice %arg8[%scan3A_1551, %dma_start3A_3204] : memref<16x104xi32, #tpu.memory_space<vmem>> -> memref<1x104xi32, #tpu.memory_space<vmem>>
        %dma_start3A_3206 = tpu.memref_squeeze %dma_start3A_3205 : memref<1x104xi32, #tpu.memory_space<vmem>> -> memref<104xi32, #tpu.memory_space<vmem>>
        %dma_start3A_3207 = arith.constant 0 : i32
        %dma_start3A_3208 = arith.constant 0 : i32
        %dma_start3A_3209 = tpu.memref_slice %arg5[%dma_start3A_3207, %dma_start3A_3208] : memref<2600000x16xf32, #tpu.memory_space<hbm>> -> memref<2600000x16xf32, #tpu.memory_space<hbm>>
        tpu.enqueue_indirect_dma source(%dma_start3A_3209 : memref<2600000x16xf32, #tpu.memory_space<hbm>>) target(%dma_start3A_3203 : memref<104x16xf32, #tpu.memory_space<vmem>>) offsets(%dma_start3A_3206 : memref<104xi32, #tpu.memory_space<vmem>>) semaphore(%arg15 : memref<!tpu.dma_semaphore, #tpu.memory_space<semaphore_mem>>)
        %dma_start3A_3210 = arith.constant 936 : i32
        %dma_start3A_3211 = arith.constant 0 : i32
        %dma_start3A_3212 = tpu.memref_slice %arg9[%dma_start3A_3210, %dma_start3A_3211] : memref<1664x16xf32, #tpu.memory_space<vmem>> -> memref<104x16xf32, #tpu.memory_space<vmem>>
        %dma_start3A_3213 = arith.constant 0 : i32
        %dma_start3A_3214 = tpu.memref_slice %arg8[%scan3A_1552, %dma_start3A_3213] : memref<16x104xi32, #tpu.memory_space<vmem>> -> memref<1x104xi32, #tpu.memory_space<vmem>>
        %dma_start3A_3215 = tpu.memref_squeeze %dma_start3A_3214 : memref<1x104xi32, #tpu.memory_space<vmem>> -> memref<104xi32, #tpu.memory_space<vmem>>
        %dma_start3A_3216 = arith.constant 0 : i32
        %dma_start3A_3217 = arith.constant 0 : i32
        %dma_start3A_3218 = tpu.memref_slice %arg5[%dma_start3A_3216, %dma_start3A_3217] : memref<2600000x16xf32, #tpu.memory_space<hbm>> -> memref<2600000x16xf32, #tpu.memory_space<hbm>>
        tpu.enqueue_indirect_dma source(%dma_start3A_3218 : memref<2600000x16xf32, #tpu.memory_space<hbm>>) target(%dma_start3A_3212 : memref<104x16xf32, #tpu.memory_space<vmem>>) offsets(%dma_start3A_3215 : memref<104xi32, #tpu.memory_space<vmem>>) semaphore(%arg15 : memref<!tpu.dma_semaphore, #tpu.memory_space<semaphore_mem>>)
        %mul3A_3219 = arith.constant 32 : i32
        %mul3A_3220 = arith.muli %scan3A_1822, %mul3A_3219 : i32
        %mul3A_3221 = arith.constant 8 : i32
        %mul3A_3222 = arith.muli %mul3A_3221, %scan3A_1838 : i32
        %add3A_3223 = arith.addi %mul3A_3220, %mul3A_3222 : i32
        %add3A_3224 = arith.constant 5 : i32
        %add3A_3225 = arith.addi %add3A_3223, %add3A_3224 : i32
        %add3A_3226 = arith.addi %mul3A_2, %add3A_3225 : i32
        %dma_wait3A_3227 = arith.constant 1040 : i32
        %dma_wait3A_3228 = arith.constant 0 : i32
        %dma_wait3A_3229 = tpu.memref_slice %arg9[%dma_wait3A_3227, %dma_wait3A_3228] : memref<1664x16xf32, #tpu.memory_space<vmem>> -> memref<104x16xf32, #tpu.memory_space<vmem>>
        %dma_wait3A_3230 = arith.constant 0 : i32
        %dma_wait3A_3231 = tpu.memref_slice %arg8[%scan3A_1553, %dma_wait3A_3230] : memref<16x104xi32, #tpu.memory_space<vmem>> -> memref<1x104xi32, #tpu.memory_space<vmem>>
        %dma_wait3A_3232 = tpu.memref_squeeze %dma_wait3A_3231 : memref<1x104xi32, #tpu.memory_space<vmem>> -> memref<104xi32, #tpu.memory_space<vmem>>
        %dma_wait3A_3233 = arith.constant 0 : i32
        %dma_wait3A_3234 = arith.constant 0 : i32
        %dma_wait3A_3235 = tpu.memref_slice %arg5[%dma_wait3A_3233, %dma_wait3A_3234] : memref<2600000x16xf32, #tpu.memory_space<hbm>> -> memref<2600000x16xf32, #tpu.memory_space<hbm>>
        tpu.wait_indirect_dma semaphore(%arg16 : memref<!tpu.dma_semaphore, #tpu.memory_space<semaphore_mem>>) src(%dma_wait3A_3235 : memref<2600000x16xf32, #tpu.memory_space<hbm>>) dst(%dma_wait3A_3229 : memref<104x16xf32, #tpu.memory_space<vmem>>)
        %dma_wait3A_3236 = arith.constant 1144 : i32
        %dma_wait3A_3237 = arith.constant 0 : i32
        %dma_wait3A_3238 = tpu.memref_slice %arg9[%dma_wait3A_3236, %dma_wait3A_3237] : memref<1664x16xf32, #tpu.memory_space<vmem>> -> memref<104x16xf32, #tpu.memory_space<vmem>>
        %dma_wait3A_3239 = arith.constant 0 : i32
        %dma_wait3A_3240 = tpu.memref_slice %arg8[%scan3A_1554, %dma_wait3A_3239] : memref<16x104xi32, #tpu.memory_space<vmem>> -> memref<1x104xi32, #tpu.memory_space<vmem>>
        %dma_wait3A_3241 = tpu.memref_squeeze %dma_wait3A_3240 : memref<1x104xi32, #tpu.memory_space<vmem>> -> memref<104xi32, #tpu.memory_space<vmem>>
        %dma_wait3A_3242 = arith.constant 0 : i32
        %dma_wait3A_3243 = arith.constant 0 : i32
        %dma_wait3A_3244 = tpu.memref_slice %arg5[%dma_wait3A_3242, %dma_wait3A_3243] : memref<2600000x16xf32, #tpu.memory_space<hbm>> -> memref<2600000x16xf32, #tpu.memory_space<hbm>>
        tpu.wait_indirect_dma semaphore(%arg16 : memref<!tpu.dma_semaphore, #tpu.memory_space<semaphore_mem>>) src(%dma_wait3A_3244 : memref<2600000x16xf32, #tpu.memory_space<hbm>>) dst(%dma_wait3A_3238 : memref<104x16xf32, #tpu.memory_space<vmem>>)
        %jit3A_3245 = arith.constant 26 : i32
        %div3A_3246 = arith.divsi %add3A_3226, %jit3A_3245 : i32
        %sign3A_3247 = arith.constant 0 : i32
        %sign3A_3248 = arith.cmpi sgt, %add3A_3226, %sign3A_3247 : i32
        %sign3A_3249 = arith.extui %sign3A_3248 : i1 to i32
        %sign3A_3250 = arith.constant 0 : i32
        %sign3A_3251 = arith.cmpi slt, %add3A_3226, %sign3A_3250 : i32
        %sign3A_3252 = arith.extui %sign3A_3251 : i1 to i32
        %sign3A_3253 = arith.subi %sign3A_3249, %sign3A_3252 : i32
        %sign3A_3254 = arith.constant 0 : i32
        %sign3A_3255 = arith.cmpi sgt, %jit3A_3245, %sign3A_3254 : i32
        %sign3A_3256 = arith.extui %sign3A_3255 : i1 to i32
        %sign3A_3257 = arith.constant 0 : i32
        %sign3A_3258 = arith.cmpi slt, %jit3A_3245, %sign3A_3257 : i32
        %sign3A_3259 = arith.extui %sign3A_3258 : i1 to i32
        %sign3A_3260 = arith.subi %sign3A_3256, %sign3A_3259 : i32
        %ne3A_3261 = arith.cmpi ne, %sign3A_3253, %sign3A_3260 : i32
        %rem3A_3262 = arith.remsi %add3A_3226, %jit3A_3245 : i32
        %ne3A_3263 = arith.constant 0 : i32
        %ne3A_3264 = arith.cmpi ne, %rem3A_3262, %ne3A_3263 : i32
        %and3A_3265 = arith.andi %ne3A_3261, %ne3A_3264 : i1
        %sub3A_3266 = arith.constant 1 : i32
        %sub3A_3267 = arith.subi %div3A_3246, %sub3A_3266 : i32
        %select_n3A_3268 = arith.select %and3A_3265, %sub3A_3267, %div3A_3246 : i32
        %mul3A_3269 = arith.constant 26 : i32
        %mul3A_3270 = arith.muli %select_n3A_3268, %mul3A_3269 : i32
        %sub3A_3271 = arith.subi %add3A_3226, %mul3A_3270 : i32
        %mul3A_3272 = arith.constant 88000 : i32
        %mul3A_3273 = arith.muli %select_n3A_3268, %mul3A_3272 : i32
        %mul3A_3274 = arith.constant 16 : i32
        %mul3A_3275 = arith.muli %mul3A_3274, %sub3A_3271 : i32
        %add3A_3276 = arith.constant 24 : i32
        %add3A_3277 = arith.addi %add3A_3276, %mul3A_3275 : i32
        %mul3A_3278 = arith.constant 200 : i32
        %mul3A_3279 = arith.muli %add3A_3277, %mul3A_3278 : i32
        %add3A_3280 = arith.addi %mul3A_3273, %mul3A_3279 : i32
        %dma_wait3A_3281 = arith.constant 8000 : i32
        %dma_wait3A_3282 = tpu.memref_slice %arg10[%dma_wait3A_3281] : memref<16000xf32, #tpu.memory_space<vmem>> -> memref<3200xf32, #tpu.memory_space<vmem>>
        %dma_wait3A_3283 = tpu.memref_slice %arg6[%add3A_3280] : memref<90112000xf32, #tpu.memory_space<hbm>> -> memref<3200xf32, #tpu.memory_space<hbm>>
        %dma_wait3A_3284 = tpu.memref_slice %arg6[%add3A_3280] : memref<90112000xf32, #tpu.memory_space<hbm>> -> memref<3200xf32, #tpu.memory_space<hbm>>
        %dma_wait3A_3285 = arith.constant 8000 : i32
        %dma_wait3A_3286 = tpu.memref_slice %arg10[%dma_wait3A_3285] : memref<16000xf32, #tpu.memory_space<vmem>> -> memref<3200xf32, #tpu.memory_space<vmem>>
        tpu.wait_dma2 semaphore(%arg20 : memref<!tpu.dma_semaphore, #tpu.memory_space<semaphore_mem>>) src(%dma_wait3A_3286 : memref<3200xf32, #tpu.memory_space<vmem>>) dst(%dma_wait3A_3284 : memref<3200xf32, #tpu.memory_space<hbm>>)
        %add3A_3287 = arith.constant 8000 : i32
        %add3A_3288 = vector.broadcast %add3A_3287 : i32 to vector<16xi32>
        %add3A_3289 = arith.addi %mul3A_5, %add3A_3288 : vector<16xi32>
        %parallel_loop3A_3290 = arith.constant 0 : i32
        %parallel_loop3A_3291 = arith.constant 200 : i32
        %parallel_loop3A_3292 = arith.constant 1 : i32
        scf.for %parallel_loop3A_4048 = %parallel_loop3A_3290 to %parallel_loop3A_3291 step %parallel_loop3A_3292  : i32 {
          %parallel_loop3A_4049 = arith.constant 1040 : i32
          %parallel_loop3A_4050 = arith.addi %parallel_loop3A_4049, %parallel_loop3A_4048 : i32
          %parallel_loop3A_4051 = arith.index_cast %parallel_loop3A_4050 : i32 to index
          %parallel_loop3A_4052 = arith.constant 0 : index
          %parallel_loop3A_4053 = tpu.vector_load %arg9[%parallel_loop3A_4051, %parallel_loop3A_4052] {strides = array<i32>} : memref<1664x16xf32, #tpu.memory_space<vmem>>, vector<16xf32>,
          %parallel_loop3A_4054 = vector.broadcast %parallel_loop3A_4048 : i32 to vector<16xi32>
          %parallel_loop3A_4055 = arith.addi %add3A_3289, %parallel_loop3A_4054 : vector<16xi32>
          tpu.vector_store_idx %arg10[%parallel_loop3A_4055], %parallel_loop3A_4053 : memref<16000xf32, #tpu.memory_space<vmem>>[vector<16xi32>], vector<16xf32>,
        } {sc.loop_unroll_factor = 8 : i64, sc.parallel_access}
        %jit3A_3293 = arith.constant 26 : i32
        %div3A_3294 = arith.divsi %add3A_3226, %jit3A_3293 : i32
        %sign3A_3295 = arith.constant 0 : i32
        %sign3A_3296 = arith.cmpi sgt, %add3A_3226, %sign3A_3295 : i32
        %sign3A_3297 = arith.extui %sign3A_3296 : i1 to i32
        %sign3A_3298 = arith.constant 0 : i32
        %sign3A_3299 = arith.cmpi slt, %add3A_3226, %sign3A_3298 : i32
        %sign3A_3300 = arith.extui %sign3A_3299 : i1 to i32
        %sign3A_3301 = arith.subi %sign3A_3297, %sign3A_3300 : i32
        %sign3A_3302 = arith.constant 0 : i32
        %sign3A_3303 = arith.cmpi sgt, %jit3A_3293, %sign3A_3302 : i32
        %sign3A_3304 = arith.extui %sign3A_3303 : i1 to i32
        %sign3A_3305 = arith.constant 0 : i32
        %sign3A_3306 = arith.cmpi slt, %jit3A_3293, %sign3A_3305 : i32
        %sign3A_3307 = arith.extui %sign3A_3306 : i1 to i32
        %sign3A_3308 = arith.subi %sign3A_3304, %sign3A_3307 : i32
        %ne3A_3309 = arith.cmpi ne, %sign3A_3301, %sign3A_3308 : i32
        %rem3A_3310 = arith.remsi %add3A_3226, %jit3A_3293 : i32
        %ne3A_3311 = arith.constant 0 : i32
        %ne3A_3312 = arith.cmpi ne, %rem3A_3310, %ne3A_3311 : i32
        %and3A_3313 = arith.andi %ne3A_3309, %ne3A_3312 : i1
        %sub3A_3314 = arith.constant 1 : i32
        %sub3A_3315 = arith.subi %div3A_3294, %sub3A_3314 : i32
        %select_n3A_3316 = arith.select %and3A_3313, %sub3A_3315, %div3A_3294 : i32
        %mul3A_3317 = arith.constant 26 : i32
        %mul3A_3318 = arith.muli %select_n3A_3316, %mul3A_3317 : i32
        %sub3A_3319 = arith.subi %add3A_3226, %mul3A_3318 : i32
        %mul3A_3320 = arith.constant 88000 : i32
        %mul3A_3321 = arith.muli %select_n3A_3316, %mul3A_3320 : i32
        %mul3A_3322 = arith.constant 16 : i32
        %mul3A_3323 = arith.muli %mul3A_3322, %sub3A_3319 : i32
        %add3A_3324 = arith.constant 24 : i32
        %add3A_3325 = arith.addi %add3A_3324, %mul3A_3323 : i32
        %mul3A_3326 = arith.constant 200 : i32
        %mul3A_3327 = arith.muli %add3A_3325, %mul3A_3326 : i32
        %add3A_3328 = arith.addi %mul3A_3321, %mul3A_3327 : i32
        %dma_start3A_3329 = arith.constant 8000 : i32
        %dma_start3A_3330 = tpu.memref_slice %arg10[%dma_start3A_3329] : memref<16000xf32, #tpu.memory_space<vmem>> -> memref<3200xf32, #tpu.memory_space<vmem>>
        %dma_start3A_3331 = tpu.memref_slice %arg6[%add3A_3328] : memref<90112000xf32, #tpu.memory_space<hbm>> -> memref<3200xf32, #tpu.memory_space<hbm>>
        %dma_start3A_3332 = tpu.memref_slice %arg6[%add3A_3328] : memref<90112000xf32, #tpu.memory_space<hbm>> -> memref<3200xf32, #tpu.memory_space<hbm>>
        %dma_start3A_3333 = arith.constant 8000 : i32
        %dma_start3A_3334 = tpu.memref_slice %arg10[%dma_start3A_3333] : memref<16000xf32, #tpu.memory_space<vmem>> -> memref<3200xf32, #tpu.memory_space<vmem>>
        tpu.enqueue_dma source(%dma_start3A_3334 : memref<3200xf32, #tpu.memory_space<vmem>>) target(%dma_start3A_3332 : memref<3200xf32, #tpu.memory_space<hbm>>) target_semaphore(%arg20 : memref<!tpu.dma_semaphore, #tpu.memory_space<semaphore_mem>>)
        %add3A_3335 = arith.constant 8 : i32
        %add3A_3336 = arith.addi %add3A_3226, %add3A_3335 : i32
        %add3A_3337 = arith.constant 832 : i32
        %add3A_3338 = arith.addi %mul3A_2, %add3A_3337 : i32
        %sub3A_3339 = arith.constant 1 : i32
        %sub3A_3340 = arith.subi %add3A_3338, %sub3A_3339 : i32
        %min3A_3341 = arith.minsi %add3A_3336, %sub3A_3340 : i32
        %sub3A_3342 = arith.subi %min3A_3341, %add3A_1829 : i32
        %jit3A_3343 = arith.constant 26 : i32
        %div3A_3344 = arith.divsi %min3A_3341, %jit3A_3343 : i32
        %sign3A_3345 = arith.constant 0 : i32
        %sign3A_3346 = arith.cmpi sgt, %min3A_3341, %sign3A_3345 : i32
        %sign3A_3347 = arith.extui %sign3A_3346 : i1 to i32
        %sign3A_3348 = arith.constant 0 : i32
        %sign3A_3349 = arith.cmpi slt, %min3A_3341, %sign3A_3348 : i32
        %sign3A_3350 = arith.extui %sign3A_3349 : i1 to i32
        %sign3A_3351 = arith.subi %sign3A_3347, %sign3A_3350 : i32
        %sign3A_3352 = arith.constant 0 : i32
        %sign3A_3353 = arith.cmpi sgt, %jit3A_3343, %sign3A_3352 : i32
        %sign3A_3354 = arith.extui %sign3A_3353 : i1 to i32
        %sign3A_3355 = arith.constant 0 : i32
        %sign3A_3356 = arith.cmpi slt, %jit3A_3343, %sign3A_3355 : i32
        %sign3A_3357 = arith.extui %sign3A_3356 : i1 to i32
        %sign3A_3358 = arith.subi %sign3A_3354, %sign3A_3357 : i32
        %ne3A_3359 = arith.cmpi ne, %sign3A_3351, %sign3A_3358 : i32
        %rem3A_3360 = arith.remsi %min3A_3341, %jit3A_3343 : i32
        %ne3A_3361 = arith.constant 0 : i32
        %ne3A_3362 = arith.cmpi ne, %rem3A_3360, %ne3A_3361 : i32
        %and3A_3363 = arith.andi %ne3A_3359, %ne3A_3362 : i1
        %sub3A_3364 = arith.constant 1 : i32
        %sub3A_3365 = arith.subi %div3A_3344, %sub3A_3364 : i32
        %select_n3A_3366 = arith.select %and3A_3363, %sub3A_3365, %div3A_3344 : i32
        %mul3A_3367 = arith.constant 26 : i32
        %mul3A_3368 = arith.muli %select_n3A_3366, %mul3A_3367 : i32
        %sub3A_3369 = arith.subi %min3A_3341, %mul3A_3368 : i32
        %mul3A_3370 = arith.constant 100000 : i32
        %mul3A_3371 = arith.muli %sub3A_3369, %mul3A_3370 : i32
        %broadcast_in_dim3A_3372 = vector.broadcast %mul3A_3371 : i32 to vector<16xi32>
        %get3A_3373 = arith.index_cast %sub3A_3342 : i32 to index
        %get3A_3374 = arith.constant 0 : index
        %get3A_3375 = tpu.vector_load %arg7[%get3A_3373, %get3A_3374] {strides = array<i32>} : memref<32x200xi32, #tpu.memory_space<vmem>>, vector<16xi32>,
        %add3A_3376 = arith.addi %get3A_3375, %broadcast_in_dim3A_3372 : vector<16xi32>
        %swap3A_3377 = arith.constant 10 : i32
        %swap3A_3378 = arith.index_cast %swap3A_3377 : i32 to index
        %swap3A_3379 = arith.constant 0 : index
        %swap3A_3380 = tpu.vector_load %arg8[%swap3A_3378, %swap3A_3379] {strides = array<i32>} : memref<16x104xi32, #tpu.memory_space<vmem>>, vector<16xi32>,
        tpu.vector_store %arg8[%swap3A_3378, %swap3A_3379], %add3A_3376 {strides = array<i32>} : memref<16x104xi32, #tpu.memory_space<vmem>>, vector<16xi32>,
        %get3A_3381 = arith.index_cast %sub3A_3342 : i32 to index
        %get3A_3382 = arith.constant 16 : index
        %get3A_3383 = tpu.vector_load %arg7[%get3A_3381, %get3A_3382] {strides = array<i32>} : memref<32x200xi32, #tpu.memory_space<vmem>>, vector<16xi32>,
        %add3A_3384 = arith.addi %get3A_3383, %broadcast_in_dim3A_3372 : vector<16xi32>
        %swap3A_3385 = arith.constant 10 : i32
        %swap3A_3386 = arith.index_cast %swap3A_3385 : i32 to index
        %swap3A_3387 = arith.constant 16 : index
        %swap3A_3388 = tpu.vector_load %arg8[%swap3A_3386, %swap3A_3387] {strides = array<i32>} : memref<16x104xi32, #tpu.memory_space<vmem>>, vector<16xi32>,
        tpu.vector_store %arg8[%swap3A_3386, %swap3A_3387], %add3A_3384 {strides = array<i32>} : memref<16x104xi32, #tpu.memory_space<vmem>>, vector<16xi32>,
        %get3A_3389 = arith.index_cast %sub3A_3342 : i32 to index
        %get3A_3390 = arith.constant 32 : index
        %get3A_3391 = tpu.vector_load %arg7[%get3A_3389, %get3A_3390] {strides = array<i32>} : memref<32x200xi32, #tpu.memory_space<vmem>>, vector<16xi32>,
        %add3A_3392 = arith.addi %get3A_3391, %broadcast_in_dim3A_3372 : vector<16xi32>
        %swap3A_3393 = arith.constant 10 : i32
        %swap3A_3394 = arith.index_cast %swap3A_3393 : i32 to index
        %swap3A_3395 = arith.constant 32 : index
        %swap3A_3396 = tpu.vector_load %arg8[%swap3A_3394, %swap3A_3395] {strides = array<i32>} : memref<16x104xi32, #tpu.memory_space<vmem>>, vector<16xi32>,
        tpu.vector_store %arg8[%swap3A_3394, %swap3A_3395], %add3A_3392 {strides = array<i32>} : memref<16x104xi32, #tpu.memory_space<vmem>>, vector<16xi32>,
        %get3A_3397 = arith.index_cast %sub3A_3342 : i32 to index
        %get3A_3398 = arith.constant 48 : index
        %get3A_3399 = tpu.vector_load %arg7[%get3A_3397, %get3A_3398] {strides = array<i32>} : memref<32x200xi32, #tpu.memory_space<vmem>>, vector<16xi32>,
        %add3A_3400 = arith.addi %get3A_3399, %broadcast_in_dim3A_3372 : vector<16xi32>
        %swap3A_3401 = arith.constant 10 : i32
        %swap3A_3402 = arith.index_cast %swap3A_3401 : i32 to index
        %swap3A_3403 = arith.constant 48 : index
        %swap3A_3404 = tpu.vector_load %arg8[%swap3A_3402, %swap3A_3403] {strides = array<i32>} : memref<16x104xi32, #tpu.memory_space<vmem>>, vector<16xi32>,
        tpu.vector_store %arg8[%swap3A_3402, %swap3A_3403], %add3A_3400 {strides = array<i32>} : memref<16x104xi32, #tpu.memory_space<vmem>>, vector<16xi32>,
        %get3A_3405 = arith.index_cast %sub3A_3342 : i32 to index
        %get3A_3406 = arith.constant 64 : index
        %get3A_3407 = tpu.vector_load %arg7[%get3A_3405, %get3A_3406] {strides = array<i32>} : memref<32x200xi32, #tpu.memory_space<vmem>>, vector<16xi32>,
        %add3A_3408 = arith.addi %get3A_3407, %broadcast_in_dim3A_3372 : vector<16xi32>
        %swap3A_3409 = arith.constant 10 : i32
        %swap3A_3410 = arith.index_cast %swap3A_3409 : i32 to index
        %swap3A_3411 = arith.constant 64 : index
        %swap3A_3412 = tpu.vector_load %arg8[%swap3A_3410, %swap3A_3411] {strides = array<i32>} : memref<16x104xi32, #tpu.memory_space<vmem>>, vector<16xi32>,
        tpu.vector_store %arg8[%swap3A_3410, %swap3A_3411], %add3A_3408 {strides = array<i32>} : memref<16x104xi32, #tpu.memory_space<vmem>>, vector<16xi32>,
        %get3A_3413 = arith.index_cast %sub3A_3342 : i32 to index
        %get3A_3414 = arith.constant 80 : index
        %get3A_3415 = tpu.vector_load %arg7[%get3A_3413, %get3A_3414] {strides = array<i32>} : memref<32x200xi32, #tpu.memory_space<vmem>>, vector<16xi32>,
        %add3A_3416 = arith.addi %get3A_3415, %broadcast_in_dim3A_3372 : vector<16xi32>
        %swap3A_3417 = arith.constant 10 : i32
        %swap3A_3418 = arith.index_cast %swap3A_3417 : i32 to index
        %swap3A_3419 = arith.constant 80 : index
        %swap3A_3420 = tpu.vector_load %arg8[%swap3A_3418, %swap3A_3419] {strides = array<i32>} : memref<16x104xi32, #tpu.memory_space<vmem>>, vector<16xi32>,
        tpu.vector_store %arg8[%swap3A_3418, %swap3A_3419], %add3A_3416 {strides = array<i32>} : memref<16x104xi32, #tpu.memory_space<vmem>>, vector<16xi32>,
        %get3A_3421 = arith.index_cast %sub3A_3342 : i32 to index
        %get3A_3422 = arith.constant 88 : index
        %get3A_3423 = tpu.vector_load %arg7[%get3A_3421, %get3A_3422] {strides = array<i32>} : memref<32x200xi32, #tpu.memory_space<vmem>>, vector<16xi32>,
        %add3A_3424 = arith.addi %get3A_3423, %broadcast_in_dim3A_3372 : vector<16xi32>
        %swap3A_3425 = arith.constant 10 : i32
        %swap3A_3426 = arith.index_cast %swap3A_3425 : i32 to index
        %swap3A_3427 = arith.constant 88 : index
        %swap3A_3428 = tpu.vector_load %arg8[%swap3A_3426, %swap3A_3427] {strides = array<i32>} : memref<16x104xi32, #tpu.memory_space<vmem>>, vector<16xi32>,
        tpu.vector_store %arg8[%swap3A_3426, %swap3A_3427], %add3A_3424 {strides = array<i32>} : memref<16x104xi32, #tpu.memory_space<vmem>>, vector<16xi32>,
        %get3A_3429 = arith.index_cast %sub3A_3342 : i32 to index
        %get3A_3430 = arith.constant 104 : index
        %get3A_3431 = tpu.vector_load %arg7[%get3A_3429, %get3A_3430] {strides = array<i32>} : memref<32x200xi32, #tpu.memory_space<vmem>>, vector<16xi32>,
        %add3A_3432 = arith.addi %get3A_3431, %broadcast_in_dim3A_3372 : vector<16xi32>
        %swap3A_3433 = arith.constant 11 : i32
        %swap3A_3434 = arith.index_cast %swap3A_3433 : i32 to index
        %swap3A_3435 = arith.constant 0 : index
        %swap3A_3436 = tpu.vector_load %arg8[%swap3A_3434, %swap3A_3435] {strides = array<i32>} : memref<16x104xi32, #tpu.memory_space<vmem>>, vector<16xi32>,
        tpu.vector_store %arg8[%swap3A_3434, %swap3A_3435], %add3A_3432 {strides = array<i32>} : memref<16x104xi32, #tpu.memory_space<vmem>>, vector<16xi32>,
        %get3A_3437 = arith.index_cast %sub3A_3342 : i32 to index
        %get3A_3438 = arith.constant 120 : index
        %get3A_3439 = tpu.vector_load %arg7[%get3A_3437, %get3A_3438] {strides = array<i32>} : memref<32x200xi32, #tpu.memory_space<vmem>>, vector<16xi32>,
        %add3A_3440 = arith.addi %get3A_3439, %broadcast_in_dim3A_3372 : vector<16xi32>
        %swap3A_3441 = arith.constant 11 : i32
        %swap3A_3442 = arith.index_cast %swap3A_3441 : i32 to index
        %swap3A_3443 = arith.constant 16 : index
        %swap3A_3444 = tpu.vector_load %arg8[%swap3A_3442, %swap3A_3443] {strides = array<i32>} : memref<16x104xi32, #tpu.memory_space<vmem>>, vector<16xi32>,
        tpu.vector_store %arg8[%swap3A_3442, %swap3A_3443], %add3A_3440 {strides = array<i32>} : memref<16x104xi32, #tpu.memory_space<vmem>>, vector<16xi32>,
        %get3A_3445 = arith.index_cast %sub3A_3342 : i32 to index
        %get3A_3446 = arith.constant 136 : index
        %get3A_3447 = tpu.vector_load %arg7[%get3A_3445, %get3A_3446] {strides = array<i32>} : memref<32x200xi32, #tpu.memory_space<vmem>>, vector<16xi32>,
        %add3A_3448 = arith.addi %get3A_3447, %broadcast_in_dim3A_3372 : vector<16xi32>
        %swap3A_3449 = arith.constant 11 : i32
        %swap3A_3450 = arith.index_cast %swap3A_3449 : i32 to index
        %swap3A_3451 = arith.constant 32 : index
        %swap3A_3452 = tpu.vector_load %arg8[%swap3A_3450, %swap3A_3451] {strides = array<i32>} : memref<16x104xi32, #tpu.memory_space<vmem>>, vector<16xi32>,
        tpu.vector_store %arg8[%swap3A_3450, %swap3A_3451], %add3A_3448 {strides = array<i32>} : memref<16x104xi32, #tpu.memory_space<vmem>>, vector<16xi32>,
        %get3A_3453 = arith.index_cast %sub3A_3342 : i32 to index
        %get3A_3454 = arith.constant 152 : index
        %get3A_3455 = tpu.vector_load %arg7[%get3A_3453, %get3A_3454] {strides = array<i32>} : memref<32x200xi32, #tpu.memory_space<vmem>>, vector<16xi32>,
        %add3A_3456 = arith.addi %get3A_3455, %broadcast_in_dim3A_3372 : vector<16xi32>
        %swap3A_3457 = arith.constant 11 : i32
        %swap3A_3458 = arith.index_cast %swap3A_3457 : i32 to index
        %swap3A_3459 = arith.constant 48 : index
        %swap3A_3460 = tpu.vector_load %arg8[%swap3A_3458, %swap3A_3459] {strides = array<i32>} : memref<16x104xi32, #tpu.memory_space<vmem>>, vector<16xi32>,
        tpu.vector_store %arg8[%swap3A_3458, %swap3A_3459], %add3A_3456 {strides = array<i32>} : memref<16x104xi32, #tpu.memory_space<vmem>>, vector<16xi32>,
        %get3A_3461 = arith.index_cast %sub3A_3342 : i32 to index
        %get3A_3462 = arith.constant 168 : index
        %get3A_3463 = tpu.vector_load %arg7[%get3A_3461, %get3A_3462] {strides = array<i32>} : memref<32x200xi32, #tpu.memory_space<vmem>>, vector<16xi32>,
        %add3A_3464 = arith.addi %get3A_3463, %broadcast_in_dim3A_3372 : vector<16xi32>
        %swap3A_3465 = arith.constant 11 : i32
        %swap3A_3466 = arith.index_cast %swap3A_3465 : i32 to index
        %swap3A_3467 = arith.constant 64 : index
        %swap3A_3468 = tpu.vector_load %arg8[%swap3A_3466, %swap3A_3467] {strides = array<i32>} : memref<16x104xi32, #tpu.memory_space<vmem>>, vector<16xi32>,
        tpu.vector_store %arg8[%swap3A_3466, %swap3A_3467], %add3A_3464 {strides = array<i32>} : memref<16x104xi32, #tpu.memory_space<vmem>>, vector<16xi32>,
        %get3A_3469 = arith.index_cast %sub3A_3342 : i32 to index
        %get3A_3470 = arith.constant 184 : index
        %get3A_3471 = tpu.vector_load %arg7[%get3A_3469, %get3A_3470] {strides = array<i32>} : memref<32x200xi32, #tpu.memory_space<vmem>>, vector<16xi32>,
        %add3A_3472 = arith.addi %get3A_3471, %broadcast_in_dim3A_3372 : vector<16xi32>
        %swap3A_3473 = arith.constant 11 : i32
        %swap3A_3474 = arith.index_cast %swap3A_3473 : i32 to index
        %swap3A_3475 = arith.constant 80 : index
        %swap3A_3476 = tpu.vector_load %arg8[%swap3A_3474, %swap3A_3475] {strides = array<i32>} : memref<16x104xi32, #tpu.memory_space<vmem>>, vector<16xi32>,
        tpu.vector_store %arg8[%swap3A_3474, %swap3A_3475], %add3A_3472 {strides = array<i32>} : memref<16x104xi32, #tpu.memory_space<vmem>>, vector<16xi32>,
        %dma_start3A_3477 = arith.constant 1040 : i32
        %dma_start3A_3478 = arith.constant 0 : i32
        %dma_start3A_3479 = tpu.memref_slice %arg9[%dma_start3A_3477, %dma_start3A_3478] : memref<1664x16xf32, #tpu.memory_space<vmem>> -> memref<104x16xf32, #tpu.memory_space<vmem>>
        %dma_start3A_3480 = arith.constant 0 : i32
        %dma_start3A_3481 = tpu.memref_slice %arg8[%scan3A_1553, %dma_start3A_3480] : memref<16x104xi32, #tpu.memory_space<vmem>> -> memref<1x104xi32, #tpu.memory_space<vmem>>
        %dma_start3A_3482 = tpu.memref_squeeze %dma_start3A_3481 : memref<1x104xi32, #tpu.memory_space<vmem>> -> memref<104xi32, #tpu.memory_space<vmem>>
        %dma_start3A_3483 = arith.constant 0 : i32
        %dma_start3A_3484 = arith.constant 0 : i32
        %dma_start3A_3485 = tpu.memref_slice %arg5[%dma_start3A_3483, %dma_start3A_3484] : memref<2600000x16xf32, #tpu.memory_space<hbm>> -> memref<2600000x16xf32, #tpu.memory_space<hbm>>
        tpu.enqueue_indirect_dma source(%dma_start3A_3485 : memref<2600000x16xf32, #tpu.memory_space<hbm>>) target(%dma_start3A_3479 : memref<104x16xf32, #tpu.memory_space<vmem>>) offsets(%dma_start3A_3482 : memref<104xi32, #tpu.memory_space<vmem>>) semaphore(%arg16 : memref<!tpu.dma_semaphore, #tpu.memory_space<semaphore_mem>>)
        %dma_start3A_3486 = arith.constant 1144 : i32
        %dma_start3A_3487 = arith.constant 0 : i32
        %dma_start3A_3488 = tpu.memref_slice %arg9[%dma_start3A_3486, %dma_start3A_3487] : memref<1664x16xf32, #tpu.memory_space<vmem>> -> memref<104x16xf32, #tpu.memory_space<vmem>>
        %dma_start3A_3489 = arith.constant 0 : i32
        %dma_start3A_3490 = tpu.memref_slice %arg8[%scan3A_1554, %dma_start3A_3489] : memref<16x104xi32, #tpu.memory_space<vmem>> -> memref<1x104xi32, #tpu.memory_space<vmem>>
        %dma_start3A_3491 = tpu.memref_squeeze %dma_start3A_3490 : memref<1x104xi32, #tpu.memory_space<vmem>> -> memref<104xi32, #tpu.memory_space<vmem>>
        %dma_start3A_3492 = arith.constant 0 : i32
        %dma_start3A_3493 = arith.constant 0 : i32
        %dma_start3A_3494 = tpu.memref_slice %arg5[%dma_start3A_3492, %dma_start3A_3493] : memref<2600000x16xf32, #tpu.memory_space<hbm>> -> memref<2600000x16xf32, #tpu.memory_space<hbm>>
        tpu.enqueue_indirect_dma source(%dma_start3A_3494 : memref<2600000x16xf32, #tpu.memory_space<hbm>>) target(%dma_start3A_3488 : memref<104x16xf32, #tpu.memory_space<vmem>>) offsets(%dma_start3A_3491 : memref<104xi32, #tpu.memory_space<vmem>>) semaphore(%arg16 : memref<!tpu.dma_semaphore, #tpu.memory_space<semaphore_mem>>)
        %mul3A_3495 = arith.constant 32 : i32
        %mul3A_3496 = arith.muli %scan3A_1822, %mul3A_3495 : i32
        %mul3A_3497 = arith.constant 8 : i32
        %mul3A_3498 = arith.muli %mul3A_3497, %scan3A_1838 : i32
        %add3A_3499 = arith.addi %mul3A_3496, %mul3A_3498 : i32
        %add3A_3500 = arith.constant 6 : i32
        %add3A_3501 = arith.addi %add3A_3499, %add3A_3500 : i32
        %add3A_3502 = arith.addi %mul3A_2, %add3A_3501 : i32
        %dma_wait3A_3503 = arith.constant 1248 : i32
        %dma_wait3A_3504 = arith.constant 0 : i32
        %dma_wait3A_3505 = tpu.memref_slice %arg9[%dma_wait3A_3503, %dma_wait3A_3504] : memref<1664x16xf32, #tpu.memory_space<vmem>> -> memref<104x16xf32, #tpu.memory_space<vmem>>
        %dma_wait3A_3506 = arith.constant 0 : i32
        %dma_wait3A_3507 = tpu.memref_slice %arg8[%scan3A_1555, %dma_wait3A_3506] : memref<16x104xi32, #tpu.memory_space<vmem>> -> memref<1x104xi32, #tpu.memory_space<vmem>>
        %dma_wait3A_3508 = tpu.memref_squeeze %dma_wait3A_3507 : memref<1x104xi32, #tpu.memory_space<vmem>> -> memref<104xi32, #tpu.memory_space<vmem>>
        %dma_wait3A_3509 = arith.constant 0 : i32
        %dma_wait3A_3510 = arith.constant 0 : i32
        %dma_wait3A_3511 = tpu.memref_slice %arg5[%dma_wait3A_3509, %dma_wait3A_3510] : memref<2600000x16xf32, #tpu.memory_space<hbm>> -> memref<2600000x16xf32, #tpu.memory_space<hbm>>
        tpu.wait_indirect_dma semaphore(%arg17 : memref<!tpu.dma_semaphore, #tpu.memory_space<semaphore_mem>>) src(%dma_wait3A_3511 : memref<2600000x16xf32, #tpu.memory_space<hbm>>) dst(%dma_wait3A_3505 : memref<104x16xf32, #tpu.memory_space<vmem>>)
        %dma_wait3A_3512 = arith.constant 1352 : i32
        %dma_wait3A_3513 = arith.constant 0 : i32
        %dma_wait3A_3514 = tpu.memref_slice %arg9[%dma_wait3A_3512, %dma_wait3A_3513] : memref<1664x16xf32, #tpu.memory_space<vmem>> -> memref<104x16xf32, #tpu.memory_space<vmem>>
        %dma_wait3A_3515 = arith.constant 0 : i32
        %dma_wait3A_3516 = tpu.memref_slice %arg8[%scan3A_1556, %dma_wait3A_3515] : memref<16x104xi32, #tpu.memory_space<vmem>> -> memref<1x104xi32, #tpu.memory_space<vmem>>
        %dma_wait3A_3517 = tpu.memref_squeeze %dma_wait3A_3516 : memref<1x104xi32, #tpu.memory_space<vmem>> -> memref<104xi32, #tpu.memory_space<vmem>>
        %dma_wait3A_3518 = arith.constant 0 : i32
        %dma_wait3A_3519 = arith.constant 0 : i32
        %dma_wait3A_3520 = tpu.memref_slice %arg5[%dma_wait3A_3518, %dma_wait3A_3519] : memref<2600000x16xf32, #tpu.memory_space<hbm>> -> memref<2600000x16xf32, #tpu.memory_space<hbm>>
        tpu.wait_indirect_dma semaphore(%arg17 : memref<!tpu.dma_semaphore, #tpu.memory_space<semaphore_mem>>) src(%dma_wait3A_3520 : memref<2600000x16xf32, #tpu.memory_space<hbm>>) dst(%dma_wait3A_3514 : memref<104x16xf32, #tpu.memory_space<vmem>>)
        %jit3A_3521 = arith.constant 26 : i32
        %div3A_3522 = arith.divsi %add3A_3502, %jit3A_3521 : i32
        %sign3A_3523 = arith.constant 0 : i32
        %sign3A_3524 = arith.cmpi sgt, %add3A_3502, %sign3A_3523 : i32
        %sign3A_3525 = arith.extui %sign3A_3524 : i1 to i32
        %sign3A_3526 = arith.constant 0 : i32
        %sign3A_3527 = arith.cmpi slt, %add3A_3502, %sign3A_3526 : i32
        %sign3A_3528 = arith.extui %sign3A_3527 : i1 to i32
        %sign3A_3529 = arith.subi %sign3A_3525, %sign3A_3528 : i32
        %sign3A_3530 = arith.constant 0 : i32
        %sign3A_3531 = arith.cmpi sgt, %jit3A_3521, %sign3A_3530 : i32
        %sign3A_3532 = arith.extui %sign3A_3531 : i1 to i32
        %sign3A_3533 = arith.constant 0 : i32
        %sign3A_3534 = arith.cmpi slt, %jit3A_3521, %sign3A_3533 : i32
        %sign3A_3535 = arith.extui %sign3A_3534 : i1 to i32
        %sign3A_3536 = arith.subi %sign3A_3532, %sign3A_3535 : i32
        %ne3A_3537 = arith.cmpi ne, %sign3A_3529, %sign3A_3536 : i32
        %rem3A_3538 = arith.remsi %add3A_3502, %jit3A_3521 : i32
        %ne3A_3539 = arith.constant 0 : i32
        %ne3A_3540 = arith.cmpi ne, %rem3A_3538, %ne3A_3539 : i32
        %and3A_3541 = arith.andi %ne3A_3537, %ne3A_3540 : i1
        %sub3A_3542 = arith.constant 1 : i32
        %sub3A_3543 = arith.subi %div3A_3522, %sub3A_3542 : i32
        %select_n3A_3544 = arith.select %and3A_3541, %sub3A_3543, %div3A_3522 : i32
        %mul3A_3545 = arith.constant 26 : i32
        %mul3A_3546 = arith.muli %select_n3A_3544, %mul3A_3545 : i32
        %sub3A_3547 = arith.subi %add3A_3502, %mul3A_3546 : i32
        %mul3A_3548 = arith.constant 88000 : i32
        %mul3A_3549 = arith.muli %select_n3A_3544, %mul3A_3548 : i32
        %mul3A_3550 = arith.constant 16 : i32
        %mul3A_3551 = arith.muli %mul3A_3550, %sub3A_3547 : i32
        %add3A_3552 = arith.constant 24 : i32
        %add3A_3553 = arith.addi %add3A_3552, %mul3A_3551 : i32
        %mul3A_3554 = arith.constant 200 : i32
        %mul3A_3555 = arith.muli %add3A_3553, %mul3A_3554 : i32
        %add3A_3556 = arith.addi %mul3A_3549, %mul3A_3555 : i32
        %dma_wait3A_3557 = arith.constant 0 : i32
        %dma_wait3A_3558 = tpu.memref_slice %arg10[%dma_wait3A_3557] : memref<16000xf32, #tpu.memory_space<vmem>> -> memref<3200xf32, #tpu.memory_space<vmem>>
        %dma_wait3A_3559 = tpu.memref_slice %arg6[%add3A_3556] : memref<90112000xf32, #tpu.memory_space<hbm>> -> memref<3200xf32, #tpu.memory_space<hbm>>
        %dma_wait3A_3560 = tpu.memref_slice %arg6[%add3A_3556] : memref<90112000xf32, #tpu.memory_space<hbm>> -> memref<3200xf32, #tpu.memory_space<hbm>>
        %dma_wait3A_3561 = arith.constant 0 : i32
        %dma_wait3A_3562 = tpu.memref_slice %arg10[%dma_wait3A_3561] : memref<16000xf32, #tpu.memory_space<vmem>> -> memref<3200xf32, #tpu.memory_space<vmem>>
        tpu.wait_dma2 semaphore(%arg19 : memref<!tpu.dma_semaphore, #tpu.memory_space<semaphore_mem>>) src(%dma_wait3A_3562 : memref<3200xf32, #tpu.memory_space<vmem>>) dst(%dma_wait3A_3560 : memref<3200xf32, #tpu.memory_space<hbm>>)
        %add3A_3563 = arith.constant 0 : i32
        %add3A_3564 = vector.broadcast %add3A_3563 : i32 to vector<16xi32>
        %add3A_3565 = arith.addi %mul3A_5, %add3A_3564 : vector<16xi32>
        %parallel_loop3A_3566 = arith.constant 0 : i32
        %parallel_loop3A_3567 = arith.constant 200 : i32
        %parallel_loop3A_3568 = arith.constant 1 : i32
        scf.for %parallel_loop3A_4048 = %parallel_loop3A_3566 to %parallel_loop3A_3567 step %parallel_loop3A_3568  : i32 {
          %parallel_loop3A_4049 = arith.constant 1248 : i32
          %parallel_loop3A_4050 = arith.addi %parallel_loop3A_4049, %parallel_loop3A_4048 : i32
          %parallel_loop3A_4051 = arith.index_cast %parallel_loop3A_4050 : i32 to index
          %parallel_loop3A_4052 = arith.constant 0 : index
          %parallel_loop3A_4053 = tpu.vector_load %arg9[%parallel_loop3A_4051, %parallel_loop3A_4052] {strides = array<i32>} : memref<1664x16xf32, #tpu.memory_space<vmem>>, vector<16xf32>,
          %parallel_loop3A_4054 = vector.broadcast %parallel_loop3A_4048 : i32 to vector<16xi32>
          %parallel_loop3A_4055 = arith.addi %add3A_3565, %parallel_loop3A_4054 : vector<16xi32>
          tpu.vector_store_idx %arg10[%parallel_loop3A_4055], %parallel_loop3A_4053 : memref<16000xf32, #tpu.memory_space<vmem>>[vector<16xi32>], vector<16xf32>,
        } {sc.loop_unroll_factor = 8 : i64, sc.parallel_access}
        %jit3A_3569 = arith.constant 26 : i32
        %div3A_3570 = arith.divsi %add3A_3502, %jit3A_3569 : i32
        %sign3A_3571 = arith.constant 0 : i32
        %sign3A_3572 = arith.cmpi sgt, %add3A_3502, %sign3A_3571 : i32
        %sign3A_3573 = arith.extui %sign3A_3572 : i1 to i32
        %sign3A_3574 = arith.constant 0 : i32
        %sign3A_3575 = arith.cmpi slt, %add3A_3502, %sign3A_3574 : i32
        %sign3A_3576 = arith.extui %sign3A_3575 : i1 to i32
        %sign3A_3577 = arith.subi %sign3A_3573, %sign3A_3576 : i32
        %sign3A_3578 = arith.constant 0 : i32
        %sign3A_3579 = arith.cmpi sgt, %jit3A_3569, %sign3A_3578 : i32
        %sign3A_3580 = arith.extui %sign3A_3579 : i1 to i32
        %sign3A_3581 = arith.constant 0 : i32
        %sign3A_3582 = arith.cmpi slt, %jit3A_3569, %sign3A_3581 : i32
        %sign3A_3583 = arith.extui %sign3A_3582 : i1 to i32
        %sign3A_3584 = arith.subi %sign3A_3580, %sign3A_3583 : i32
        %ne3A_3585 = arith.cmpi ne, %sign3A_3577, %sign3A_3584 : i32
        %rem3A_3586 = arith.remsi %add3A_3502, %jit3A_3569 : i32
        %ne3A_3587 = arith.constant 0 : i32
        %ne3A_3588 = arith.cmpi ne, %rem3A_3586, %ne3A_3587 : i32
        %and3A_3589 = arith.andi %ne3A_3585, %ne3A_3588 : i1
        %sub3A_3590 = arith.constant 1 : i32
        %sub3A_3591 = arith.subi %div3A_3570, %sub3A_3590 : i32
        %select_n3A_3592 = arith.select %and3A_3589, %sub3A_3591, %div3A_3570 : i32
        %mul3A_3593 = arith.constant 26 : i32
        %mul3A_3594 = arith.muli %select_n3A_3592, %mul3A_3593 : i32
        %sub3A_3595 = arith.subi %add3A_3502, %mul3A_3594 : i32
        %mul3A_3596 = arith.constant 88000 : i32
        %mul3A_3597 = arith.muli %select_n3A_3592, %mul3A_3596 : i32
        %mul3A_3598 = arith.constant 16 : i32
        %mul3A_3599 = arith.muli %mul3A_3598, %sub3A_3595 : i32
        %add3A_3600 = arith.constant 24 : i32
        %add3A_3601 = arith.addi %add3A_3600, %mul3A_3599 : i32
        %mul3A_3602 = arith.constant 200 : i32
        %mul3A_3603 = arith.muli %add3A_3601, %mul3A_3602 : i32
        %add3A_3604 = arith.addi %mul3A_3597, %mul3A_3603 : i32
        %dma_start3A_3605 = arith.constant 0 : i32
        %dma_start3A_3606 = tpu.memref_slice %arg10[%dma_start3A_3605] : memref<16000xf32, #tpu.memory_space<vmem>> -> memref<3200xf32, #tpu.memory_space<vmem>>
        %dma_start3A_3607 = tpu.memref_slice %arg6[%add3A_3604] : memref<90112000xf32, #tpu.memory_space<hbm>> -> memref<3200xf32, #tpu.memory_space<hbm>>
        %dma_start3A_3608 = tpu.memref_slice %arg6[%add3A_3604] : memref<90112000xf32, #tpu.memory_space<hbm>> -> memref<3200xf32, #tpu.memory_space<hbm>>
        %dma_start3A_3609 = arith.constant 0 : i32
        %dma_start3A_3610 = tpu.memref_slice %arg10[%dma_start3A_3609] : memref<16000xf32, #tpu.memory_space<vmem>> -> memref<3200xf32, #tpu.memory_space<vmem>>
        tpu.enqueue_dma source(%dma_start3A_3610 : memref<3200xf32, #tpu.memory_space<vmem>>) target(%dma_start3A_3608 : memref<3200xf32, #tpu.memory_space<hbm>>) target_semaphore(%arg19 : memref<!tpu.dma_semaphore, #tpu.memory_space<semaphore_mem>>)
        %add3A_3611 = arith.constant 8 : i32
        %add3A_3612 = arith.addi %add3A_3502, %add3A_3611 : i32
        %add3A_3613 = arith.constant 832 : i32
        %add3A_3614 = arith.addi %mul3A_2, %add3A_3613 : i32
        %sub3A_3615 = arith.constant 1 : i32
        %sub3A_3616 = arith.subi %add3A_3614, %sub3A_3615 : i32
        %min3A_3617 = arith.minsi %add3A_3612, %sub3A_3616 : i32
        %sub3A_3618 = arith.subi %min3A_3617, %add3A_1829 : i32
        %jit3A_3619 = arith.constant 26 : i32
        %div3A_3620 = arith.divsi %min3A_3617, %jit3A_3619 : i32
        %sign3A_3621 = arith.constant 0 : i32
        %sign3A_3622 = arith.cmpi sgt, %min3A_3617, %sign3A_3621 : i32
        %sign3A_3623 = arith.extui %sign3A_3622 : i1 to i32
        %sign3A_3624 = arith.constant 0 : i32
        %sign3A_3625 = arith.cmpi slt, %min3A_3617, %sign3A_3624 : i32
        %sign3A_3626 = arith.extui %sign3A_3625 : i1 to i32
        %sign3A_3627 = arith.subi %sign3A_3623, %sign3A_3626 : i32
        %sign3A_3628 = arith.constant 0 : i32
        %sign3A_3629 = arith.cmpi sgt, %jit3A_3619, %sign3A_3628 : i32
        %sign3A_3630 = arith.extui %sign3A_3629 : i1 to i32
        %sign3A_3631 = arith.constant 0 : i32
        %sign3A_3632 = arith.cmpi slt, %jit3A_3619, %sign3A_3631 : i32
        %sign3A_3633 = arith.extui %sign3A_3632 : i1 to i32
        %sign3A_3634 = arith.subi %sign3A_3630, %sign3A_3633 : i32
        %ne3A_3635 = arith.cmpi ne, %sign3A_3627, %sign3A_3634 : i32
        %rem3A_3636 = arith.remsi %min3A_3617, %jit3A_3619 : i32
        %ne3A_3637 = arith.constant 0 : i32
        %ne3A_3638 = arith.cmpi ne, %rem3A_3636, %ne3A_3637 : i32
        %and3A_3639 = arith.andi %ne3A_3635, %ne3A_3638 : i1
        %sub3A_3640 = arith.constant 1 : i32
        %sub3A_3641 = arith.subi %div3A_3620, %sub3A_3640 : i32
        %select_n3A_3642 = arith.select %and3A_3639, %sub3A_3641, %div3A_3620 : i32
        %mul3A_3643 = arith.constant 26 : i32
        %mul3A_3644 = arith.muli %select_n3A_3642, %mul3A_3643 : i32
        %sub3A_3645 = arith.subi %min3A_3617, %mul3A_3644 : i32
        %mul3A_3646 = arith.constant 100000 : i32
        %mul3A_3647 = arith.muli %sub3A_3645, %mul3A_3646 : i32
        %broadcast_in_dim3A_3648 = vector.broadcast %mul3A_3647 : i32 to vector<16xi32>
        %get3A_3649 = arith.index_cast %sub3A_3618 : i32 to index
        %get3A_3650 = arith.constant 0 : index
        %get3A_3651 = tpu.vector_load %arg7[%get3A_3649, %get3A_3650] {strides = array<i32>} : memref<32x200xi32, #tpu.memory_space<vmem>>, vector<16xi32>,
        %add3A_3652 = arith.addi %get3A_3651, %broadcast_in_dim3A_3648 : vector<16xi32>
        %swap3A_3653 = arith.constant 12 : i32
        %swap3A_3654 = arith.index_cast %swap3A_3653 : i32 to index
        %swap3A_3655 = arith.constant 0 : index
        %swap3A_3656 = tpu.vector_load %arg8[%swap3A_3654, %swap3A_3655] {strides = array<i32>} : memref<16x104xi32, #tpu.memory_space<vmem>>, vector<16xi32>,
        tpu.vector_store %arg8[%swap3A_3654, %swap3A_3655], %add3A_3652 {strides = array<i32>} : memref<16x104xi32, #tpu.memory_space<vmem>>, vector<16xi32>,
        %get3A_3657 = arith.index_cast %sub3A_3618 : i32 to index
        %get3A_3658 = arith.constant 16 : index
        %get3A_3659 = tpu.vector_load %arg7[%get3A_3657, %get3A_3658] {strides = array<i32>} : memref<32x200xi32, #tpu.memory_space<vmem>>, vector<16xi32>,
        %add3A_3660 = arith.addi %get3A_3659, %broadcast_in_dim3A_3648 : vector<16xi32>
        %swap3A_3661 = arith.constant 12 : i32
        %swap3A_3662 = arith.index_cast %swap3A_3661 : i32 to index
        %swap3A_3663 = arith.constant 16 : index
        %swap3A_3664 = tpu.vector_load %arg8[%swap3A_3662, %swap3A_3663] {strides = array<i32>} : memref<16x104xi32, #tpu.memory_space<vmem>>, vector<16xi32>,
        tpu.vector_store %arg8[%swap3A_3662, %swap3A_3663], %add3A_3660 {strides = array<i32>} : memref<16x104xi32, #tpu.memory_space<vmem>>, vector<16xi32>,
        %get3A_3665 = arith.index_cast %sub3A_3618 : i32 to index
        %get3A_3666 = arith.constant 32 : index
        %get3A_3667 = tpu.vector_load %arg7[%get3A_3665, %get3A_3666] {strides = array<i32>} : memref<32x200xi32, #tpu.memory_space<vmem>>, vector<16xi32>,
        %add3A_3668 = arith.addi %get3A_3667, %broadcast_in_dim3A_3648 : vector<16xi32>
        %swap3A_3669 = arith.constant 12 : i32
        %swap3A_3670 = arith.index_cast %swap3A_3669 : i32 to index
        %swap3A_3671 = arith.constant 32 : index
        %swap3A_3672 = tpu.vector_load %arg8[%swap3A_3670, %swap3A_3671] {strides = array<i32>} : memref<16x104xi32, #tpu.memory_space<vmem>>, vector<16xi32>,
        tpu.vector_store %arg8[%swap3A_3670, %swap3A_3671], %add3A_3668 {strides = array<i32>} : memref<16x104xi32, #tpu.memory_space<vmem>>, vector<16xi32>,
        %get3A_3673 = arith.index_cast %sub3A_3618 : i32 to index
        %get3A_3674 = arith.constant 48 : index
        %get3A_3675 = tpu.vector_load %arg7[%get3A_3673, %get3A_3674] {strides = array<i32>} : memref<32x200xi32, #tpu.memory_space<vmem>>, vector<16xi32>,
        %add3A_3676 = arith.addi %get3A_3675, %broadcast_in_dim3A_3648 : vector<16xi32>
        %swap3A_3677 = arith.constant 12 : i32
        %swap3A_3678 = arith.index_cast %swap3A_3677 : i32 to index
        %swap3A_3679 = arith.constant 48 : index
        %swap3A_3680 = tpu.vector_load %arg8[%swap3A_3678, %swap3A_3679] {strides = array<i32>} : memref<16x104xi32, #tpu.memory_space<vmem>>, vector<16xi32>,
        tpu.vector_store %arg8[%swap3A_3678, %swap3A_3679], %add3A_3676 {strides = array<i32>} : memref<16x104xi32, #tpu.memory_space<vmem>>, vector<16xi32>,
        %get3A_3681 = arith.index_cast %sub3A_3618 : i32 to index
        %get3A_3682 = arith.constant 64 : index
        %get3A_3683 = tpu.vector_load %arg7[%get3A_3681, %get3A_3682] {strides = array<i32>} : memref<32x200xi32, #tpu.memory_space<vmem>>, vector<16xi32>,
        %add3A_3684 = arith.addi %get3A_3683, %broadcast_in_dim3A_3648 : vector<16xi32>
        %swap3A_3685 = arith.constant 12 : i32
        %swap3A_3686 = arith.index_cast %swap3A_3685 : i32 to index
        %swap3A_3687 = arith.constant 64 : index
        %swap3A_3688 = tpu.vector_load %arg8[%swap3A_3686, %swap3A_3687] {strides = array<i32>} : memref<16x104xi32, #tpu.memory_space<vmem>>, vector<16xi32>,
        tpu.vector_store %arg8[%swap3A_3686, %swap3A_3687], %add3A_3684 {strides = array<i32>} : memref<16x104xi32, #tpu.memory_space<vmem>>, vector<16xi32>,
        %get3A_3689 = arith.index_cast %sub3A_3618 : i32 to index
        %get3A_3690 = arith.constant 80 : index
        %get3A_3691 = tpu.vector_load %arg7[%get3A_3689, %get3A_3690] {strides = array<i32>} : memref<32x200xi32, #tpu.memory_space<vmem>>, vector<16xi32>,
        %add3A_3692 = arith.addi %get3A_3691, %broadcast_in_dim3A_3648 : vector<16xi32>
        %swap3A_3693 = arith.constant 12 : i32
        %swap3A_3694 = arith.index_cast %swap3A_3693 : i32 to index
        %swap3A_3695 = arith.constant 80 : index
        %swap3A_3696 = tpu.vector_load %arg8[%swap3A_3694, %swap3A_3695] {strides = array<i32>} : memref<16x104xi32, #tpu.memory_space<vmem>>, vector<16xi32>,
        tpu.vector_store %arg8[%swap3A_3694, %swap3A_3695], %add3A_3692 {strides = array<i32>} : memref<16x104xi32, #tpu.memory_space<vmem>>, vector<16xi32>,
        %get3A_3697 = arith.index_cast %sub3A_3618 : i32 to index
        %get3A_3698 = arith.constant 88 : index
        %get3A_3699 = tpu.vector_load %arg7[%get3A_3697, %get3A_3698] {strides = array<i32>} : memref<32x200xi32, #tpu.memory_space<vmem>>, vector<16xi32>,
        %add3A_3700 = arith.addi %get3A_3699, %broadcast_in_dim3A_3648 : vector<16xi32>
        %swap3A_3701 = arith.constant 12 : i32
        %swap3A_3702 = arith.index_cast %swap3A_3701 : i32 to index
        %swap3A_3703 = arith.constant 88 : index
        %swap3A_3704 = tpu.vector_load %arg8[%swap3A_3702, %swap3A_3703] {strides = array<i32>} : memref<16x104xi32, #tpu.memory_space<vmem>>, vector<16xi32>,
        tpu.vector_store %arg8[%swap3A_3702, %swap3A_3703], %add3A_3700 {strides = array<i32>} : memref<16x104xi32, #tpu.memory_space<vmem>>, vector<16xi32>,
        %get3A_3705 = arith.index_cast %sub3A_3618 : i32 to index
        %get3A_3706 = arith.constant 104 : index
        %get3A_3707 = tpu.vector_load %arg7[%get3A_3705, %get3A_3706] {strides = array<i32>} : memref<32x200xi32, #tpu.memory_space<vmem>>, vector<16xi32>,
        %add3A_3708 = arith.addi %get3A_3707, %broadcast_in_dim3A_3648 : vector<16xi32>
        %swap3A_3709 = arith.constant 13 : i32
        %swap3A_3710 = arith.index_cast %swap3A_3709 : i32 to index
        %swap3A_3711 = arith.constant 0 : index
        %swap3A_3712 = tpu.vector_load %arg8[%swap3A_3710, %swap3A_3711] {strides = array<i32>} : memref<16x104xi32, #tpu.memory_space<vmem>>, vector<16xi32>,
        tpu.vector_store %arg8[%swap3A_3710, %swap3A_3711], %add3A_3708 {strides = array<i32>} : memref<16x104xi32, #tpu.memory_space<vmem>>, vector<16xi32>,
        %get3A_3713 = arith.index_cast %sub3A_3618 : i32 to index
        %get3A_3714 = arith.constant 120 : index
        %get3A_3715 = tpu.vector_load %arg7[%get3A_3713, %get3A_3714] {strides = array<i32>} : memref<32x200xi32, #tpu.memory_space<vmem>>, vector<16xi32>,
        %add3A_3716 = arith.addi %get3A_3715, %broadcast_in_dim3A_3648 : vector<16xi32>
        %swap3A_3717 = arith.constant 13 : i32
        %swap3A_3718 = arith.index_cast %swap3A_3717 : i32 to index
        %swap3A_3719 = arith.constant 16 : index
        %swap3A_3720 = tpu.vector_load %arg8[%swap3A_3718, %swap3A_3719] {strides = array<i32>} : memref<16x104xi32, #tpu.memory_space<vmem>>, vector<16xi32>,
        tpu.vector_store %arg8[%swap3A_3718, %swap3A_3719], %add3A_3716 {strides = array<i32>} : memref<16x104xi32, #tpu.memory_space<vmem>>, vector<16xi32>,
        %get3A_3721 = arith.index_cast %sub3A_3618 : i32 to index
        %get3A_3722 = arith.constant 136 : index
        %get3A_3723 = tpu.vector_load %arg7[%get3A_3721, %get3A_3722] {strides = array<i32>} : memref<32x200xi32, #tpu.memory_space<vmem>>, vector<16xi32>,
        %add3A_3724 = arith.addi %get3A_3723, %broadcast_in_dim3A_3648 : vector<16xi32>
        %swap3A_3725 = arith.constant 13 : i32
        %swap3A_3726 = arith.index_cast %swap3A_3725 : i32 to index
        %swap3A_3727 = arith.constant 32 : index
        %swap3A_3728 = tpu.vector_load %arg8[%swap3A_3726, %swap3A_3727] {strides = array<i32>} : memref<16x104xi32, #tpu.memory_space<vmem>>, vector<16xi32>,
        tpu.vector_store %arg8[%swap3A_3726, %swap3A_3727], %add3A_3724 {strides = array<i32>} : memref<16x104xi32, #tpu.memory_space<vmem>>, vector<16xi32>,
        %get3A_3729 = arith.index_cast %sub3A_3618 : i32 to index
        %get3A_3730 = arith.constant 152 : index
        %get3A_3731 = tpu.vector_load %arg7[%get3A_3729, %get3A_3730] {strides = array<i32>} : memref<32x200xi32, #tpu.memory_space<vmem>>, vector<16xi32>,
        %add3A_3732 = arith.addi %get3A_3731, %broadcast_in_dim3A_3648 : vector<16xi32>
        %swap3A_3733 = arith.constant 13 : i32
        %swap3A_3734 = arith.index_cast %swap3A_3733 : i32 to index
        %swap3A_3735 = arith.constant 48 : index
        %swap3A_3736 = tpu.vector_load %arg8[%swap3A_3734, %swap3A_3735] {strides = array<i32>} : memref<16x104xi32, #tpu.memory_space<vmem>>, vector<16xi32>,
        tpu.vector_store %arg8[%swap3A_3734, %swap3A_3735], %add3A_3732 {strides = array<i32>} : memref<16x104xi32, #tpu.memory_space<vmem>>, vector<16xi32>,
        %get3A_3737 = arith.index_cast %sub3A_3618 : i32 to index
        %get3A_3738 = arith.constant 168 : index
        %get3A_3739 = tpu.vector_load %arg7[%get3A_3737, %get3A_3738] {strides = array<i32>} : memref<32x200xi32, #tpu.memory_space<vmem>>, vector<16xi32>,
        %add3A_3740 = arith.addi %get3A_3739, %broadcast_in_dim3A_3648 : vector<16xi32>
        %swap3A_3741 = arith.constant 13 : i32
        %swap3A_3742 = arith.index_cast %swap3A_3741 : i32 to index
        %swap3A_3743 = arith.constant 64 : index
        %swap3A_3744 = tpu.vector_load %arg8[%swap3A_3742, %swap3A_3743] {strides = array<i32>} : memref<16x104xi32, #tpu.memory_space<vmem>>, vector<16xi32>,
        tpu.vector_store %arg8[%swap3A_3742, %swap3A_3743], %add3A_3740 {strides = array<i32>} : memref<16x104xi32, #tpu.memory_space<vmem>>, vector<16xi32>,
        %get3A_3745 = arith.index_cast %sub3A_3618 : i32 to index
        %get3A_3746 = arith.constant 184 : index
        %get3A_3747 = tpu.vector_load %arg7[%get3A_3745, %get3A_3746] {strides = array<i32>} : memref<32x200xi32, #tpu.memory_space<vmem>>, vector<16xi32>,
        %add3A_3748 = arith.addi %get3A_3747, %broadcast_in_dim3A_3648 : vector<16xi32>
        %swap3A_3749 = arith.constant 13 : i32
        %swap3A_3750 = arith.index_cast %swap3A_3749 : i32 to index
        %swap3A_3751 = arith.constant 80 : index
        %swap3A_3752 = tpu.vector_load %arg8[%swap3A_3750, %swap3A_3751] {strides = array<i32>} : memref<16x104xi32, #tpu.memory_space<vmem>>, vector<16xi32>,
        tpu.vector_store %arg8[%swap3A_3750, %swap3A_3751], %add3A_3748 {strides = array<i32>} : memref<16x104xi32, #tpu.memory_space<vmem>>, vector<16xi32>,
        %dma_start3A_3753 = arith.constant 1248 : i32
        %dma_start3A_3754 = arith.constant 0 : i32
        %dma_start3A_3755 = tpu.memref_slice %arg9[%dma_start3A_3753, %dma_start3A_3754] : memref<1664x16xf32, #tpu.memory_space<vmem>> -> memref<104x16xf32, #tpu.memory_space<vmem>>
        %dma_start3A_3756 = arith.constant 0 : i32
        %dma_start3A_3757 = tpu.memref_slice %arg8[%scan3A_1555, %dma_start3A_3756] : memref<16x104xi32, #tpu.memory_space<vmem>> -> memref<1x104xi32, #tpu.memory_space<vmem>>
        %dma_start3A_3758 = tpu.memref_squeeze %dma_start3A_3757 : memref<1x104xi32, #tpu.memory_space<vmem>> -> memref<104xi32, #tpu.memory_space<vmem>>
        %dma_start3A_3759 = arith.constant 0 : i32
        %dma_start3A_3760 = arith.constant 0 : i32
        %dma_start3A_3761 = tpu.memref_slice %arg5[%dma_start3A_3759, %dma_start3A_3760] : memref<2600000x16xf32, #tpu.memory_space<hbm>> -> memref<2600000x16xf32, #tpu.memory_space<hbm>>
        tpu.enqueue_indirect_dma source(%dma_start3A_3761 : memref<2600000x16xf32, #tpu.memory_space<hbm>>) target(%dma_start3A_3755 : memref<104x16xf32, #tpu.memory_space<vmem>>) offsets(%dma_start3A_3758 : memref<104xi32, #tpu.memory_space<vmem>>) semaphore(%arg17 : memref<!tpu.dma_semaphore, #tpu.memory_space<semaphore_mem>>)
        %dma_start3A_3762 = arith.constant 1352 : i32
        %dma_start3A_3763 = arith.constant 0 : i32
        %dma_start3A_3764 = tpu.memref_slice %arg9[%dma_start3A_3762, %dma_start3A_3763] : memref<1664x16xf32, #tpu.memory_space<vmem>> -> memref<104x16xf32, #tpu.memory_space<vmem>>
        %dma_start3A_3765 = arith.constant 0 : i32
        %dma_start3A_3766 = tpu.memref_slice %arg8[%scan3A_1556, %dma_start3A_3765] : memref<16x104xi32, #tpu.memory_space<vmem>> -> memref<1x104xi32, #tpu.memory_space<vmem>>
        %dma_start3A_3767 = tpu.memref_squeeze %dma_start3A_3766 : memref<1x104xi32, #tpu.memory_space<vmem>> -> memref<104xi32, #tpu.memory_space<vmem>>
        %dma_start3A_3768 = arith.constant 0 : i32
        %dma_start3A_3769 = arith.constant 0 : i32
        %dma_start3A_3770 = tpu.memref_slice %arg5[%dma_start3A_3768, %dma_start3A_3769] : memref<2600000x16xf32, #tpu.memory_space<hbm>> -> memref<2600000x16xf32, #tpu.memory_space<hbm>>
        tpu.enqueue_indirect_dma source(%dma_start3A_3770 : memref<2600000x16xf32, #tpu.memory_space<hbm>>) target(%dma_start3A_3764 : memref<104x16xf32, #tpu.memory_space<vmem>>) offsets(%dma_start3A_3767 : memref<104xi32, #tpu.memory_space<vmem>>) semaphore(%arg17 : memref<!tpu.dma_semaphore, #tpu.memory_space<semaphore_mem>>)
        %mul3A_3771 = arith.constant 32 : i32
        %mul3A_3772 = arith.muli %scan3A_1822, %mul3A_3771 : i32
        %mul3A_3773 = arith.constant 8 : i32
        %mul3A_3774 = arith.muli %mul3A_3773, %scan3A_1838 : i32
        %add3A_3775 = arith.addi %mul3A_3772, %mul3A_3774 : i32
        %add3A_3776 = arith.constant 7 : i32
        %add3A_3777 = arith.addi %add3A_3775, %add3A_3776 : i32
        %add3A_3778 = arith.addi %mul3A_2, %add3A_3777 : i32
        %dma_wait3A_3779 = arith.constant 1456 : i32
        %dma_wait3A_3780 = arith.constant 0 : i32
        %dma_wait3A_3781 = tpu.memref_slice %arg9[%dma_wait3A_3779, %dma_wait3A_3780] : memref<1664x16xf32, #tpu.memory_space<vmem>> -> memref<104x16xf32, #tpu.memory_space<vmem>>
        %dma_wait3A_3782 = arith.constant 0 : i32
        %dma_wait3A_3783 = tpu.memref_slice %arg8[%scan3A_1557, %dma_wait3A_3782] : memref<16x104xi32, #tpu.memory_space<vmem>> -> memref<1x104xi32, #tpu.memory_space<vmem>>
        %dma_wait3A_3784 = tpu.memref_squeeze %dma_wait3A_3783 : memref<1x104xi32, #tpu.memory_space<vmem>> -> memref<104xi32, #tpu.memory_space<vmem>>
        %dma_wait3A_3785 = arith.constant 0 : i32
        %dma_wait3A_3786 = arith.constant 0 : i32
        %dma_wait3A_3787 = tpu.memref_slice %arg5[%dma_wait3A_3785, %dma_wait3A_3786] : memref<2600000x16xf32, #tpu.memory_space<hbm>> -> memref<2600000x16xf32, #tpu.memory_space<hbm>>
        tpu.wait_indirect_dma semaphore(%arg18 : memref<!tpu.dma_semaphore, #tpu.memory_space<semaphore_mem>>) src(%dma_wait3A_3787 : memref<2600000x16xf32, #tpu.memory_space<hbm>>) dst(%dma_wait3A_3781 : memref<104x16xf32, #tpu.memory_space<vmem>>)
        %dma_wait3A_3788 = arith.constant 1560 : i32
        %dma_wait3A_3789 = arith.constant 0 : i32
        %dma_wait3A_3790 = tpu.memref_slice %arg9[%dma_wait3A_3788, %dma_wait3A_3789] : memref<1664x16xf32, #tpu.memory_space<vmem>> -> memref<104x16xf32, #tpu.memory_space<vmem>>
        %dma_wait3A_3791 = arith.constant 0 : i32
        %dma_wait3A_3792 = tpu.memref_slice %arg8[%scan3A_1558, %dma_wait3A_3791] : memref<16x104xi32, #tpu.memory_space<vmem>> -> memref<1x104xi32, #tpu.memory_space<vmem>>
        %dma_wait3A_3793 = tpu.memref_squeeze %dma_wait3A_3792 : memref<1x104xi32, #tpu.memory_space<vmem>> -> memref<104xi32, #tpu.memory_space<vmem>>
        %dma_wait3A_3794 = arith.constant 0 : i32
        %dma_wait3A_3795 = arith.constant 0 : i32
        %dma_wait3A_3796 = tpu.memref_slice %arg5[%dma_wait3A_3794, %dma_wait3A_3795] : memref<2600000x16xf32, #tpu.memory_space<hbm>> -> memref<2600000x16xf32, #tpu.memory_space<hbm>>
        tpu.wait_indirect_dma semaphore(%arg18 : memref<!tpu.dma_semaphore, #tpu.memory_space<semaphore_mem>>) src(%dma_wait3A_3796 : memref<2600000x16xf32, #tpu.memory_space<hbm>>) dst(%dma_wait3A_3790 : memref<104x16xf32, #tpu.memory_space<vmem>>)
        %jit3A_3797 = arith.constant 26 : i32
        %div3A_3798 = arith.divsi %add3A_3778, %jit3A_3797 : i32
        %sign3A_3799 = arith.constant 0 : i32
        %sign3A_3800 = arith.cmpi sgt, %add3A_3778, %sign3A_3799 : i32
        %sign3A_3801 = arith.extui %sign3A_3800 : i1 to i32
        %sign3A_3802 = arith.constant 0 : i32
        %sign3A_3803 = arith.cmpi slt, %add3A_3778, %sign3A_3802 : i32
        %sign3A_3804 = arith.extui %sign3A_3803 : i1 to i32
        %sign3A_3805 = arith.subi %sign3A_3801, %sign3A_3804 : i32
        %sign3A_3806 = arith.constant 0 : i32
        %sign3A_3807 = arith.cmpi sgt, %jit3A_3797, %sign3A_3806 : i32
        %sign3A_3808 = arith.extui %sign3A_3807 : i1 to i32
        %sign3A_3809 = arith.constant 0 : i32
        %sign3A_3810 = arith.cmpi slt, %jit3A_3797, %sign3A_3809 : i32
        %sign3A_3811 = arith.extui %sign3A_3810 : i1 to i32
        %sign3A_3812 = arith.subi %sign3A_3808, %sign3A_3811 : i32
        %ne3A_3813 = arith.cmpi ne, %sign3A_3805, %sign3A_3812 : i32
        %rem3A_3814 = arith.remsi %add3A_3778, %jit3A_3797 : i32
        %ne3A_3815 = arith.constant 0 : i32
        %ne3A_3816 = arith.cmpi ne, %rem3A_3814, %ne3A_3815 : i32
        %and3A_3817 = arith.andi %ne3A_3813, %ne3A_3816 : i1
        %sub3A_3818 = arith.constant 1 : i32
        %sub3A_3819 = arith.subi %div3A_3798, %sub3A_3818 : i32
        %select_n3A_3820 = arith.select %and3A_3817, %sub3A_3819, %div3A_3798 : i32
        %mul3A_3821 = arith.constant 26 : i32
        %mul3A_3822 = arith.muli %select_n3A_3820, %mul3A_3821 : i32
        %sub3A_3823 = arith.subi %add3A_3778, %mul3A_3822 : i32
        %mul3A_3824 = arith.constant 88000 : i32
        %mul3A_3825 = arith.muli %select_n3A_3820, %mul3A_3824 : i32
        %mul3A_3826 = arith.constant 16 : i32
        %mul3A_3827 = arith.muli %mul3A_3826, %sub3A_3823 : i32
        %add3A_3828 = arith.constant 24 : i32
        %add3A_3829 = arith.addi %add3A_3828, %mul3A_3827 : i32
        %mul3A_3830 = arith.constant 200 : i32
        %mul3A_3831 = arith.muli %add3A_3829, %mul3A_3830 : i32
        %add3A_3832 = arith.addi %mul3A_3825, %mul3A_3831 : i32
        %dma_wait3A_3833 = arith.constant 8000 : i32
        %dma_wait3A_3834 = tpu.memref_slice %arg10[%dma_wait3A_3833] : memref<16000xf32, #tpu.memory_space<vmem>> -> memref<3200xf32, #tpu.memory_space<vmem>>
        %dma_wait3A_3835 = tpu.memref_slice %arg6[%add3A_3832] : memref<90112000xf32, #tpu.memory_space<hbm>> -> memref<3200xf32, #tpu.memory_space<hbm>>
        %dma_wait3A_3836 = tpu.memref_slice %arg6[%add3A_3832] : memref<90112000xf32, #tpu.memory_space<hbm>> -> memref<3200xf32, #tpu.memory_space<hbm>>
        %dma_wait3A_3837 = arith.constant 8000 : i32
        %dma_wait3A_3838 = tpu.memref_slice %arg10[%dma_wait3A_3837] : memref<16000xf32, #tpu.memory_space<vmem>> -> memref<3200xf32, #tpu.memory_space<vmem>>
        tpu.wait_dma2 semaphore(%arg20 : memref<!tpu.dma_semaphore, #tpu.memory_space<semaphore_mem>>) src(%dma_wait3A_3838 : memref<3200xf32, #tpu.memory_space<vmem>>) dst(%dma_wait3A_3836 : memref<3200xf32, #tpu.memory_space<hbm>>)
        %add3A_3839 = arith.constant 8000 : i32
        %add3A_3840 = vector.broadcast %add3A_3839 : i32 to vector<16xi32>
        %add3A_3841 = arith.addi %mul3A_5, %add3A_3840 : vector<16xi32>
        %parallel_loop3A_3842 = arith.constant 0 : i32
        %parallel_loop3A_3843 = arith.constant 200 : i32
        %parallel_loop3A_3844 = arith.constant 1 : i32
        scf.for %parallel_loop3A_4048 = %parallel_loop3A_3842 to %parallel_loop3A_3843 step %parallel_loop3A_3844  : i32 {
          %parallel_loop3A_4049 = arith.constant 1456 : i32
          %parallel_loop3A_4050 = arith.addi %parallel_loop3A_4049, %parallel_loop3A_4048 : i32
          %parallel_loop3A_4051 = arith.index_cast %parallel_loop3A_4050 : i32 to index
          %parallel_loop3A_4052 = arith.constant 0 : index
          %parallel_loop3A_4053 = tpu.vector_load %arg9[%parallel_loop3A_4051, %parallel_loop3A_4052] {strides = array<i32>} : memref<1664x16xf32, #tpu.memory_space<vmem>>, vector<16xf32>,
          %parallel_loop3A_4054 = vector.broadcast %parallel_loop3A_4048 : i32 to vector<16xi32>
          %parallel_loop3A_4055 = arith.addi %add3A_3841, %parallel_loop3A_4054 : vector<16xi32>
          tpu.vector_store_idx %arg10[%parallel_loop3A_4055], %parallel_loop3A_4053 : memref<16000xf32, #tpu.memory_space<vmem>>[vector<16xi32>], vector<16xf32>,
        } {sc.loop_unroll_factor = 8 : i64, sc.parallel_access}
        %jit3A_3845 = arith.constant 26 : i32
        %div3A_3846 = arith.divsi %add3A_3778, %jit3A_3845 : i32
        %sign3A_3847 = arith.constant 0 : i32
        %sign3A_3848 = arith.cmpi sgt, %add3A_3778, %sign3A_3847 : i32
        %sign3A_3849 = arith.extui %sign3A_3848 : i1 to i32
        %sign3A_3850 = arith.constant 0 : i32
        %sign3A_3851 = arith.cmpi slt, %add3A_3778, %sign3A_3850 : i32
        %sign3A_3852 = arith.extui %sign3A_3851 : i1 to i32
        %sign3A_3853 = arith.subi %sign3A_3849, %sign3A_3852 : i32
        %sign3A_3854 = arith.constant 0 : i32
        %sign3A_3855 = arith.cmpi sgt, %jit3A_3845, %sign3A_3854 : i32
        %sign3A_3856 = arith.extui %sign3A_3855 : i1 to i32
        %sign3A_3857 = arith.constant 0 : i32
        %sign3A_3858 = arith.cmpi slt, %jit3A_3845, %sign3A_3857 : i32
        %sign3A_3859 = arith.extui %sign3A_3858 : i1 to i32
        %sign3A_3860 = arith.subi %sign3A_3856, %sign3A_3859 : i32
        %ne3A_3861 = arith.cmpi ne, %sign3A_3853, %sign3A_3860 : i32
        %rem3A_3862 = arith.remsi %add3A_3778, %jit3A_3845 : i32
        %ne3A_3863 = arith.constant 0 : i32
        %ne3A_3864 = arith.cmpi ne, %rem3A_3862, %ne3A_3863 : i32
        %and3A_3865 = arith.andi %ne3A_3861, %ne3A_3864 : i1
        %sub3A_3866 = arith.constant 1 : i32
        %sub3A_3867 = arith.subi %div3A_3846, %sub3A_3866 : i32
        %select_n3A_3868 = arith.select %and3A_3865, %sub3A_3867, %div3A_3846 : i32
        %mul3A_3869 = arith.constant 26 : i32
        %mul3A_3870 = arith.muli %select_n3A_3868, %mul3A_3869 : i32
        %sub3A_3871 = arith.subi %add3A_3778, %mul3A_3870 : i32
        %mul3A_3872 = arith.constant 88000 : i32
        %mul3A_3873 = arith.muli %select_n3A_3868, %mul3A_3872 : i32
        %mul3A_3874 = arith.constant 16 : i32
        %mul3A_3875 = arith.muli %mul3A_3874, %sub3A_3871 : i32
        %add3A_3876 = arith.constant 24 : i32
        %add3A_3877 = arith.addi %add3A_3876, %mul3A_3875 : i32
        %mul3A_3878 = arith.constant 200 : i32
        %mul3A_3879 = arith.muli %add3A_3877, %mul3A_3878 : i32
        %add3A_3880 = arith.addi %mul3A_3873, %mul3A_3879 : i32
        %dma_start3A_3881 = arith.constant 8000 : i32
        %dma_start3A_3882 = tpu.memref_slice %arg10[%dma_start3A_3881] : memref<16000xf32, #tpu.memory_space<vmem>> -> memref<3200xf32, #tpu.memory_space<vmem>>
        %dma_start3A_3883 = tpu.memref_slice %arg6[%add3A_3880] : memref<90112000xf32, #tpu.memory_space<hbm>> -> memref<3200xf32, #tpu.memory_space<hbm>>
        %dma_start3A_3884 = tpu.memref_slice %arg6[%add3A_3880] : memref<90112000xf32, #tpu.memory_space<hbm>> -> memref<3200xf32, #tpu.memory_space<hbm>>
        %dma_start3A_3885 = arith.constant 8000 : i32
        %dma_start3A_3886 = tpu.memref_slice %arg10[%dma_start3A_3885] : memref<16000xf32, #tpu.memory_space<vmem>> -> memref<3200xf32, #tpu.memory_space<vmem>>
        tpu.enqueue_dma source(%dma_start3A_3886 : memref<3200xf32, #tpu.memory_space<vmem>>) target(%dma_start3A_3884 : memref<3200xf32, #tpu.memory_space<hbm>>) target_semaphore(%arg20 : memref<!tpu.dma_semaphore, #tpu.memory_space<semaphore_mem>>)
        %add3A_3887 = arith.constant 8 : i32
        %add3A_3888 = arith.addi %add3A_3778, %add3A_3887 : i32
        %add3A_3889 = arith.constant 832 : i32
        %add3A_3890 = arith.addi %mul3A_2, %add3A_3889 : i32
        %sub3A_3891 = arith.constant 1 : i32
        %sub3A_3892 = arith.subi %add3A_3890, %sub3A_3891 : i32
        %min3A_3893 = arith.minsi %add3A_3888, %sub3A_3892 : i32
        %sub3A_3894 = arith.subi %min3A_3893, %add3A_1829 : i32
        %jit3A_3895 = arith.constant 26 : i32
        %div3A_3896 = arith.divsi %min3A_3893, %jit3A_3895 : i32
        %sign3A_3897 = arith.constant 0 : i32
        %sign3A_3898 = arith.cmpi sgt, %min3A_3893, %sign3A_3897 : i32
        %sign3A_3899 = arith.extui %sign3A_3898 : i1 to i32
        %sign3A_3900 = arith.constant 0 : i32
        %sign3A_3901 = arith.cmpi slt, %min3A_3893, %sign3A_3900 : i32
        %sign3A_3902 = arith.extui %sign3A_3901 : i1 to i32
        %sign3A_3903 = arith.subi %sign3A_3899, %sign3A_3902 : i32
        %sign3A_3904 = arith.constant 0 : i32
        %sign3A_3905 = arith.cmpi sgt, %jit3A_3895, %sign3A_3904 : i32
        %sign3A_3906 = arith.extui %sign3A_3905 : i1 to i32
        %sign3A_3907 = arith.constant 0 : i32
        %sign3A_3908 = arith.cmpi slt, %jit3A_3895, %sign3A_3907 : i32
        %sign3A_3909 = arith.extui %sign3A_3908 : i1 to i32
        %sign3A_3910 = arith.subi %sign3A_3906, %sign3A_3909 : i32
        %ne3A_3911 = arith.cmpi ne, %sign3A_3903, %sign3A_3910 : i32
        %rem3A_3912 = arith.remsi %min3A_3893, %jit3A_3895 : i32
        %ne3A_3913 = arith.constant 0 : i32
        %ne3A_3914 = arith.cmpi ne, %rem3A_3912, %ne3A_3913 : i32
        %and3A_3915 = arith.andi %ne3A_3911, %ne3A_3914 : i1
        %sub3A_3916 = arith.constant 1 : i32
        %sub3A_3917 = arith.subi %div3A_3896, %sub3A_3916 : i32
        %select_n3A_3918 = arith.select %and3A_3915, %sub3A_3917, %div3A_3896 : i32
        %mul3A_3919 = arith.constant 26 : i32
        %mul3A_3920 = arith.muli %select_n3A_3918, %mul3A_3919 : i32
        %sub3A_3921 = arith.subi %min3A_3893, %mul3A_3920 : i32
        %mul3A_3922 = arith.constant 100000 : i32
        %mul3A_3923 = arith.muli %sub3A_3921, %mul3A_3922 : i32
        %broadcast_in_dim3A_3924 = vector.broadcast %mul3A_3923 : i32 to vector<16xi32>
        %get3A_3925 = arith.index_cast %sub3A_3894 : i32 to index
        %get3A_3926 = arith.constant 0 : index
        %get3A_3927 = tpu.vector_load %arg7[%get3A_3925, %get3A_3926] {strides = array<i32>} : memref<32x200xi32, #tpu.memory_space<vmem>>, vector<16xi32>,
        %add3A_3928 = arith.addi %get3A_3927, %broadcast_in_dim3A_3924 : vector<16xi32>
        %swap3A_3929 = arith.constant 14 : i32
        %swap3A_3930 = arith.index_cast %swap3A_3929 : i32 to index
        %swap3A_3931 = arith.constant 0 : index
        %swap3A_3932 = tpu.vector_load %arg8[%swap3A_3930, %swap3A_3931] {strides = array<i32>} : memref<16x104xi32, #tpu.memory_space<vmem>>, vector<16xi32>,
        tpu.vector_store %arg8[%swap3A_3930, %swap3A_3931], %add3A_3928 {strides = array<i32>} : memref<16x104xi32, #tpu.memory_space<vmem>>, vector<16xi32>,
        %get3A_3933 = arith.index_cast %sub3A_3894 : i32 to index
        %get3A_3934 = arith.constant 16 : index
        %get3A_3935 = tpu.vector_load %arg7[%get3A_3933, %get3A_3934] {strides = array<i32>} : memref<32x200xi32, #tpu.memory_space<vmem>>, vector<16xi32>,
        %add3A_3936 = arith.addi %get3A_3935, %broadcast_in_dim3A_3924 : vector<16xi32>
        %swap3A_3937 = arith.constant 14 : i32
        %swap3A_3938 = arith.index_cast %swap3A_3937 : i32 to index
        %swap3A_3939 = arith.constant 16 : index
        %swap3A_3940 = tpu.vector_load %arg8[%swap3A_3938, %swap3A_3939] {strides = array<i32>} : memref<16x104xi32, #tpu.memory_space<vmem>>, vector<16xi32>,
        tpu.vector_store %arg8[%swap3A_3938, %swap3A_3939], %add3A_3936 {strides = array<i32>} : memref<16x104xi32, #tpu.memory_space<vmem>>, vector<16xi32>,
        %get3A_3941 = arith.index_cast %sub3A_3894 : i32 to index
        %get3A_3942 = arith.constant 32 : index
        %get3A_3943 = tpu.vector_load %arg7[%get3A_3941, %get3A_3942] {strides = array<i32>} : memref<32x200xi32, #tpu.memory_space<vmem>>, vector<16xi32>,
        %add3A_3944 = arith.addi %get3A_3943, %broadcast_in_dim3A_3924 : vector<16xi32>
        %swap3A_3945 = arith.constant 14 : i32
        %swap3A_3946 = arith.index_cast %swap3A_3945 : i32 to index
        %swap3A_3947 = arith.constant 32 : index
        %swap3A_3948 = tpu.vector_load %arg8[%swap3A_3946, %swap3A_3947] {strides = array<i32>} : memref<16x104xi32, #tpu.memory_space<vmem>>, vector<16xi32>,
        tpu.vector_store %arg8[%swap3A_3946, %swap3A_3947], %add3A_3944 {strides = array<i32>} : memref<16x104xi32, #tpu.memory_space<vmem>>, vector<16xi32>,
        %get3A_3949 = arith.index_cast %sub3A_3894 : i32 to index
        %get3A_3950 = arith.constant 48 : index
        %get3A_3951 = tpu.vector_load %arg7[%get3A_3949, %get3A_3950] {strides = array<i32>} : memref<32x200xi32, #tpu.memory_space<vmem>>, vector<16xi32>,
        %add3A_3952 = arith.addi %get3A_3951, %broadcast_in_dim3A_3924 : vector<16xi32>
        %swap3A_3953 = arith.constant 14 : i32
        %swap3A_3954 = arith.index_cast %swap3A_3953 : i32 to index
        %swap3A_3955 = arith.constant 48 : index
        %swap3A_3956 = tpu.vector_load %arg8[%swap3A_3954, %swap3A_3955] {strides = array<i32>} : memref<16x104xi32, #tpu.memory_space<vmem>>, vector<16xi32>,
        tpu.vector_store %arg8[%swap3A_3954, %swap3A_3955], %add3A_3952 {strides = array<i32>} : memref<16x104xi32, #tpu.memory_space<vmem>>, vector<16xi32>,
        %get3A_3957 = arith.index_cast %sub3A_3894 : i32 to index
        %get3A_3958 = arith.constant 64 : index
        %get3A_3959 = tpu.vector_load %arg7[%get3A_3957, %get3A_3958] {strides = array<i32>} : memref<32x200xi32, #tpu.memory_space<vmem>>, vector<16xi32>,
        %add3A_3960 = arith.addi %get3A_3959, %broadcast_in_dim3A_3924 : vector<16xi32>
        %swap3A_3961 = arith.constant 14 : i32
        %swap3A_3962 = arith.index_cast %swap3A_3961 : i32 to index
        %swap3A_3963 = arith.constant 64 : index
        %swap3A_3964 = tpu.vector_load %arg8[%swap3A_3962, %swap3A_3963] {strides = array<i32>} : memref<16x104xi32, #tpu.memory_space<vmem>>, vector<16xi32>,
        tpu.vector_store %arg8[%swap3A_3962, %swap3A_3963], %add3A_3960 {strides = array<i32>} : memref<16x104xi32, #tpu.memory_space<vmem>>, vector<16xi32>,
        %get3A_3965 = arith.index_cast %sub3A_3894 : i32 to index
        %get3A_3966 = arith.constant 80 : index
        %get3A_3967 = tpu.vector_load %arg7[%get3A_3965, %get3A_3966] {strides = array<i32>} : memref<32x200xi32, #tpu.memory_space<vmem>>, vector<16xi32>,
        %add3A_3968 = arith.addi %get3A_3967, %broadcast_in_dim3A_3924 : vector<16xi32>
        %swap3A_3969 = arith.constant 14 : i32
        %swap3A_3970 = arith.index_cast %swap3A_3969 : i32 to index
        %swap3A_3971 = arith.constant 80 : index
        %swap3A_3972 = tpu.vector_load %arg8[%swap3A_3970, %swap3A_3971] {strides = array<i32>} : memref<16x104xi32, #tpu.memory_space<vmem>>, vector<16xi32>,
        tpu.vector_store %arg8[%swap3A_3970, %swap3A_3971], %add3A_3968 {strides = array<i32>} : memref<16x104xi32, #tpu.memory_space<vmem>>, vector<16xi32>,
        %get3A_3973 = arith.index_cast %sub3A_3894 : i32 to index
        %get3A_3974 = arith.constant 88 : index
        %get3A_3975 = tpu.vector_load %arg7[%get3A_3973, %get3A_3974] {strides = array<i32>} : memref<32x200xi32, #tpu.memory_space<vmem>>, vector<16xi32>,
        %add3A_3976 = arith.addi %get3A_3975, %broadcast_in_dim3A_3924 : vector<16xi32>
        %swap3A_3977 = arith.constant 14 : i32
        %swap3A_3978 = arith.index_cast %swap3A_3977 : i32 to index
        %swap3A_3979 = arith.constant 88 : index
        %swap3A_3980 = tpu.vector_load %arg8[%swap3A_3978, %swap3A_3979] {strides = array<i32>} : memref<16x104xi32, #tpu.memory_space<vmem>>, vector<16xi32>,
        tpu.vector_store %arg8[%swap3A_3978, %swap3A_3979], %add3A_3976 {strides = array<i32>} : memref<16x104xi32, #tpu.memory_space<vmem>>, vector<16xi32>,
        %get3A_3981 = arith.index_cast %sub3A_3894 : i32 to index
        %get3A_3982 = arith.constant 104 : index
        %get3A_3983 = tpu.vector_load %arg7[%get3A_3981, %get3A_3982] {strides = array<i32>} : memref<32x200xi32, #tpu.memory_space<vmem>>, vector<16xi32>,
        %add3A_3984 = arith.addi %get3A_3983, %broadcast_in_dim3A_3924 : vector<16xi32>
        %swap3A_3985 = arith.constant 15 : i32
        %swap3A_3986 = arith.index_cast %swap3A_3985 : i32 to index
        %swap3A_3987 = arith.constant 0 : index
        %swap3A_3988 = tpu.vector_load %arg8[%swap3A_3986, %swap3A_3987] {strides = array<i32>} : memref<16x104xi32, #tpu.memory_space<vmem>>, vector<16xi32>,
        tpu.vector_store %arg8[%swap3A_3986, %swap3A_3987], %add3A_3984 {strides = array<i32>} : memref<16x104xi32, #tpu.memory_space<vmem>>, vector<16xi32>,
        %get3A_3989 = arith.index_cast %sub3A_3894 : i32 to index
        %get3A_3990 = arith.constant 120 : index
        %get3A_3991 = tpu.vector_load %arg7[%get3A_3989, %get3A_3990] {strides = array<i32>} : memref<32x200xi32, #tpu.memory_space<vmem>>, vector<16xi32>,
        %add3A_3992 = arith.addi %get3A_3991, %broadcast_in_dim3A_3924 : vector<16xi32>
        %swap3A_3993 = arith.constant 15 : i32
        %swap3A_3994 = arith.index_cast %swap3A_3993 : i32 to index
        %swap3A_3995 = arith.constant 16 : index
        %swap3A_3996 = tpu.vector_load %arg8[%swap3A_3994, %swap3A_3995] {strides = array<i32>} : memref<16x104xi32, #tpu.memory_space<vmem>>, vector<16xi32>,
        tpu.vector_store %arg8[%swap3A_3994, %swap3A_3995], %add3A_3992 {strides = array<i32>} : memref<16x104xi32, #tpu.memory_space<vmem>>, vector<16xi32>,
        %get3A_3997 = arith.index_cast %sub3A_3894 : i32 to index
        %get3A_3998 = arith.constant 136 : index
        %get3A_3999 = tpu.vector_load %arg7[%get3A_3997, %get3A_3998] {strides = array<i32>} : memref<32x200xi32, #tpu.memory_space<vmem>>, vector<16xi32>,
        %add3A_4000 = arith.addi %get3A_3999, %broadcast_in_dim3A_3924 : vector<16xi32>
        %swap3A_4001 = arith.constant 15 : i32
        %swap3A_4002 = arith.index_cast %swap3A_4001 : i32 to index
        %swap3A_4003 = arith.constant 32 : index
        %swap3A_4004 = tpu.vector_load %arg8[%swap3A_4002, %swap3A_4003] {strides = array<i32>} : memref<16x104xi32, #tpu.memory_space<vmem>>, vector<16xi32>,
        tpu.vector_store %arg8[%swap3A_4002, %swap3A_4003], %add3A_4000 {strides = array<i32>} : memref<16x104xi32, #tpu.memory_space<vmem>>, vector<16xi32>,
        %get3A_4005 = arith.index_cast %sub3A_3894 : i32 to index
        %get3A_4006 = arith.constant 152 : index
        %get3A_4007 = tpu.vector_load %arg7[%get3A_4005, %get3A_4006] {strides = array<i32>} : memref<32x200xi32, #tpu.memory_space<vmem>>, vector<16xi32>,
        %add3A_4008 = arith.addi %get3A_4007, %broadcast_in_dim3A_3924 : vector<16xi32>
        %swap3A_4009 = arith.constant 15 : i32
        %swap3A_4010 = arith.index_cast %swap3A_4009 : i32 to index
        %swap3A_4011 = arith.constant 48 : index
        %swap3A_4012 = tpu.vector_load %arg8[%swap3A_4010, %swap3A_4011] {strides = array<i32>} : memref<16x104xi32, #tpu.memory_space<vmem>>, vector<16xi32>,
        tpu.vector_store %arg8[%swap3A_4010, %swap3A_4011], %add3A_4008 {strides = array<i32>} : memref<16x104xi32, #tpu.memory_space<vmem>>, vector<16xi32>,
        %get3A_4013 = arith.index_cast %sub3A_3894 : i32 to index
        %get3A_4014 = arith.constant 168 : index
        %get3A_4015 = tpu.vector_load %arg7[%get3A_4013, %get3A_4014] {strides = array<i32>} : memref<32x200xi32, #tpu.memory_space<vmem>>, vector<16xi32>,
        %add3A_4016 = arith.addi %get3A_4015, %broadcast_in_dim3A_3924 : vector<16xi32>
        %swap3A_4017 = arith.constant 15 : i32
        %swap3A_4018 = arith.index_cast %swap3A_4017 : i32 to index
        %swap3A_4019 = arith.constant 64 : index
        %swap3A_4020 = tpu.vector_load %arg8[%swap3A_4018, %swap3A_4019] {strides = array<i32>} : memref<16x104xi32, #tpu.memory_space<vmem>>, vector<16xi32>,
        tpu.vector_store %arg8[%swap3A_4018, %swap3A_4019], %add3A_4016 {strides = array<i32>} : memref<16x104xi32, #tpu.memory_space<vmem>>, vector<16xi32>,
        %get3A_4021 = arith.index_cast %sub3A_3894 : i32 to index
        %get3A_4022 = arith.constant 184 : index
        %get3A_4023 = tpu.vector_load %arg7[%get3A_4021, %get3A_4022] {strides = array<i32>} : memref<32x200xi32, #tpu.memory_space<vmem>>, vector<16xi32>,
        %add3A_4024 = arith.addi %get3A_4023, %broadcast_in_dim3A_3924 : vector<16xi32>
        %swap3A_4025 = arith.constant 15 : i32
        %swap3A_4026 = arith.index_cast %swap3A_4025 : i32 to index
        %swap3A_4027 = arith.constant 80 : index
        %swap3A_4028 = tpu.vector_load %arg8[%swap3A_4026, %swap3A_4027] {strides = array<i32>} : memref<16x104xi32, #tpu.memory_space<vmem>>, vector<16xi32>,
        tpu.vector_store %arg8[%swap3A_4026, %swap3A_4027], %add3A_4024 {strides = array<i32>} : memref<16x104xi32, #tpu.memory_space<vmem>>, vector<16xi32>,
        %dma_start3A_4029 = arith.constant 1456 : i32
        %dma_start3A_4030 = arith.constant 0 : i32
        %dma_start3A_4031 = tpu.memref_slice %arg9[%dma_start3A_4029, %dma_start3A_4030] : memref<1664x16xf32, #tpu.memory_space<vmem>> -> memref<104x16xf32, #tpu.memory_space<vmem>>
        %dma_start3A_4032 = arith.constant 0 : i32
        %dma_start3A_4033 = tpu.memref_slice %arg8[%scan3A_1557, %dma_start3A_4032] : memref<16x104xi32, #tpu.memory_space<vmem>> -> memref<1x104xi32, #tpu.memory_space<vmem>>
        %dma_start3A_4034 = tpu.memref_squeeze %dma_start3A_4033 : memref<1x104xi32, #tpu.memory_space<vmem>> -> memref<104xi32, #tpu.memory_space<vmem>>
        %dma_start3A_4035 = arith.constant 0 : i32
        %dma_start3A_4036 = arith.constant 0 : i32
        %dma_start3A_4037 = tpu.memref_slice %arg5[%dma_start3A_4035, %dma_start3A_4036] : memref<2600000x16xf32, #tpu.memory_space<hbm>> -> memref<2600000x16xf32, #tpu.memory_space<hbm>>
        tpu.enqueue_indirect_dma source(%dma_start3A_4037 : memref<2600000x16xf32, #tpu.memory_space<hbm>>) target(%dma_start3A_4031 : memref<104x16xf32, #tpu.memory_space<vmem>>) offsets(%dma_start3A_4034 : memref<104xi32, #tpu.memory_space<vmem>>) semaphore(%arg18 : memref<!tpu.dma_semaphore, #tpu.memory_space<semaphore_mem>>)
        %dma_start3A_4038 = arith.constant 1560 : i32
        %dma_start3A_4039 = arith.constant 0 : i32
        %dma_start3A_4040 = tpu.memref_slice %arg9[%dma_start3A_4038, %dma_start3A_4039] : memref<1664x16xf32, #tpu.memory_space<vmem>> -> memref<104x16xf32, #tpu.memory_space<vmem>>
        %dma_start3A_4041 = arith.constant 0 : i32
        %dma_start3A_4042 = tpu.memref_slice %arg8[%scan3A_1558, %dma_start3A_4041] : memref<16x104xi32, #tpu.memory_space<vmem>> -> memref<1x104xi32, #tpu.memory_space<vmem>>
        %dma_start3A_4043 = tpu.memref_squeeze %dma_start3A_4042 : memref<1x104xi32, #tpu.memory_space<vmem>> -> memref<104xi32, #tpu.memory_space<vmem>>
        %dma_start3A_4044 = arith.constant 0 : i32
        %dma_start3A_4045 = arith.constant 0 : i32
        %dma_start3A_4046 = tpu.memref_slice %arg5[%dma_start3A_4044, %dma_start3A_4045] : memref<2600000x16xf32, #tpu.memory_space<hbm>> -> memref<2600000x16xf32, #tpu.memory_space<hbm>>
        tpu.enqueue_indirect_dma source(%dma_start3A_4046 : memref<2600000x16xf32, #tpu.memory_space<hbm>>) target(%dma_start3A_4040 : memref<104x16xf32, #tpu.memory_space<vmem>>) offsets(%dma_start3A_4043 : memref<104xi32, #tpu.memory_space<vmem>>) semaphore(%arg18 : memref<!tpu.dma_semaphore, #tpu.memory_space<semaphore_mem>>)
        %scan3A_4047 = arith.constant 0 : i32
        scf.yield %scan3A_4047 : i32
      }
      %scan3A_1836 = arith.constant 4 : i32
      %scan3A_1837 = arith.constant 0 : i32
      scf.yield %scan3A_1837 : i32
    }
    %scan3A_1565 = arith.constant 26 : i32
    %add3A_1566 = arith.constant 832 : i32
    %add3A_1567 = arith.addi %mul3A_2, %add3A_1566 : i32
    %sub3A_1568 = arith.constant 2 : i32
    %sub3A_1569 = arith.subi %add3A_1567, %sub3A_1568 : i32
    %add3A_1570 = arith.constant 0 : i32
    %add3A_1571 = arith.addi %sub3A_1569, %add3A_1570 : i32
    %jit3A_1572 = arith.constant 26 : i32
    %div3A_1573 = arith.divsi %add3A_1571, %jit3A_1572 : i32
    %sign3A_1574 = arith.constant 0 : i32
    %sign3A_1575 = arith.cmpi sgt, %add3A_1571, %sign3A_1574 : i32
    %sign3A_1576 = arith.extui %sign3A_1575 : i1 to i32
    %sign3A_1577 = arith.constant 0 : i32
    %sign3A_1578 = arith.cmpi slt, %add3A_1571, %sign3A_1577 : i32
    %sign3A_1579 = arith.extui %sign3A_1578 : i1 to i32
    %sign3A_1580 = arith.subi %sign3A_1576, %sign3A_1579 : i32
    %sign3A_1581 = arith.constant 0 : i32
    %sign3A_1582 = arith.cmpi sgt, %jit3A_1572, %sign3A_1581 : i32
    %sign3A_1583 = arith.extui %sign3A_1582 : i1 to i32
    %sign3A_1584 = arith.constant 0 : i32
    %sign3A_1585 = arith.cmpi slt, %jit3A_1572, %sign3A_1584 : i32
    %sign3A_1586 = arith.extui %sign3A_1585 : i1 to i32
    %sign3A_1587 = arith.subi %sign3A_1583, %sign3A_1586 : i32
    %ne3A_1588 = arith.cmpi ne, %sign3A_1580, %sign3A_1587 : i32
    %rem3A_1589 = arith.remsi %add3A_1571, %jit3A_1572 : i32
    %ne3A_1590 = arith.constant 0 : i32
    %ne3A_1591 = arith.cmpi ne, %rem3A_1589, %ne3A_1590 : i32
    %and3A_1592 = arith.andi %ne3A_1588, %ne3A_1591 : i1
    %sub3A_1593 = arith.constant 1 : i32
    %sub3A_1594 = arith.subi %div3A_1573, %sub3A_1593 : i32
    %select_n3A_1595 = arith.select %and3A_1592, %sub3A_1594, %div3A_1573 : i32
    %mul3A_1596 = arith.constant 26 : i32
    %mul3A_1597 = arith.muli %select_n3A_1595, %mul3A_1596 : i32
    %sub3A_1598 = arith.subi %add3A_1571, %mul3A_1597 : i32
    %mul3A_1599 = arith.constant 88000 : i32
    %mul3A_1600 = arith.muli %select_n3A_1595, %mul3A_1599 : i32
    %mul3A_1601 = arith.constant 16 : i32
    %mul3A_1602 = arith.muli %mul3A_1601, %sub3A_1598 : i32
    %add3A_1603 = arith.constant 24 : i32
    %add3A_1604 = arith.addi %add3A_1603, %mul3A_1602 : i32
    %mul3A_1605 = arith.constant 200 : i32
    %mul3A_1606 = arith.muli %add3A_1604, %mul3A_1605 : i32
    %add3A_1607 = arith.addi %mul3A_1600, %mul3A_1606 : i32
    %dma_wait3A_1608 = arith.constant 0 : i32
    %dma_wait3A_1609 = tpu.memref_slice %arg10[%dma_wait3A_1608] : memref<16000xf32, #tpu.memory_space<vmem>> -> memref<3200xf32, #tpu.memory_space<vmem>>
    %dma_wait3A_1610 = tpu.memref_slice %arg6[%add3A_1607] : memref<90112000xf32, #tpu.memory_space<hbm>> -> memref<3200xf32, #tpu.memory_space<hbm>>
    %dma_wait3A_1611 = tpu.memref_slice %arg6[%add3A_1607] : memref<90112000xf32, #tpu.memory_space<hbm>> -> memref<3200xf32, #tpu.memory_space<hbm>>
    %dma_wait3A_1612 = arith.constant 0 : i32
    %dma_wait3A_1613 = tpu.memref_slice %arg10[%dma_wait3A_1612] : memref<16000xf32, #tpu.memory_space<vmem>> -> memref<3200xf32, #tpu.memory_space<vmem>>
    tpu.wait_dma2 semaphore(%arg19 : memref<!tpu.dma_semaphore, #tpu.memory_space<semaphore_mem>>) src(%dma_wait3A_1613 : memref<3200xf32, #tpu.memory_space<vmem>>) dst(%dma_wait3A_1611 : memref<3200xf32, #tpu.memory_space<hbm>>)
    %add3A_1614 = arith.constant 832 : i32
    %add3A_1615 = arith.addi %mul3A_2, %add3A_1614 : i32
    %sub3A_1616 = arith.constant 2 : i32
    %sub3A_1617 = arith.subi %add3A_1615, %sub3A_1616 : i32
    %add3A_1618 = arith.constant 1 : i32
    %add3A_1619 = arith.addi %sub3A_1617, %add3A_1618 : i32
    %jit3A_1620 = arith.constant 26 : i32
    %div3A_1621 = arith.divsi %add3A_1619, %jit3A_1620 : i32
    %sign3A_1622 = arith.constant 0 : i32
    %sign3A_1623 = arith.cmpi sgt, %add3A_1619, %sign3A_1622 : i32
    %sign3A_1624 = arith.extui %sign3A_1623 : i1 to i32
    %sign3A_1625 = arith.constant 0 : i32
    %sign3A_1626 = arith.cmpi slt, %add3A_1619, %sign3A_1625 : i32
    %sign3A_1627 = arith.extui %sign3A_1626 : i1 to i32
    %sign3A_1628 = arith.subi %sign3A_1624, %sign3A_1627 : i32
    %sign3A_1629 = arith.constant 0 : i32
    %sign3A_1630 = arith.cmpi sgt, %jit3A_1620, %sign3A_1629 : i32
    %sign3A_1631 = arith.extui %sign3A_1630 : i1 to i32
    %sign3A_1632 = arith.constant 0 : i32
    %sign3A_1633 = arith.cmpi slt, %jit3A_1620, %sign3A_1632 : i32
    %sign3A_1634 = arith.extui %sign3A_1633 : i1 to i32
    %sign3A_1635 = arith.subi %sign3A_1631, %sign3A_1634 : i32
    %ne3A_1636 = arith.cmpi ne, %sign3A_1628, %sign3A_1635 : i32
    %rem3A_1637 = arith.remsi %add3A_1619, %jit3A_1620 : i32
    %ne3A_1638 = arith.constant 0 : i32
    %ne3A_1639 = arith.cmpi ne, %rem3A_1637, %ne3A_1638 : i32
    %and3A_1640 = arith.andi %ne3A_1636, %ne3A_1639 : i1
    %sub3A_1641 = arith.constant 1 : i32
    %sub3A_1642 = arith.subi %div3A_1621, %sub3A_1641 : i32
    %select_n3A_1643 = arith.select %and3A_1640, %sub3A_1642, %div3A_1621 : i32
    %mul3A_1644 = arith.constant 26 : i32
    %mul3A_1645 = arith.muli %select_n3A_1643, %mul3A_1644 : i32
    %sub3A_1646 = arith.subi %add3A_1619, %mul3A_1645 : i32
    %mul3A_1647 = arith.constant 88000 : i32
    %mul3A_1648 = arith.muli %select_n3A_1643, %mul3A_1647 : i32
    %mul3A_1649 = arith.constant 16 : i32
    %mul3A_1650 = arith.muli %mul3A_1649, %sub3A_1646 : i32
    %add3A_1651 = arith.constant 24 : i32
    %add3A_1652 = arith.addi %add3A_1651, %mul3A_1650 : i32
    %mul3A_1653 = arith.constant 200 : i32
    %mul3A_1654 = arith.muli %add3A_1652, %mul3A_1653 : i32
    %add3A_1655 = arith.addi %mul3A_1648, %mul3A_1654 : i32
    %dma_wait3A_1656 = arith.constant 8000 : i32
    %dma_wait3A_1657 = tpu.memref_slice %arg10[%dma_wait3A_1656] : memref<16000xf32, #tpu.memory_space<vmem>> -> memref<3200xf32, #tpu.memory_space<vmem>>
    %dma_wait3A_1658 = tpu.memref_slice %arg6[%add3A_1655] : memref<90112000xf32, #tpu.memory_space<hbm>> -> memref<3200xf32, #tpu.memory_space<hbm>>
    %dma_wait3A_1659 = tpu.memref_slice %arg6[%add3A_1655] : memref<90112000xf32, #tpu.memory_space<hbm>> -> memref<3200xf32, #tpu.memory_space<hbm>>
    %dma_wait3A_1660 = arith.constant 8000 : i32
    %dma_wait3A_1661 = tpu.memref_slice %arg10[%dma_wait3A_1660] : memref<16000xf32, #tpu.memory_space<vmem>> -> memref<3200xf32, #tpu.memory_space<vmem>>
    tpu.wait_dma2 semaphore(%arg20 : memref<!tpu.dma_semaphore, #tpu.memory_space<semaphore_mem>>) src(%dma_wait3A_1661 : memref<3200xf32, #tpu.memory_space<vmem>>) dst(%dma_wait3A_1659 : memref<3200xf32, #tpu.memory_space<hbm>>)
    %dma_wait3A_1662 = arith.constant 0 : i32
    %dma_wait3A_1663 = arith.constant 0 : i32
    %dma_wait3A_1664 = arith.constant 0 : i32
    %dma_wait3A_1665 = tpu.memref_slice %arg9[%dma_wait3A_1663, %dma_wait3A_1664] : memref<1664x16xf32, #tpu.memory_space<vmem>> -> memref<104x16xf32, #tpu.memory_space<vmem>>
    %dma_wait3A_1666 = arith.constant 0 : i32
    %dma_wait3A_1667 = tpu.memref_slice %arg8[%dma_wait3A_1662, %dma_wait3A_1666] : memref<16x104xi32, #tpu.memory_space<vmem>> -> memref<1x104xi32, #tpu.memory_space<vmem>>
    %dma_wait3A_1668 = tpu.memref_squeeze %dma_wait3A_1667 : memref<1x104xi32, #tpu.memory_space<vmem>> -> memref<104xi32, #tpu.memory_space<vmem>>
    %dma_wait3A_1669 = arith.constant 0 : i32
    %dma_wait3A_1670 = arith.constant 0 : i32
    %dma_wait3A_1671 = tpu.memref_slice %arg5[%dma_wait3A_1669, %dma_wait3A_1670] : memref<2600000x16xf32, #tpu.memory_space<hbm>> -> memref<2600000x16xf32, #tpu.memory_space<hbm>>
    tpu.wait_indirect_dma semaphore(%arg11 : memref<!tpu.dma_semaphore, #tpu.memory_space<semaphore_mem>>) src(%dma_wait3A_1671 : memref<2600000x16xf32, #tpu.memory_space<hbm>>) dst(%dma_wait3A_1665 : memref<104x16xf32, #tpu.memory_space<vmem>>)
    %dma_wait3A_1672 = arith.constant 1 : i32
    %dma_wait3A_1673 = arith.constant 104 : i32
    %dma_wait3A_1674 = arith.constant 0 : i32
    %dma_wait3A_1675 = tpu.memref_slice %arg9[%dma_wait3A_1673, %dma_wait3A_1674] : memref<1664x16xf32, #tpu.memory_space<vmem>> -> memref<104x16xf32, #tpu.memory_space<vmem>>
    %dma_wait3A_1676 = arith.constant 0 : i32
    %dma_wait3A_1677 = tpu.memref_slice %arg8[%dma_wait3A_1672, %dma_wait3A_1676] : memref<16x104xi32, #tpu.memory_space<vmem>> -> memref<1x104xi32, #tpu.memory_space<vmem>>
    %dma_wait3A_1678 = tpu.memref_squeeze %dma_wait3A_1677 : memref<1x104xi32, #tpu.memory_space<vmem>> -> memref<104xi32, #tpu.memory_space<vmem>>
    %dma_wait3A_1679 = arith.constant 0 : i32
    %dma_wait3A_1680 = arith.constant 0 : i32
    %dma_wait3A_1681 = tpu.memref_slice %arg5[%dma_wait3A_1679, %dma_wait3A_1680] : memref<2600000x16xf32, #tpu.memory_space<hbm>> -> memref<2600000x16xf32, #tpu.memory_space<hbm>>
    tpu.wait_indirect_dma semaphore(%arg11 : memref<!tpu.dma_semaphore, #tpu.memory_space<semaphore_mem>>) src(%dma_wait3A_1681 : memref<2600000x16xf32, #tpu.memory_space<hbm>>) dst(%dma_wait3A_1675 : memref<104x16xf32, #tpu.memory_space<vmem>>)
    %dma_wait3A_1682 = arith.constant 2 : i32
    %dma_wait3A_1683 = arith.constant 208 : i32
    %dma_wait3A_1684 = arith.constant 0 : i32
    %dma_wait3A_1685 = tpu.memref_slice %arg9[%dma_wait3A_1683, %dma_wait3A_1684] : memref<1664x16xf32, #tpu.memory_space<vmem>> -> memref<104x16xf32, #tpu.memory_space<vmem>>
    %dma_wait3A_1686 = arith.constant 0 : i32
    %dma_wait3A_1687 = tpu.memref_slice %arg8[%dma_wait3A_1682, %dma_wait3A_1686] : memref<16x104xi32, #tpu.memory_space<vmem>> -> memref<1x104xi32, #tpu.memory_space<vmem>>
    %dma_wait3A_1688 = tpu.memref_squeeze %dma_wait3A_1687 : memref<1x104xi32, #tpu.memory_space<vmem>> -> memref<104xi32, #tpu.memory_space<vmem>>
    %dma_wait3A_1689 = arith.constant 0 : i32
    %dma_wait3A_1690 = arith.constant 0 : i32
    %dma_wait3A_1691 = tpu.memref_slice %arg5[%dma_wait3A_1689, %dma_wait3A_1690] : memref<2600000x16xf32, #tpu.memory_space<hbm>> -> memref<2600000x16xf32, #tpu.memory_space<hbm>>
    tpu.wait_indirect_dma semaphore(%arg12 : memref<!tpu.dma_semaphore, #tpu.memory_space<semaphore_mem>>) src(%dma_wait3A_1691 : memref<2600000x16xf32, #tpu.memory_space<hbm>>) dst(%dma_wait3A_1685 : memref<104x16xf32, #tpu.memory_space<vmem>>)
    %dma_wait3A_1692 = arith.constant 3 : i32
    %dma_wait3A_1693 = arith.constant 312 : i32
    %dma_wait3A_1694 = arith.constant 0 : i32
    %dma_wait3A_1695 = tpu.memref_slice %arg9[%dma_wait3A_1693, %dma_wait3A_1694] : memref<1664x16xf32, #tpu.memory_space<vmem>> -> memref<104x16xf32, #tpu.memory_space<vmem>>
    %dma_wait3A_1696 = arith.constant 0 : i32
    %dma_wait3A_1697 = tpu.memref_slice %arg8[%dma_wait3A_1692, %dma_wait3A_1696] : memref<16x104xi32, #tpu.memory_space<vmem>> -> memref<1x104xi32, #tpu.memory_space<vmem>>
    %dma_wait3A_1698 = tpu.memref_squeeze %dma_wait3A_1697 : memref<1x104xi32, #tpu.memory_space<vmem>> -> memref<104xi32, #tpu.memory_space<vmem>>
    %dma_wait3A_1699 = arith.constant 0 : i32
    %dma_wait3A_1700 = arith.constant 0 : i32
    %dma_wait3A_1701 = tpu.memref_slice %arg5[%dma_wait3A_1699, %dma_wait3A_1700] : memref<2600000x16xf32, #tpu.memory_space<hbm>> -> memref<2600000x16xf32, #tpu.memory_space<hbm>>
    tpu.wait_indirect_dma semaphore(%arg12 : memref<!tpu.dma_semaphore, #tpu.memory_space<semaphore_mem>>) src(%dma_wait3A_1701 : memref<2600000x16xf32, #tpu.memory_space<hbm>>) dst(%dma_wait3A_1695 : memref<104x16xf32, #tpu.memory_space<vmem>>)
    %dma_wait3A_1702 = arith.constant 4 : i32
    %dma_wait3A_1703 = arith.constant 416 : i32
    %dma_wait3A_1704 = arith.constant 0 : i32
    %dma_wait3A_1705 = tpu.memref_slice %arg9[%dma_wait3A_1703, %dma_wait3A_1704] : memref<1664x16xf32, #tpu.memory_space<vmem>> -> memref<104x16xf32, #tpu.memory_space<vmem>>
    %dma_wait3A_1706 = arith.constant 0 : i32
    %dma_wait3A_1707 = tpu.memref_slice %arg8[%dma_wait3A_1702, %dma_wait3A_1706] : memref<16x104xi32, #tpu.memory_space<vmem>> -> memref<1x104xi32, #tpu.memory_space<vmem>>
    %dma_wait3A_1708 = tpu.memref_squeeze %dma_wait3A_1707 : memref<1x104xi32, #tpu.memory_space<vmem>> -> memref<104xi32, #tpu.memory_space<vmem>>
    %dma_wait3A_1709 = arith.constant 0 : i32
    %dma_wait3A_1710 = arith.constant 0 : i32
    %dma_wait3A_1711 = tpu.memref_slice %arg5[%dma_wait3A_1709, %dma_wait3A_1710] : memref<2600000x16xf32, #tpu.memory_space<hbm>> -> memref<2600000x16xf32, #tpu.memory_space<hbm>>
    tpu.wait_indirect_dma semaphore(%arg13 : memref<!tpu.dma_semaphore, #tpu.memory_space<semaphore_mem>>) src(%dma_wait3A_1711 : memref<2600000x16xf32, #tpu.memory_space<hbm>>) dst(%dma_wait3A_1705 : memref<104x16xf32, #tpu.memory_space<vmem>>)
    %dma_wait3A_1712 = arith.constant 5 : i32
    %dma_wait3A_1713 = arith.constant 520 : i32
    %dma_wait3A_1714 = arith.constant 0 : i32
    %dma_wait3A_1715 = tpu.memref_slice %arg9[%dma_wait3A_1713, %dma_wait3A_1714] : memref<1664x16xf32, #tpu.memory_space<vmem>> -> memref<104x16xf32, #tpu.memory_space<vmem>>
    %dma_wait3A_1716 = arith.constant 0 : i32
    %dma_wait3A_1717 = tpu.memref_slice %arg8[%dma_wait3A_1712, %dma_wait3A_1716] : memref<16x104xi32, #tpu.memory_space<vmem>> -> memref<1x104xi32, #tpu.memory_space<vmem>>
    %dma_wait3A_1718 = tpu.memref_squeeze %dma_wait3A_1717 : memref<1x104xi32, #tpu.memory_space<vmem>> -> memref<104xi32, #tpu.memory_space<vmem>>
    %dma_wait3A_1719 = arith.constant 0 : i32
    %dma_wait3A_1720 = arith.constant 0 : i32
    %dma_wait3A_1721 = tpu.memref_slice %arg5[%dma_wait3A_1719, %dma_wait3A_1720] : memref<2600000x16xf32, #tpu.memory_space<hbm>> -> memref<2600000x16xf32, #tpu.memory_space<hbm>>
    tpu.wait_indirect_dma semaphore(%arg13 : memref<!tpu.dma_semaphore, #tpu.memory_space<semaphore_mem>>) src(%dma_wait3A_1721 : memref<2600000x16xf32, #tpu.memory_space<hbm>>) dst(%dma_wait3A_1715 : memref<104x16xf32, #tpu.memory_space<vmem>>)
    %dma_wait3A_1722 = arith.constant 6 : i32
    %dma_wait3A_1723 = arith.constant 624 : i32
    %dma_wait3A_1724 = arith.constant 0 : i32
    %dma_wait3A_1725 = tpu.memref_slice %arg9[%dma_wait3A_1723, %dma_wait3A_1724] : memref<1664x16xf32, #tpu.memory_space<vmem>> -> memref<104x16xf32, #tpu.memory_space<vmem>>
    %dma_wait3A_1726 = arith.constant 0 : i32
    %dma_wait3A_1727 = tpu.memref_slice %arg8[%dma_wait3A_1722, %dma_wait3A_1726] : memref<16x104xi32, #tpu.memory_space<vmem>> -> memref<1x104xi32, #tpu.memory_space<vmem>>
    %dma_wait3A_1728 = tpu.memref_squeeze %dma_wait3A_1727 : memref<1x104xi32, #tpu.memory_space<vmem>> -> memref<104xi32, #tpu.memory_space<vmem>>
    %dma_wait3A_1729 = arith.constant 0 : i32
    %dma_wait3A_1730 = arith.constant 0 : i32
    %dma_wait3A_1731 = tpu.memref_slice %arg5[%dma_wait3A_1729, %dma_wait3A_1730] : memref<2600000x16xf32, #tpu.memory_space<hbm>> -> memref<2600000x16xf32, #tpu.memory_space<hbm>>
    tpu.wait_indirect_dma semaphore(%arg14 : memref<!tpu.dma_semaphore, #tpu.memory_space<semaphore_mem>>) src(%dma_wait3A_1731 : memref<2600000x16xf32, #tpu.memory_space<hbm>>) dst(%dma_wait3A_1725 : memref<104x16xf32, #tpu.memory_space<vmem>>)
    %dma_wait3A_1732 = arith.constant 7 : i32
    %dma_wait3A_1733 = arith.constant 728 : i32
    %dma_wait3A_1734 = arith.constant 0 : i32
    %dma_wait3A_1735 = tpu.memref_slice %arg9[%dma_wait3A_1733, %dma_wait3A_1734] : memref<1664x16xf32, #tpu.memory_space<vmem>> -> memref<104x16xf32, #tpu.memory_space<vmem>>
    %dma_wait3A_1736 = arith.constant 0 : i32
    %dma_wait3A_1737 = tpu.memref_slice %arg8[%dma_wait3A_1732, %dma_wait3A_1736] : memref<16x104xi32, #tpu.memory_space<vmem>> -> memref<1x104xi32, #tpu.memory_space<vmem>>
    %dma_wait3A_1738 = tpu.memref_squeeze %dma_wait3A_1737 : memref<1x104xi32, #tpu.memory_space<vmem>> -> memref<104xi32, #tpu.memory_space<vmem>>
    %dma_wait3A_1739 = arith.constant 0 : i32
    %dma_wait3A_1740 = arith.constant 0 : i32
    %dma_wait3A_1741 = tpu.memref_slice %arg5[%dma_wait3A_1739, %dma_wait3A_1740] : memref<2600000x16xf32, #tpu.memory_space<hbm>> -> memref<2600000x16xf32, #tpu.memory_space<hbm>>
    tpu.wait_indirect_dma semaphore(%arg14 : memref<!tpu.dma_semaphore, #tpu.memory_space<semaphore_mem>>) src(%dma_wait3A_1741 : memref<2600000x16xf32, #tpu.memory_space<hbm>>) dst(%dma_wait3A_1735 : memref<104x16xf32, #tpu.memory_space<vmem>>)
    %dma_wait3A_1742 = arith.constant 8 : i32
    %dma_wait3A_1743 = arith.constant 832 : i32
    %dma_wait3A_1744 = arith.constant 0 : i32
    %dma_wait3A_1745 = tpu.memref_slice %arg9[%dma_wait3A_1743, %dma_wait3A_1744] : memref<1664x16xf32, #tpu.memory_space<vmem>> -> memref<104x16xf32, #tpu.memory_space<vmem>>
    %dma_wait3A_1746 = arith.constant 0 : i32
    %dma_wait3A_1747 = tpu.memref_slice %arg8[%dma_wait3A_1742, %dma_wait3A_1746] : memref<16x104xi32, #tpu.memory_space<vmem>> -> memref<1x104xi32, #tpu.memory_space<vmem>>
    %dma_wait3A_1748 = tpu.memref_squeeze %dma_wait3A_1747 : memref<1x104xi32, #tpu.memory_space<vmem>> -> memref<104xi32, #tpu.memory_space<vmem>>
    %dma_wait3A_1749 = arith.constant 0 : i32
    %dma_wait3A_1750 = arith.constant 0 : i32
    %dma_wait3A_1751 = tpu.memref_slice %arg5[%dma_wait3A_1749, %dma_wait3A_1750] : memref<2600000x16xf32, #tpu.memory_space<hbm>> -> memref<2600000x16xf32, #tpu.memory_space<hbm>>
    tpu.wait_indirect_dma semaphore(%arg15 : memref<!tpu.dma_semaphore, #tpu.memory_space<semaphore_mem>>) src(%dma_wait3A_1751 : memref<2600000x16xf32, #tpu.memory_space<hbm>>) dst(%dma_wait3A_1745 : memref<104x16xf32, #tpu.memory_space<vmem>>)
    %dma_wait3A_1752 = arith.constant 9 : i32
    %dma_wait3A_1753 = arith.constant 936 : i32
    %dma_wait3A_1754 = arith.constant 0 : i32
    %dma_wait3A_1755 = tpu.memref_slice %arg9[%dma_wait3A_1753, %dma_wait3A_1754] : memref<1664x16xf32, #tpu.memory_space<vmem>> -> memref<104x16xf32, #tpu.memory_space<vmem>>
    %dma_wait3A_1756 = arith.constant 0 : i32
    %dma_wait3A_1757 = tpu.memref_slice %arg8[%dma_wait3A_1752, %dma_wait3A_1756] : memref<16x104xi32, #tpu.memory_space<vmem>> -> memref<1x104xi32, #tpu.memory_space<vmem>>
    %dma_wait3A_1758 = tpu.memref_squeeze %dma_wait3A_1757 : memref<1x104xi32, #tpu.memory_space<vmem>> -> memref<104xi32, #tpu.memory_space<vmem>>
    %dma_wait3A_1759 = arith.constant 0 : i32
    %dma_wait3A_1760 = arith.constant 0 : i32
    %dma_wait3A_1761 = tpu.memref_slice %arg5[%dma_wait3A_1759, %dma_wait3A_1760] : memref<2600000x16xf32, #tpu.memory_space<hbm>> -> memref<2600000x16xf32, #tpu.memory_space<hbm>>
    tpu.wait_indirect_dma semaphore(%arg15 : memref<!tpu.dma_semaphore, #tpu.memory_space<semaphore_mem>>) src(%dma_wait3A_1761 : memref<2600000x16xf32, #tpu.memory_space<hbm>>) dst(%dma_wait3A_1755 : memref<104x16xf32, #tpu.memory_space<vmem>>)
    %dma_wait3A_1762 = arith.constant 10 : i32
    %dma_wait3A_1763 = arith.constant 1040 : i32
    %dma_wait3A_1764 = arith.constant 0 : i32
    %dma_wait3A_1765 = tpu.memref_slice %arg9[%dma_wait3A_1763, %dma_wait3A_1764] : memref<1664x16xf32, #tpu.memory_space<vmem>> -> memref<104x16xf32, #tpu.memory_space<vmem>>
    %dma_wait3A_1766 = arith.constant 0 : i32
    %dma_wait3A_1767 = tpu.memref_slice %arg8[%dma_wait3A_1762, %dma_wait3A_1766] : memref<16x104xi32, #tpu.memory_space<vmem>> -> memref<1x104xi32, #tpu.memory_space<vmem>>
    %dma_wait3A_1768 = tpu.memref_squeeze %dma_wait3A_1767 : memref<1x104xi32, #tpu.memory_space<vmem>> -> memref<104xi32, #tpu.memory_space<vmem>>
    %dma_wait3A_1769 = arith.constant 0 : i32
    %dma_wait3A_1770 = arith.constant 0 : i32
    %dma_wait3A_1771 = tpu.memref_slice %arg5[%dma_wait3A_1769, %dma_wait3A_1770] : memref<2600000x16xf32, #tpu.memory_space<hbm>> -> memref<2600000x16xf32, #tpu.memory_space<hbm>>
    tpu.wait_indirect_dma semaphore(%arg16 : memref<!tpu.dma_semaphore, #tpu.memory_space<semaphore_mem>>) src(%dma_wait3A_1771 : memref<2600000x16xf32, #tpu.memory_space<hbm>>) dst(%dma_wait3A_1765 : memref<104x16xf32, #tpu.memory_space<vmem>>)
    %dma_wait3A_1772 = arith.constant 11 : i32
    %dma_wait3A_1773 = arith.constant 1144 : i32
    %dma_wait3A_1774 = arith.constant 0 : i32
    %dma_wait3A_1775 = tpu.memref_slice %arg9[%dma_wait3A_1773, %dma_wait3A_1774] : memref<1664x16xf32, #tpu.memory_space<vmem>> -> memref<104x16xf32, #tpu.memory_space<vmem>>
    %dma_wait3A_1776 = arith.constant 0 : i32
    %dma_wait3A_1777 = tpu.memref_slice %arg8[%dma_wait3A_1772, %dma_wait3A_1776] : memref<16x104xi32, #tpu.memory_space<vmem>> -> memref<1x104xi32, #tpu.memory_space<vmem>>
    %dma_wait3A_1778 = tpu.memref_squeeze %dma_wait3A_1777 : memref<1x104xi32, #tpu.memory_space<vmem>> -> memref<104xi32, #tpu.memory_space<vmem>>
    %dma_wait3A_1779 = arith.constant 0 : i32
    %dma_wait3A_1780 = arith.constant 0 : i32
    %dma_wait3A_1781 = tpu.memref_slice %arg5[%dma_wait3A_1779, %dma_wait3A_1780] : memref<2600000x16xf32, #tpu.memory_space<hbm>> -> memref<2600000x16xf32, #tpu.memory_space<hbm>>
    tpu.wait_indirect_dma semaphore(%arg16 : memref<!tpu.dma_semaphore, #tpu.memory_space<semaphore_mem>>) src(%dma_wait3A_1781 : memref<2600000x16xf32, #tpu.memory_space<hbm>>) dst(%dma_wait3A_1775 : memref<104x16xf32, #tpu.memory_space<vmem>>)
    %dma_wait3A_1782 = arith.constant 12 : i32
    %dma_wait3A_1783 = arith.constant 1248 : i32
    %dma_wait3A_1784 = arith.constant 0 : i32
    %dma_wait3A_1785 = tpu.memref_slice %arg9[%dma_wait3A_1783, %dma_wait3A_1784] : memref<1664x16xf32, #tpu.memory_space<vmem>> -> memref<104x16xf32, #tpu.memory_space<vmem>>
    %dma_wait3A_1786 = arith.constant 0 : i32
    %dma_wait3A_1787 = tpu.memref_slice %arg8[%dma_wait3A_1782, %dma_wait3A_1786] : memref<16x104xi32, #tpu.memory_space<vmem>> -> memref<1x104xi32, #tpu.memory_space<vmem>>
    %dma_wait3A_1788 = tpu.memref_squeeze %dma_wait3A_1787 : memref<1x104xi32, #tpu.memory_space<vmem>> -> memref<104xi32, #tpu.memory_space<vmem>>
    %dma_wait3A_1789 = arith.constant 0 : i32
    %dma_wait3A_1790 = arith.constant 0 : i32
    %dma_wait3A_1791 = tpu.memref_slice %arg5[%dma_wait3A_1789, %dma_wait3A_1790] : memref<2600000x16xf32, #tpu.memory_space<hbm>> -> memref<2600000x16xf32, #tpu.memory_space<hbm>>
    tpu.wait_indirect_dma semaphore(%arg17 : memref<!tpu.dma_semaphore, #tpu.memory_space<semaphore_mem>>) src(%dma_wait3A_1791 : memref<2600000x16xf32, #tpu.memory_space<hbm>>) dst(%dma_wait3A_1785 : memref<104x16xf32, #tpu.memory_space<vmem>>)
    %dma_wait3A_1792 = arith.constant 13 : i32
    %dma_wait3A_1793 = arith.constant 1352 : i32
    %dma_wait3A_1794 = arith.constant 0 : i32
    %dma_wait3A_1795 = tpu.memref_slice %arg9[%dma_wait3A_1793, %dma_wait3A_1794] : memref<1664x16xf32, #tpu.memory_space<vmem>> -> memref<104x16xf32, #tpu.memory_space<vmem>>
    %dma_wait3A_1796 = arith.constant 0 : i32
    %dma_wait3A_1797 = tpu.memref_slice %arg8[%dma_wait3A_1792, %dma_wait3A_1796] : memref<16x104xi32, #tpu.memory_space<vmem>> -> memref<1x104xi32, #tpu.memory_space<vmem>>
    %dma_wait3A_1798 = tpu.memref_squeeze %dma_wait3A_1797 : memref<1x104xi32, #tpu.memory_space<vmem>> -> memref<104xi32, #tpu.memory_space<vmem>>
    %dma_wait3A_1799 = arith.constant 0 : i32
    %dma_wait3A_1800 = arith.constant 0 : i32
    %dma_wait3A_1801 = tpu.memref_slice %arg5[%dma_wait3A_1799, %dma_wait3A_1800] : memref<2600000x16xf32, #tpu.memory_space<hbm>> -> memref<2600000x16xf32, #tpu.memory_space<hbm>>
    tpu.wait_indirect_dma semaphore(%arg17 : memref<!tpu.dma_semaphore, #tpu.memory_space<semaphore_mem>>) src(%dma_wait3A_1801 : memref<2600000x16xf32, #tpu.memory_space<hbm>>) dst(%dma_wait3A_1795 : memref<104x16xf32, #tpu.memory_space<vmem>>)
    %dma_wait3A_1802 = arith.constant 14 : i32
    %dma_wait3A_1803 = arith.constant 1456 : i32
    %dma_wait3A_1804 = arith.constant 0 : i32
    %dma_wait3A_1805 = tpu.memref_slice %arg9[%dma_wait3A_1803, %dma_wait3A_1804] : memref<1664x16xf32, #tpu.memory_space<vmem>> -> memref<104x16xf32, #tpu.memory_space<vmem>>
    %dma_wait3A_1806 = arith.constant 0 : i32
    %dma_wait3A_1807 = tpu.memref_slice %arg8[%dma_wait3A_1802, %dma_wait3A_1806] : memref<16x104xi32, #tpu.memory_space<vmem>> -> memref<1x104xi32, #tpu.memory_space<vmem>>
    %dma_wait3A_1808 = tpu.memref_squeeze %dma_wait3A_1807 : memref<1x104xi32, #tpu.memory_space<vmem>> -> memref<104xi32, #tpu.memory_space<vmem>>
    %dma_wait3A_1809 = arith.constant 0 : i32
    %dma_wait3A_1810 = arith.constant 0 : i32
    %dma_wait3A_1811 = tpu.memref_slice %arg5[%dma_wait3A_1809, %dma_wait3A_1810] : memref<2600000x16xf32, #tpu.memory_space<hbm>> -> memref<2600000x16xf32, #tpu.memory_space<hbm>>
    tpu.wait_indirect_dma semaphore(%arg18 : memref<!tpu.dma_semaphore, #tpu.memory_space<semaphore_mem>>) src(%dma_wait3A_1811 : memref<2600000x16xf32, #tpu.memory_space<hbm>>) dst(%dma_wait3A_1805 : memref<104x16xf32, #tpu.memory_space<vmem>>)
    %dma_wait3A_1812 = arith.constant 15 : i32
    %dma_wait3A_1813 = arith.constant 1560 : i32
    %dma_wait3A_1814 = arith.constant 0 : i32
    %dma_wait3A_1815 = tpu.memref_slice %arg9[%dma_wait3A_1813, %dma_wait3A_1814] : memref<1664x16xf32, #tpu.memory_space<vmem>> -> memref<104x16xf32, #tpu.memory_space<vmem>>
    %dma_wait3A_1816 = arith.constant 0 : i32
    %dma_wait3A_1817 = tpu.memref_slice %arg8[%dma_wait3A_1812, %dma_wait3A_1816] : memref<16x104xi32, #tpu.memory_space<vmem>> -> memref<1x104xi32, #tpu.memory_space<vmem>>
    %dma_wait3A_1818 = tpu.memref_squeeze %dma_wait3A_1817 : memref<1x104xi32, #tpu.memory_space<vmem>> -> memref<104xi32, #tpu.memory_space<vmem>>
    %dma_wait3A_1819 = arith.constant 0 : i32
    %dma_wait3A_1820 = arith.constant 0 : i32
    %dma_wait3A_1821 = tpu.memref_slice %arg5[%dma_wait3A_1819, %dma_wait3A_1820] : memref<2600000x16xf32, #tpu.memory_space<hbm>> -> memref<2600000x16xf32, #tpu.memory_space<hbm>>
    tpu.wait_indirect_dma semaphore(%arg18 : memref<!tpu.dma_semaphore, #tpu.memory_space<semaphore_mem>>) src(%dma_wait3A_1821 : memref<2600000x16xf32, #tpu.memory_space<hbm>>) dst(%dma_wait3A_1815 : memref<104x16xf32, #tpu.memory_space<vmem>>)
    return
  }
}

</mosaic_0001>

<sc_bundles>
// kernel: _run.3.cloned.1.call-start
scs
__scs_entry_jumppad:
0x0: {  	(pc) =	sbr.rel $0x88, $3  }
0x1: {  	(tag) =	ssettag $0x0;
	lr =	simm.s32 $0x1  }
0x2: {  	[smem:$0x3F9D] =	sst lr;
	_ =	strace $0xD0000000  }
0x3: {  	_ = 	snop  }
0x4: {  	_ = 	snop  }
0x5: {  	_ = 	snop  }
0x6: {  	_ = 	snop  }
0x7: {  	_ = 	snop  }
__scs_overlays_trampoline_lowered:
0x8: {  	[smem:$0x3FAC] =	sst s0  }
0x9: {  	[smem:$0x3FAD] =	sst s1  }
0xa: {  	[smem:$0x3FAE] =	sst s2  }
0xb: {  	[smem:$0x3FAF] =	sst s3  }
0xc: {  	[smem:$0x3FB0] =	sst s4  }
0xd: {  	[smem:$0x3FB1] =	sst s5  }
0xe: {  	[smem:$0x3FB2] =	sst s6  }
0xf: {  	[smem:$0x3FB3] =	sst s7  }
0x10: {  	[smem:$0x3FB4] =	sst s8  }
0x11: {  	[smem:$0x3FB5] =	sst s9;
	s0 =	simm.s32 @!p0 $0x0  }
0x12: {  	s1 =	sld [smem:$0x3F9B];
	s0 =	simm.s32 @p0 $0x1  }
0x13: {  	[smem:$0x3FB6] =	sst s0;
	s0 =	simm.s32 @!p1 $0x0  }
0x14: {  	s2 =	sld [smem:$0x3F9A];
	s0 =	simm.s32 @p1 $0x1  }
0x15: {  	[smem:$0x3FB7] =	sst s0;
	s0 =	simm.s32 @!p2 $0x0  }
0x16: {  	s3 =	sld [smem:$0x3FDB];
	s0 =	simm.s32 @p2 $0x1  }
0x17: {  	s4 =	simm.s32 $0x1BF5;
	[smem:$0x3FB9] =	sst s0  }
0x18: {  	s0 =	sld [smem:$0x3F9C];
	_ =	swait.ge [sflag:s4], $0x0  }
0x19: {  	s7 =	sld [smem:$0x3F9D]  }
0x1a: {  	s8 =	sadd.s32 $0xFFFFE003, lr  }
0x1b: {  	s9 =	sadd.s32 $0xFFFFFEF7, lr;
	s5 =	simm.s32 $0xFFFFFFFF;
	p2 =	slt.u32 s8, $0xFFFFF086  }
0x1c: {  	p1 =	slt.u32 s9, $0xF7A;
	s5 =	simm.s32 @!p2 $0x0  }
0x1d: {  	s5 =	simm.s32 @p1 $0x1;
	p0 =	seq.s32 s7, s2  }
0x1e: {  	s7 =	smul.u32 @!p0 $0xF7A, s2;
	p2 =	seq.s32 @!p0 s5, $0x0  }
0x1f: {  	s9 =	smul.u32 $0xF7A, s1;
	s8 =	simm.s32 @!p0 $0x1BF5;
	p2 =	por !p2, p0  }
0x20: {  	[sflag:s8] =	ssyncset.s32 @!p0 $0xFFFFF086;
	s6 =	sadd.s32 @!p0 s3, s7;
	s7 =	simm.s32 @!p0 $0x108  }
0x21: {  	s3 =	sadd.s32 s3, s9;
	s6 =	sadd.s32 @!p0 $0x88, s6;
	s7 =	simm.s32 @p2 $0x1082  }
0x22: {  	[simem:s7], [sflag:s8] =	dma.local @!p0 [hbm:s6], $0xF7A  }
0x23: {  	s9 =	sor.u32 $0xD0000000, s2;
	s6 =	simm.s32 $0x108;
	_ =	swait.ge @!p0 [sflag:s8], $0x0  }
0x24: {  	s3 =	sadd.s32 $0x88, s3;
	s6 =	simm.s32 @!p1 $0x1082;
	[sflag:s4] =	ssyncset.s32 $0xFFFFF086  }
0x25: {  	[simem:s6], [sflag:s4] =	dma.local [hbm:s3], $0xF7A  }
0x26: {  	[smem:$0x3F9D] =	sst s1;
	(tag) =	ssettag s2;
	_ =	strace s9  }
0x27: {  	s1 =	sld [smem:$0x3FAD]  }
0x28: {  	s2 =	sld [smem:$0x3FAE]  }
0x29: {  	s4 =	sld [smem:$0x3FB0]  }
0x2a: {  	p0 =	seq.s32 s5, $0x0;
	s5 =	sld [smem:$0x3FB1]  }
0x2b: {  	s6 =	sld [smem:$0x3FB2]  }
0x2c: {  	s7 =	sld [smem:$0x3FB3]  }
0x2d: {  	s3 =	simm.s32 $0x108;
	s8 =	sld [smem:$0x3FB4]  }
0x2e: {  	s3 =	simm.s32 @!p0 $0x1082;
	s9 =	sld [smem:$0x3FB5]  }
0x2f: {  	lr =	sadd.s32 s0, s3;
	s0 =	sld [smem:$0x3FAC]  }
0x30: {  	s3 =	sld [smem:$0x3FAF]  }
0x31: {  	[smem:$0x3FB8] =	sst s10  }
0x32: {  	s10 =	sld [smem:$0x3FB6];
	_ =	sdelay $0x3  }
0x33: {  	p0 =	seq.s32 s10, $0x1;
	s10 =	sld [smem:$0x3FB8];
	_ =	sdelay $0x3  }
0x34: {  	[smem:$0x3FB8] =	sst s10  }
0x35: {  	s10 =	sld [smem:$0x3FB7];
	_ =	sdelay $0x3  }
0x36: {  	p1 =	seq.s32 s10, $0x1;
	s10 =	sld [smem:$0x3FB8];
	_ =	sdelay $0x3  }
0x37: {  	[smem:$0x3FB8] =	sst s10  }
0x38: {  	s10 =	sld [smem:$0x3FB9]  }
0x39: {  	_ = 	snop;
	(pc) =	sbr.ind lr, $3  }
0x3a: {  	_ = 	snop  }
0x3b: {  	_ = 	snop  }
0x3c: {  	p2 =	seq.s32 s10, $0x1;
	s10 =	sld [smem:$0x3FB8]  }
0x3d: {  	_ =	shalt  }
0x3e: {  	_ =	shalt  }
0x3f: {  	_ =	shalt  }
0x40: {  	_ =	shalt  }
0x41: {  	_ =	shalt  }
0x42: {  	_ =	shalt  }
0x43: {  	_ =	shalt  }
0x44: {  	_ =	shalt  }
0x45: {  	_ =	shalt  }
0x46: {  	_ =	shalt  }
0x47: {  	_ =	shalt  }
0x48: {  	_ =	shalt  }
0x49: {  	_ =	shalt  }
0x4a: {  	_ =	shalt  }
0x4b: {  	_ =	shalt  }
0x4c: {  	_ =	shalt  }
0x4d: {  	_ =	shalt  }
0x4e: {  	_ =	shalt  }
0x4f: {  	_ =	shalt  }
0x50: {  	_ =	shalt  }
0x51: {  	_ =	shalt  }
0x52: {  	_ =	shalt  }
0x53: {  	_ =	shalt  }
0x54: {  	_ =	shalt  }
0x55: {  	_ =	shalt  }
0x56: {  	_ =	shalt  }
0x57: {  	_ =	shalt  }
0x58: {  	_ =	shalt  }
0x59: {  	_ =	shalt  }
0x5a: {  	_ =	shalt  }
0x5b: {  	_ =	shalt  }
0x5c: {  	_ =	shalt  }
0x5d: {  	_ =	shalt  }
0x5e: {  	_ =	shalt  }
0x5f: {  	_ =	shalt  }
0x60: {  	_ =	shalt  }
0x61: {  	_ =	shalt  }
0x62: {  	_ =	shalt  }
0x63: {  	_ =	shalt  }
0x64: {  	_ =	shalt  }
0x65: {  	_ =	shalt  }
0x66: {  	_ =	shalt  }
0x67: {  	_ =	shalt  }
0x68: {  	_ =	shalt  }
0x69: {  	_ =	shalt  }
0x6a: {  	_ =	shalt  }
0x6b: {  	_ =	shalt  }
0x6c: {  	_ =	shalt  }
0x6d: {  	_ =	shalt  }
0x6e: {  	_ =	shalt  }
0x6f: {  	_ =	shalt  }
0x70: {  	_ =	shalt  }
0x71: {  	_ =	shalt  }
0x72: {  	_ =	shalt  }
0x73: {  	_ =	shalt  }
0x74: {  	_ =	shalt  }
0x75: {  	_ =	shalt  }
0x76: {  	_ =	shalt  }
0x77: {  	_ =	shalt  }
0x78: {  	_ =	shalt  }
0x79: {  	_ =	shalt  }
0x7a: {  	_ =	shalt  }
0x7b: {  	_ =	shalt  }
0x7c: {  	_ =	shalt  }
0x7d: {  	_ =	shalt  }
0x7e: {  	_ =	shalt  }
0x7f: {  	_ =	shalt  }
0x80: {  	_ =	shalt  }
0x81: {  	_ =	shalt  }
0x82: {  	_ =	shalt  }
0x83: {  	_ =	shalt  }
0x84: {  	_ =	shalt  }
0x85: {  	_ =	shalt  }
0x86: {  	_ =	shalt  }
0x87: {  	_ =	shalt  }
.Lfunc_end0:
.L_simem_size_0:
called_computation_lowered:
.L_overlay_start_0:
0x88: {  	s2 =	sld [smem:$0x3FD9]  }
0x89: {  	s3 =	sld [smem:$0x3FFE];
	_ =	sdelay $0x1  }
0x8a: {  	s1 =	srdreg.scid  }
0x8b: {  	s0 =	sand.u32 $0x1, s1  }
0x8c: {  	s17 =	sshll.u32 s0, $0xA;
	s2 =	sadd.s32 s3, s2  }
0x8d: {  	s2 =	sadd.s32 s2, s17  }
0x8e: {  	[smem:$0x3FC4] =	sst s2  }
0x8f: {  	_ = 	snop  }
0x90: {  	s2 =	sld [smem:$0x3FC9]  }
0x91: {  	s18 =	sld [smem:$0x3FC8]  }
0x92: {  	s4 =	sld [smem:$0x3FD0];
	(tm) =	ssettm $0x1  }
0x93: {  	s5 =	sld [smem:$0x3FFB];
	_ =	sdelay $0x3  }
0x94: {  	_ =	strace s5  }
0x95: {  	s5 =	sld [smem:$0x3FFC];
	_ =	sdelay $0x3  }
0x96: {  	_ =	strace s5  }
0x97: {  	s5 =	sld [smem:$0x3FFD];
	_ =	sdelay $0x3  }
0x98: {  	_ =	strace s5  }
0x99: {  	_ =	strace $0x8FFFFFFF  }
0x9a: {  	s19 =	sld [smem:$0x3FDB];
	_ =	sdelay $0x1  }
0x9b: {  	s6 =	simm.s32 $_scs_section_size  }
0x9c: {  	s7 =	simm.s32 $_size__tile_overlayer_lowered;
	s8 =	simm.s32 $_tile_overlayer_lowered  }
0x9d: {  	s22 =	simm.s32 $0x1BFF;
	s21 =	sshll.u32 s8, $0x1;
	s5 =	sadd.s32 s6, s19  }
0x9e: {  	s9 =	simm.s32 $0x0;
	s20 =	sshll.u32 s7, $0x1;
	s7 =	sadd.s32 s21, s5  }
0x9f: {  	[timem:s9], [sflag:s22] =	dma.local [hbm:s7], s20  }
0xa0: {  	_ =	swait.ge [sflag:s22], s20  }
0xa1: {  	s6 =	ssub.s32 $0x0, s20;
	[sflag:s22] =	ssyncset.done $0x0  }
0xa2: {  	[sflag:s22] =	ssyncadd.s32 s6;
	_ =	sdelay $0x1  }
0xa3: {  	s23 =	simm.s32 $0x1B8B  }
0xa4: {  	_ =	swait.ge [sflag:s23], $0x1  }
0xa5: {  	[sflag:s23] =	ssyncset.done $0x0  }
0xa6: {  	s25 =	simm.s32 $0x1B8E;
	s24 =	sld [smem:$0x3FFE];
	[sflag:s23] =	ssyncadd.s32 $0xFFFFFFFF  }
0xa7: {  	s26 =	simm.s32 $execute0_lowered;
	[smem:$0x3FD2] =	sst s25  }
0xa8: {  	s7 =	sshll.u32 s26, $0x1;
	_ =	strace $0x80000046;
	[dreg:$0x1] =	wrdreg $0xFFFFFFFF  }
0xa9: {  	s28 =	simm.s32 $_size_execute0_lowered;
	s5 =	sadd.s32 s5, s7;
	[dreg:$0x0] =	wrdreg $0x0  }
0xaa: {  	s7 =	sshll.u32 s28, $0x1;
	[dreg:$0x2] =	wrdreg s5  }
0xab: {  	[dreg:$0x3] =	wrdreg s7  }
0xac: {  	[dreg:$0x4] =	wrdreg $0xC0  }
0xad: {  	_ =	task [dreg:s9], $0x5FFFF  }
0xae: {  	[dreg:$0x1] =	wrdreg $0xFFFFFFFF  }
0xaf: {  	[dreg:$0x0] =	wrdreg $0x60  }
0xb0: {  	[dreg:$0x2] =	wrdreg s2  }
0xb1: {  	[dreg:$0x3] =	wrdreg s18  }
0xb2: {  	[dreg:$0x4] =	wrdreg s24  }
0xb3: {  	[dreg:$0x5] =	wrdreg s4  }
0xb4: {  	[dreg:$0x6] =	wrdreg $0x9  }
0xb5: {  	_ =	task.clear_ibuf [dreg:s9], $0x7FFFF;
	_ =	strace $0x90000046  }
0xb6: {  	s29 =	simm.s32 $0x9;
	_ =	strace $0x80000048  }
0xb7: {  	_ =	swait.ge [sflag:s29], $0x1  }
0xb8: {  	[sflag:s29] =	ssyncadd.s32 $0xFFFFFFFF  }
0xb9: {  	_ =	strace $0x90000048  }
0xba: {  	_ =	sfence  }
0xbb: {  	s30 =	sld [smem:$0x0];
	_ =	sdelay $0x2  }
0xbc: {  	s31 =	sshll.u32 s1, $0xD;
	s1 =	sshrl.u32 s1, $0x2  }
0xbd: {  	s3 =	sand.u32 $0x4000, s31;
	s1 =	sadd.s32 s1, s30  }
0xbe: {  	s0 =	sor.u32 s3, s0;
	s1 =	sshll.u32 s1, $0x11  }
0xbf: {  	s0 =	sor.u32 s1, s0  }
0xc0: {  	s0 =	sadd.s32 $0x8F2B, s0  }
0xc1: {  	[sflag:s0] =	ssyncadd.remote.s32 $0x1  }
0xc2: {  	_ =	sfence.sel $0xFFFF  }
0xc3: {  	[dreg:$0x0] =	wrdreg $0xFFFFFFFF;
	(pc) =	sbr.abs _section_cstart, $3  }
0xc4: {  	[dreg:$0x1] =	wrdreg $0xFFFFFFFF  }
0xc5: {  	_ =	task.clear_ibuf [dreg:s9], $0x2FFFF;
	_ =	strace $0x9FFFFFFF  }
0xc6: {  	(tm) =	ssettm $0x7FFFFFFF  }
0xc7: {  	_ =	shalt  }
tec
execute0_lowered:
.L_overlay_start_1:
0x0: {  	(tag) =	ssettag $0x1  }
0x1: {  	s0 =	srdreg.scid;
	s18 =	stileid.u32  }
0x2: {  	s0 =	sand.u32 $0x1, s0;
	s1 =	sshll.u32 s18, $0x1;
	s15 =	smul.u32 $0x55F000, s18  }
0x3: {  	s8 =	sor.u32 s0, s1;
	s17 =	smul.u32 $0x2AF800, s0  }
0x4: {  	s1 =	smul.u32 $0x340, s8  }
0x5: {  	s2 =	smul.u32 $0xFFFFFCC0, s8  }
0x6: {  	s9 =	smul.u32 $0x5140, s8;
	s3 =	sor.u32 $0x2, s1  }
0x7: {  	s5 =	sor.u32 $0x3, s1;
	s4 =	smulhi.u32 $0x4EC4EC4F, s3  }
0x8: {  	s11 =	sor.u32 $0x4, s1;
	s6 =	smulhi.u32 $0x4EC4EC4F, s5  }
0x9: {  	s22 =	sor.u32 $0x5, s1;
	s7 =	smulhi.u32 $0x4EC4EC4F, s11  }
0xa: {  	s24 =	sor.u32 $0x6, s1;
	s23 =	smulhi.u32 $0x4EC4EC4F, s22  }
0xb: {  	s2 =	sadd.s32 s1, s2;
	s13 =	sor.u32 $0x7, s1;
	s12 =	smulhi.u32 $0x4EC4EC4F, s24  }
0xc: {  	s10 =	sor.u32 $0x1, s2;
	s14 =	smulhi.u32 $0x4EC4EC4F, s13  }
0xd: {  	s2 =	smul.u32 $0x186A0, s10  }
0xe: {  	s10 =	smul.u32 $0xC80, s10;
	s4 =	sshrl.u32 s4, $0x3  }
0xf: {  	s6 =	sshrl.u32 s6, $0x3;
	s4 =	smul.u32 $0x1A, s4  }
0x10: {  	s7 =	sshrl.u32 s7, $0x3;
	s6 =	smul.u32 $0x1A, s6  }
0x11: {  	s12 =	sshrl.u32 s12, $0x3;
	s20 =	smul.u32 $0x1A, s7  }
0x12: {  	s26 =	rddreg [dreg:$0x0];
	s14 =	sshrl.u32 s14, $0x3;
	s12 =	smul.u32 $0x1A, s12  }
0x13: {  	s28 =	rddreg [dreg:$0x1];
	s25 =	smul.u32 $0x1A, s14  }
0x14: {  	s3 =	ssub.s32 s3, s4;
	s4 =	ssub.s32 s11, s20;
	s20 =	smul.u32 $0x2AF800, s8  }
0x15: {  	s30 =	simm.s32 $0xA080;
	s21 =	ssub.s32 s5, s6;
	s7 =	smul.u32 $0x186A0, s3  }
0x16: {  	s31 =	simm.s32 $0xBFC0;
	s6 =	sshrl.u32 s23, $0x3;
	s3 =	smul.u32 $0x186A0, s21  }
0x17: {  	s29 =	sadd.s32 s17, s15;
	s15 =	simm.s32 $0x1;
	s6 =	smul.u32 $0x1A, s6  }
0x18: {  	s17 =	sadd.s32 $0x33F, s1;
	s11 =	ssub.s32 s24, s12;
	s4 =	smul.u32 $0x186A0, s4  }
0x19: {  	s14 =	simm.s32 $0xB340;
	s5 =	ssub.s32 s22, s6;
	s22 =	smul.u32 $0x186A0, s11  }
0x1a: {  	s23 =	ssub.s32 $0x2, s0;
	s6 =	ssub.s32 s13, s25;
	s13 =	smul.u32 $0x55F00, s8  }
0x1b: {  	s12 =	rddreg [dreg:$0x2];
	s16 =	sshrl.u32 s23, $0x1;
	s25 =	smul.u32 $0x32000, s18  }
0x1c: {  	s19 =	sadd.s32 $0x400, s12;
	s11 =	ssub.s32 s23, s16;
	s16 =	smul.u32 $0x19000, s0  }
0x1d: {  	v0 =	vmov s2;
	s2 =	simm.s32 $0x0;
	s9 =	sadd.s32 s19, s9;
	s21 =	smul.u32 $0x186A0, s5  }
0x1e: {  	s5 =	rddreg [dreg:$0x3];
	s24 =	smul.u32 $0x186A0, s6;
	s6 =	simm.s32 $0x0  }
0x1f: {  	s8 =	sadd.s32 $0x27AC800, s12;
	s0 =	smul.u32 $0xC800, s0;
	[smem:$0x7FF] =	sst s6  }
0x20: {  	v1 =	vmov s7;
	s7 =	simm.s32 $0x3;
	_ =	strace $0x80000047;
	[dreg:$0x5] =	wrdreg s19  }
0x21: {  	s12 =	sadd.s32 s5, s13;
	s13 =	sadd.s32 $0x12C0, s20;
	[dreg:$0x6] =	wrdreg s9  }
0x22: {  	v6 =	vmov s22;
	s22 =	simm.s32 $0x5;
	[dreg:$0x7] =	wrdreg s12;
	s19 =	sshrl.u32 s20, $0x3  }
0x23: {  	s9 =	sadd.s32 s16, s25;
	s20 =	smul.u32 $0x19000, s18;
	s10 =	sadd.s32 s10, s13  }
0x24: {  	s23 =	sshrl.u32 s13, $0x3;
	s25 =	smax.u32 s11, $0x1;
	s11 =	simm.s32 $0x9400  }
0x25: {  	s13 =	simm.s32 $0x8780;
	s18 =	simm.s32 $0x9;
	s16 =	simm.s32 $0xA  }
0x26: {  	v5 =	vmov s21;
	s21 =	simm.s32 $0x4;
	v7 =	vmov s24;
	s24 =	simm.s32 $0x7;
	[dreg:$0x8] =	wrdreg s29  }
0x27: {  	[dreg:$0x9] =	wrdreg s9;
	s12 =	sadd.s32 s5, s19;
	s10 =	sshrl.u32 s10, $0x3  }
0x28: {  	[dreg:$0xe] =	wrdreg s25;
	s19 =	simm.s32 $0xC;
	s12 =	sadd.s32 $0x2AF8, s12  }
0x29: {  	v3 =	vlaneseq.u32;
	s25 =	simm.s32 $0x8;
	s10 =	sadd.s32 s5, s10;
	[dreg:$0xa] =	wrdreg s12  }
0x2a: {  	v3 =	vmul.u32 $0xC8, v3;
	s0 =	sadd.s32 s0, s20;
	s20 =	simm.s32 $0x68;
	[dreg:$0xc] =	wrdreg s10  }
0x2b: {  	v8 =	vimm.s32 $0x0;
	s12 =	sadd.s32 s5, s23;
	[dreg:$0xd] =	wrdreg s0;
	s10 =	simm.s32 $0xB  }
0x2c: {  	v9 =	vadd.s32 $0x1F40, v3;
	v2 =	vmov s3;
	v4 =	vmov s4;
	s23 =	simm.s32 $0x6;
	[dreg:$0xb] =	wrdreg s12;
	s12 =	simm.s32 $0x2  }
.LBB2_1:
0x2d: {  	[tilespmem:$0x19C0] =	vst v8  }
0x2e: {  	[tilespmem:$0x1A90] =	vst v8  }
0x2f: {  	[tilespmem:$0x1B60] =	vst v8  }
0x30: {  	[tilespmem:$0x1C30] =	vst v8  }
0x31: {  	[tilespmem:$0x1D00] =	vst v8  }
0x32: {  	[tilespmem:$0x1DD0] =	vst v8  }
0x33: {  	[dreg:$0xf] =	wrdreg s2;
	[tilespmem:$0x1EA0] =	vst v8  }
0x34: {  	[tilespmem:$0x1F70] =	vst v8;
	s0 =	rddreg [dreg:$0x6]  }
0x35: {  	[tilespmem:s6], [sflag:$0xC] =	stream.linear.gather [hbm4b:s0+s6], $0x1900, $0x38;
	[tilespmem:$0xC600] =	vst v63  }
0x36: {  	_ =	swait.ge [sflag:s19], $0x1900  }
0x37: {  	[sflag:s19] =	ssyncset.done $0x0  }
0x38: {  	[sflag:s19] =	ssyncadd.s32 $0xFFFFE700  }
0x39: {  	v10 =	vld [tilespmem:$0x0]  }
0x3a: {  	v11 =	vld [tilespmem:$0x10]  }
0x3b: {  	v12 =	vld [tilespmem:$0x20]  }
0x3c: {  	v13 =	vld [tilespmem:$0x30]  }
0x3d: {  	v14 =	vld [tilespmem:$0x40]  }
0x3e: {  	v44 =	vld [tilespmem:$0x68];
	[tilespmem:$0x1900] =	vst v10  }
0x3f: {  	v10 =	vld [tilespmem:$0x50];
	[tilespmem:$0x1910] =	vst v11  }
0x40: {  	v11 =	vld [tilespmem:$0x58];
	[tilespmem:$0x1920] =	vst v12  }
0x41: {  	v45 =	vld [tilespmem:$0x78];
	[tilespmem:$0x1930] =	vst v13  }
0x42: {  	v46 =	vld [tilespmem:$0x88];
	[tilespmem:$0x1940] =	vst v14  }
0x43: {  	v47 =	vld [tilespmem:$0xB8];
	[tilespmem:$0x1968] =	vst v44  }
0x44: {  	[tilespmem:$0x1950] =	vst v10;
	v10 =	vld [tilespmem:$0x98]  }
0x45: {  	[tilespmem:$0x1958] =	vst v11;
	v11 =	vld [tilespmem:$0xA8]  }
0x46: {  	[tilespmem:$0x1978] =	vst v45  }
0x47: {  	[tilespmem:$0x1988] =	vst v46  }
0x48: {  	[tilespmem:$0x19B8] =	vst v47  }
0x49: {  	[tilespmem:$0x1998] =	vst v10  }
0x4a: {  	s2 =	simm.s32 $0x1900;
	s3 =	simm.s32 $0x1F80;
	[tilespmem:$0x19A8] =	vst v11  }
0x4b: {  	[tilespmem:s3], [sflag:$0x1] =	stream.indirect.gather [hbm4b:s8+s20], $0x10, s2, s20, $0xb8;
	[tilespmem:$0xC600] =	vst v63  }
0x4c: {  	s4 =	simm.s32 $0x1968;
	s9 =	simm.s32 $0x2600  }
0x4d: {  	[tilespmem:s9], [sflag:$0x1] =	stream.indirect.gather [hbm4b:s8+s20], $0x10, s4, s20, $0xb8;
	[tilespmem:$0xC600] =	vst v63  }
0x4e: {  	v10 =	vld [tilespmem:$0xC8]  }
0x4f: {  	v11 =	vld [tilespmem:$0xD8]  }
0x50: {  	v48 =	vld [tilespmem:$0xE8]  }
0x51: {  	v49 =	vld [tilespmem:$0xF8]  }
0x52: {  	v50 =	vld [tilespmem:$0x108]  }
0x53: {  	v15 =	vld [tilespmem:$0x118];
	v10 =	vadd.s32 v0, v10  }
0x54: {  	[tilespmem:$0x19D0] =	vst v10;
	v10 =	vadd.s32 v0, v11;
	v11 =	vld [tilespmem:$0x120]  }
0x55: {  	v51 =	vld [tilespmem:$0x130];
	[tilespmem:$0x19E0] =	vst v10;
	v10 =	vadd.s32 v0, v48  }
0x56: {  	v52 =	vld [tilespmem:$0x140];
	[tilespmem:$0x19F0] =	vst v10;
	v10 =	vadd.s32 v0, v49  }
0x57: {  	v53 =	vld [tilespmem:$0x150];
	[tilespmem:$0x1A00] =	vst v10;
	v10 =	vadd.s32 v0, v50  }
0x58: {  	v54 =	vld [tilespmem:$0x160];
	[tilespmem:$0x1A10] =	vst v10;
	v10 =	vadd.s32 v0, v15  }
0x59: {  	[tilespmem:$0x1A20] =	vst v10;
	v10 =	vadd.s32 v0, v11;
	v11 =	vld [tilespmem:$0x170]  }
0x5a: {  	v55 =	vld [tilespmem:$0x180];
	[tilespmem:$0x1A28] =	vst v10;
	v10 =	vadd.s32 v0, v51  }
0x5b: {  	[tilespmem:$0x1A38] =	vst v10;
	v10 =	vadd.s32 v0, v52  }
0x5c: {  	[tilespmem:$0x1A48] =	vst v10;
	v10 =	vadd.s32 v0, v53  }
0x5d: {  	[tilespmem:$0x1A58] =	vst v10;
	v10 =	vadd.s32 v0, v54  }
0x5e: {  	[tilespmem:$0x1A68] =	vst v10;
	v10 =	vadd.s32 v0, v11  }
0x5f: {  	[tilespmem:$0x1A78] =	vst v10;
	v10 =	vadd.s32 v0, v55  }
0x60: {  	s2 =	simm.s32 $0x19D0;
	s3 =	simm.s32 $0x2C80;
	[tilespmem:$0x1A88] =	vst v10  }
0x61: {  	[tilespmem:s3], [sflag:$0x2] =	stream.indirect.gather [hbm4b:s8+s20], $0x10, s2, s20, $0xb8;
	[tilespmem:$0xC600] =	vst v63  }
0x62: {  	s4 =	simm.s32 $0x1A38;
	s9 =	simm.s32 $0x3300  }
0x63: {  	[tilespmem:s9], [sflag:$0x2] =	stream.indirect.gather [hbm4b:s8+s20], $0x10, s4, s20, $0xb8;
	[tilespmem:$0xC600] =	vst v63  }
0x64: {  	v10 =	vld [tilespmem:$0x190]  }
0x65: {  	v11 =	vld [tilespmem:$0x1A0]  }
0x66: {  	v56 =	vld [tilespmem:$0x1B0]  }
0x67: {  	v57 =	vld [tilespmem:$0x1C0]  }
0x68: {  	v58 =	vld [tilespmem:$0x1D0]  }
0x69: {  	v59 =	vld [tilespmem:$0x1E0];
	v10 =	vadd.s32 v1, v10  }
0x6a: {  	[tilespmem:$0x1AA0] =	vst v10;
	v10 =	vadd.s32 v1, v11;
	v11 =	vld [tilespmem:$0x1E8]  }
0x6b: {  	v60 =	vld [tilespmem:$0x1F8];
	[tilespmem:$0x1AB0] =	vst v10;
	v10 =	vadd.s32 v1, v56  }
0x6c: {  	v61 =	vld [tilespmem:$0x208];
	[tilespmem:$0x1AC0] =	vst v10;
	v10 =	vadd.s32 v1, v57  }
0x6d: {  	v62 =	vld [tilespmem:$0x218];
	[tilespmem:$0x1AD0] =	vst v10;
	v10 =	vadd.s32 v1, v58  }
0x6e: {  	v63 =	vld [tilespmem:$0x228];
	[tilespmem:$0x1AE0] =	vst v10;
	v10 =	vadd.s32 v1, v59  }
0x6f: {  	[tilespmem:$0x1AF0] =	vst v10;
	v10 =	vadd.s32 v1, v11;
	v11 =	vld [tilespmem:$0x238]  }
0x70: {  	v18 =	vld [tilespmem:$0x248];
	[tilespmem:$0x1AF8] =	vst v10;
	v10 =	vadd.s32 v1, v60  }
0x71: {  	[tilespmem:$0x1B08] =	vst v10;
	v10 =	vadd.s32 v1, v61  }
0x72: {  	[tilespmem:$0x1B18] =	vst v10;
	v10 =	vadd.s32 v1, v62  }
0x73: {  	[tilespmem:$0x1B28] =	vst v10;
	v10 =	vadd.s32 v1, v63  }
0x74: {  	[tilespmem:$0x1B38] =	vst v10;
	v10 =	vadd.s32 v1, v11  }
0x75: {  	[tilespmem:$0x1B48] =	vst v10;
	v10 =	vadd.s32 v1, v18  }
0x76: {  	s2 =	simm.s32 $0x1AA0;
	s3 =	simm.s32 $0x3980;
	[tilespmem:$0x1B58] =	vst v10  }
0x77: {  	[tilespmem:s3], [sflag:$0x3] =	stream.indirect.gather [hbm4b:s8+s20], $0x10, s2, s20, $0xb8;
	[tilespmem:$0xC600] =	vst v63  }
0x78: {  	s4 =	simm.s32 $0x1B08;
	s9 =	simm.s32 $0x4000  }
0x79: {  	[tilespmem:s9], [sflag:$0x3] =	stream.indirect.gather [hbm4b:s8+s20], $0x10, s4, s20, $0xb8;
	[tilespmem:$0xC600] =	vst v63  }
0x7a: {  	v10 =	vld [tilespmem:$0x258]  }
0x7b: {  	v11 =	vld [tilespmem:$0x268]  }
0x7c: {  	v19 =	vld [tilespmem:$0x278]  }
0x7d: {  	v20 =	vld [tilespmem:$0x288]  }
0x7e: {  	v21 =	vld [tilespmem:$0x298]  }
0x7f: {  	v22 =	vld [tilespmem:$0x2A8];
	v10 =	vadd.s32 v2, v10  }
0x80: {  	[tilespmem:$0x1B70] =	vst v10;
	v10 =	vadd.s32 v2, v11;
	v11 =	vld [tilespmem:$0x2B0]  }
0x81: {  	v23 =	vld [tilespmem:$0x2C0];
	[tilespmem:$0x1B80] =	vst v10;
	v10 =	vadd.s32 v2, v19  }
0x82: {  	v24 =	vld [tilespmem:$0x2D0];
	[tilespmem:$0x1B90] =	vst v10;
	v10 =	vadd.s32 v2, v20  }
0x83: {  	v25 =	vld [tilespmem:$0x2E0];
	[tilespmem:$0x1BA0] =	vst v10;
	v10 =	vadd.s32 v2, v21  }
0x84: {  	v26 =	vld [tilespmem:$0x2F0];
	[tilespmem:$0x1BB0] =	vst v10;
	v10 =	vadd.s32 v2, v22  }
0x85: {  	[tilespmem:$0x1BC0] =	vst v10;
	v10 =	vadd.s32 v2, v11;
	v11 =	vld [tilespmem:$0x300]  }
0x86: {  	v27 =	vld [tilespmem:$0x310];
	[tilespmem:$0x1BC8] =	vst v10;
	v10 =	vadd.s32 v2, v23  }
0x87: {  	[tilespmem:$0x1BD8] =	vst v10;
	v10 =	vadd.s32 v2, v24  }
0x88: {  	[tilespmem:$0x1BE8] =	vst v10;
	v10 =	vadd.s32 v2, v25  }
0x89: {  	[tilespmem:$0x1BF8] =	vst v10;
	v10 =	vadd.s32 v2, v26  }
0x8a: {  	[tilespmem:$0x1C08] =	vst v10;
	v10 =	vadd.s32 v2, v11  }
0x8b: {  	[tilespmem:$0x1C18] =	vst v10;
	v10 =	vadd.s32 v2, v27  }
0x8c: {  	s2 =	simm.s32 $0x1B70;
	s3 =	simm.s32 $0x4680;
	[tilespmem:$0x1C28] =	vst v10  }
0x8d: {  	[tilespmem:s3], [sflag:$0x4] =	stream.indirect.gather [hbm4b:s8+s20], $0x10, s2, s20, $0xb8;
	[tilespmem:$0xC600] =	vst v63  }
0x8e: {  	s4 =	simm.s32 $0x1BD8;
	s9 =	simm.s32 $0x4D00  }
0x8f: {  	[tilespmem:s9], [sflag:$0x4] =	stream.indirect.gather [hbm4b:s8+s20], $0x10, s4, s20, $0xb8;
	[tilespmem:$0xC600] =	vst v63  }
0x90: {  	v10 =	vld [tilespmem:$0x320]  }
0x91: {  	v11 =	vld [tilespmem:$0x330]  }
0x92: {  	v28 =	vld [tilespmem:$0x340]  }
0x93: {  	v29 =	vld [tilespmem:$0x350]  }
0x94: {  	v30 =	vld [tilespmem:$0x360]  }
0x95: {  	v31 =	vld [tilespmem:$0x370];
	v10 =	vadd.s32 v4, v10  }
0x96: {  	[tilespmem:$0x1C40] =	vst v10;
	v10 =	vadd.s32 v4, v11;
	v11 =	vld [tilespmem:$0x378]  }
0x97: {  	v32 =	vld [tilespmem:$0x388];
	[tilespmem:$0x1C50] =	vst v10;
	v10 =	vadd.s32 v4, v28  }
0x98: {  	v33 =	vld [tilespmem:$0x398];
	[tilespmem:$0x1C60] =	vst v10;
	v10 =	vadd.s32 v4, v29  }
0x99: {  	v34 =	vld [tilespmem:$0x3A8];
	[tilespmem:$0x1C70] =	vst v10;
	v10 =	vadd.s32 v4, v30  }
0x9a: {  	v35 =	vld [tilespmem:$0x3B8];
	[tilespmem:$0x1C80] =	vst v10;
	v10 =	vadd.s32 v4, v31  }
0x9b: {  	[tilespmem:$0x1C90] =	vst v10;
	v10 =	vadd.s32 v4, v11;
	v11 =	vld [tilespmem:$0x3C8]  }
0x9c: {  	v36 =	vld [tilespmem:$0x3D8];
	[tilespmem:$0x1C98] =	vst v10;
	v10 =	vadd.s32 v4, v32  }
0x9d: {  	[tilespmem:$0x1CA8] =	vst v10;
	v10 =	vadd.s32 v4, v33  }
0x9e: {  	[tilespmem:$0x1CB8] =	vst v10;
	v10 =	vadd.s32 v4, v34  }
0x9f: {  	[tilespmem:$0x1CC8] =	vst v10;
	v10 =	vadd.s32 v4, v35  }
0xa0: {  	[tilespmem:$0x1CD8] =	vst v10;
	v10 =	vadd.s32 v4, v11  }
0xa1: {  	[tilespmem:$0x1CE8] =	vst v10;
	v10 =	vadd.s32 v4, v36  }
0xa2: {  	s2 =	simm.s32 $0x1C40;
	s3 =	simm.s32 $0x5380;
	[tilespmem:$0x1CF8] =	vst v10  }
0xa3: {  	[tilespmem:s3], [sflag:$0x5] =	stream.indirect.gather [hbm4b:s8+s20], $0x10, s2, s20, $0xb8;
	[tilespmem:$0xC600] =	vst v63  }
0xa4: {  	s4 =	simm.s32 $0x1CA8;
	s9 =	simm.s32 $0x5A00  }
0xa5: {  	[tilespmem:s9], [sflag:$0x5] =	stream.indirect.gather [hbm4b:s8+s20], $0x10, s4, s20, $0xb8;
	[tilespmem:$0xC600] =	vst v63  }
0xa6: {  	v10 =	vld [tilespmem:$0x3E8]  }
0xa7: {  	v11 =	vld [tilespmem:$0x3F8]  }
0xa8: {  	v37 =	vld [tilespmem:$0x408]  }
0xa9: {  	v38 =	vld [tilespmem:$0x418]  }
0xaa: {  	v39 =	vld [tilespmem:$0x428]  }
0xab: {  	v40 =	vld [tilespmem:$0x438];
	v10 =	vadd.s32 v5, v10  }
0xac: {  	[tilespmem:$0x1D10] =	vst v10;
	v10 =	vadd.s32 v5, v11;
	v11 =	vld [tilespmem:$0x440]  }
0xad: {  	v41 =	vld [tilespmem:$0x450];
	[tilespmem:$0x1D20] =	vst v10;
	v10 =	vadd.s32 v5, v37  }
0xae: {  	v42 =	vld [tilespmem:$0x460];
	[tilespmem:$0x1D30] =	vst v10;
	v10 =	vadd.s32 v5, v38  }
0xaf: {  	v43 =	vld [tilespmem:$0x470];
	[tilespmem:$0x1D40] =	vst v10;
	v10 =	vadd.s32 v5, v39  }
0xb0: {  	v44 =	vld [tilespmem:$0x480];
	[tilespmem:$0x1D50] =	vst v10;
	v10 =	vadd.s32 v5, v40  }
0xb1: {  	[tilespmem:$0x1D60] =	vst v10;
	v10 =	vadd.s32 v5, v11;
	v11 =	vld [tilespmem:$0x490]  }
0xb2: {  	v45 =	vld [tilespmem:$0x4A0];
	[tilespmem:$0x1D68] =	vst v10;
	v10 =	vadd.s32 v5, v41  }
0xb3: {  	[tilespmem:$0x1D78] =	vst v10;
	v10 =	vadd.s32 v5, v42  }
0xb4: {  	[tilespmem:$0x1D88] =	vst v10;
	v10 =	vadd.s32 v5, v43  }
0xb5: {  	[tilespmem:$0x1D98] =	vst v10;
	v10 =	vadd.s32 v5, v44  }
0xb6: {  	[tilespmem:$0x1DA8] =	vst v10;
	v10 =	vadd.s32 v5, v11  }
0xb7: {  	[tilespmem:$0x1DB8] =	vst v10;
	v10 =	vadd.s32 v5, v45  }
0xb8: {  	s2 =	simm.s32 $0x1D10;
	s3 =	simm.s32 $0x6080;
	[tilespmem:$0x1DC8] =	vst v10  }
0xb9: {  	[tilespmem:s3], [sflag:$0x6] =	stream.indirect.gather [hbm4b:s8+s20], $0x10, s2, s20, $0xb8;
	[tilespmem:$0xC600] =	vst v63  }
0xba: {  	s4 =	simm.s32 $0x1D78;
	s9 =	simm.s32 $0x6700  }
0xbb: {  	[tilespmem:s9], [sflag:$0x6] =	stream.indirect.gather [hbm4b:s8+s20], $0x10, s4, s20, $0xb8;
	[tilespmem:$0xC600] =	vst v63  }
0xbc: {  	v10 =	vld [tilespmem:$0x4B0]  }
0xbd: {  	v11 =	vld [tilespmem:$0x4C0]  }
0xbe: {  	v46 =	vld [tilespmem:$0x4D0]  }
0xbf: {  	v47 =	vld [tilespmem:$0x4E0]  }
0xc0: {  	v48 =	vld [tilespmem:$0x4F0]  }
0xc1: {  	v49 =	vld [tilespmem:$0x500];
	v10 =	vadd.s32 v6, v10  }
0xc2: {  	[tilespmem:$0x1DE0] =	vst v10;
	v10 =	vadd.s32 v6, v11;
	v11 =	vld [tilespmem:$0x508]  }
0xc3: {  	v50 =	vld [tilespmem:$0x518];
	[tilespmem:$0x1DF0] =	vst v10;
	v10 =	vadd.s32 v6, v46  }
0xc4: {  	v51 =	vld [tilespmem:$0x528];
	[tilespmem:$0x1E00] =	vst v10;
	v10 =	vadd.s32 v6, v47  }
0xc5: {  	v52 =	vld [tilespmem:$0x538];
	[tilespmem:$0x1E10] =	vst v10;
	v10 =	vadd.s32 v6, v48  }
0xc6: {  	v53 =	vld [tilespmem:$0x548];
	[tilespmem:$0x1E20] =	vst v10;
	v10 =	vadd.s32 v6, v49  }
0xc7: {  	[tilespmem:$0x1E30] =	vst v10;
	v10 =	vadd.s32 v6, v11;
	v11 =	vld [tilespmem:$0x558]  }
0xc8: {  	v54 =	vld [tilespmem:$0x568];
	[tilespmem:$0x1E38] =	vst v10;
	v10 =	vadd.s32 v6, v50  }
0xc9: {  	[tilespmem:$0x1E48] =	vst v10;
	v10 =	vadd.s32 v6, v51  }
0xca: {  	[tilespmem:$0x1E58] =	vst v10;
	v10 =	vadd.s32 v6, v52  }
0xcb: {  	[tilespmem:$0x1E68] =	vst v10;
	v10 =	vadd.s32 v6, v53  }
0xcc: {  	[tilespmem:$0x1E78] =	vst v10;
	v10 =	vadd.s32 v6, v11  }
0xcd: {  	[tilespmem:$0x1E88] =	vst v10;
	v10 =	vadd.s32 v6, v54  }
0xce: {  	s2 =	simm.s32 $0x1DE0;
	s3 =	simm.s32 $0x6D80;
	[tilespmem:$0x1E98] =	vst v10  }
0xcf: {  	[tilespmem:s3], [sflag:$0x7] =	stream.indirect.gather [hbm4b:s8+s20], $0x10, s2, s20, $0xb8;
	[tilespmem:$0xC600] =	vst v63  }
0xd0: {  	s4 =	simm.s32 $0x1E48;
	s9 =	simm.s32 $0x7400  }
0xd1: {  	[tilespmem:s9], [sflag:$0x7] =	stream.indirect.gather [hbm4b:s8+s20], $0x10, s4, s20, $0xb8;
	[tilespmem:$0xC600] =	vst v63  }
0xd2: {  	v10 =	vld [tilespmem:$0x578]  }
0xd3: {  	v11 =	vld [tilespmem:$0x588]  }
0xd4: {  	v55 =	vld [tilespmem:$0x598]  }
0xd5: {  	v56 =	vld [tilespmem:$0x5A8]  }
0xd6: {  	v57 =	vld [tilespmem:$0x5B8]  }
0xd7: {  	v58 =	vld [tilespmem:$0x5C8];
	v10 =	vadd.s32 v7, v10  }
0xd8: {  	[tilespmem:$0x1EB0] =	vst v10;
	v10 =	vadd.s32 v7, v11;
	v11 =	vld [tilespmem:$0x5D0]  }
0xd9: {  	v59 =	vld [tilespmem:$0x5E0];
	[tilespmem:$0x1EC0] =	vst v10;
	v10 =	vadd.s32 v7, v55  }
0xda: {  	v60 =	vld [tilespmem:$0x5F0];
	[tilespmem:$0x1ED0] =	vst v10;
	v10 =	vadd.s32 v7, v56  }
0xdb: {  	v61 =	vld [tilespmem:$0x600];
	[tilespmem:$0x1EE0] =	vst v10;
	v10 =	vadd.s32 v7, v57  }
0xdc: {  	v62 =	vld [tilespmem:$0x610];
	[tilespmem:$0x1EF0] =	vst v10;
	v10 =	vadd.s32 v7, v58  }
0xdd: {  	[tilespmem:$0x1F00] =	vst v10;
	v10 =	vadd.s32 v7, v11;
	v11 =	vld [tilespmem:$0x620]  }
0xde: {  	v63 =	vld [tilespmem:$0x630];
	[tilespmem:$0x1F08] =	vst v10;
	v10 =	vadd.s32 v7, v59  }
0xdf: {  	[tilespmem:$0x1F18] =	vst v10;
	v10 =	vadd.s32 v7, v60  }
0xe0: {  	[tilespmem:$0x1F28] =	vst v10;
	v10 =	vadd.s32 v7, v61  }
0xe1: {  	[tilespmem:$0x1F38] =	vst v10;
	v10 =	vadd.s32 v7, v62  }
0xe2: {  	[tilespmem:$0x1F48] =	vst v10;
	v10 =	vadd.s32 v7, v11  }
0xe3: {  	[tilespmem:$0x1F58] =	vst v10;
	v10 =	vadd.s32 v7, v63  }
0xe4: {  	s2 =	simm.s32 $0x1EB0;
	s3 =	simm.s32 $0x7A80;
	[tilespmem:$0x1F68] =	vst v10  }
0xe5: {  	[tilespmem:s3], [sflag:$0x8] =	stream.indirect.gather [hbm4b:s8+s20], $0x10, s2, s20, $0xb8;
	[tilespmem:$0xC600] =	vst v63  }
0xe6: {  	s4 =	simm.s32 $0x1F18;
	s9 =	simm.s32 $0x8100  }
0xe7: {  	[tilespmem:s9], [sflag:$0x8] =	stream.indirect.gather [hbm4b:s8+s20], $0x10, s4, s20, $0xb8;
	[tilespmem:$0xC600] =	vst v63  }
0xe8: {  	s3 =	rddreg [dreg:$0x7]  }
0xe9: {  	[hbm4b:s3+s6] =	stream.linear.scatter [tilespmem:s11], [sflag:$0xB], $0x12C0, $0x38;
	[tilespmem:$0xC600] =	vst v63  }
0xea: {  	s4 =	rddreg [dreg:$0xa]  }
0xeb: {  	[hbm4b:s4+s6] =	stream.linear.scatter [tilespmem:s14], [sflag:$0xB], $0x12C0, $0x38;
	[tilespmem:$0xC600] =	vst v63  }
0xec: {  	_ =	swait.ge [sflag:s10], $0x12C0  }
0xed: {  	s4 =	rddreg [dreg:$0x9]  }
0xee: {  	[sflag:s10] =	ssyncset.done $0x0;
	s9 =	sshrl.u32 s4, $0x3  }
0xef: {  	[sflag:s10] =	ssyncadd.s32 $0xFFFFED40;
	s0 =	sadd.s32 s26, s9  }
0xf0: {  	[tilespmem:s11], [sflag:$0xC] =	stream.linear.gather [hbm4b:s0+s6], $0xC80, $0x38;
	[tilespmem:$0xC600] =	vst v63  }
0xf1: {  	_ =	swait.ge [sflag:s19], $0xC80  }
0xf2: {  	s3 =	rddreg [dreg:$0xd]  }
0xf3: {  	[sflag:s19] =	ssyncset.done $0x0;
	s2 =	sshrl.u32 s3, $0x3  }
0xf4: {  	[sflag:s19] =	ssyncadd.s32 $0xFFFFF380;
	s0 =	sadd.s32 s28, s2  }
0xf5: {  	[tilespmem:s30], [sflag:$0xC] =	stream.linear.gather [hbm4b:s0+s6], $0x640, $0x38;
	[tilespmem:$0xC600] =	vst v63  }
0xf6: {  	s0 =	sadd.s32 $0x0, s29;
	_ =	swait.ge [sflag:s19], $0x640  }
0xf7: {  	s9 =	sshrl.u32 s0, $0x3;
	[sflag:s19] =	ssyncset.done $0x0  }
0xf8: {  	s2 =	sadd.s32 s5, s9;
	[sflag:s19] =	ssyncadd.s32 $0xFFFFF9C0  }
0xf9: {  	[hbm4b:s2+s6] =	stream.linear.scatter [tilespmem:s11], [sflag:$0xB], $0x12C0, $0x38;
	[tilespmem:$0xC600] =	vst v63  }
0xfa: {  	s9 =	sadd.s32 $0xC80, s4;
	_ =	swait.ge [sflag:s10], $0x12C0  }
0xfb: {  	s2 =	sshrl.u32 s9, $0x3;
	[sflag:s10] =	ssyncset.done $0x0  }
0xfc: {  	s2 =	sadd.s32 s26, s2;
	[sflag:s10] =	ssyncadd.s32 $0xFFFFED40  }
0xfd: {  	[tilespmem:s14], [sflag:$0xC] =	stream.linear.gather [hbm4b:s2+s6], $0xC80, $0x38;
	[tilespmem:$0xC600] =	vst v63  }
0xfe: {  	s9 =	sadd.s32 $0x640, s3;
	_ =	swait.ge [sflag:s19], $0xC80  }
0xff: {  	s2 =	sshrl.u32 s9, $0x3;
	[sflag:s19] =	ssyncset.done $0x0  }
0x100: {  	s0 =	sadd.s32 $0x157C0, s0;
	s2 =	sadd.s32 s28, s2;
	[sflag:s19] =	ssyncadd.s32 $0xFFFFF380  }
0x101: {  	[tilespmem:s31], [sflag:$0xC] =	stream.linear.gather [hbm4b:s2+s6], $0x640, $0x38;
	[tilespmem:$0xC600] =	vst v63  }
0x102: {  	s0 =	sshrl.u32 s0, $0x3;
	_ =	swait.ge [sflag:s19], $0x640  }
0x103: {  	s4 =	sadd.s32 $0x1900, s4;
	s0 =	sadd.s32 s5, s0;
	[sflag:s19] =	ssyncset.done $0x0  }
0x104: {  	s3 =	sadd.s32 $0xC80, s3;
	s2 =	simm.s32 $0x2AF80;
	[sflag:s19] =	ssyncadd.s32 $0xFFFFF9C0  }
.LBB2_2:
0x105: {  	[hbm4b:s0+s6] =	stream.linear.scatter [tilespmem:s14], [sflag:$0xB], $0x12C0, $0x38;
	[tilespmem:$0xC600] =	vst v63  }
0x106: {  	s0 =	smov.u32 s2  }
0x107: {  	p0 =	sne.s32 s2, $0x284880;
	s2 =	sadd.s32 $0x2AF80, s2;
	_ =	swait.ge [sflag:s10], $0x12C0  }
0x108: {  	s9 =	sshrl.u32 s4, $0x3;
	[sflag:s10] =	ssyncset.done $0x0  }
0x109: {  	s9 =	sadd.s32 s26, s9;
	[sflag:s10] =	ssyncadd.s32 $0xFFFFED40  }
0x10a: {  	[tilespmem:s11], [sflag:$0xC] =	stream.linear.gather [hbm4b:s9+s6], $0xC80, $0x38;
	[tilespmem:$0xC600] =	vst v63  }
0x10b: {  	_ =	swait.ge [sflag:s19], $0xC80  }
0x10c: {  	s9 =	sshrl.u32 s3, $0x3;
	[sflag:s19] =	ssyncset.done $0x0  }
0x10d: {  	s9 =	sadd.s32 s28, s9;
	[sflag:s19] =	ssyncadd.s32 $0xFFFFF380  }
0x10e: {  	[tilespmem:s30], [sflag:$0xC] =	stream.linear.gather [hbm4b:s9+s6], $0x640, $0x38;
	[tilespmem:$0xC600] =	vst v63  }
0x10f: {  	s0 =	sadd.s32 s0, s29;
	_ =	swait.ge [sflag:s19], $0x640  }
0x110: {  	s9 =	sshrl.u32 s0, $0x3;
	s0 =	sadd.s32 $0x157C0, s0;
	[sflag:s19] =	ssyncset.done $0x0  }
0x111: {  	s9 =	sadd.s32 s5, s9;
	s0 =	sshrl.u32 s0, $0x3;
	[sflag:s19] =	ssyncadd.s32 $0xFFFFF9C0  }
0x112: {  	[hbm4b:s9+s6] =	stream.linear.scatter [tilespmem:s11], [sflag:$0xB], $0x12C0, $0x38;
	[tilespmem:$0xC600] =	vst v63  }
0x113: {  	s9 =	sadd.s32 $0xC80, s4;
	_ =	swait.ge [sflag:s10], $0x12C0  }
0x114: {  	s9 =	sshrl.u32 s9, $0x3;
	[sflag:s10] =	ssyncset.done $0x0  }
0x115: {  	s9 =	sadd.s32 s26, s9;
	[sflag:s10] =	ssyncadd.s32 $0xFFFFED40  }
0x116: {  	[tilespmem:s14], [sflag:$0xC] =	stream.linear.gather [hbm4b:s9+s6], $0xC80, $0x38;
	[tilespmem:$0xC600] =	vst v63  }
0x117: {  	s9 =	sadd.s32 $0x640, s3;
	_ =	swait.ge [sflag:s19], $0xC80  }
0x118: {  	s9 =	sshrl.u32 s9, $0x3;
	[sflag:s19] =	ssyncset.done $0x0  }
.Ltmp0:
0x119: {  	s9 =	sadd.s32 s28, s9;
	[sflag:s19] =	ssyncadd.s32 $0xFFFFF380;
	(pc) =	sbr.rel @p0 .LBB2_2-.Ltmp0, $4  }
0x11a: {  	[tilespmem:s31], [sflag:$0xC] =	stream.linear.gather [hbm4b:s9+s6], $0x640, $0x38;
	[tilespmem:$0xC600] =	vst v63  }
0x11b: {  	_ =	swait.ge [sflag:s19], $0x640  }
0x11c: {  	s3 =	sadd.s32 $0xC80, s3;
	[sflag:s19] =	ssyncset.done $0x0  }
0x11d: {  	s0 =	sadd.s32 s5, s0;
	s4 =	sadd.s32 $0x1900, s4;
	[sflag:s19] =	ssyncadd.s32 $0xFFFFF9C0  }
0x11e: {  	[hbm4b:s0+s6] =	stream.linear.scatter [tilespmem:s14], [sflag:$0xB], $0x12C0, $0x38;
	[tilespmem:$0xC600] =	vst v63  }
0x11f: {  	_ =	swait.ge [sflag:s10], $0x12C0  }
0x120: {  	[sflag:s10] =	ssyncset.done $0x0  }
0x121: {  	[sflag:s10] =	ssyncadd.s32 $0xFFFFED40  }
0x122: {  	_ =	swait.ge [sflag:s10], $0x12C0  }
0x123: {  	[sflag:s10] =	ssyncset.done $0x0  }
0x124: {  	s3 =	simm.s32 $0x0;
	s30 =	rddreg [dreg:$0xb];
	[sflag:s10] =	ssyncadd.s32 $0xFFFFED40  }
0x125: {  	[hbm4b:s30+s3] =	stream.linear.scatter [tilespmem:s13], [sflag:$0x9], $0xC80, $0x38;
	[tilespmem:$0xC600] =	vst v63  }
0x126: {  	s2 =	simm.s32 $0xA6C0;
	s0 =	simm.s32 $0x0;
	s31 =	rddreg [dreg:$0xc]  }
0x127: {  	[hbm4b:s31+s3] =	stream.linear.scatter [tilespmem:s2], [sflag:$0xA], $0xC80, $0x38;
	[tilespmem:$0xC600] =	vst v63  }
.LBB2_4:
0x128: {  	s30 =	sshll.u32 s0, $0x5  }
0x129: {  	[dreg:$0x10] =	wrdreg s0;
	s0 =	sor.u32 $0x8, s30  }
0x12a: {  	s0 =	smin.u32 s0, $0x320  }
0x12b: {  	s28 =	sadd.s32 s1, s0  }
0x12c: {  	s0 =	smul.u32 $0xC8, s28;
	_ =	sdelay $0x1  }
0x12d: {  	s2 =	rddreg [dreg:$0x5];
	s0 =	sshrl.u32 s0, $0x3  }
0x12e: {  	s31 =	simm.s32 $0x0;
	[dreg:$0x11] =	wrdreg s30;
	s0 =	sadd.s32 s2, s0  }
0x12f: {  	[tilespmem:s31], [sflag:$0xC] =	stream.linear.gather [hbm4b:s0+s31], $0x1900, $0x38;
	[tilespmem:$0xC600] =	vst v63  }
0x130: {  	_ =	swait.ge [sflag:s19], $0x1900  }
0x131: {  	[sflag:s19] =	ssyncset.done $0x0  }
0x132: {  	s29 =	simm.s32 $0x0;
	[sflag:s19] =	ssyncadd.s32 $0xFFFFE700  }
.LBB2_5:
0x133: {  	s0 =	sshll.u32 s29, $0x3;
	s2 =	rddreg [dreg:$0x11]  }
0x134: {  	s30 =	sadd.s32 s2, s0  }
0x135: {  	s31 =	sadd.s32 s1, s30  }
0x136: {  	s9 =	smulhi.u32 $0x4EC4EC4F, s31;
	s11 =	sshra.s32 s31, $0x1F  }
0x137: {  	s2 =	smul.u32 $0x4EC4EC4F, s11;
	_ =	sdelay $0x1  }
0x138: {  	s0 =	sadd.s32 s2, s9  }
0x139: {  	_ =	swait.ge [sflag:s15], $0x680;
	s2 =	sshrl.u32 s0, $0x1F;
	s0 =	sshra.s32 s0, $0x3  }
0x13a: {  	[sflag:s15] =	ssyncset.done $0x0;
	s0 =	sadd.s32 s2, s0  }
0x13b: {  	[sflag:s15] =	ssyncadd.s32 $0xFFFFF980;
	s2 =	smul.u32 $0xFFFFFFE6, s0  }
0x13c: {  	s3 =	ssub.s32 $0x0, s31;
	_ =	swait.ge [sflag:s15], $0x680  }
0x13d: {  	p0 =	slt.s32 s31, $0x1;
	[sflag:s15] =	ssyncset.done $0x0;
	p1 =	sne.s32 s2, s3  }
0x13e: {  	[sflag:s15] =	ssyncadd.s32 $0xFFFFF980;
	p0 =	por !p0, !p1  }
0x13f: {  	_ =	swait.ge [sflag:s18], $0xC80;
	s2 =	simm.s32 $0x1;
	p0 =	por !p0, !p0  }
0x140: {  	[sflag:s18] =	ssyncset.done $0x0;
	s2 =	simm.s32 @!p0 $0x0  }
0x141: {  	[sflag:s18] =	ssyncadd.s32 $0xFFFFF380;
	s3 =	simm.s32 $0x1FC0;
	s0 =	ssub.s32 s0, s2  }
0x142: {  	s4 =	simm.s32 $0x7;
	v13 =	vld [tilespmem:s3+$0x30];
	s2 =	smul.u32 $0xFFFFFE6, s0  }
0x143: {  	v14 =	vadd.s32 s4, v3;
	s9 =	simm.s32 $0x1;
	v16 =	vld [tilespmem:s3+$0xFFFFFFD0]  }
0x144: {  	s14 =	simm.s32 $0x2;
	v17 =	vadd.s32 s9, v3;
	v20 =	vld [tilespmem:s3+$0xFFFFFFE0];
	s0 =	smul.u32 $0x157C0, s0;
	s2 =	sadd.s32 s31, s2  }
0x145: {  	s26 =	simm.s32 $0x3;
	v21 =	vadd.s32 s14, v3;
	v12 =	vld [tilespmem:s3+$0xFFFFFFF0];
	s2 =	smul.u32 $0xC80, s2  }
0x146: {  	v18 =	vadd.s32 s26, v3;
	s9 =	simm.s32 $0x4;
	v10 =	vld [tilespmem:s3+$0x0]  }
0x147: {  	s11 =	simm.s32 $0x5;
	v19 =	vadd.s32 s9, v3;
	v11 =	vld [tilespmem:s3+$0x10];
	s0 =	sadd.s32 s2, s0  }
0x148: {  	s26 =	simm.s32 $0x0;
	s14 =	simm.s32 $0x6;
	v15 =	vadd.s32 s11, v3;
	[tilespmem:v14+s13+$0x0] =	vst.idx.msk $0xffff, v13;
	v13 =	vld [tilespmem:s3+$0x20];
	s0 =	sadd.s32 $0x12C0, s0  }
0x149: {  	s11 =	simm.s32 $0x10;
	[tilespmem:v17+s13+$0x0] =	vst.idx.msk $0xffff, v16;
	v16 =	vadd.s32 s14, v3;
	v14 =	vld [tilespmem:s3+$0xFFFFFFC0];
	s3 =	simm.s32 $0x2040;
	s0 =	sshrl.u32 s0, $0x3  }
0x14a: {  	v17 =	vadd.s32 s26, v3;
	[tilespmem:v21+s13+$0x0] =	vst.idx.msk $0xffff, v20;
	s2 =	simm.s32 $0x8;
	s4 =	sadd.s32 s5, s0;
	s0 =	simm.s32 $0xF  }
.LBB2_6:
0x14b: {  	p0 =	slt.u32 s11, $0xC0;
	s9 =	sadd.s32 $0x1, s2;
	v20 =	vld [tilespmem:s3+$0x30];
	v21 =	vadd.s32 s0, v3;
	[tilespmem:v18+s13+$0x0] =	vst.idx.msk $0xffff, v12;
	s26 =	smov.u32 s2  }
0x14c: {  	s2 =	smov.u32 s11;
	v22 =	vld [tilespmem:s3+$0xFFFFFFD0];
	v23 =	vadd.s32 s9, v3;
	s0 =	sadd.s32 $0x2, s26;
	[tilespmem:v19+s13+$0x0] =	vst.idx.msk $0xffff, v10  }
0x14d: {  	v24 =	vld [tilespmem:s3+$0xFFFFFFE0];
	v25 =	vadd.s32 s0, v3;
	s0 =	sadd.s32 $0x3, s26;
	[tilespmem:v15+s13+$0x0] =	vst.idx.msk $0xffff, v11  }
.Ltmp1:
0x14e: {  	v12 =	vld [tilespmem:s3+$0xFFFFFFF0];
	v18 =	vadd.s32 s0, v3;
	s0 =	sadd.s32 $0x4, s26;
	[tilespmem:v16+s13+$0x0] =	vst.idx.msk $0xffff, v13;
	(pc) =	sbr.rel @p0 .LBB2_6-.Ltmp1, $4  }
0x14f: {  	v10 =	vld [tilespmem:s3+$0x0];
	v19 =	vadd.s32 s0, v3;
	s0 =	sadd.s32 $0x5, s26;
	[tilespmem:v17+s13+$0x0] =	vst.idx.msk $0xffff, v14  }
0x150: {  	v11 =	vld [tilespmem:s3+$0x10];
	v15 =	vadd.s32 s0, v3;
	s0 =	sadd.s32 $0x6, s26;
	[tilespmem:v21+s13+$0x0] =	vst.idx.msk $0xffff, v20  }
0x151: {  	[tilespmem:v23+s13+$0x0] =	vst.idx.msk $0xffff, v22;
	v13 =	vld [tilespmem:s3+$0x20];
	v16 =	vadd.s32 s0, v3  }
0x152: {  	s11 =	sadd.s32 $0x8, s11;
	v17 =	vadd.s32 s26, v3;
	s0 =	sadd.s32 $0x7, s2;
	v14 =	vld [tilespmem:s3+$0xFFFFFFC0];
	[tilespmem:v25+s13+$0x0] =	vst.idx.msk $0xffff, v24;
	s3 =	sadd.s32 $0x80, s3  }
0x153: {  	_ =	sdelay $0x3  }
0x154: {  	s9 =	sadd.s32 $0x1, s2;
	v20 =	vld [tilespmem:s3+$0x30];
	v21 =	vadd.s32 s0, v3;
	[tilespmem:v18+s13+$0x0] =	vst.idx.msk $0xffff, v12  }
0x155: {  	v12 =	vld [tilespmem:s3+$0xFFFFFFD0];
	s14 =	sadd.s32 $0x2, s2;
	v18 =	vadd.s32 s9, v3;
	[tilespmem:v19+s13+$0x0] =	vst.idx.msk $0xffff, v10  }
0x156: {  	s26 =	sadd.s32 $0x3, s2;
	v10 =	vld [tilespmem:s3+$0xFFFFFFE0];
	v19 =	vadd.s32 s14, v3;
	[tilespmem:v15+s13+$0x0] =	vst.idx.msk $0xffff, v11  }
0x157: {  	s9 =	sadd.s32 $0x4, s2;
	v11 =	vld [tilespmem:s3+$0xFFFFFFF0];
	v15 =	vadd.s32 s26, v3;
	[tilespmem:v16+s13+$0x0] =	vst.idx.msk $0xffff, v13  }
0x158: {  	s11 =	sadd.s32 $0x5, s2;
	v13 =	vld [tilespmem:s3+$0x0];
	v16 =	vadd.s32 s9, v3;
	[tilespmem:v17+s13+$0x0] =	vst.idx.msk $0xffff, v14  }
0x159: {  	v14 =	vld [tilespmem:s3+$0x10];
	v17 =	vadd.s32 s11, v3;
	[tilespmem:v21+s13+$0x0] =	vst.idx.msk $0xffff, v20  }
0x15a: {  	v62 =	vadd.s32 s2, v3;
	s0 =	sadd.s32 $0x8, s31;
	s14 =	sadd.s32 $0x6, s2;
	v20 =	vld [tilespmem:s3+$0xFFFFFFC0];
	[tilespmem:v18+s13+$0x0] =	vst.idx.msk $0xffff, v12  }
0x15b: {  	p0 =	slt.s32 s0, s17;
	v12 =	vld [tilespmem:s3+$0x20];
	v18 =	vadd.s32 s14, v3;
	[tilespmem:v19+s13+$0x0] =	vst.idx.msk $0xffff, v10;
	s3 =	smov.u32 s17  }
0x15c: {  	[tilespmem:v15+s13+$0x0] =	vst.idx.msk $0xffff, v11;
	s3 =	smov.u32 @p0 s0  }
0x15d: {  	[tilespmem:v16+s13+$0x0] =	vst.idx.msk $0xffff, v13;
	s0 =	smulhi.u32 $0x4EC4EC4F, s3;
	s26 =	sshra.s32 s3, $0x1F  }
0x15e: {  	[tilespmem:v17+s13+$0x0] =	vst.idx.msk $0xffff, v14;
	s9 =	smul.u32 $0x4EC4EC4F, s26  }
0x15f: {  	[tilespmem:v62+s13+$0x0] =	vst.idx.msk $0xffff, v20  }
0x160: {  	s2 =	simm.s32 $0x0;
	[tilespmem:v18+s13+$0x0] =	vst.idx.msk $0xffff, v12;
	s0 =	sadd.s32 s9, s0  }
0x161: {  	[hbm4b:s4+s2] =	stream.linear.scatter [tilespmem:s13], [sflag:$0x9], $0xC80, $0x38;
	[tilespmem:$0xC600] =	vst v63  }
0x162: {  	s11 =	sshrl.u32 s0, $0x1F;
	s0 =	sshra.s32 s0, $0x3  }
0x163: {  	s0 =	sadd.s32 s11, s0  }
0x164: {  	s4 =	smul.u32 $0xFFFFFFE6, s0  }
0x165: {  	s14 =	ssub.s32 $0x0, s3  }
0x166: {  	p0 =	slt.s32 s3, $0x1;
	p1 =	sne.s32 s4, s14  }
0x167: {  	s26 =	ssub.s32 s3, s28;
	p0 =	por !p0, !p1  }
0x168: {  	s9 =	simm.s32 $0x1;
	s4 =	smul.u32 $0x320, s26;
	p0 =	por !p0, !p0  }
0x169: {  	s9 =	simm.s32 @!p0 $0x0  }
0x16a: {  	s4 =	sshra.s32 s4, $0x2;
	s0 =	ssub.s32 s0, s9  }
0x16b: {  	v10 =	vld [tilespmem:s4+$0x0];
	s0 =	smul.u32 $0xFFFFFFE6, s0;
	_ =	sdelay $0x1  }
0x16c: {  	s0 =	sadd.s32 s3, s0  }
0x16d: {  	s0 =	smul.u32 $0x186A0, s0;
	_ =	sdelay $0x1  }
0x16e: {  	v10 =	vadd.s32 s0, v10  }
0x16f: {  	[tilespmem:$0x1900] =	vst v10  }
0x170: {  	v10 =	vld [tilespmem:s4+$0x10];
	_ =	sdelay $0x4  }
0x171: {  	v10 =	vadd.s32 s0, v10  }
0x172: {  	[tilespmem:$0x1910] =	vst v10  }
0x173: {  	v10 =	vld [tilespmem:s4+$0x20];
	_ =	sdelay $0x4  }
0x174: {  	v10 =	vadd.s32 s0, v10  }
0x175: {  	[tilespmem:$0x1920] =	vst v10  }
0x176: {  	v10 =	vld [tilespmem:s4+$0x30];
	_ =	sdelay $0x4  }
0x177: {  	v10 =	vadd.s32 s0, v10  }
0x178: {  	[tilespmem:$0x1930] =	vst v10  }
0x179: {  	v10 =	vld [tilespmem:s4+$0x40];
	_ =	sdelay $0x4  }
0x17a: {  	v10 =	vadd.s32 s0, v10  }
0x17b: {  	[tilespmem:$0x1940] =	vst v10  }
0x17c: {  	v10 =	vld [tilespmem:s4+$0x50];
	_ =	sdelay $0x4  }
0x17d: {  	v10 =	vadd.s32 s0, v10  }
0x17e: {  	[tilespmem:$0x1950] =	vst v10  }
0x17f: {  	v10 =	vld [tilespmem:s4+$0x58];
	_ =	sdelay $0x4  }
0x180: {  	v10 =	vadd.s32 s0, v10  }
0x181: {  	[tilespmem:$0x1958] =	vst v10  }
0x182: {  	v10 =	vld [tilespmem:s4+$0x68];
	_ =	sdelay $0x4  }
0x183: {  	v10 =	vadd.s32 s0, v10  }
0x184: {  	[tilespmem:$0x1968] =	vst v10  }
0x185: {  	v10 =	vld [tilespmem:s4+$0x78];
	_ =	sdelay $0x4  }
0x186: {  	v10 =	vadd.s32 s0, v10  }
0x187: {  	[tilespmem:$0x1978] =	vst v10  }
0x188: {  	v10 =	vld [tilespmem:s4+$0x88];
	_ =	sdelay $0x4  }
0x189: {  	v10 =	vadd.s32 s0, v10  }
0x18a: {  	[tilespmem:$0x1988] =	vst v10  }
0x18b: {  	v10 =	vld [tilespmem:s4+$0x98];
	_ =	sdelay $0x4  }
0x18c: {  	v10 =	vadd.s32 s0, v10  }
0x18d: {  	[tilespmem:$0x1998] =	vst v10  }
0x18e: {  	v10 =	vld [tilespmem:s4+$0xA8];
	_ =	sdelay $0x4  }
0x18f: {  	v10 =	vadd.s32 s0, v10  }
0x190: {  	[tilespmem:$0x19A8] =	vst v10  }
0x191: {  	v10 =	vld [tilespmem:s4+$0xB8];
	_ =	sdelay $0x4  }
0x192: {  	v10 =	vadd.s32 s0, v10  }
0x193: {  	s3 =	simm.s32 $0x1900;
	s4 =	simm.s32 $0x1F80;
	[tilespmem:$0x19B8] =	vst v10  }
0x194: {  	[tilespmem:s4], [sflag:$0x1] =	stream.indirect.gather [hbm4b:s8+s20], $0x10, s3, s20, $0xb8;
	[tilespmem:$0xC600] =	vst v63  }
0x195: {  	s31 =	sadd.s32 s30, s1;
	s11 =	simm.s32 $0x2600;
	s9 =	simm.s32 $0x1968  }
0x196: {  	[tilespmem:s11], [sflag:$0x1] =	stream.indirect.gather [hbm4b:s8+s20], $0x10, s9, s20, $0xb8;
	[tilespmem:$0xC600] =	vst v63  }
0x197: {  	s4 =	sadd.s32 $0x1, s31;
	_ =	swait.ge [sflag:s12], $0x680  }
0x198: {  	s14 =	smulhi.u32 $0x4EC4EC4F, s4;
	s26 =	sshra.s32 s4, $0x1F;
	[sflag:s12] =	ssyncset.done $0x0  }
0x199: {  	s11 =	smul.u32 $0x4EC4EC4F, s26;
	[sflag:s12] =	ssyncadd.s32 $0xFFFFF980  }
0x19a: {  	_ =	swait.ge [sflag:s12], $0x680  }
0x19b: {  	s0 =	sadd.s32 s11, s14;
	[sflag:s12] =	ssyncset.done $0x0  }
0x19c: {  	s9 =	sshrl.u32 s0, $0x1F;
	s0 =	sshra.s32 s0, $0x3;
	[sflag:s12] =	ssyncadd.s32 $0xFFFFF980  }
0x19d: {  	s0 =	sadd.s32 s9, s0;
	_ =	swait.ge [sflag:s16], $0xC80  }
0x19e: {  	s14 =	simm.s32 $0x7;
	s0 =	sadd.s32 s26, s0;
	[sflag:s16] =	ssyncset.done $0x0  }
0x19f: {  	s26 =	simm.s32 $0x2CF0;
	s3 =	smul.u32 $0xFFFFFE6, s0;
	[sflag:s16] =	ssyncadd.s32 $0xFFFFF380  }
0x1a0: {  	s11 =	simm.s32 $0x1;
	v14 =	vadd.s32 s14, v9;
	v13 =	vld [tilespmem:s26+$0x0]  }
0x1a1: {  	v17 =	vadd.s32 s11, v9;
	s14 =	simm.s32 $0x2;
	s0 =	smul.u32 $0x157C0, s0;
	s3 =	sadd.s32 s4, s3;
	v16 =	vld [tilespmem:s26+$0xFFFFFFA0]  }
0x1a2: {  	s11 =	simm.s32 $0x3;
	v63 =	vadd.s32 s14, v9;
	s3 =	smul.u32 $0xC80, s3;
	v20 =	vld [tilespmem:s26+$0xFFFFFFB0]  }
0x1a3: {  	v18 =	vadd.s32 s11, v9;
	s9 =	simm.s32 $0x4;
	v12 =	vld [tilespmem:s26+$0xFFFFFFC0]  }
0x1a4: {  	s14 =	simm.s32 $0x5;
	v19 =	vadd.s32 s9, v9;
	v10 =	vld [tilespmem:s26+$0xFFFFFFD0];
	s0 =	sadd.s32 s3, s0  }
0x1a5: {  	v15 =	vadd.s32 s14, v9;
	s14 =	simm.s32 $0x6;
	v11 =	vld [tilespmem:s26+$0xFFFFFFE0];
	s0 =	sadd.s32 $0x12C0, s0;
	[tilespmem:v14+s13+$0x0] =	vst.idx.msk $0xffff, v13  }
0x1a6: {  	s11 =	simm.s32 $0x8;
	s9 =	simm.s32 $0xF;
	s0 =	sshrl.u32 s0, $0x3;
	[tilespmem:v17+s13+$0x0] =	vst.idx.msk $0xffff, v16;
	v13 =	vld [tilespmem:s26+$0xFFFFFFF0];
	v16 =	vadd.s32 s14, v9  }
0x1a7: {  	s3 =	sadd.s32 s5, s0;
	s0 =	simm.s32 $0x10;
	v14 =	vld [tilespmem:s26+$0xFFFFFF90];
	v17 =	vadd.s32 s2, v9;
	[tilespmem:v63+s13+$0x0] =	vst.idx.msk $0xffff, v20;
	s2 =	simm.s32 $0x2D70  }
.LBB2_8:
0x1a8: {  	p0 =	slt.u32 s0, $0xC0;
	s14 =	sadd.s32 $0x1, s11;
	v20 =	vld [tilespmem:s2+$0x0];
	v21 =	vadd.s32 s9, v9;
	[tilespmem:v18+s13+$0x0] =	vst.idx.msk $0xffff, v12;
	s26 =	smov.u32 s11  }
0x1a9: {  	s11 =	smov.u32 s0;
	v22 =	vld [tilespmem:s2+$0xFFFFFFA0];
	v23 =	vadd.s32 s14, v9;
	s9 =	sadd.s32 $0x2, s26;
	[tilespmem:v19+s13+$0x0] =	vst.idx.msk $0xffff, v10  }
0x1aa: {  	v24 =	vld [tilespmem:s2+$0xFFFFFFB0];
	v25 =	vadd.s32 s9, v9;
	s9 =	sadd.s32 $0x3, s26;
	[tilespmem:v15+s13+$0x0] =	vst.idx.msk $0xffff, v11  }
.Ltmp2:
0x1ab: {  	v12 =	vld [tilespmem:s2+$0xFFFFFFC0];
	v18 =	vadd.s32 s9, v9;
	s9 =	sadd.s32 $0x4, s26;
	[tilespmem:v16+s13+$0x0] =	vst.idx.msk $0xffff, v13;
	(pc) =	sbr.rel @p0 .LBB2_8-.Ltmp2, $4  }
0x1ac: {  	v10 =	vld [tilespmem:s2+$0xFFFFFFD0];
	v19 =	vadd.s32 s9, v9;
	s9 =	sadd.s32 $0x5, s26;
	[tilespmem:v17+s13+$0x0] =	vst.idx.msk $0xffff, v14  }
0x1ad: {  	v11 =	vld [tilespmem:s2+$0xFFFFFFE0];
	v15 =	vadd.s32 s9, v9;
	s9 =	sadd.s32 $0x6, s26;
	[tilespmem:v21+s13+$0x0] =	vst.idx.msk $0xffff, v20  }
0x1ae: {  	[tilespmem:v23+s13+$0x0] =	vst.idx.msk $0xffff, v22;
	v13 =	vld [tilespmem:s2+$0xFFFFFFF0];
	v16 =	vadd.s32 s9, v9  }
0x1af: {  	s0 =	sadd.s32 $0x8, s0;
	v17 =	vadd.s32 s26, v9;
	s9 =	sadd.s32 $0x7, s11;
	v14 =	vld [tilespmem:s2+$0xFFFFFF90];
	[tilespmem:v25+s13+$0x0] =	vst.idx.msk $0xffff, v24;
	s2 =	sadd.s32 $0x80, s2  }
0x1b0: {  	_ =	sdelay $0x3  }
0x1b1: {  	s0 =	sadd.s32 $0x1, s11;
	v20 =	vld [tilespmem:s2+$0x0];
	v21 =	vadd.s32 s9, v9;
	[tilespmem:v18+s13+$0x0] =	vst.idx.msk $0xffff, v12  }
0x1b2: {  	v12 =	vld [tilespmem:s2+$0xFFFFFFA0];
	s9 =	sadd.s32 $0x2, s11;
	v18 =	vadd.s32 s0, v9;
	[tilespmem:v19+s13+$0x0] =	vst.idx.msk $0xffff, v10  }
0x1b3: {  	s14 =	sadd.s32 $0x3, s11;
	v10 =	vld [tilespmem:s2+$0xFFFFFFB0];
	v19 =	vadd.s32 s9, v9;
	[tilespmem:v15+s13+$0x0] =	vst.idx.msk $0xffff, v11  }
0x1b4: {  	s26 =	sadd.s32 $0x4, s11;
	v11 =	vld [tilespmem:s2+$0xFFFFFFC0];
	v15 =	vadd.s32 s14, v9;
	[tilespmem:v16+s13+$0x0] =	vst.idx.msk $0xffff, v13  }
0x1b5: {  	s9 =	sadd.s32 $0x5, s11;
	v13 =	vld [tilespmem:s2+$0xFFFFFFD0];
	v16 =	vadd.s32 s26, v9;
	[tilespmem:v17+s13+$0x0] =	vst.idx.msk $0xffff, v14  }
0x1b6: {  	v14 =	vld [tilespmem:s2+$0xFFFFFFE0];
	v17 =	vadd.s32 s9, v9;
	[tilespmem:v21+s13+$0x0] =	vst.idx.msk $0xffff, v20  }
0x1b7: {  	v62 =	vadd.s32 s11, v9;
	s0 =	sadd.s32 $0x8, s4;
	s14 =	sadd.s32 $0x6, s11;
	v20 =	vld [tilespmem:s2+$0xFFFFFF90];
	[tilespmem:v18+s13+$0x0] =	vst.idx.msk $0xffff, v12  }
0x1b8: {  	s4 =	smov.u32 s17;
	p0 =	slt.s32 s0, s17;
	v12 =	vld [tilespmem:s2+$0xFFFFFFF0];
	v18 =	vadd.s32 s14, v9;
	[tilespmem:v19+s13+$0x0] =	vst.idx.msk $0xffff, v10  }
0x1b9: {  	s4 =	smov.u32 @p0 s0;
	[tilespmem:v15+s13+$0x0] =	vst.idx.msk $0xffff, v11  }
0x1ba: {  	s0 =	smulhi.u32 $0x4EC4EC4F, s4;
	s9 =	sshra.s32 s4, $0x1F;
	[tilespmem:v16+s13+$0x0] =	vst.idx.msk $0xffff, v13  }
0x1bb: {  	s11 =	smul.u32 $0x4EC4EC4F, s9;
	[tilespmem:v17+s13+$0x0] =	vst.idx.msk $0xffff, v14  }
0x1bc: {  	s26 =	ssub.s32 s4, s28;
	[tilespmem:v62+s13+$0x0] =	vst.idx.msk $0xffff, v20  }
0x1bd: {  	s2 =	simm.s32 $0x0;
	s14 =	simm.s32 $0xA6C0;
	s0 =	sadd.s32 s11, s0;
	[tilespmem:v18+s13+$0x0] =	vst.idx.msk $0xffff, v12  }
0x1be: {  	[hbm4b:s3+s2] =	stream.linear.scatter [tilespmem:s14], [sflag:$0xA], $0xC80, $0x38;
	[tilespmem:$0xC600] =	vst v63  }
0x1bf: {  	s11 =	sshrl.u32 s0, $0x1F;
	s0 =	sshrl.u32 s0, $0x3;
	s3 =	smul.u32 $0x320, s26  }
0x1c0: {  	s0 =	sadd.s32 s11, s0  }
0x1c1: {  	s0 =	sadd.s32 s9, s0;
	s3 =	sshra.s32 s3, $0x2  }
0x1c2: {  	s0 =	smul.u32 $0xFFFFFFE6, s0;
	v10 =	vld [tilespmem:s3+$0x0];
	_ =	sdelay $0x1  }
0x1c3: {  	s0 =	sadd.s32 s4, s0  }
0x1c4: {  	s0 =	smul.u32 $0x186A0, s0;
	_ =	sdelay $0x1  }
0x1c5: {  	v10 =	vadd.s32 s0, v10  }
0x1c6: {  	[tilespmem:$0x19D0] =	vst v10  }
0x1c7: {  	v10 =	vld [tilespmem:s3+$0x10];
	_ =	sdelay $0x4  }
0x1c8: {  	v10 =	vadd.s32 s0, v10  }
0x1c9: {  	[tilespmem:$0x19E0] =	vst v10  }
0x1ca: {  	v10 =	vld [tilespmem:s3+$0x20];
	_ =	sdelay $0x4  }
0x1cb: {  	v10 =	vadd.s32 s0, v10  }
0x1cc: {  	[tilespmem:$0x19F0] =	vst v10  }
0x1cd: {  	v10 =	vld [tilespmem:s3+$0x30];
	_ =	sdelay $0x4  }
0x1ce: {  	v10 =	vadd.s32 s0, v10  }
0x1cf: {  	[tilespmem:$0x1A00] =	vst v10  }
0x1d0: {  	v10 =	vld [tilespmem:s3+$0x40];
	_ =	sdelay $0x4  }
0x1d1: {  	v10 =	vadd.s32 s0, v10  }
0x1d2: {  	[tilespmem:$0x1A10] =	vst v10  }
0x1d3: {  	v10 =	vld [tilespmem:s3+$0x50];
	_ =	sdelay $0x4  }
0x1d4: {  	v10 =	vadd.s32 s0, v10  }
0x1d5: {  	[tilespmem:$0x1A20] =	vst v10  }
0x1d6: {  	v10 =	vld [tilespmem:s3+$0x58];
	_ =	sdelay $0x4  }
0x1d7: {  	v10 =	vadd.s32 s0, v10  }
0x1d8: {  	[tilespmem:$0x1A28] =	vst v10  }
0x1d9: {  	v10 =	vld [tilespmem:s3+$0x68];
	_ =	sdelay $0x4  }
0x1da: {  	v10 =	vadd.s32 s0, v10  }
0x1db: {  	[tilespmem:$0x1A38] =	vst v10  }
0x1dc: {  	v10 =	vld [tilespmem:s3+$0x78];
	_ =	sdelay $0x4  }
0x1dd: {  	v10 =	vadd.s32 s0, v10  }
0x1de: {  	[tilespmem:$0x1A48] =	vst v10  }
0x1df: {  	v10 =	vld [tilespmem:s3+$0x88];
	_ =	sdelay $0x4  }
0x1e0: {  	v10 =	vadd.s32 s0, v10  }
0x1e1: {  	[tilespmem:$0x1A58] =	vst v10  }
0x1e2: {  	v10 =	vld [tilespmem:s3+$0x98];
	_ =	sdelay $0x4  }
0x1e3: {  	v10 =	vadd.s32 s0, v10  }
0x1e4: {  	[tilespmem:$0x1A68] =	vst v10  }
0x1e5: {  	v10 =	vld [tilespmem:s3+$0xA8];
	_ =	sdelay $0x4  }
0x1e6: {  	v10 =	vadd.s32 s0, v10  }
0x1e7: {  	[tilespmem:$0x1A78] =	vst v10  }
0x1e8: {  	v10 =	vld [tilespmem:s3+$0xB8];
	_ =	sdelay $0x1  }
0x1e9: {  	s4 =	sor.u32 $0x2, s30  }
0x1ea: {  	s4 =	sadd.s32 s1, s4  }
0x1eb: {  	s9 =	sshra.s32 s4, $0x1F  }
0x1ec: {  	s3 =	smul.u32 $0x4EC4EC4F, s9;
	v10 =	vadd.s32 s0, v10  }
0x1ed: {  	s14 =	simm.s32 $0x19D0;
	s26 =	simm.s32 $0x2C80;
	s0 =	smulhi.u32 $0x4EC4EC4F, s4;
	[tilespmem:$0x1A88] =	vst v10  }
0x1ee: {  	[tilespmem:s26], [sflag:$0x2] =	stream.indirect.gather [hbm4b:s8+s20], $0x10, s14, s20, $0xb8;
	[tilespmem:$0xC600] =	vst v63  }
0x1ef: {  	s11 =	simm.s32 $0x1A38;
	s0 =	sadd.s32 s3, s0  }
0x1f0: {  	s14 =	simm.s32 $0x3300;
	s3 =	sshrl.u32 s0, $0x1F;
	s0 =	sshra.s32 s0, $0x3  }
0x1f1: {  	[tilespmem:s14], [sflag:$0x2] =	stream.indirect.gather [hbm4b:s8+s20], $0x10, s11, s20, $0xb8;
	[tilespmem:$0xC600] =	vst v63  }
0x1f2: {  	s0 =	sadd.s32 s3, s0;
	_ =	swait.ge [sflag:s7], $0x680  }
0x1f3: {  	s3 =	smul.u32 $0xFFFFFFE6, s0;
	[sflag:s7] =	ssyncset.done $0x0  }
0x1f4: {  	s26 =	ssub.s32 $0x0, s4;
	[sflag:s7] =	ssyncadd.s32 $0xFFFFF980  }
0x1f5: {  	p6 =	slt.s32 s4, $0x0;
	p1 =	sne.s32 s3, s26;
	_ =	swait.ge [sflag:s7], $0x680  }
0x1f6: {  	p0 =	por !p6, !p1;
	[sflag:s7] =	ssyncset.done $0x0  }
0x1f7: {  	s3 =	simm.s32 $0x1;
	p0 =	por !p0, !p0;
	[sflag:s7] =	ssyncadd.s32 $0xFFFFF980  }
0x1f8: {  	s3 =	simm.s32 @!p0 $0x0;
	_ =	swait.ge [sflag:s18], $0xC80  }
0x1f9: {  	s14 =	simm.s32 $0x39F0;
	s0 =	ssub.s32 s0, s3;
	[sflag:s18] =	ssyncset.done $0x0  }
0x1fa: {  	s11 =	simm.s32 $0x7;
	s3 =	smul.u32 $0xFFFFFE6, s0;
	[sflag:s18] =	ssyncadd.s32 $0xFFFFF380  }
0x1fb: {  	v14 =	vadd.s32 s11, v3;
	s26 =	simm.s32 $0x1;
	v13 =	vld [tilespmem:s14+$0x0]  }
0x1fc: {  	v17 =	vadd.s32 s26, v3;
	s26 =	simm.s32 $0x2;
	s0 =	smul.u32 $0x157C0, s0;
	s3 =	sadd.s32 s4, s3;
	v16 =	vld [tilespmem:s14+$0xFFFFFFA0]  }
0x1fd: {  	s11 =	simm.s32 $0x3;
	v63 =	vadd.s32 s26, v3;
	v20 =	vld [tilespmem:s14+$0xFFFFFFB0];
	s3 =	smul.u32 $0xC80, s3  }
0x1fe: {  	s9 =	simm.s32 $0x4;
	v18 =	vadd.s32 s11, v3;
	v12 =	vld [tilespmem:s14+$0xFFFFFFC0]  }
0x1ff: {  	v19 =	vadd.s32 s9, v3;
	s26 =	simm.s32 $0x5;
	v10 =	vld [tilespmem:s14+$0xFFFFFFD0];
	s0 =	sadd.s32 s3, s0  }
0x200: {  	v15 =	vadd.s32 s26, v3;
	s26 =	simm.s32 $0x6;
	v11 =	vld [tilespmem:s14+$0xFFFFFFE0];
	s0 =	sadd.s32 $0x12C0, s0;
	[tilespmem:v14+s13+$0x0] =	vst.idx.msk $0xffff, v13  }
0x201: {  	s9 =	simm.s32 $0xF;
	s11 =	simm.s32 $0x8;
	s0 =	sshrl.u32 s0, $0x3;
	[tilespmem:v17+s13+$0x0] =	vst.idx.msk $0xffff, v16;
	v13 =	vld [tilespmem:s14+$0xFFFFFFF0];
	v16 =	vadd.s32 s26, v3  }
0x202: {  	v14 =	vld [tilespmem:s14+$0xFFFFFF90];
	v17 =	vadd.s32 s2, v3;
	[tilespmem:v63+s13+$0x0] =	vst.idx.msk $0xffff, v20;
	s2 =	simm.s32 $0x3A70;
	s3 =	sadd.s32 s5, s0;
	s0 =	simm.s32 $0x10  }
.LBB2_10:
0x203: {  	p0 =	slt.u32 s0, $0xC0;
	s14 =	sadd.s32 $0x1, s11;
	v20 =	vld [tilespmem:s2+$0x0];
	v21 =	vadd.s32 s9, v3;
	[tilespmem:v18+s13+$0x0] =	vst.idx.msk $0xffff, v12;
	s26 =	smov.u32 s11  }
0x204: {  	s11 =	smov.u32 s0;
	v22 =	vld [tilespmem:s2+$0xFFFFFFA0];
	v23 =	vadd.s32 s14, v3;
	s9 =	sadd.s32 $0x2, s26;
	[tilespmem:v19+s13+$0x0] =	vst.idx.msk $0xffff, v10  }
0x205: {  	v24 =	vld [tilespmem:s2+$0xFFFFFFB0];
	v25 =	vadd.s32 s9, v3;
	s9 =	sadd.s32 $0x3, s26;
	[tilespmem:v15+s13+$0x0] =	vst.idx.msk $0xffff, v11  }
.Ltmp3:
0x206: {  	v12 =	vld [tilespmem:s2+$0xFFFFFFC0];
	v18 =	vadd.s32 s9, v3;
	s9 =	sadd.s32 $0x4, s26;
	[tilespmem:v16+s13+$0x0] =	vst.idx.msk $0xffff, v13;
	(pc) =	sbr.rel @p0 .LBB2_10-.Ltmp3, $4  }
0x207: {  	v10 =	vld [tilespmem:s2+$0xFFFFFFD0];
	v19 =	vadd.s32 s9, v3;
	s9 =	sadd.s32 $0x5, s26;
	[tilespmem:v17+s13+$0x0] =	vst.idx.msk $0xffff, v14  }
0x208: {  	v11 =	vld [tilespmem:s2+$0xFFFFFFE0];
	v15 =	vadd.s32 s9, v3;
	s9 =	sadd.s32 $0x6, s26;
	[tilespmem:v21+s13+$0x0] =	vst.idx.msk $0xffff, v20  }
0x209: {  	[tilespmem:v23+s13+$0x0] =	vst.idx.msk $0xffff, v22;
	v13 =	vld [tilespmem:s2+$0xFFFFFFF0];
	v16 =	vadd.s32 s9, v3  }
0x20a: {  	s0 =	sadd.s32 $0x8, s0;
	v17 =	vadd.s32 s26, v3;
	s9 =	sadd.s32 $0x7, s11;
	v14 =	vld [tilespmem:s2+$0xFFFFFF90];
	[tilespmem:v25+s13+$0x0] =	vst.idx.msk $0xffff, v24;
	s2 =	sadd.s32 $0x80, s2  }
0x20b: {  	_ =	sdelay $0x3  }
0x20c: {  	s0 =	sadd.s32 $0x1, s11;
	v20 =	vld [tilespmem:s2+$0x0];
	v21 =	vadd.s32 s9, v3;
	[tilespmem:v18+s13+$0x0] =	vst.idx.msk $0xffff, v12  }
0x20d: {  	v12 =	vld [tilespmem:s2+$0xFFFFFFA0];
	s26 =	sadd.s32 $0x2, s11;
	v18 =	vadd.s32 s0, v3;
	[tilespmem:v19+s13+$0x0] =	vst.idx.msk $0xffff, v10  }
0x20e: {  	s9 =	sadd.s32 $0x3, s11;
	v10 =	vld [tilespmem:s2+$0xFFFFFFB0];
	v19 =	vadd.s32 s26, v3;
	[tilespmem:v15+s13+$0x0] =	vst.idx.msk $0xffff, v11  }
0x20f: {  	s14 =	sadd.s32 $0x4, s11;
	v11 =	vld [tilespmem:s2+$0xFFFFFFC0];
	v15 =	vadd.s32 s9, v3;
	[tilespmem:v16+s13+$0x0] =	vst.idx.msk $0xffff, v13  }
0x210: {  	s26 =	sadd.s32 $0x5, s11;
	s0 =	sadd.s32 $0x8, s4;
	v13 =	vld [tilespmem:s2+$0xFFFFFFD0];
	v16 =	vadd.s32 s14, v3;
	[tilespmem:v17+s13+$0x0] =	vst.idx.msk $0xffff, v14  }
0x211: {  	s4 =	smov.u32 s17;
	p0 =	slt.s32 s0, s17;
	v14 =	vld [tilespmem:s2+$0xFFFFFFE0];
	v17 =	vadd.s32 s26, v3;
	[tilespmem:v21+s13+$0x0] =	vst.idx.msk $0xffff, v20  }
0x212: {  	v62 =	vadd.s32 s11, v3;
	s9 =	sadd.s32 $0x6, s11;
	s4 =	smov.u32 @p0 s0;
	v20 =	vld [tilespmem:s2+$0xFFFFFF90];
	[tilespmem:v18+s13+$0x0] =	vst.idx.msk $0xffff, v12  }
0x213: {  	s0 =	smulhi.u32 $0x4EC4EC4F, s4;
	s11 =	sshra.s32 s4, $0x1F;
	v12 =	vld [tilespmem:s2+$0xFFFFFFF0];
	v18 =	vadd.s32 s9, v3;
	[tilespmem:v19+s13+$0x0] =	vst.idx.msk $0xffff, v10  }
0x214: {  	s9 =	smul.u32 $0x4EC4EC4F, s11;
	[tilespmem:v15+s13+$0x0] =	vst.idx.msk $0xffff, v11  }
0x215: {  	[tilespmem:v16+s13+$0x0] =	vst.idx.msk $0xffff, v13  }
0x216: {  	s0 =	sadd.s32 s9, s0;
	[tilespmem:v17+s13+$0x0] =	vst.idx.msk $0xffff, v14  }
0x217: {  	s14 =	sshrl.u32 s0, $0x1F;
	s0 =	sshra.s32 s0, $0x3;
	[tilespmem:v62+s13+$0x0] =	vst.idx.msk $0xffff, v20  }
0x218: {  	s2 =	simm.s32 $0x0;
	s0 =	sadd.s32 s14, s0;
	[tilespmem:v18+s13+$0x0] =	vst.idx.msk $0xffff, v12  }
0x219: {  	[hbm4b:s3+s2] =	stream.linear.scatter [tilespmem:s13], [sflag:$0x9], $0xC80, $0x38;
	[tilespmem:$0xC600] =	vst v63  }
0x21a: {  	s3 =	smul.u32 $0xFFFFFFE6, s0  }
0x21b: {  	s26 =	ssub.s32 $0x0, s4  }
0x21c: {  	p0 =	slt.s32 s4, $0x0;
	p1 =	sne.s32 s3, s26  }
0x21d: {  	s11 =	ssub.s32 s4, s28;
	p0 =	por !p0, !p1  }
0x21e: {  	s9 =	simm.s32 $0x1;
	s3 =	smul.u32 $0x320, s11;
	p0 =	por !p0, !p0  }
0x21f: {  	s9 =	simm.s32 @!p0 $0x0  }
0x220: {  	s3 =	sshra.s32 s3, $0x2;
	s0 =	ssub.s32 s0, s9  }
0x221: {  	v10 =	vld [tilespmem:s3+$0x0];
	s0 =	smul.u32 $0xFFFFFFE6, s0;
	_ =	sdelay $0x1  }
0x222: {  	s0 =	sadd.s32 s4, s0  }
0x223: {  	s0 =	smul.u32 $0x186A0, s0;
	_ =	sdelay $0x1  }
0x224: {  	v10 =	vadd.s32 s0, v10  }
0x225: {  	[tilespmem:$0x1AA0] =	vst v10  }
0x226: {  	v10 =	vld [tilespmem:s3+$0x10];
	_ =	sdelay $0x4  }
0x227: {  	v10 =	vadd.s32 s0, v10  }
0x228: {  	[tilespmem:$0x1AB0] =	vst v10  }
0x229: {  	v10 =	vld [tilespmem:s3+$0x20];
	_ =	sdelay $0x4  }
0x22a: {  	v10 =	vadd.s32 s0, v10  }
0x22b: {  	[tilespmem:$0x1AC0] =	vst v10  }
0x22c: {  	v10 =	vld [tilespmem:s3+$0x30];
	_ =	sdelay $0x4  }
0x22d: {  	v10 =	vadd.s32 s0, v10  }
0x22e: {  	[tilespmem:$0x1AD0] =	vst v10  }
0x22f: {  	v10 =	vld [tilespmem:s3+$0x40];
	_ =	sdelay $0x4  }
0x230: {  	v10 =	vadd.s32 s0, v10  }
0x231: {  	[tilespmem:$0x1AE0] =	vst v10  }
0x232: {  	v10 =	vld [tilespmem:s3+$0x50];
	_ =	sdelay $0x4  }
0x233: {  	v10 =	vadd.s32 s0, v10  }
0x234: {  	[tilespmem:$0x1AF0] =	vst v10  }
0x235: {  	v10 =	vld [tilespmem:s3+$0x58];
	_ =	sdelay $0x4  }
0x236: {  	v10 =	vadd.s32 s0, v10  }
0x237: {  	[tilespmem:$0x1AF8] =	vst v10  }
0x238: {  	v10 =	vld [tilespmem:s3+$0x68];
	_ =	sdelay $0x4  }
0x239: {  	v10 =	vadd.s32 s0, v10  }
0x23a: {  	[tilespmem:$0x1B08] =	vst v10  }
0x23b: {  	v10 =	vld [tilespmem:s3+$0x78];
	_ =	sdelay $0x4  }
0x23c: {  	v10 =	vadd.s32 s0, v10  }
0x23d: {  	[tilespmem:$0x1B18] =	vst v10  }
0x23e: {  	v10 =	vld [tilespmem:s3+$0x88];
	_ =	sdelay $0x4  }
0x23f: {  	v10 =	vadd.s32 s0, v10  }
0x240: {  	[tilespmem:$0x1B28] =	vst v10  }
0x241: {  	v10 =	vld [tilespmem:s3+$0x98];
	_ =	sdelay $0x4  }
0x242: {  	v10 =	vadd.s32 s0, v10  }
0x243: {  	[tilespmem:$0x1B38] =	vst v10  }
0x244: {  	v10 =	vld [tilespmem:s3+$0xA8];
	_ =	sdelay $0x4  }
0x245: {  	v10 =	vadd.s32 s0, v10  }
0x246: {  	[tilespmem:$0x1B48] =	vst v10  }
0x247: {  	v10 =	vld [tilespmem:s3+$0xB8];
	_ =	sdelay $0x4  }
0x248: {  	v10 =	vadd.s32 s0, v10  }
0x249: {  	s14 =	simm.s32 $0x1AA0;
	s26 =	simm.s32 $0x3980;
	[tilespmem:$0x1B58] =	vst v10  }
0x24a: {  	[tilespmem:s26], [sflag:$0x3] =	stream.indirect.gather [hbm4b:s8+s20], $0x10, s14, s20, $0xb8;
	[tilespmem:$0xC600] =	vst v63  }
0x24b: {  	s9 =	simm.s32 $0x4000;
	s4 =	simm.s32 $0x1B08  }
0x24c: {  	[tilespmem:s9], [sflag:$0x3] =	stream.indirect.gather [hbm4b:s8+s20], $0x10, s4, s20, $0xb8;
	[tilespmem:$0xC600] =	vst v63  }
0x24d: {  	s4 =	sadd.s32 $0x3, s31;
	_ =	swait.ge [sflag:s21], $0x680  }
0x24e: {  	s11 =	smulhi.u32 $0x4EC4EC4F, s4;
	s14 =	sshra.s32 s4, $0x1F;
	[sflag:s21] =	ssyncset.done $0x0  }
0x24f: {  	s26 =	smul.u32 $0x4EC4EC4F, s14;
	[sflag:s21] =	ssyncadd.s32 $0xFFFFF980  }
0x250: {  	_ =	swait.ge [sflag:s21], $0x680  }
0x251: {  	s0 =	sadd.s32 s26, s11;
	[sflag:s21] =	ssyncset.done $0x0  }
0x252: {  	s9 =	sshrl.u32 s0, $0x1F;
	s0 =	sshra.s32 s0, $0x3;
	[sflag:s21] =	ssyncadd.s32 $0xFFFFF980  }
0x253: {  	s0 =	sadd.s32 s9, s0;
	_ =	swait.ge [sflag:s16], $0xC80  }
0x254: {  	s11 =	simm.s32 $0x7;
	s0 =	sadd.s32 s14, s0;
	[sflag:s16] =	ssyncset.done $0x0  }
0x255: {  	s14 =	simm.s32 $0x46F0;
	s3 =	smul.u32 $0xFFFFFE6, s0;
	[sflag:s16] =	ssyncadd.s32 $0xFFFFF380  }
0x256: {  	s26 =	simm.s32 $0x1;
	v14 =	vadd.s32 s11, v9;
	v13 =	vld [tilespmem:s14+$0x0]  }
0x257: {  	v17 =	vadd.s32 s26, v9;
	s26 =	simm.s32 $0x2;
	s0 =	smul.u32 $0x157C0, s0;
	s3 =	sadd.s32 s4, s3;
	v16 =	vld [tilespmem:s14+$0xFFFFFFA0]  }
0x258: {  	s11 =	simm.s32 $0x3;
	v63 =	vadd.s32 s26, v9;
	v20 =	vld [tilespmem:s14+$0xFFFFFFB0];
	s3 =	smul.u32 $0xC80, s3  }
0x259: {  	v18 =	vadd.s32 s11, v9;
	s9 =	simm.s32 $0x4;
	v12 =	vld [tilespmem:s14+$0xFFFFFFC0]  }
0x25a: {  	s26 =	simm.s32 $0x5;
	v19 =	vadd.s32 s9, v9;
	v10 =	vld [tilespmem:s14+$0xFFFFFFD0];
	s0 =	sadd.s32 s3, s0  }
0x25b: {  	v15 =	vadd.s32 s26, v9;
	s26 =	simm.s32 $0x6;
	v11 =	vld [tilespmem:s14+$0xFFFFFFE0];
	s0 =	sadd.s32 $0x12C0, s0;
	[tilespmem:v14+s13+$0x0] =	vst.idx.msk $0xffff, v13  }
0x25c: {  	s11 =	simm.s32 $0x8;
	s9 =	simm.s32 $0xF;
	s0 =	sshrl.u32 s0, $0x3;
	[tilespmem:v17+s13+$0x0] =	vst.idx.msk $0xffff, v16;
	v13 =	vld [tilespmem:s14+$0xFFFFFFF0];
	v16 =	vadd.s32 s26, v9  }
0x25d: {  	v14 =	vld [tilespmem:s14+$0xFFFFFF90];
	v17 =	vadd.s32 s2, v9;
	[tilespmem:v63+s13+$0x0] =	vst.idx.msk $0xffff, v20;
	s2 =	simm.s32 $0x4770;
	s3 =	sadd.s32 s5, s0;
	s0 =	simm.s32 $0x10  }
.LBB2_12:
0x25e: {  	p0 =	slt.u32 s0, $0xC0;
	s14 =	sadd.s32 $0x1, s11;
	v20 =	vld [tilespmem:s2+$0x0];
	v21 =	vadd.s32 s9, v9;
	[tilespmem:v18+s13+$0x0] =	vst.idx.msk $0xffff, v12;
	s26 =	smov.u32 s11  }
0x25f: {  	s11 =	smov.u32 s0;
	v22 =	vld [tilespmem:s2+$0xFFFFFFA0];
	v23 =	vadd.s32 s14, v9;
	s9 =	sadd.s32 $0x2, s26;
	[tilespmem:v19+s13+$0x0] =	vst.idx.msk $0xffff, v10  }
0x260: {  	v24 =	vld [tilespmem:s2+$0xFFFFFFB0];
	v25 =	vadd.s32 s9, v9;
	s9 =	sadd.s32 $0x3, s26;
	[tilespmem:v15+s13+$0x0] =	vst.idx.msk $0xffff, v11  }
.Ltmp4:
0x261: {  	v12 =	vld [tilespmem:s2+$0xFFFFFFC0];
	v18 =	vadd.s32 s9, v9;
	s9 =	sadd.s32 $0x4, s26;
	[tilespmem:v16+s13+$0x0] =	vst.idx.msk $0xffff, v13;
	(pc) =	sbr.rel @p0 .LBB2_12-.Ltmp4, $4  }
0x262: {  	v10 =	vld [tilespmem:s2+$0xFFFFFFD0];
	v19 =	vadd.s32 s9, v9;
	s9 =	sadd.s32 $0x5, s26;
	[tilespmem:v17+s13+$0x0] =	vst.idx.msk $0xffff, v14  }
0x263: {  	v11 =	vld [tilespmem:s2+$0xFFFFFFE0];
	v15 =	vadd.s32 s9, v9;
	s9 =	sadd.s32 $0x6, s26;
	[tilespmem:v21+s13+$0x0] =	vst.idx.msk $0xffff, v20  }
0x264: {  	[tilespmem:v23+s13+$0x0] =	vst.idx.msk $0xffff, v22;
	v13 =	vld [tilespmem:s2+$0xFFFFFFF0];
	v16 =	vadd.s32 s9, v9  }
0x265: {  	s0 =	sadd.s32 $0x8, s0;
	v17 =	vadd.s32 s26, v9;
	s9 =	sadd.s32 $0x7, s11;
	v14 =	vld [tilespmem:s2+$0xFFFFFF90];
	[tilespmem:v25+s13+$0x0] =	vst.idx.msk $0xffff, v24;
	s2 =	sadd.s32 $0x80, s2  }
0x266: {  	_ =	sdelay $0x3  }
0x267: {  	s0 =	sadd.s32 $0x1, s11;
	v20 =	vld [tilespmem:s2+$0x0];
	v21 =	vadd.s32 s9, v9;
	[tilespmem:v18+s13+$0x0] =	vst.idx.msk $0xffff, v12  }
0x268: {  	v12 =	vld [tilespmem:s2+$0xFFFFFFA0];
	s9 =	sadd.s32 $0x2, s11;
	v18 =	vadd.s32 s0, v9;
	[tilespmem:v19+s13+$0x0] =	vst.idx.msk $0xffff, v10  }
0x269: {  	s14 =	sadd.s32 $0x3, s11;
	v10 =	vld [tilespmem:s2+$0xFFFFFFB0];
	v19 =	vadd.s32 s9, v9;
	[tilespmem:v15+s13+$0x0] =	vst.idx.msk $0xffff, v11  }
0x26a: {  	s26 =	sadd.s32 $0x4, s11;
	v11 =	vld [tilespmem:s2+$0xFFFFFFC0];
	v15 =	vadd.s32 s14, v9;
	[tilespmem:v16+s13+$0x0] =	vst.idx.msk $0xffff, v13  }
0x26b: {  	s9 =	sadd.s32 $0x5, s11;
	v13 =	vld [tilespmem:s2+$0xFFFFFFD0];
	v16 =	vadd.s32 s26, v9;
	[tilespmem:v17+s13+$0x0] =	vst.idx.msk $0xffff, v14  }
0x26c: {  	v14 =	vld [tilespmem:s2+$0xFFFFFFE0];
	v17 =	vadd.s32 s9, v9;
	[tilespmem:v21+s13+$0x0] =	vst.idx.msk $0xffff, v20  }
0x26d: {  	v62 =	vadd.s32 s11, v9;
	s0 =	sadd.s32 $0x8, s4;
	s14 =	sadd.s32 $0x6, s11;
	v20 =	vld [tilespmem:s2+$0xFFFFFF90];
	[tilespmem:v18+s13+$0x0] =	vst.idx.msk $0xffff, v12  }
0x26e: {  	s4 =	smov.u32 s17;
	p0 =	slt.s32 s0, s17;
	v12 =	vld [tilespmem:s2+$0xFFFFFFF0];
	v18 =	vadd.s32 s14, v9;
	[tilespmem:v19+s13+$0x0] =	vst.idx.msk $0xffff, v10  }
0x26f: {  	s4 =	smov.u32 @p0 s0;
	[tilespmem:v15+s13+$0x0] =	vst.idx.msk $0xffff, v11  }
0x270: {  	s0 =	smulhi.u32 $0x4EC4EC4F, s4;
	s9 =	sshra.s32 s4, $0x1F;
	[tilespmem:v16+s13+$0x0] =	vst.idx.msk $0xffff, v13  }
0x271: {  	s11 =	smul.u32 $0x4EC4EC4F, s9;
	[tilespmem:v17+s13+$0x0] =	vst.idx.msk $0xffff, v14  }
0x272: {  	s26 =	ssub.s32 s4, s28;
	[tilespmem:v62+s13+$0x0] =	vst.idx.msk $0xffff, v20  }
0x273: {  	s2 =	simm.s32 $0x0;
	s14 =	simm.s32 $0xA6C0;
	s0 =	sadd.s32 s11, s0;
	[tilespmem:v18+s13+$0x0] =	vst.idx.msk $0xffff, v12  }
0x274: {  	[hbm4b:s3+s2] =	stream.linear.scatter [tilespmem:s14], [sflag:$0xA], $0xC80, $0x38;
	[tilespmem:$0xC600] =	vst v63  }
0x275: {  	s11 =	sshrl.u32 s0, $0x1F;
	s0 =	sshrl.u32 s0, $0x3;
	s3 =	smul.u32 $0x320, s26  }
0x276: {  	s0 =	sadd.s32 s11, s0  }
0x277: {  	s0 =	sadd.s32 s9, s0;
	s3 =	sshra.s32 s3, $0x2  }
0x278: {  	s0 =	smul.u32 $0xFFFFFFE6, s0;
	v10 =	vld [tilespmem:s3+$0x0];
	_ =	sdelay $0x1  }
0x279: {  	s0 =	sadd.s32 s4, s0  }
0x27a: {  	s0 =	smul.u32 $0x186A0, s0;
	_ =	sdelay $0x1  }
0x27b: {  	v10 =	vadd.s32 s0, v10  }
0x27c: {  	[tilespmem:$0x1B70] =	vst v10  }
0x27d: {  	v10 =	vld [tilespmem:s3+$0x10];
	_ =	sdelay $0x4  }
0x27e: {  	v10 =	vadd.s32 s0, v10  }
0x27f: {  	[tilespmem:$0x1B80] =	vst v10  }
0x280: {  	v10 =	vld [tilespmem:s3+$0x20];
	_ =	sdelay $0x4  }
0x281: {  	v10 =	vadd.s32 s0, v10  }
0x282: {  	[tilespmem:$0x1B90] =	vst v10  }
0x283: {  	v10 =	vld [tilespmem:s3+$0x30];
	_ =	sdelay $0x4  }
0x284: {  	v10 =	vadd.s32 s0, v10  }
0x285: {  	[tilespmem:$0x1BA0] =	vst v10  }
0x286: {  	v10 =	vld [tilespmem:s3+$0x40];
	_ =	sdelay $0x4  }
0x287: {  	v10 =	vadd.s32 s0, v10  }
0x288: {  	[tilespmem:$0x1BB0] =	vst v10  }
0x289: {  	v10 =	vld [tilespmem:s3+$0x50];
	_ =	sdelay $0x4  }
0x28a: {  	v10 =	vadd.s32 s0, v10  }
0x28b: {  	[tilespmem:$0x1BC0] =	vst v10  }
0x28c: {  	v10 =	vld [tilespmem:s3+$0x58];
	_ =	sdelay $0x4  }
0x28d: {  	v10 =	vadd.s32 s0, v10  }
0x28e: {  	[tilespmem:$0x1BC8] =	vst v10  }
0x28f: {  	v10 =	vld [tilespmem:s3+$0x68];
	_ =	sdelay $0x4  }
0x290: {  	v10 =	vadd.s32 s0, v10  }
0x291: {  	[tilespmem:$0x1BD8] =	vst v10  }
0x292: {  	v10 =	vld [tilespmem:s3+$0x78];
	_ =	sdelay $0x4  }
0x293: {  	v10 =	vadd.s32 s0, v10  }
0x294: {  	[tilespmem:$0x1BE8] =	vst v10  }
0x295: {  	v10 =	vld [tilespmem:s3+$0x88];
	_ =	sdelay $0x4  }
0x296: {  	v10 =	vadd.s32 s0, v10  }
0x297: {  	[tilespmem:$0x1BF8] =	vst v10  }
0x298: {  	v10 =	vld [tilespmem:s3+$0x98];
	_ =	sdelay $0x4  }
0x299: {  	v10 =	vadd.s32 s0, v10  }
0x29a: {  	[tilespmem:$0x1C08] =	vst v10  }
0x29b: {  	v10 =	vld [tilespmem:s3+$0xA8];
	_ =	sdelay $0x4  }
0x29c: {  	v10 =	vadd.s32 s0, v10  }
0x29d: {  	[tilespmem:$0x1C18] =	vst v10  }
0x29e: {  	v10 =	vld [tilespmem:s3+$0xB8];
	_ =	sdelay $0x1  }
0x29f: {  	s4 =	sor.u32 $0x4, s30  }
0x2a0: {  	s4 =	sadd.s32 s1, s4  }
0x2a1: {  	s9 =	sshra.s32 s4, $0x1F  }
0x2a2: {  	s3 =	smul.u32 $0x4EC4EC4F, s9;
	v10 =	vadd.s32 s0, v10  }
0x2a3: {  	s14 =	simm.s32 $0x1B70;
	s26 =	simm.s32 $0x4680;
	s0 =	smulhi.u32 $0x4EC4EC4F, s4;
	[tilespmem:$0x1C28] =	vst v10  }
0x2a4: {  	[tilespmem:s26], [sflag:$0x4] =	stream.indirect.gather [hbm4b:s8+s20], $0x10, s14, s20, $0xb8;
	[tilespmem:$0xC600] =	vst v63  }
0x2a5: {  	s11 =	simm.s32 $0x1BD8;
	s0 =	sadd.s32 s3, s0  }
0x2a6: {  	s14 =	simm.s32 $0x4D00;
	s3 =	sshrl.u32 s0, $0x1F;
	s0 =	sshra.s32 s0, $0x3  }
0x2a7: {  	[tilespmem:s14], [sflag:$0x4] =	stream.indirect.gather [hbm4b:s8+s20], $0x10, s11, s20, $0xb8;
	[tilespmem:$0xC600] =	vst v63  }
0x2a8: {  	s0 =	sadd.s32 s3, s0;
	_ =	swait.ge [sflag:s22], $0x680  }
0x2a9: {  	s3 =	smul.u32 $0xFFFFFFE6, s0;
	[sflag:s22] =	ssyncset.done $0x0  }
0x2aa: {  	s26 =	ssub.s32 $0x0, s4;
	[sflag:s22] =	ssyncadd.s32 $0xFFFFF980  }
0x2ab: {  	p6 =	slt.s32 s4, $0x0;
	p1 =	sne.s32 s3, s26;
	_ =	swait.ge [sflag:s22], $0x680  }
0x2ac: {  	p0 =	por !p6, !p1;
	[sflag:s22] =	ssyncset.done $0x0  }
0x2ad: {  	s3 =	simm.s32 $0x1;
	p0 =	por !p0, !p0;
	[sflag:s22] =	ssyncadd.s32 $0xFFFFF980  }
0x2ae: {  	s3 =	simm.s32 @!p0 $0x0;
	_ =	swait.ge [sflag:s18], $0xC80  }
0x2af: {  	s14 =	simm.s32 $0x53F0;
	s0 =	ssub.s32 s0, s3;
	[sflag:s18] =	ssyncset.done $0x0  }
0x2b0: {  	s11 =	simm.s32 $0x7;
	s3 =	smul.u32 $0xFFFFFE6, s0;
	[sflag:s18] =	ssyncadd.s32 $0xFFFFF380  }
0x2b1: {  	v14 =	vadd.s32 s11, v3;
	s26 =	simm.s32 $0x1;
	v13 =	vld [tilespmem:s14+$0x0]  }
0x2b2: {  	v17 =	vadd.s32 s26, v3;
	s26 =	simm.s32 $0x2;
	s0 =	smul.u32 $0x157C0, s0;
	s3 =	sadd.s32 s4, s3;
	v16 =	vld [tilespmem:s14+$0xFFFFFFA0]  }
0x2b3: {  	s11 =	simm.s32 $0x3;
	v63 =	vadd.s32 s26, v3;
	v20 =	vld [tilespmem:s14+$0xFFFFFFB0];
	s3 =	smul.u32 $0xC80, s3  }
0x2b4: {  	s9 =	simm.s32 $0x4;
	v18 =	vadd.s32 s11, v3;
	v12 =	vld [tilespmem:s14+$0xFFFFFFC0]  }
0x2b5: {  	v19 =	vadd.s32 s9, v3;
	s26 =	simm.s32 $0x5;
	v10 =	vld [tilespmem:s14+$0xFFFFFFD0];
	s0 =	sadd.s32 s3, s0  }
0x2b6: {  	v15 =	vadd.s32 s26, v3;
	s26 =	simm.s32 $0x6;
	v11 =	vld [tilespmem:s14+$0xFFFFFFE0];
	s0 =	sadd.s32 $0x12C0, s0;
	[tilespmem:v14+s13+$0x0] =	vst.idx.msk $0xffff, v13  }
0x2b7: {  	s9 =	simm.s32 $0xF;
	s11 =	simm.s32 $0x8;
	s0 =	sshrl.u32 s0, $0x3;
	[tilespmem:v17+s13+$0x0] =	vst.idx.msk $0xffff, v16;
	v13 =	vld [tilespmem:s14+$0xFFFFFFF0];
	v16 =	vadd.s32 s26, v3  }
0x2b8: {  	v14 =	vld [tilespmem:s14+$0xFFFFFF90];
	v17 =	vadd.s32 s2, v3;
	[tilespmem:v63+s13+$0x0] =	vst.idx.msk $0xffff, v20;
	s2 =	simm.s32 $0x5470;
	s3 =	sadd.s32 s5, s0;
	s0 =	simm.s32 $0x10  }
.LBB2_14:
0x2b9: {  	p0 =	slt.u32 s0, $0xC0;
	s14 =	sadd.s32 $0x1, s11;
	v20 =	vld [tilespmem:s2+$0x0];
	v21 =	vadd.s32 s9, v3;
	[tilespmem:v18+s13+$0x0] =	vst.idx.msk $0xffff, v12;
	s26 =	smov.u32 s11  }
0x2ba: {  	s11 =	smov.u32 s0;
	v22 =	vld [tilespmem:s2+$0xFFFFFFA0];
	v23 =	vadd.s32 s14, v3;
	s9 =	sadd.s32 $0x2, s26;
	[tilespmem:v19+s13+$0x0] =	vst.idx.msk $0xffff, v10  }
0x2bb: {  	v24 =	vld [tilespmem:s2+$0xFFFFFFB0];
	v25 =	vadd.s32 s9, v3;
	s9 =	sadd.s32 $0x3, s26;
	[tilespmem:v15+s13+$0x0] =	vst.idx.msk $0xffff, v11  }
.Ltmp5:
0x2bc: {  	v12 =	vld [tilespmem:s2+$0xFFFFFFC0];
	v18 =	vadd.s32 s9, v3;
	s9 =	sadd.s32 $0x4, s26;
	[tilespmem:v16+s13+$0x0] =	vst.idx.msk $0xffff, v13;
	(pc) =	sbr.rel @p0 .LBB2_14-.Ltmp5, $4  }
0x2bd: {  	v10 =	vld [tilespmem:s2+$0xFFFFFFD0];
	v19 =	vadd.s32 s9, v3;
	s9 =	sadd.s32 $0x5, s26;
	[tilespmem:v17+s13+$0x0] =	vst.idx.msk $0xffff, v14  }
0x2be: {  	v11 =	vld [tilespmem:s2+$0xFFFFFFE0];
	v15 =	vadd.s32 s9, v3;
	s9 =	sadd.s32 $0x6, s26;
	[tilespmem:v21+s13+$0x0] =	vst.idx.msk $0xffff, v20  }
0x2bf: {  	[tilespmem:v23+s13+$0x0] =	vst.idx.msk $0xffff, v22;
	v13 =	vld [tilespmem:s2+$0xFFFFFFF0];
	v16 =	vadd.s32 s9, v3  }
0x2c0: {  	s0 =	sadd.s32 $0x8, s0;
	v17 =	vadd.s32 s26, v3;
	s9 =	sadd.s32 $0x7, s11;
	v14 =	vld [tilespmem:s2+$0xFFFFFF90];
	[tilespmem:v25+s13+$0x0] =	vst.idx.msk $0xffff, v24;
	s2 =	sadd.s32 $0x80, s2  }
0x2c1: {  	_ =	sdelay $0x3  }
0x2c2: {  	s0 =	sadd.s32 $0x1, s11;
	v20 =	vld [tilespmem:s2+$0x0];
	v21 =	vadd.s32 s9, v3;
	[tilespmem:v18+s13+$0x0] =	vst.idx.msk $0xffff, v12  }
0x2c3: {  	v12 =	vld [tilespmem:s2+$0xFFFFFFA0];
	s26 =	sadd.s32 $0x2, s11;
	v18 =	vadd.s32 s0, v3;
	[tilespmem:v19+s13+$0x0] =	vst.idx.msk $0xffff, v10  }
0x2c4: {  	s9 =	sadd.s32 $0x3, s11;
	v10 =	vld [tilespmem:s2+$0xFFFFFFB0];
	v19 =	vadd.s32 s26, v3;
	[tilespmem:v15+s13+$0x0] =	vst.idx.msk $0xffff, v11  }
0x2c5: {  	s14 =	sadd.s32 $0x4, s11;
	v11 =	vld [tilespmem:s2+$0xFFFFFFC0];
	v15 =	vadd.s32 s9, v3;
	[tilespmem:v16+s13+$0x0] =	vst.idx.msk $0xffff, v13  }
0x2c6: {  	s26 =	sadd.s32 $0x5, s11;
	s0 =	sadd.s32 $0x8, s4;
	v13 =	vld [tilespmem:s2+$0xFFFFFFD0];
	v16 =	vadd.s32 s14, v3;
	[tilespmem:v17+s13+$0x0] =	vst.idx.msk $0xffff, v14  }
0x2c7: {  	s4 =	smov.u32 s17;
	p0 =	slt.s32 s0, s17;
	v14 =	vld [tilespmem:s2+$0xFFFFFFE0];
	v17 =	vadd.s32 s26, v3;
	[tilespmem:v21+s13+$0x0] =	vst.idx.msk $0xffff, v20  }
0x2c8: {  	v62 =	vadd.s32 s11, v3;
	s9 =	sadd.s32 $0x6, s11;
	s4 =	smov.u32 @p0 s0;
	v20 =	vld [tilespmem:s2+$0xFFFFFF90];
	[tilespmem:v18+s13+$0x0] =	vst.idx.msk $0xffff, v12  }
0x2c9: {  	s0 =	smulhi.u32 $0x4EC4EC4F, s4;
	s11 =	sshra.s32 s4, $0x1F;
	v12 =	vld [tilespmem:s2+$0xFFFFFFF0];
	v18 =	vadd.s32 s9, v3;
	[tilespmem:v19+s13+$0x0] =	vst.idx.msk $0xffff, v10  }
0x2ca: {  	s9 =	smul.u32 $0x4EC4EC4F, s11;
	[tilespmem:v15+s13+$0x0] =	vst.idx.msk $0xffff, v11  }
0x2cb: {  	[tilespmem:v16+s13+$0x0] =	vst.idx.msk $0xffff, v13  }
0x2cc: {  	s0 =	sadd.s32 s9, s0;
	[tilespmem:v17+s13+$0x0] =	vst.idx.msk $0xffff, v14  }
0x2cd: {  	s14 =	sshrl.u32 s0, $0x1F;
	s0 =	sshra.s32 s0, $0x3;
	[tilespmem:v62+s13+$0x0] =	vst.idx.msk $0xffff, v20  }
0x2ce: {  	s2 =	simm.s32 $0x0;
	s0 =	sadd.s32 s14, s0;
	[tilespmem:v18+s13+$0x0] =	vst.idx.msk $0xffff, v12  }
0x2cf: {  	[hbm4b:s3+s2] =	stream.linear.scatter [tilespmem:s13], [sflag:$0x9], $0xC80, $0x38;
	[tilespmem:$0xC600] =	vst v63  }
0x2d0: {  	s3 =	smul.u32 $0xFFFFFFE6, s0  }
0x2d1: {  	s26 =	ssub.s32 $0x0, s4  }
0x2d2: {  	p0 =	slt.s32 s4, $0x0;
	p1 =	sne.s32 s3, s26  }
0x2d3: {  	s11 =	ssub.s32 s4, s28;
	p0 =	por !p0, !p1  }
0x2d4: {  	s9 =	simm.s32 $0x1;
	s3 =	smul.u32 $0x320, s11;
	p0 =	por !p0, !p0  }
0x2d5: {  	s9 =	simm.s32 @!p0 $0x0  }
0x2d6: {  	s3 =	sshra.s32 s3, $0x2;
	s0 =	ssub.s32 s0, s9  }
0x2d7: {  	v10 =	vld [tilespmem:s3+$0x0];
	s0 =	smul.u32 $0xFFFFFFE6, s0;
	_ =	sdelay $0x1  }
0x2d8: {  	s0 =	sadd.s32 s4, s0  }
0x2d9: {  	s0 =	smul.u32 $0x186A0, s0;
	_ =	sdelay $0x1  }
0x2da: {  	v10 =	vadd.s32 s0, v10  }
0x2db: {  	[tilespmem:$0x1C40] =	vst v10  }
0x2dc: {  	v10 =	vld [tilespmem:s3+$0x10];
	_ =	sdelay $0x4  }
0x2dd: {  	v10 =	vadd.s32 s0, v10  }
0x2de: {  	[tilespmem:$0x1C50] =	vst v10  }
0x2df: {  	v10 =	vld [tilespmem:s3+$0x20];
	_ =	sdelay $0x4  }
0x2e0: {  	v10 =	vadd.s32 s0, v10  }
0x2e1: {  	[tilespmem:$0x1C60] =	vst v10  }
0x2e2: {  	v10 =	vld [tilespmem:s3+$0x30];
	_ =	sdelay $0x4  }
0x2e3: {  	v10 =	vadd.s32 s0, v10  }
0x2e4: {  	[tilespmem:$0x1C70] =	vst v10  }
0x2e5: {  	v10 =	vld [tilespmem:s3+$0x40];
	_ =	sdelay $0x4  }
0x2e6: {  	v10 =	vadd.s32 s0, v10  }
0x2e7: {  	[tilespmem:$0x1C80] =	vst v10  }
0x2e8: {  	v10 =	vld [tilespmem:s3+$0x50];
	_ =	sdelay $0x4  }
0x2e9: {  	v10 =	vadd.s32 s0, v10  }
0x2ea: {  	[tilespmem:$0x1C90] =	vst v10  }
0x2eb: {  	v10 =	vld [tilespmem:s3+$0x58];
	_ =	sdelay $0x4  }
0x2ec: {  	v10 =	vadd.s32 s0, v10  }
0x2ed: {  	[tilespmem:$0x1C98] =	vst v10  }
0x2ee: {  	v10 =	vld [tilespmem:s3+$0x68];
	_ =	sdelay $0x4  }
0x2ef: {  	v10 =	vadd.s32 s0, v10  }
0x2f0: {  	[tilespmem:$0x1CA8] =	vst v10  }
0x2f1: {  	v10 =	vld [tilespmem:s3+$0x78];
	_ =	sdelay $0x4  }
0x2f2: {  	v10 =	vadd.s32 s0, v10  }
0x2f3: {  	[tilespmem:$0x1CB8] =	vst v10  }
0x2f4: {  	v10 =	vld [tilespmem:s3+$0x88];
	_ =	sdelay $0x4  }
0x2f5: {  	v10 =	vadd.s32 s0, v10  }
0x2f6: {  	[tilespmem:$0x1CC8] =	vst v10  }
0x2f7: {  	v10 =	vld [tilespmem:s3+$0x98];
	_ =	sdelay $0x4  }
0x2f8: {  	v10 =	vadd.s32 s0, v10  }
0x2f9: {  	[tilespmem:$0x1CD8] =	vst v10  }
0x2fa: {  	v10 =	vld [tilespmem:s3+$0xA8];
	_ =	sdelay $0x4  }
0x2fb: {  	v10 =	vadd.s32 s0, v10  }
0x2fc: {  	[tilespmem:$0x1CE8] =	vst v10  }
0x2fd: {  	v10 =	vld [tilespmem:s3+$0xB8];
	_ =	sdelay $0x4  }
0x2fe: {  	v10 =	vadd.s32 s0, v10  }
0x2ff: {  	s14 =	simm.s32 $0x1C40;
	s26 =	simm.s32 $0x5380;
	[tilespmem:$0x1CF8] =	vst v10  }
0x300: {  	[tilespmem:s26], [sflag:$0x5] =	stream.indirect.gather [hbm4b:s8+s20], $0x10, s14, s20, $0xb8;
	[tilespmem:$0xC600] =	vst v63  }
0x301: {  	s9 =	simm.s32 $0x5A00;
	s4 =	simm.s32 $0x1CA8  }
0x302: {  	[tilespmem:s9], [sflag:$0x5] =	stream.indirect.gather [hbm4b:s8+s20], $0x10, s4, s20, $0xb8;
	[tilespmem:$0xC600] =	vst v63  }
0x303: {  	s4 =	sadd.s32 $0x5, s31;
	_ =	swait.ge [sflag:s23], $0x680  }
0x304: {  	s11 =	smulhi.u32 $0x4EC4EC4F, s4;
	s14 =	sshra.s32 s4, $0x1F;
	[sflag:s23] =	ssyncset.done $0x0  }
0x305: {  	s26 =	smul.u32 $0x4EC4EC4F, s14;
	[sflag:s23] =	ssyncadd.s32 $0xFFFFF980  }
0x306: {  	_ =	swait.ge [sflag:s23], $0x680  }
0x307: {  	s0 =	sadd.s32 s26, s11;
	[sflag:s23] =	ssyncset.done $0x0  }
0x308: {  	s9 =	sshrl.u32 s0, $0x1F;
	s0 =	sshra.s32 s0, $0x3;
	[sflag:s23] =	ssyncadd.s32 $0xFFFFF980  }
0x309: {  	s0 =	sadd.s32 s9, s0;
	_ =	swait.ge [sflag:s16], $0xC80  }
0x30a: {  	s11 =	simm.s32 $0x7;
	s0 =	sadd.s32 s14, s0;
	[sflag:s16] =	ssyncset.done $0x0  }
0x30b: {  	s14 =	simm.s32 $0x60F0;
	s3 =	smul.u32 $0xFFFFFE6, s0;
	[sflag:s16] =	ssyncadd.s32 $0xFFFFF380  }
0x30c: {  	s26 =	simm.s32 $0x1;
	v14 =	vadd.s32 s11, v9;
	v13 =	vld [tilespmem:s14+$0x0]  }
0x30d: {  	v17 =	vadd.s32 s26, v9;
	s26 =	simm.s32 $0x2;
	s0 =	smul.u32 $0x157C0, s0;
	s3 =	sadd.s32 s4, s3;
	v16 =	vld [tilespmem:s14+$0xFFFFFFA0]  }
0x30e: {  	s11 =	simm.s32 $0x3;
	v63 =	vadd.s32 s26, v9;
	v20 =	vld [tilespmem:s14+$0xFFFFFFB0];
	s3 =	smul.u32 $0xC80, s3  }
0x30f: {  	v18 =	vadd.s32 s11, v9;
	s9 =	simm.s32 $0x4;
	v12 =	vld [tilespmem:s14+$0xFFFFFFC0]  }
0x310: {  	s26 =	simm.s32 $0x5;
	v19 =	vadd.s32 s9, v9;
	v10 =	vld [tilespmem:s14+$0xFFFFFFD0];
	s0 =	sadd.s32 s3, s0  }
0x311: {  	v15 =	vadd.s32 s26, v9;
	s26 =	simm.s32 $0x6;
	v11 =	vld [tilespmem:s14+$0xFFFFFFE0];
	s0 =	sadd.s32 $0x12C0, s0;
	[tilespmem:v14+s13+$0x0] =	vst.idx.msk $0xffff, v13  }
0x312: {  	s11 =	simm.s32 $0x8;
	s9 =	simm.s32 $0xF;
	s0 =	sshrl.u32 s0, $0x3;
	[tilespmem:v17+s13+$0x0] =	vst.idx.msk $0xffff, v16;
	v13 =	vld [tilespmem:s14+$0xFFFFFFF0];
	v16 =	vadd.s32 s26, v9  }
0x313: {  	v14 =	vld [tilespmem:s14+$0xFFFFFF90];
	v17 =	vadd.s32 s2, v9;
	[tilespmem:v63+s13+$0x0] =	vst.idx.msk $0xffff, v20;
	s2 =	simm.s32 $0x6170;
	s3 =	sadd.s32 s5, s0;
	s0 =	simm.s32 $0x10  }
.LBB2_16:
0x314: {  	p0 =	slt.u32 s0, $0xC0;
	s14 =	sadd.s32 $0x1, s11;
	v20 =	vld [tilespmem:s2+$0x0];
	v21 =	vadd.s32 s9, v9;
	[tilespmem:v18+s13+$0x0] =	vst.idx.msk $0xffff, v12;
	s26 =	smov.u32 s11  }
0x315: {  	s11 =	smov.u32 s0;
	v22 =	vld [tilespmem:s2+$0xFFFFFFA0];
	v23 =	vadd.s32 s14, v9;
	s9 =	sadd.s32 $0x2, s26;
	[tilespmem:v19+s13+$0x0] =	vst.idx.msk $0xffff, v10  }
0x316: {  	v24 =	vld [tilespmem:s2+$0xFFFFFFB0];
	v25 =	vadd.s32 s9, v9;
	s9 =	sadd.s32 $0x3, s26;
	[tilespmem:v15+s13+$0x0] =	vst.idx.msk $0xffff, v11  }
.Ltmp6:
0x317: {  	v12 =	vld [tilespmem:s2+$0xFFFFFFC0];
	v18 =	vadd.s32 s9, v9;
	s9 =	sadd.s32 $0x4, s26;
	[tilespmem:v16+s13+$0x0] =	vst.idx.msk $0xffff, v13;
	(pc) =	sbr.rel @p0 .LBB2_16-.Ltmp6, $4  }
0x318: {  	v10 =	vld [tilespmem:s2+$0xFFFFFFD0];
	v19 =	vadd.s32 s9, v9;
	s9 =	sadd.s32 $0x5, s26;
	[tilespmem:v17+s13+$0x0] =	vst.idx.msk $0xffff, v14  }
0x319: {  	v11 =	vld [tilespmem:s2+$0xFFFFFFE0];
	v15 =	vadd.s32 s9, v9;
	s9 =	sadd.s32 $0x6, s26;
	[tilespmem:v21+s13+$0x0] =	vst.idx.msk $0xffff, v20  }
0x31a: {  	[tilespmem:v23+s13+$0x0] =	vst.idx.msk $0xffff, v22;
	v13 =	vld [tilespmem:s2+$0xFFFFFFF0];
	v16 =	vadd.s32 s9, v9  }
0x31b: {  	s0 =	sadd.s32 $0x8, s0;
	v17 =	vadd.s32 s26, v9;
	s9 =	sadd.s32 $0x7, s11;
	v14 =	vld [tilespmem:s2+$0xFFFFFF90];
	[tilespmem:v25+s13+$0x0] =	vst.idx.msk $0xffff, v24;
	s2 =	sadd.s32 $0x80, s2  }
0x31c: {  	_ =	sdelay $0x3  }
0x31d: {  	s0 =	sadd.s32 $0x1, s11;
	v20 =	vld [tilespmem:s2+$0x0];
	v21 =	vadd.s32 s9, v9;
	[tilespmem:v18+s13+$0x0] =	vst.idx.msk $0xffff, v12  }
0x31e: {  	v12 =	vld [tilespmem:s2+$0xFFFFFFA0];
	s9 =	sadd.s32 $0x2, s11;
	v18 =	vadd.s32 s0, v9;
	[tilespmem:v19+s13+$0x0] =	vst.idx.msk $0xffff, v10  }
0x31f: {  	s14 =	sadd.s32 $0x3, s11;
	v10 =	vld [tilespmem:s2+$0xFFFFFFB0];
	v19 =	vadd.s32 s9, v9;
	[tilespmem:v15+s13+$0x0] =	vst.idx.msk $0xffff, v11  }
0x320: {  	s26 =	sadd.s32 $0x4, s11;
	v11 =	vld [tilespmem:s2+$0xFFFFFFC0];
	v15 =	vadd.s32 s14, v9;
	[tilespmem:v16+s13+$0x0] =	vst.idx.msk $0xffff, v13  }
0x321: {  	s9 =	sadd.s32 $0x5, s11;
	v13 =	vld [tilespmem:s2+$0xFFFFFFD0];
	v16 =	vadd.s32 s26, v9;
	[tilespmem:v17+s13+$0x0] =	vst.idx.msk $0xffff, v14  }
0x322: {  	v14 =	vld [tilespmem:s2+$0xFFFFFFE0];
	v17 =	vadd.s32 s9, v9;
	[tilespmem:v21+s13+$0x0] =	vst.idx.msk $0xffff, v20  }
0x323: {  	v62 =	vadd.s32 s11, v9;
	s0 =	sadd.s32 $0x8, s4;
	s14 =	sadd.s32 $0x6, s11;
	v20 =	vld [tilespmem:s2+$0xFFFFFF90];
	[tilespmem:v18+s13+$0x0] =	vst.idx.msk $0xffff, v12  }
0x324: {  	s4 =	smov.u32 s17;
	p0 =	slt.s32 s0, s17;
	v12 =	vld [tilespmem:s2+$0xFFFFFFF0];
	v18 =	vadd.s32 s14, v9;
	[tilespmem:v19+s13+$0x0] =	vst.idx.msk $0xffff, v10  }
0x325: {  	s4 =	smov.u32 @p0 s0;
	[tilespmem:v15+s13+$0x0] =	vst.idx.msk $0xffff, v11  }
0x326: {  	s0 =	smulhi.u32 $0x4EC4EC4F, s4;
	s9 =	sshra.s32 s4, $0x1F;
	[tilespmem:v16+s13+$0x0] =	vst.idx.msk $0xffff, v13  }
0x327: {  	s11 =	smul.u32 $0x4EC4EC4F, s9;
	[tilespmem:v17+s13+$0x0] =	vst.idx.msk $0xffff, v14  }
0x328: {  	s26 =	ssub.s32 s4, s28;
	[tilespmem:v62+s13+$0x0] =	vst.idx.msk $0xffff, v20  }
0x329: {  	s2 =	simm.s32 $0x0;
	s14 =	simm.s32 $0xA6C0;
	s0 =	sadd.s32 s11, s0;
	[tilespmem:v18+s13+$0x0] =	vst.idx.msk $0xffff, v12  }
0x32a: {  	[hbm4b:s3+s2] =	stream.linear.scatter [tilespmem:s14], [sflag:$0xA], $0xC80, $0x38;
	[tilespmem:$0xC600] =	vst v63  }
0x32b: {  	s11 =	sshrl.u32 s0, $0x1F;
	s0 =	sshrl.u32 s0, $0x3;
	s3 =	smul.u32 $0x320, s26  }
0x32c: {  	s0 =	sadd.s32 s11, s0  }
0x32d: {  	s0 =	sadd.s32 s9, s0;
	s3 =	sshra.s32 s3, $0x2  }
0x32e: {  	s0 =	smul.u32 $0xFFFFFFE6, s0;
	v10 =	vld [tilespmem:s3+$0x0];
	_ =	sdelay $0x1  }
0x32f: {  	s0 =	sadd.s32 s4, s0  }
0x330: {  	s0 =	smul.u32 $0x186A0, s0;
	_ =	sdelay $0x1  }
0x331: {  	v10 =	vadd.s32 s0, v10  }
0x332: {  	[tilespmem:$0x1D10] =	vst v10  }
0x333: {  	v10 =	vld [tilespmem:s3+$0x10];
	_ =	sdelay $0x4  }
0x334: {  	v10 =	vadd.s32 s0, v10  }
0x335: {  	[tilespmem:$0x1D20] =	vst v10  }
0x336: {  	v10 =	vld [tilespmem:s3+$0x20];
	_ =	sdelay $0x4  }
0x337: {  	v10 =	vadd.s32 s0, v10  }
0x338: {  	[tilespmem:$0x1D30] =	vst v10  }
0x339: {  	v10 =	vld [tilespmem:s3+$0x30];
	_ =	sdelay $0x4  }
0x33a: {  	v10 =	vadd.s32 s0, v10  }
0x33b: {  	[tilespmem:$0x1D40] =	vst v10  }
0x33c: {  	v10 =	vld [tilespmem:s3+$0x40];
	_ =	sdelay $0x4  }
0x33d: {  	v10 =	vadd.s32 s0, v10  }
0x33e: {  	[tilespmem:$0x1D50] =	vst v10  }
0x33f: {  	v10 =	vld [tilespmem:s3+$0x50];
	_ =	sdelay $0x4  }
0x340: {  	v10 =	vadd.s32 s0, v10  }
0x341: {  	[tilespmem:$0x1D60] =	vst v10  }
0x342: {  	v10 =	vld [tilespmem:s3+$0x58];
	_ =	sdelay $0x4  }
0x343: {  	v10 =	vadd.s32 s0, v10  }
0x344: {  	[tilespmem:$0x1D68] =	vst v10  }
0x345: {  	v10 =	vld [tilespmem:s3+$0x68];
	_ =	sdelay $0x4  }
0x346: {  	v10 =	vadd.s32 s0, v10  }
0x347: {  	[tilespmem:$0x1D78] =	vst v10  }
0x348: {  	v10 =	vld [tilespmem:s3+$0x78];
	_ =	sdelay $0x4  }
0x349: {  	v10 =	vadd.s32 s0, v10  }
0x34a: {  	[tilespmem:$0x1D88] =	vst v10  }
0x34b: {  	v10 =	vld [tilespmem:s3+$0x88];
	_ =	sdelay $0x4  }
0x34c: {  	v10 =	vadd.s32 s0, v10  }
0x34d: {  	[tilespmem:$0x1D98] =	vst v10  }
0x34e: {  	v10 =	vld [tilespmem:s3+$0x98];
	_ =	sdelay $0x4  }
0x34f: {  	v10 =	vadd.s32 s0, v10  }
0x350: {  	[tilespmem:$0x1DA8] =	vst v10  }
0x351: {  	v10 =	vld [tilespmem:s3+$0xA8];
	_ =	sdelay $0x4  }
0x352: {  	v10 =	vadd.s32 s0, v10  }
0x353: {  	[tilespmem:$0x1DB8] =	vst v10  }
0x354: {  	v10 =	vld [tilespmem:s3+$0xB8];
	_ =	sdelay $0x4  }
0x355: {  	v10 =	vadd.s32 s0, v10  }
0x356: {  	s11 =	sor.u32 $0x6, s30;
	s9 =	simm.s32 $0x6080;
	s4 =	simm.s32 $0x1D10;
	[tilespmem:$0x1DC8] =	vst v10  }
0x357: {  	[tilespmem:s9], [sflag:$0x6] =	stream.indirect.gather [hbm4b:s8+s20], $0x10, s4, s20, $0xb8;
	[tilespmem:$0xC600] =	vst v63  }
0x358: {  	s4 =	sadd.s32 s1, s11  }
0x359: {  	s0 =	smulhi.u32 $0x4EC4EC4F, s4;
	s14 =	sshra.s32 s4, $0x1F  }
0x35a: {  	s30 =	simm.s32 $0x6700;
	s26 =	simm.s32 $0x1D78;
	s3 =	smul.u32 $0x4EC4EC4F, s14  }
0x35b: {  	[tilespmem:s30], [sflag:$0x6] =	stream.indirect.gather [hbm4b:s8+s20], $0x10, s26, s20, $0xb8;
	[tilespmem:$0xC600] =	vst v63  }
0x35c: {  	s0 =	sadd.s32 s3, s0  }
0x35d: {  	s3 =	sshrl.u32 s0, $0x1F;
	s0 =	sshra.s32 s0, $0x3  }
0x35e: {  	_ =	swait.ge [sflag:s24], $0x680;
	s0 =	sadd.s32 s3, s0  }
0x35f: {  	[sflag:s24] =	ssyncset.done $0x0;
	s3 =	smul.u32 $0xFFFFFFE6, s0  }
0x360: {  	s14 =	ssub.s32 $0x0, s4;
	[sflag:s24] =	ssyncadd.s32 $0xFFFFF980  }
0x361: {  	p6 =	slt.s32 s4, $0x0;
	_ =	swait.ge [sflag:s24], $0x680;
	p1 =	sne.s32 s3, s14  }
0x362: {  	[sflag:s24] =	ssyncset.done $0x0;
	p0 =	por !p6, !p1  }
0x363: {  	[sflag:s24] =	ssyncadd.s32 $0xFFFFF980;
	s3 =	simm.s32 $0x1;
	p0 =	por !p0, !p0  }
0x364: {  	_ =	swait.ge [sflag:s18], $0xC80;
	s3 =	simm.s32 @!p0 $0x0  }
0x365: {  	s26 =	simm.s32 $0x7;
	[sflag:s18] =	ssyncset.done $0x0;
	s0 =	ssub.s32 s0, s3  }
0x366: {  	s14 =	simm.s32 $0x6DF0;
	[sflag:s18] =	ssyncadd.s32 $0xFFFFF380;
	s3 =	smul.u32 $0xFFFFFE6, s0  }
0x367: {  	s30 =	simm.s32 $0x1;
	v14 =	vadd.s32 s26, v3;
	v13 =	vld [tilespmem:s14+$0x0]  }
0x368: {  	s11 =	simm.s32 $0x2;
	v17 =	vadd.s32 s30, v3;
	v16 =	vld [tilespmem:s14+$0xFFFFFFA0];
	s0 =	smul.u32 $0x157C0, s0;
	s3 =	sadd.s32 s4, s3  }
0x369: {  	v63 =	vadd.s32 s11, v3;
	s26 =	simm.s32 $0x3;
	v20 =	vld [tilespmem:s14+$0xFFFFFFB0];
	s3 =	smul.u32 $0xC80, s3  }
0x36a: {  	s30 =	simm.s32 $0x4;
	v18 =	vadd.s32 s26, v3;
	v12 =	vld [tilespmem:s14+$0xFFFFFFC0]  }
0x36b: {  	s26 =	simm.s32 $0x5;
	v19 =	vadd.s32 s30, v3;
	v10 =	vld [tilespmem:s14+$0xFFFFFFD0];
	s0 =	sadd.s32 s3, s0  }
0x36c: {  	s30 =	simm.s32 $0x6;
	v15 =	vadd.s32 s26, v3;
	v11 =	vld [tilespmem:s14+$0xFFFFFFE0];
	[tilespmem:v14+s13+$0x0] =	vst.idx.msk $0xffff, v13;
	s0 =	sadd.s32 $0x12C0, s0  }
0x36d: {  	s9 =	simm.s32 $0xF;
	s11 =	simm.s32 $0x8;
	[tilespmem:v17+s13+$0x0] =	vst.idx.msk $0xffff, v16;
	v13 =	vld [tilespmem:s14+$0xFFFFFFF0];
	v16 =	vadd.s32 s30, v3;
	s0 =	sshrl.u32 s0, $0x3  }
0x36e: {  	v14 =	vld [tilespmem:s14+$0xFFFFFF90];
	v17 =	vadd.s32 s2, v3;
	[tilespmem:v63+s13+$0x0] =	vst.idx.msk $0xffff, v20;
	s2 =	simm.s32 $0x6E70;
	s3 =	sadd.s32 s5, s0;
	s0 =	simm.s32 $0x10  }
.LBB2_18:
0x36f: {  	p0 =	slt.u32 s0, $0xC0;
	s14 =	sadd.s32 $0x1, s11;
	v20 =	vld [tilespmem:s2+$0x0];
	v21 =	vadd.s32 s9, v3;
	[tilespmem:v18+s13+$0x0] =	vst.idx.msk $0xffff, v12;
	s26 =	smov.u32 s11  }
0x370: {  	s11 =	smov.u32 s0;
	v22 =	vld [tilespmem:s2+$0xFFFFFFA0];
	v23 =	vadd.s32 s14, v3;
	s9 =	sadd.s32 $0x2, s26;
	[tilespmem:v19+s13+$0x0] =	vst.idx.msk $0xffff, v10  }
0x371: {  	v24 =	vld [tilespmem:s2+$0xFFFFFFB0];
	v25 =	vadd.s32 s9, v3;
	s9 =	sadd.s32 $0x3, s26;
	[tilespmem:v15+s13+$0x0] =	vst.idx.msk $0xffff, v11  }
.Ltmp7:
0x372: {  	v12 =	vld [tilespmem:s2+$0xFFFFFFC0];
	v18 =	vadd.s32 s9, v3;
	s9 =	sadd.s32 $0x4, s26;
	[tilespmem:v16+s13+$0x0] =	vst.idx.msk $0xffff, v13;
	(pc) =	sbr.rel @p0 .LBB2_18-.Ltmp7, $4  }
0x373: {  	v10 =	vld [tilespmem:s2+$0xFFFFFFD0];
	v19 =	vadd.s32 s9, v3;
	s9 =	sadd.s32 $0x5, s26;
	[tilespmem:v17+s13+$0x0] =	vst.idx.msk $0xffff, v14  }
0x374: {  	v11 =	vld [tilespmem:s2+$0xFFFFFFE0];
	v15 =	vadd.s32 s9, v3;
	s9 =	sadd.s32 $0x6, s26;
	[tilespmem:v21+s13+$0x0] =	vst.idx.msk $0xffff, v20  }
0x375: {  	[tilespmem:v23+s13+$0x0] =	vst.idx.msk $0xffff, v22;
	v13 =	vld [tilespmem:s2+$0xFFFFFFF0];
	v16 =	vadd.s32 s9, v3  }
0x376: {  	s0 =	sadd.s32 $0x8, s0;
	v17 =	vadd.s32 s26, v3;
	s9 =	sadd.s32 $0x7, s11;
	v14 =	vld [tilespmem:s2+$0xFFFFFF90];
	[tilespmem:v25+s13+$0x0] =	vst.idx.msk $0xffff, v24;
	s2 =	sadd.s32 $0x80, s2  }
0x377: {  	_ =	sdelay $0x3  }
0x378: {  	s0 =	sadd.s32 $0x1, s11;
	v20 =	vld [tilespmem:s2+$0x0];
	v21 =	vadd.s32 s9, v3;
	[tilespmem:v18+s13+$0x0] =	vst.idx.msk $0xffff, v12  }
0x379: {  	v12 =	vld [tilespmem:s2+$0xFFFFFFA0];
	s26 =	sadd.s32 $0x2, s11;
	v18 =	vadd.s32 s0, v3;
	[tilespmem:v19+s13+$0x0] =	vst.idx.msk $0xffff, v10  }
0x37a: {  	s30 =	sadd.s32 $0x3, s11;
	v10 =	vld [tilespmem:s2+$0xFFFFFFB0];
	v19 =	vadd.s32 s26, v3;
	[tilespmem:v15+s13+$0x0] =	vst.idx.msk $0xffff, v11  }
0x37b: {  	s9 =	sadd.s32 $0x4, s11;
	v11 =	vld [tilespmem:s2+$0xFFFFFFC0];
	v15 =	vadd.s32 s30, v3;
	[tilespmem:v16+s13+$0x0] =	vst.idx.msk $0xffff, v13  }
0x37c: {  	s14 =	sadd.s32 $0x5, s11;
	s0 =	sadd.s32 $0x8, s4;
	v13 =	vld [tilespmem:s2+$0xFFFFFFD0];
	v16 =	vadd.s32 s9, v3;
	[tilespmem:v17+s13+$0x0] =	vst.idx.msk $0xffff, v14  }
0x37d: {  	s4 =	smov.u32 s17;
	p0 =	slt.s32 s0, s17;
	v14 =	vld [tilespmem:s2+$0xFFFFFFE0];
	v17 =	vadd.s32 s14, v3;
	[tilespmem:v21+s13+$0x0] =	vst.idx.msk $0xffff, v20  }
0x37e: {  	v62 =	vadd.s32 s11, v3;
	s26 =	sadd.s32 $0x6, s11;
	s4 =	smov.u32 @p0 s0;
	v20 =	vld [tilespmem:s2+$0xFFFFFF90];
	[tilespmem:v18+s13+$0x0] =	vst.idx.msk $0xffff, v12  }
0x37f: {  	s0 =	smulhi.u32 $0x4EC4EC4F, s4;
	s30 =	sshra.s32 s4, $0x1F;
	v12 =	vld [tilespmem:s2+$0xFFFFFFF0];
	v18 =	vadd.s32 s26, v3;
	[tilespmem:v19+s13+$0x0] =	vst.idx.msk $0xffff, v10  }
0x380: {  	s9 =	smul.u32 $0x4EC4EC4F, s30;
	[tilespmem:v15+s13+$0x0] =	vst.idx.msk $0xffff, v11  }
0x381: {  	[tilespmem:v16+s13+$0x0] =	vst.idx.msk $0xffff, v13  }
0x382: {  	s0 =	sadd.s32 s9, s0;
	[tilespmem:v17+s13+$0x0] =	vst.idx.msk $0xffff, v14  }
0x383: {  	s9 =	sshrl.u32 s0, $0x1F;
	s0 =	sshra.s32 s0, $0x3;
	[tilespmem:v62+s13+$0x0] =	vst.idx.msk $0xffff, v20  }
0x384: {  	s2 =	simm.s32 $0x0;
	s0 =	sadd.s32 s9, s0;
	[tilespmem:v18+s13+$0x0] =	vst.idx.msk $0xffff, v12  }
0x385: {  	[hbm4b:s3+s2] =	stream.linear.scatter [tilespmem:s13], [sflag:$0x9], $0xC80, $0x38;
	[tilespmem:$0xC600] =	vst v63  }
0x386: {  	s3 =	smul.u32 $0xFFFFFFE6, s0  }
0x387: {  	s11 =	ssub.s32 $0x0, s4  }
0x388: {  	p0 =	slt.s32 s4, $0x0;
	p1 =	sne.s32 s3, s11  }
0x389: {  	s14 =	ssub.s32 s4, s28;
	p0 =	por !p0, !p1  }
0x38a: {  	s9 =	simm.s32 $0x1;
	s3 =	smul.u32 $0x320, s14;
	p0 =	por !p0, !p0  }
0x38b: {  	s9 =	simm.s32 @!p0 $0x0  }
0x38c: {  	s3 =	sshra.s32 s3, $0x2;
	s0 =	ssub.s32 s0, s9  }
0x38d: {  	v10 =	vld [tilespmem:s3+$0x0];
	s0 =	smul.u32 $0xFFFFFFE6, s0;
	_ =	sdelay $0x1  }
0x38e: {  	s0 =	sadd.s32 s4, s0  }
0x38f: {  	s0 =	smul.u32 $0x186A0, s0;
	_ =	sdelay $0x1  }
0x390: {  	v10 =	vadd.s32 s0, v10  }
0x391: {  	[tilespmem:$0x1DE0] =	vst v10  }
0x392: {  	v10 =	vld [tilespmem:s3+$0x10];
	_ =	sdelay $0x4  }
0x393: {  	v10 =	vadd.s32 s0, v10  }
0x394: {  	[tilespmem:$0x1DF0] =	vst v10  }
0x395: {  	v10 =	vld [tilespmem:s3+$0x20];
	_ =	sdelay $0x4  }
0x396: {  	v10 =	vadd.s32 s0, v10  }
0x397: {  	[tilespmem:$0x1E00] =	vst v10  }
0x398: {  	v10 =	vld [tilespmem:s3+$0x30];
	_ =	sdelay $0x4  }
0x399: {  	v10 =	vadd.s32 s0, v10  }
0x39a: {  	[tilespmem:$0x1E10] =	vst v10  }
0x39b: {  	v10 =	vld [tilespmem:s3+$0x40];
	_ =	sdelay $0x4  }
0x39c: {  	v10 =	vadd.s32 s0, v10  }
0x39d: {  	[tilespmem:$0x1E20] =	vst v10  }
0x39e: {  	v10 =	vld [tilespmem:s3+$0x50];
	_ =	sdelay $0x4  }
0x39f: {  	v10 =	vadd.s32 s0, v10  }
0x3a0: {  	[tilespmem:$0x1E30] =	vst v10  }
0x3a1: {  	v10 =	vld [tilespmem:s3+$0x58];
	_ =	sdelay $0x4  }
0x3a2: {  	v10 =	vadd.s32 s0, v10  }
0x3a3: {  	[tilespmem:$0x1E38] =	vst v10  }
0x3a4: {  	v10 =	vld [tilespmem:s3+$0x68];
	_ =	sdelay $0x4  }
0x3a5: {  	v10 =	vadd.s32 s0, v10  }
0x3a6: {  	[tilespmem:$0x1E48] =	vst v10  }
0x3a7: {  	v10 =	vld [tilespmem:s3+$0x78];
	_ =	sdelay $0x4  }
0x3a8: {  	v10 =	vadd.s32 s0, v10  }
0x3a9: {  	[tilespmem:$0x1E58] =	vst v10  }
0x3aa: {  	v10 =	vld [tilespmem:s3+$0x88];
	_ =	sdelay $0x4  }
0x3ab: {  	v10 =	vadd.s32 s0, v10  }
0x3ac: {  	[tilespmem:$0x1E68] =	vst v10  }
0x3ad: {  	v10 =	vld [tilespmem:s3+$0x98];
	_ =	sdelay $0x4  }
0x3ae: {  	v10 =	vadd.s32 s0, v10  }
0x3af: {  	[tilespmem:$0x1E78] =	vst v10  }
0x3b0: {  	v10 =	vld [tilespmem:s3+$0xA8];
	_ =	sdelay $0x4  }
0x3b1: {  	v10 =	vadd.s32 s0, v10  }
0x3b2: {  	[tilespmem:$0x1E88] =	vst v10  }
0x3b3: {  	v10 =	vld [tilespmem:s3+$0xB8];
	_ =	sdelay $0x4  }
0x3b4: {  	v10 =	vadd.s32 s0, v10  }
0x3b5: {  	s30 =	simm.s32 $0x6D80;
	s26 =	simm.s32 $0x1DE0;
	[tilespmem:$0x1E98] =	vst v10  }
0x3b6: {  	[tilespmem:s30], [sflag:$0x7] =	stream.indirect.gather [hbm4b:s8+s20], $0x10, s26, s20, $0xb8;
	[tilespmem:$0xC600] =	vst v63  }
0x3b7: {  	s9 =	simm.s32 $0x7400;
	s4 =	simm.s32 $0x1E48  }
0x3b8: {  	[tilespmem:s9], [sflag:$0x7] =	stream.indirect.gather [hbm4b:s8+s20], $0x10, s4, s20, $0xb8;
	[tilespmem:$0xC600] =	vst v63  }
0x3b9: {  	s4 =	sadd.s32 $0x7, s31;
	_ =	swait.ge [sflag:s25], $0x680  }
0x3ba: {  	s11 =	smulhi.u32 $0x4EC4EC4F, s4;
	s14 =	sshra.s32 s4, $0x1F;
	[sflag:s25] =	ssyncset.done $0x0  }
0x3bb: {  	s26 =	smul.u32 $0x4EC4EC4F, s14;
	[sflag:s25] =	ssyncadd.s32 $0xFFFFF980  }
0x3bc: {  	_ =	swait.ge [sflag:s25], $0x680  }
0x3bd: {  	s0 =	sadd.s32 s26, s11;
	[sflag:s25] =	ssyncset.done $0x0  }
0x3be: {  	s9 =	sshrl.u32 s0, $0x1F;
	s0 =	sshra.s32 s0, $0x3;
	[sflag:s25] =	ssyncadd.s32 $0xFFFFF980  }
0x3bf: {  	s0 =	sadd.s32 s9, s0;
	_ =	swait.ge [sflag:s16], $0xC80  }
0x3c0: {  	s30 =	simm.s32 $0x7;
	s0 =	sadd.s32 s14, s0;
	[sflag:s16] =	ssyncset.done $0x0  }
0x3c1: {  	s14 =	simm.s32 $0x7AF0;
	s3 =	smul.u32 $0xFFFFFE6, s0;
	[sflag:s16] =	ssyncadd.s32 $0xFFFFF380  }
0x3c2: {  	v14 =	vadd.s32 s30, v9;
	s31 =	simm.s32 $0x1;
	v13 =	vld [tilespmem:s14+$0x0]  }
0x3c3: {  	v17 =	vadd.s32 s31, v9;
	s11 =	simm.s32 $0x2;
	s0 =	smul.u32 $0x157C0, s0;
	s3 =	sadd.s32 s4, s3;
	v16 =	vld [tilespmem:s14+$0xFFFFFFA0]  }
0x3c4: {  	s26 =	simm.s32 $0x3;
	v63 =	vadd.s32 s11, v9;
	v20 =	vld [tilespmem:s14+$0xFFFFFFB0];
	s3 =	smul.u32 $0xC80, s3  }
0x3c5: {  	s30 =	simm.s32 $0x4;
	v18 =	vadd.s32 s26, v9;
	v12 =	vld [tilespmem:s14+$0xFFFFFFC0]  }
0x3c6: {  	v19 =	vadd.s32 s30, v9;
	s26 =	simm.s32 $0x5;
	v10 =	vld [tilespmem:s14+$0xFFFFFFD0];
	s0 =	sadd.s32 s3, s0  }
0x3c7: {  	s31 =	simm.s32 $0x6;
	v15 =	vadd.s32 s26, v9;
	v11 =	vld [tilespmem:s14+$0xFFFFFFE0];
	s0 =	sadd.s32 $0x12C0, s0;
	[tilespmem:v14+s13+$0x0] =	vst.idx.msk $0xffff, v13  }
0x3c8: {  	s11 =	simm.s32 $0x8;
	s9 =	simm.s32 $0xF;
	s0 =	sshrl.u32 s0, $0x3;
	[tilespmem:v17+s13+$0x0] =	vst.idx.msk $0xffff, v16;
	v13 =	vld [tilespmem:s14+$0xFFFFFFF0];
	v16 =	vadd.s32 s31, v9  }
0x3c9: {  	v14 =	vld [tilespmem:s14+$0xFFFFFF90];
	v17 =	vadd.s32 s2, v9;
	[tilespmem:v63+s13+$0x0] =	vst.idx.msk $0xffff, v20;
	s2 =	simm.s32 $0x7B70;
	s3 =	sadd.s32 s5, s0;
	s0 =	simm.s32 $0x10  }
.LBB2_20:
0x3ca: {  	p0 =	slt.u32 s0, $0xC0;
	s14 =	sadd.s32 $0x1, s11;
	v20 =	vld [tilespmem:s2+$0x0];
	v21 =	vadd.s32 s9, v9;
	[tilespmem:v18+s13+$0x0] =	vst.idx.msk $0xffff, v12;
	s26 =	smov.u32 s11  }
0x3cb: {  	s11 =	smov.u32 s0;
	v22 =	vld [tilespmem:s2+$0xFFFFFFA0];
	v23 =	vadd.s32 s14, v9;
	s9 =	sadd.s32 $0x2, s26;
	[tilespmem:v19+s13+$0x0] =	vst.idx.msk $0xffff, v10  }
0x3cc: {  	v24 =	vld [tilespmem:s2+$0xFFFFFFB0];
	v25 =	vadd.s32 s9, v9;
	s9 =	sadd.s32 $0x3, s26;
	[tilespmem:v15+s13+$0x0] =	vst.idx.msk $0xffff, v11  }
.Ltmp8:
0x3cd: {  	v12 =	vld [tilespmem:s2+$0xFFFFFFC0];
	v18 =	vadd.s32 s9, v9;
	s9 =	sadd.s32 $0x4, s26;
	[tilespmem:v16+s13+$0x0] =	vst.idx.msk $0xffff, v13;
	(pc) =	sbr.rel @p0 .LBB2_20-.Ltmp8, $4  }
0x3ce: {  	v10 =	vld [tilespmem:s2+$0xFFFFFFD0];
	v19 =	vadd.s32 s9, v9;
	s9 =	sadd.s32 $0x5, s26;
	[tilespmem:v17+s13+$0x0] =	vst.idx.msk $0xffff, v14  }
0x3cf: {  	v11 =	vld [tilespmem:s2+$0xFFFFFFE0];
	v15 =	vadd.s32 s9, v9;
	s9 =	sadd.s32 $0x6, s26;
	[tilespmem:v21+s13+$0x0] =	vst.idx.msk $0xffff, v20  }
0x3d0: {  	[tilespmem:v23+s13+$0x0] =	vst.idx.msk $0xffff, v22;
	v13 =	vld [tilespmem:s2+$0xFFFFFFF0];
	v16 =	vadd.s32 s9, v9  }
0x3d1: {  	s0 =	sadd.s32 $0x8, s0;
	v17 =	vadd.s32 s26, v9;
	s9 =	sadd.s32 $0x7, s11;
	v14 =	vld [tilespmem:s2+$0xFFFFFF90];
	[tilespmem:v25+s13+$0x0] =	vst.idx.msk $0xffff, v24;
	s2 =	sadd.s32 $0x80, s2  }
0x3d2: {  	_ =	sdelay $0x3  }
0x3d3: {  	v20 =	vld [tilespmem:s2+$0x0];
	v21 =	vadd.s32 s9, v9;
	[tilespmem:v18+s13+$0x0] =	vst.idx.msk $0xffff, v12  }
0x3d4: {  	s0 =	sadd.s32 $0x1, s11;
	v62 =	vld [tilespmem:s2+$0xFFFFFF90];
	v63 =	vadd.s32 s11, v9;
	[tilespmem:v19+s13+$0x0] =	vst.idx.msk $0xffff, v10  }
0x3d5: {  	v52 =	vld [tilespmem:s2+$0xFFFFFFA0];
	s26 =	sadd.s32 $0x2, s11;
	v53 =	vadd.s32 s0, v9;
	[tilespmem:v15+s13+$0x0] =	vst.idx.msk $0xffff, v11  }
0x3d6: {  	s31 =	sadd.s32 $0x4, s11;
	v10 =	vld [tilespmem:s2+$0xFFFFFFB0];
	v54 =	vadd.s32 s26, v9;
	[tilespmem:v16+s13+$0x0] =	vst.idx.msk $0xffff, v13  }
0x3d7: {  	v56 =	vld [tilespmem:s2+$0xFFFFFFD0];
	s9 =	sadd.s32 $0x5, s11;
	v57 =	vadd.s32 s31, v9;
	[tilespmem:v17+s13+$0x0] =	vst.idx.msk $0xffff, v14  }
0x3d8: {  	v58 =	vld [tilespmem:s2+$0xFFFFFFE0];
	s14 =	sadd.s32 $0x6, s11;
	v59 =	vadd.s32 s9, v9;
	[tilespmem:v21+s13+$0x0] =	vst.idx.msk $0xffff, v20  }
0x3d9: {  	s30 =	sadd.s32 $0x3, s11;
	v60 =	vld [tilespmem:s2+$0xFFFFFFF0];
	v61 =	vadd.s32 s14, v9;
	s0 =	sadd.s32 $0x8, s4;
	[tilespmem:v63+s13+$0x0] =	vst.idx.msk $0xffff, v62  }
0x3da: {  	v55 =	vadd.s32 s30, v9;
	v11 =	vld [tilespmem:s2+$0xFFFFFFC0];
	p0 =	slt.s32 s0, s17;
	s2 =	smov.u32 s17;
	[tilespmem:v53+s13+$0x0] =	vst.idx.msk $0xffff, v52  }
0x3db: {  	s2 =	smov.u32 @p0 s0;
	[tilespmem:v54+s13+$0x0] =	vst.idx.msk $0xffff, v10  }
0x3dc: {  	s0 =	smulhi.u32 $0x4EC4EC4F, s2;
	s26 =	sshra.s32 s2, $0x1F;
	[tilespmem:v57+s13+$0x0] =	vst.idx.msk $0xffff, v56  }
0x3dd: {  	s30 =	smul.u32 $0x4EC4EC4F, s26;
	[tilespmem:v59+s13+$0x0] =	vst.idx.msk $0xffff, v58  }
0x3de: {  	[tilespmem:v61+s13+$0x0] =	vst.idx.msk $0xffff, v60  }
0x3df: {  	s31 =	simm.s32 $0xA6C0;
	s11 =	ssub.s32 s2, s28;
	[tilespmem:v55+s13+$0x0] =	vst.idx.msk $0xffff, v11;
	s0 =	sadd.s32 s30, s0  }
0x3e0: {  	[hbm4b:s3+s6] =	stream.linear.scatter [tilespmem:s31], [sflag:$0xA], $0xC80, $0x38;
	[tilespmem:$0xC600] =	vst v63  }
0x3e1: {  	s9 =	sshrl.u32 s0, $0x1F;
	s0 =	sshrl.u32 s0, $0x3;
	s3 =	smul.u32 $0x320, s11  }
0x3e2: {  	s0 =	sadd.s32 s9, s0  }
0x3e3: {  	s0 =	sadd.s32 s26, s0;
	s3 =	sshra.s32 s3, $0x2  }
0x3e4: {  	s0 =	smul.u32 $0xFFFFFFE6, s0;
	v10 =	vld [tilespmem:s3+$0x0];
	_ =	sdelay $0x1  }
0x3e5: {  	s0 =	sadd.s32 s2, s0  }
0x3e6: {  	s0 =	smul.u32 $0x186A0, s0;
	_ =	sdelay $0x1  }
0x3e7: {  	v10 =	vadd.s32 s0, v10  }
0x3e8: {  	[tilespmem:$0x1EB0] =	vst v10  }
0x3e9: {  	v10 =	vld [tilespmem:s3+$0x10];
	_ =	sdelay $0x4  }
0x3ea: {  	v10 =	vadd.s32 s0, v10  }
0x3eb: {  	[tilespmem:$0x1EC0] =	vst v10  }
0x3ec: {  	v10 =	vld [tilespmem:s3+$0x20];
	_ =	sdelay $0x4  }
0x3ed: {  	v10 =	vadd.s32 s0, v10  }
0x3ee: {  	[tilespmem:$0x1ED0] =	vst v10  }
0x3ef: {  	v10 =	vld [tilespmem:s3+$0x30];
	_ =	sdelay $0x4  }
0x3f0: {  	v10 =	vadd.s32 s0, v10  }
0x3f1: {  	[tilespmem:$0x1EE0] =	vst v10  }
0x3f2: {  	v10 =	vld [tilespmem:s3+$0x40];
	_ =	sdelay $0x4  }
0x3f3: {  	v10 =	vadd.s32 s0, v10  }
0x3f4: {  	[tilespmem:$0x1EF0] =	vst v10  }
0x3f5: {  	v10 =	vld [tilespmem:s3+$0x50];
	_ =	sdelay $0x4  }
0x3f6: {  	v10 =	vadd.s32 s0, v10  }
0x3f7: {  	[tilespmem:$0x1F00] =	vst v10  }
0x3f8: {  	v10 =	vld [tilespmem:s3+$0x58];
	_ =	sdelay $0x4  }
0x3f9: {  	v10 =	vadd.s32 s0, v10  }
0x3fa: {  	[tilespmem:$0x1F08] =	vst v10  }
0x3fb: {  	v10 =	vld [tilespmem:s3+$0x68];
	_ =	sdelay $0x4  }
0x3fc: {  	v10 =	vadd.s32 s0, v10  }
0x3fd: {  	[tilespmem:$0x1F18] =	vst v10  }
0x3fe: {  	v10 =	vld [tilespmem:s3+$0x78];
	_ =	sdelay $0x4  }
0x3ff: {  	v10 =	vadd.s32 s0, v10  }
0x400: {  	[tilespmem:$0x1F28] =	vst v10  }
0x401: {  	v10 =	vld [tilespmem:s3+$0x88];
	_ =	sdelay $0x4  }
0x402: {  	v10 =	vadd.s32 s0, v10  }
0x403: {  	[tilespmem:$0x1F38] =	vst v10  }
0x404: {  	v10 =	vld [tilespmem:s3+$0x98];
	_ =	sdelay $0x4  }
0x405: {  	v10 =	vadd.s32 s0, v10  }
0x406: {  	[tilespmem:$0x1F48] =	vst v10  }
0x407: {  	v10 =	vld [tilespmem:s3+$0xA8];
	_ =	sdelay $0x4  }
0x408: {  	v10 =	vadd.s32 s0, v10  }
0x409: {  	[tilespmem:$0x1F58] =	vst v10  }
0x40a: {  	v10 =	vld [tilespmem:s3+$0xB8];
	_ =	sdelay $0x2  }
0x40b: {  	s29 =	sadd.s32 $0x1, s29  }
0x40c: {  	p0 =	sne.s32 s29, $0x4  }
.Ltmp9:
0x40d: {  	v10 =	vadd.s32 s0, v10;
	(pc) =	sbr.rel @p0 .LBB2_5-.Ltmp9, $4  }
0x40e: {  	s14 =	simm.s32 $0x1EB0;
	s26 =	simm.s32 $0x7A80;
	[tilespmem:$0x1F68] =	vst v10  }
0x40f: {  	[tilespmem:s26], [sflag:$0x8] =	stream.indirect.gather [hbm4b:s8+s20], $0x10, s14, s20, $0xb8;
	[tilespmem:$0xC600] =	vst v63  }
0x410: {  	s30 =	simm.s32 $0x1F18;
	s31 =	simm.s32 $0x8100  }
0x411: {  	[tilespmem:s31], [sflag:$0x8] =	stream.indirect.gather [hbm4b:s8+s20], $0x10, s30, s20, $0xb8;
	[tilespmem:$0xC600] =	vst v63  }
0x412: {  	s0 =	rddreg [dreg:$0x10]  }
0x413: {  	s0 =	sadd.s32 $0x1, s0  }
0x414: {  	p0 =	sne.s32 s0, $0x1A  }
.Ltmp10:
0x415: {  	_ = 	snop;
	(pc) =	sbr.rel @p0 .LBB2_4-.Ltmp10, $1  }
0x416: {  	_ =	sdelay $0x3  }
0x417: {  	_ =	swait.ge [sflag:s18], $0xC80  }
0x418: {  	[sflag:s18] =	ssyncset.done $0x0  }
0x419: {  	[sflag:s18] =	ssyncadd.s32 $0xFFFFF380  }
0x41a: {  	_ =	swait.ge [sflag:s16], $0xC80  }
0x41b: {  	[sflag:s16] =	ssyncset.done $0x0  }
0x41c: {  	[sflag:s16] =	ssyncadd.s32 $0xFFFFF380  }
0x41d: {  	_ =	swait.ge [sflag:s15], $0x680  }
0x41e: {  	[sflag:s15] =	ssyncset.done $0x0  }
0x41f: {  	[sflag:s15] =	ssyncadd.s32 $0xFFFFF980  }
0x420: {  	_ =	swait.ge [sflag:s15], $0x680  }
0x421: {  	[sflag:s15] =	ssyncset.done $0x0  }
0x422: {  	[sflag:s15] =	ssyncadd.s32 $0xFFFFF980  }
0x423: {  	_ =	swait.ge [sflag:s12], $0x680  }
0x424: {  	[sflag:s12] =	ssyncset.done $0x0  }
0x425: {  	[sflag:s12] =	ssyncadd.s32 $0xFFFFF980  }
0x426: {  	_ =	swait.ge [sflag:s12], $0x680  }
0x427: {  	[sflag:s12] =	ssyncset.done $0x0  }
0x428: {  	[sflag:s12] =	ssyncadd.s32 $0xFFFFF980  }
0x429: {  	_ =	swait.ge [sflag:s7], $0x680  }
0x42a: {  	[sflag:s7] =	ssyncset.done $0x0  }
0x42b: {  	[sflag:s7] =	ssyncadd.s32 $0xFFFFF980  }
0x42c: {  	_ =	swait.ge [sflag:s7], $0x680  }
0x42d: {  	[sflag:s7] =	ssyncset.done $0x0  }
0x42e: {  	[sflag:s7] =	ssyncadd.s32 $0xFFFFF980  }
0x42f: {  	_ =	swait.ge [sflag:s21], $0x680  }
0x430: {  	[sflag:s21] =	ssyncset.done $0x0  }
0x431: {  	[sflag:s21] =	ssyncadd.s32 $0xFFFFF980  }
0x432: {  	_ =	swait.ge [sflag:s21], $0x680  }
0x433: {  	[sflag:s21] =	ssyncset.done $0x0  }
0x434: {  	[sflag:s21] =	ssyncadd.s32 $0xFFFFF980  }
0x435: {  	_ =	swait.ge [sflag:s22], $0x680  }
0x436: {  	[sflag:s22] =	ssyncset.done $0x0  }
0x437: {  	[sflag:s22] =	ssyncadd.s32 $0xFFFFF980  }
0x438: {  	_ =	swait.ge [sflag:s22], $0x680  }
0x439: {  	[sflag:s22] =	ssyncset.done $0x0  }
0x43a: {  	[sflag:s22] =	ssyncadd.s32 $0xFFFFF980  }
0x43b: {  	_ =	swait.ge [sflag:s23], $0x680  }
0x43c: {  	[sflag:s23] =	ssyncset.done $0x0  }
0x43d: {  	[sflag:s23] =	ssyncadd.s32 $0xFFFFF980  }
0x43e: {  	_ =	swait.ge [sflag:s23], $0x680  }
0x43f: {  	[sflag:s23] =	ssyncset.done $0x0  }
0x440: {  	[sflag:s23] =	ssyncadd.s32 $0xFFFFF980  }
0x441: {  	_ =	swait.ge [sflag:s24], $0x680  }
0x442: {  	[sflag:s24] =	ssyncset.done $0x0  }
0x443: {  	[sflag:s24] =	ssyncadd.s32 $0xFFFFF980  }
0x444: {  	_ =	swait.ge [sflag:s24], $0x680  }
0x445: {  	[sflag:s24] =	ssyncset.done $0x0  }
0x446: {  	[sflag:s24] =	ssyncadd.s32 $0xFFFFF980  }
0x447: {  	_ =	swait.ge [sflag:s25], $0x680  }
0x448: {  	[sflag:s25] =	ssyncset.done $0x0  }
0x449: {  	[sflag:s25] =	ssyncadd.s32 $0xFFFFF980  }
0x44a: {  	_ =	swait.ge [sflag:s25], $0x680  }
0x44b: {  	s2 =	rddreg [dreg:$0xf]  }
0x44c: {  	s0 =	rddreg [dreg:$0xe];
	s2 =	sadd.s32 $0x1, s2  }
0x44d: {  	p0 =	sne.s32 s2, s0  }
.Ltmp11:
0x44e: {  	_ = 	snop;
	(pc) =	sbr.rel @p0 .LBB2_1-.Ltmp11, $4  }
0x44f: {  	[sflag:s25] =	ssyncset.done $0x0  }
0x450: {  	s29 =	rddreg [dreg:$0x8];
	[sflag:s25] =	ssyncadd.s32 $0xFFFFF980  }
0x451: {  	s11 =	simm.s32 $0x9400;
	s14 =	simm.s32 $0xB340;
	s26 =	rddreg [dreg:$0x0]  }
0x452: {  	s30 =	simm.s32 $0xA080;
	s31 =	simm.s32 $0xBFC0;
	s28 =	rddreg [dreg:$0x1]  }
0x453: {  	_ =	sfence.sel $0x180000  }
0x454: {  	[bflag:$0x0] =	sbarrier.arrive $0xFFFF  }
0x455: {  	_ =	strace $0x90000047  }
0x456: {  	s0 =	stileid.u32;
	[bflag:$0x2] =	sbarrier.arrive $0xFFFF  }
0x457: {  	p0 =	sne.s32 s0, $0x0;
	s0 =	rddreg [dreg:$0x4]  }
0x458: {  	s0 =	sadd.s32 @!p0 $0x100000, s0  }
0x459: {  	[sflag:s0] =	ssyncadd.tile.s32 @!p0 $0x1;
	_ =	shalt  }
.Lfunc_end2:
_tile_overlayer_lowered:
.L_overlay_start_2:
0x45a: {  	(tag) =	ssettag $0x2  }
0x45b: {  	s0 =	rddreg [dreg:$0x0];
	s2 =	stileid.u32  }
0x45c: {  	s1 =	rddreg [dreg:$0x1];
	p0 =	sne.s32 s2, $0x0  }
0x45d: {  	s3 =	rddreg [dreg:$0x2];
	[bflag:$0x3] =	sbarrier.arrive $0xFFFF;
	s2 =	simm.s32 @!p0 $0x1C0C  }
0x45e: {  	[timem:s3], [sflag:s2] =	dma.local @!p0 [hbm:s0], s1  }
0x45f: {  	s0 =	simm.s32 @!p0 $0xC  }
0x460: {  	_ =	swait.ge @!p0 [sflag:s0], s1  }
0x461: {  	s1 =	ssub.s32 @!p0 $0x0, s1;
	[sflag:s0] =	ssyncset.done @!p0 $0x0  }
0x462: {  	[sflag:s0] =	ssyncadd.s32 @!p0 s1  }
0x463: {  	[bflag:$0x3] =	sbarrier.arrive $0xFFFF  }
0x464: {  	_ =	shalt  }

</sc_bundles>
